<compile_context>
chip_gen: v7x
topology: tpu7x:2x2x1
jax: 0.10.2.dev20260603
libtpu: 0.0.44.dev20260713+nightly
codegen_flags: <defaults>
</compile_context>

<pallas_src>
import functools

import jax
import jax.numpy as jnp
from jax import lax
from jax.experimental import pallas as pl
from jax.experimental.pallas import tpu as pltpu
from jax.experimental.pallas import tpu_sc as plsc

N = 10000
E = 320000
D = 128

NC = 2
NS = 16
NW = NC * NS

SPAD = 10240
ROWS_PER_SUB = SPAD // NS
EDGES_PER_SUB = E // NW
K = 16
NCHUNK = EDGES_PER_SUB // K


def _edge_body(t_hbm, c_hbm, src_hbm, dst_hbm, out_hbm,
               s_sh, ixs_all, ixd_all, ig0, ig1, ic0, ic1,
               r_t, r_c, h,
               semg0, semg1, semsc0, semsc1):
    cid = lax.axis_index("c")
    sid = lax.axis_index("s")
    wid = cid * NS + sid
    semg = (semg0, semg1)
    semsc = (semsc0, semsc1)
    igml = (ig0, ig1)
    icml = (ic0, ic1)

    def _zrow(i, _):
        for j in range(D // 16):
            h[0, i, pl.ds(j * 16, 16)] = jnp.zeros((16,), jnp.float32)
        return _
    lax.fori_loop(0, 2 * K, _zrow, None)

    def _zchunk(t, _):
        pltpu.sync_copy(
            h.at[0], s_sh.at[pl.ds(sid * ROWS_PER_SUB + t * 2 * K, 2 * K)])
        return _
    lax.fori_loop(0, ROWS_PER_SUB // (2 * K), _zchunk, None)

    ebase = wid * EDGES_PER_SUB
    pltpu.sync_copy(src_hbm.at[pl.ds(ebase, EDGES_PER_SUB)], ixs_all)
    pltpu.sync_copy(dst_hbm.at[pl.ds(ebase, EDGES_PER_SUB)], ixd_all)
    plsc.subcore_barrier()

    def _fill_idx(u, b):
        vs = ixs_all[pl.ds(u * K, K)]
        vd = ixd_all[pl.ds(u * K, K)]
        igml[b][pl.ds(0, K)] = vs
        igml[b][pl.ds(K, K)] = vd
        icml[b][pl.ds(0, K)] = vd
        icml[b][pl.ds(K, K)] = vs

    def _issue(u, b):
        pltpu.async_copy(t_hbm.at[igml[b]], r_t.at[b], semg[b])
        pltpu.async_copy(
            c_hbm.at[pl.ds(wid * (EDGES_PER_SUB // 2) + u * (K // 2), K // 2)],
            r_c.at[b], semg[b])

    def _drain_g(b):
        pltpu.make_async_copy(t_hbm.at[pl.ds(0, 2 * K)], r_t.at[b], semg[b]).wait()
        pltpu.make_async_copy(c_hbm.at[pl.ds(0, K // 2)], r_c.at[b], semg[b]).wait()

    def _unpk(w):
        lo = lax.bitcast_convert_type(jnp.left_shift(w, 16), jnp.float32)
        hi = lax.bitcast_convert_type(
            jnp.bitwise_and(w, jnp.int32(-65536)), jnp.float32)
        return lo, hi

    def _compute(b):
        @plsc.parallel_loop(0, K // 2, unroll=2)
        def _rowpair(p):
            for o in range(2):
                i = 2 * p + o
                for g in range(D // 32):
                    sla = pl.ds(16 * g, 16)
                    slb = pl.ds(D // 2 + 16 * g, 16)
                    cl, ch = _unpk(r_c[b, p, pl.ds(o * (D // 2) + 16 * g, 16)])
                    asl, ash = _unpk(r_t[b, i, sla])
                    bsl, bsh = _unpk(r_t[b, i, slb])
                    adl, adh = _unpk(r_t[b, K + i, sla])
                    bdl, bdh = _unpk(r_t[b, K + i, slb])
                    x1l = asl + bdl + cl
                    x1h = ash + bdh + ch
                    x2l = adl + bsl + cl
                    x2h = adh + bsh + ch
                    h[b, i, pl.ds(32 * g, 16)] = jnp.maximum(x1l, 0.01 * x1l)
                    h[b, i, pl.ds(32 * g + 16, 16)] = jnp.maximum(x1h, 0.01 * x1h)
                    h[b, K + i, pl.ds(32 * g, 16)] = jnp.maximum(x2l, 0.01 * x2l)
                    h[b, K + i, pl.ds(32 * g + 16, 16)] = jnp.maximum(x2h, 0.01 * x2h)

    def _issue_sc(b):
        pltpu.async_copy(h.at[b], s_sh.at[icml[b]], semsc[b], add=True)

    def _drain_sc(b):
        pltpu.make_async_copy(h.at[b], s_sh.at[icml[b]], semsc[b]).wait()

    _fill_idx(0, 0)
    _issue(0, 0)

    @pl.loop(0, NCHUNK, step=2)
    def _ring(t):
        for b in range(2):
            u = t + b
            nb = (b + 1) % 2

            @pl.when(u < NCHUNK)
            def _():
                @pl.when(u + 1 < NCHUNK)
                def _():
                    @pl.when(u >= 1)
                    def _():
                        _drain_sc(nb)
                    _fill_idx(u + 1, nb)
                    _issue(u + 1, nb)
                _drain_g(b)
                _compute(b)
                _issue_sc(b)

    _drain_sc(0)
    _drain_sc(1)

    plsc.subcore_barrier()
    pltpu.sync_copy(s_sh.at[pl.ds(sid * ROWS_PER_SUB, ROWS_PER_SUB)],
                    out_hbm.at[cid, pl.ds(sid * ROWS_PER_SUB, ROWS_PER_SUB)])


@functools.lru_cache(maxsize=1)
def _edge_call():
    return pl.kernel(
        _edge_body,
        out_type=jax.ShapeDtypeStruct((NC, SPAD, D), jnp.float32),
        mesh=plsc.VectorSubcoreMesh(core_axis_name="c", subcore_axis_name="s"),
        scratch_types=[
        pltpu.VMEM_SHARED((SPAD, D), jnp.float32),
        pltpu.VMEM((EDGES_PER_SUB,), jnp.int32),
        pltpu.VMEM((EDGES_PER_SUB,), jnp.int32),
        pltpu.VMEM((2 * K,), jnp.int32),
        pltpu.VMEM((2 * K,), jnp.int32),
        pltpu.VMEM((2 * K,), jnp.int32),
        pltpu.VMEM((2 * K,), jnp.int32),
        pltpu.VMEM((2, 2 * K, D), jnp.int32),
        pltpu.VMEM((2, K // 2, D), jnp.int32),
        pltpu.VMEM((2, 2 * K, D), jnp.float32),
        pltpu.SemaphoreType.DMA,
        pltpu.SemaphoreType.DMA,
        pltpu.SemaphoreType.DMA,
        pltpu.SemaphoreType.DMA,
        ],
    )


def _rnd_pack(x):
    b = lax.bitcast_convert_type(x, jnp.int32)
    r = b + 0x7FFF + jnp.bitwise_and(lax.shift_right_logical(b, 16), 1)
    lo = lax.shift_right_logical(r[:, :D // 2], 16)
    hi = jnp.bitwise_and(r[:, D // 2:], jnp.int32(-65536))
    return jnp.bitwise_or(hi, lo)


def _prep_body(nf_ref, wa_ref, wb_ref, ef2_ref, wc2_ref, t_ref, c_ref):
    @pl.when(pl.program_id(0) < N // _ROW_BLK)
    def _():
        x = nf_ref[...]
        t_ref[:, :D // 2] = _rnd_pack(x @ wa_ref[...])
        t_ref[:, D // 2:] = _rnd_pack(x @ wb_ref[...])
    y = ef2_ref[...] @ wc2_ref[...]
    c_ref[:, :D // 2] = _rnd_pack(y[:, :D])
    c_ref[:, D // 2:] = _rnd_pack(y[:, D:])


def _node_body(sp_ref, nf_ref, we2_ref, wn1a_ref, wn1b_ref, wn2_ref, out_ref):
    red = (sp_ref[0] + sp_ref[1]) @ we2_ref[...]
    x = nf_ref[...] @ wn1a_ref[...] + red @ wn1b_ref[...]
    h = jnp.maximum(x, 0.01 * x)
    out_ref[...] = h @ wn2_ref[...]


_ROW_BLK = 400
_C_BLK = 2000


def kernel(nf, edge_index, ef, W_e1, W_e2, W_n1, W_n2):
    src = edge_index[0]
    dst = edge_index[1]

    Wc = W_e1[2 * D:]
    Wc2 = jnp.zeros((32, 2 * D), Wc.dtype).at[:16, :D].set(Wc).at[16:, D:].set(Wc)
    _tclamp = N // _ROW_BLK - 1
    T, C = pl.pallas_call(
        _prep_body,
        grid=(E // _C_BLK,),
        in_specs=[
            pl.BlockSpec((_ROW_BLK, D), lambda i: (jnp.minimum(i, _tclamp), 0)),
            pl.BlockSpec((D, D), lambda i: (0, 0)),
            pl.BlockSpec((D, D), lambda i: (0, 0)),
            pl.BlockSpec((_C_BLK // 2, 32), lambda i: (i, 0)),
            pl.BlockSpec((32, 2 * D), lambda i: (0, 0)),
        ],
        out_specs=[
            pl.BlockSpec((_ROW_BLK, D), lambda i: (jnp.minimum(i, _tclamp), 0)),
            pl.BlockSpec((_C_BLK // 2, D), lambda i: (i, 0)),
        ],
        out_shape=[
            jax.ShapeDtypeStruct((N, D), jnp.int32),
            jax.ShapeDtypeStruct((E // 2, D), jnp.int32),
        ],
    )(nf, W_e1[:D], W_e1[D:2 * D], ef.reshape(E // 2, 32), Wc2)

    s_parts = _edge_call()(T, C, src, dst)

    W_e2p = (W_e2.reshape(2, D // 32, 16, D)
             .transpose(1, 0, 2, 3).reshape(D, D))

    return pl.pallas_call(
        _node_body,
        grid=(N // _ROW_BLK,),
        in_specs=[
            pl.BlockSpec((NC, _ROW_BLK, D), lambda i: (0, i, 0)),
            pl.BlockSpec((_ROW_BLK, D), lambda i: (i, 0)),
            pl.BlockSpec((D, D), lambda i: (0, 0)),
            pl.BlockSpec((D, D), lambda i: (0, 0)),
            pl.BlockSpec((D, D), lambda i: (0, 0)),
            pl.BlockSpec((D, D), lambda i: (0, 0)),
        ],
        out_specs=pl.BlockSpec((_ROW_BLK, D), lambda i: (i, 0)),
        out_shape=jax.ShapeDtypeStruct((N, D), jnp.float32),
    )(s_parts, nf, W_e2p, W_n1[:D], W_n1[D:], W_n2)

# --- scband reference (transcript-rebuilt; emitter-appended) ---
"""Pipeline reference for scband-gnnlayer-4647154614415 (READ-ONLY COPY).

The authoritative reference and input builder live on the scoring server;
editing this copy changes nothing except your own understanding.
"""

import jax, jax.numpy as jnp
import numpy as np

N = 10000
E = 320000
IN_DIM = 128
OUT_DIM = 128
EF_DIM = 16
EMB_DIM = 128


def _leaky_relu(x):
    return jnp.where(x >= 0, x, 0.01 * x)


def setup_inputs(seed: int = 0) -> dict:
    key = jax.random.key(seed)
    ks = jax.random.split(key, 8)
    nf = jax.random.normal(ks[0], (N, IN_DIM), dtype=jnp.float32)
    edge_index = jax.random.randint(ks[1], (2, E), 0, N, dtype=jnp.int32)
    ef = jax.random.normal(ks[2], (E, EF_DIM), dtype=jnp.float32)
    # edge_embedding: Linear(2*in_dim + ef_dim -> emb, no bias), LeakyReLU, Linear(emb -> out, no bias)
    e_fan_in = 2 * IN_DIM + EF_DIM
    W_e1 = jax.random.normal(ks[3], (e_fan_in, EMB_DIM), dtype=jnp.float32) / np.sqrt(e_fan_in)
    W_e2 = jax.random.normal(ks[4], (EMB_DIM, OUT_DIM), dtype=jnp.float32) / np.sqrt(EMB_DIM)
    # node_embedding: Linear(out_dim + in_dim -> emb, no bias), LeakyReLU, Linear(emb -> out, no bias)
    n_fan_in = OUT_DIM + IN_DIM
    W_n1 = jax.random.normal(ks[5], (n_fan_in, EMB_DIM), dtype=jnp.float32) / np.sqrt(n_fan_in)
    W_n2 = jax.random.normal(ks[6], (EMB_DIM, OUT_DIM), dtype=jnp.float32) / np.sqrt(EMB_DIM)
    return {"nf": nf, "edge_index": edge_index, "ef": ef,
            "W_e1": W_e1, "W_e2": W_e2, "W_n1": W_n1, "W_n2": W_n2}


def reference(nf, edge_index, ef, W_e1, W_e2, W_n1, W_n2):
    src = edge_index[0]
    dst = edge_index[1]
    # add reversed edges to make the graph undirected; reversed edges copy the
    # original edge features (g_copy.edata['ef'][num_edges:] = ef[:num_edges])
    src_full = jnp.concatenate([src, dst], axis=0)
    dst_full = jnp.concatenate([dst, src], axis=0)
    ef_full = jnp.concatenate([ef, ef], axis=0)
    # message_func: concat(src nf, dst nf, edge ef) -> edge_embedding MLP
    e_in = jnp.concatenate([jnp.take(nf, src_full, axis=0),
                            jnp.take(nf, dst_full, axis=0),
                            ef_full], axis=-1)
    msg = _leaky_relu(e_in @ W_e1) @ W_e2
    # reduce_func: sum of incoming messages per destination node
    red_msg = jax.ops.segment_sum(msg, dst_full, num_segments=N)
    # apply_node_func: concat(nf, red_msg) -> node_embedding MLP
    n_in = jnp.concatenate([nf, red_msg], axis=-1)
    out_nf = _leaky_relu(n_in @ W_n1) @ W_n2
    return out_nf

if __name__ == "__main__":
    import jax
    _d = setup_inputs()
    print(jax.jit(kernel)(*tuple(_d.values())))

</pallas_src>

<mosaic_0001>
#map = affine_map<(d0, d1) -> (0, 0)>
#map1 = affine_map<(d0, d1) -> (0)>
#map2 = affine_map<(d0, d1) -> (0, 0, 0)>
module attributes {stable_mosaic.version = 14 : i64} {
  func.func @_edge_body(%arg0: i32, %arg1: i32, %arg2: memref<10000x128xi32, #tpu.memory_space<hbm>>, %arg3: memref<160000x128xi32, #tpu.memory_space<hbm>>, %arg4: memref<320000xi32, #tpu.memory_space<hbm>>, %arg5: memref<320000xi32, #tpu.memory_space<hbm>>, %arg6: memref<2x10240x128xf32, #tpu.memory_space<hbm>>, %arg7: memref<10240x128xf32, #tpu.memory_space<vmem_shared>>, %arg8: memref<10000xi32, #tpu.memory_space<vmem>>, %arg9: memref<10000xi32, #tpu.memory_space<vmem>>, %arg10: memref<32xi32, #tpu.memory_space<vmem>>, %arg11: memref<32xi32, #tpu.memory_space<vmem>>, %arg12: memref<32xi32, #tpu.memory_space<vmem>>, %arg13: memref<32xi32, #tpu.memory_space<vmem>>, %arg14: memref<2x32x128xi32, #tpu.memory_space<vmem>>, %arg15: memref<2x8x128xi32, #tpu.memory_space<vmem>>, %arg16: memref<2x32x128xf32, #tpu.memory_space<vmem>>, %arg17: memref<!tpu.dma_semaphore, #tpu.memory_space<semaphore_mem>>, %arg18: memref<!tpu.dma_semaphore, #tpu.memory_space<semaphore_mem>>, %arg19: memref<!tpu.dma_semaphore, #tpu.memory_space<semaphore_mem>>, %arg20: memref<!tpu.dma_semaphore, #tpu.memory_space<semaphore_mem>>) attributes {dimension_semantics = [#tpu.dimension_semantics<core_parallel>, #tpu.dimension_semantics<subcore_parallel>], iteration_bounds = array<i64: 2, 16>, scalar_prefetch = 0 : i64, scratch_operands = 14 : i64, tpu.core_type = #tpu.core_type<sc_vector_subcore>, window_params = [{transform_indices = #map}, {transform_indices = #map}, {transform_indices = #map1}, {transform_indices = #map1}, {transform_indices = #map2}]} {
    %mul3A = arith.constant 16 : i32
    %mul3A_0 = arith.muli %arg0, %mul3A : i32
    %add3A = arith.addi %mul3A_0, %arg1 : i32
    %scan3A = arith.constant 0 : i32
    %scan3A_1 = arith.constant 32 : i32
    %scan3A_2 = arith.addi %scan3A, %scan3A_1 : i32
    %scan3A_3 = arith.constant 1 : i32
    scf.for %scan3A_81 = %scan3A to %scan3A_2 step %scan3A_3  : i32 {
      %broadcast_in_dim3A = arith.constant 0.000000e+00 : f32
      %broadcast_in_dim3A_82 = vector.broadcast %broadcast_in_dim3A : f32 to vector<16xf32>
      %swap3A_83 = arith.constant 0 : i32
      %swap3A_84 = arith.index_cast %swap3A_83 : i32 to index
      %swap3A_85 = arith.index_cast %scan3A_81 : i32 to index
      %swap3A_86 = arith.constant 0 : index
      %swap3A_87 = tpu.vector_load %arg16[%swap3A_84, %swap3A_85, %swap3A_86] {strides = array<i32>} : memref<2x32x128xf32, #tpu.memory_space<vmem>>, vector<1x1x16xf32>,
      %swap3A_88 = vector.shape_cast %swap3A_87 : vector<1x1x16xf32> to vector<16xf32>
      %swap3A_89 = vector.shape_cast %broadcast_in_dim3A_82 : vector<16xf32> to vector<1x1x16xf32>
      tpu.vector_store %arg16[%swap3A_84, %swap3A_85, %swap3A_86], %swap3A_89 {strides = array<i32>} : memref<2x32x128xf32, #tpu.memory_space<vmem>>, vector<1x1x16xf32>,
      %broadcast_in_dim3A_90 = arith.constant 0.000000e+00 : f32
      %broadcast_in_dim3A_91 = vector.broadcast %broadcast_in_dim3A_90 : f32 to vector<16xf32>
      %swap3A_92 = arith.constant 0 : i32
      %swap3A_93 = arith.index_cast %swap3A_92 : i32 to index
      %swap3A_94 = arith.index_cast %scan3A_81 : i32 to index
      %swap3A_95 = arith.constant 16 : index
      %swap3A_96 = tpu.vector_load %arg16[%swap3A_93, %swap3A_94, %swap3A_95] {strides = array<i32>} : memref<2x32x128xf32, #tpu.memory_space<vmem>>, vector<1x1x16xf32>,
      %swap3A_97 = vector.shape_cast %swap3A_96 : vector<1x1x16xf32> to vector<16xf32>
      %swap3A_98 = vector.shape_cast %broadcast_in_dim3A_91 : vector<16xf32> to vector<1x1x16xf32>
      tpu.vector_store %arg16[%swap3A_93, %swap3A_94, %swap3A_95], %swap3A_98 {strides = array<i32>} : memref<2x32x128xf32, #tpu.memory_space<vmem>>, vector<1x1x16xf32>,
      %broadcast_in_dim3A_99 = arith.constant 0.000000e+00 : f32
      %broadcast_in_dim3A_100 = vector.broadcast %broadcast_in_dim3A_99 : f32 to vector<16xf32>
      %swap3A_101 = arith.constant 0 : i32
      %swap3A_102 = arith.index_cast %swap3A_101 : i32 to index
      %swap3A_103 = arith.index_cast %scan3A_81 : i32 to index
      %swap3A_104 = arith.constant 32 : index
      %swap3A_105 = tpu.vector_load %arg16[%swap3A_102, %swap3A_103, %swap3A_104] {strides = array<i32>} : memref<2x32x128xf32, #tpu.memory_space<vmem>>, vector<1x1x16xf32>,
      %swap3A_106 = vector.shape_cast %swap3A_105 : vector<1x1x16xf32> to vector<16xf32>
      %swap3A_107 = vector.shape_cast %broadcast_in_dim3A_100 : vector<16xf32> to vector<1x1x16xf32>
      tpu.vector_store %arg16[%swap3A_102, %swap3A_103, %swap3A_104], %swap3A_107 {strides = array<i32>} : memref<2x32x128xf32, #tpu.memory_space<vmem>>, vector<1x1x16xf32>,
      %broadcast_in_dim3A_108 = arith.constant 0.000000e+00 : f32
      %broadcast_in_dim3A_109 = vector.broadcast %broadcast_in_dim3A_108 : f32 to vector<16xf32>
      %swap3A_110 = arith.constant 0 : i32
      %swap3A_111 = arith.index_cast %swap3A_110 : i32 to index
      %swap3A_112 = arith.index_cast %scan3A_81 : i32 to index
      %swap3A_113 = arith.constant 48 : index
      %swap3A_114 = tpu.vector_load %arg16[%swap3A_111, %swap3A_112, %swap3A_113] {strides = array<i32>} : memref<2x32x128xf32, #tpu.memory_space<vmem>>, vector<1x1x16xf32>,
      %swap3A_115 = vector.shape_cast %swap3A_114 : vector<1x1x16xf32> to vector<16xf32>
      %swap3A_116 = vector.shape_cast %broadcast_in_dim3A_109 : vector<16xf32> to vector<1x1x16xf32>
      tpu.vector_store %arg16[%swap3A_111, %swap3A_112, %swap3A_113], %swap3A_116 {strides = array<i32>} : memref<2x32x128xf32, #tpu.memory_space<vmem>>, vector<1x1x16xf32>,
      %broadcast_in_dim3A_117 = arith.constant 0.000000e+00 : f32
      %broadcast_in_dim3A_118 = vector.broadcast %broadcast_in_dim3A_117 : f32 to vector<16xf32>
      %swap3A_119 = arith.constant 0 : i32
      %swap3A_120 = arith.index_cast %swap3A_119 : i32 to index
      %swap3A_121 = arith.index_cast %scan3A_81 : i32 to index
      %swap3A_122 = arith.constant 64 : index
      %swap3A_123 = tpu.vector_load %arg16[%swap3A_120, %swap3A_121, %swap3A_122] {strides = array<i32>} : memref<2x32x128xf32, #tpu.memory_space<vmem>>, vector<1x1x16xf32>,
      %swap3A_124 = vector.shape_cast %swap3A_123 : vector<1x1x16xf32> to vector<16xf32>
      %swap3A_125 = vector.shape_cast %broadcast_in_dim3A_118 : vector<16xf32> to vector<1x1x16xf32>
      tpu.vector_store %arg16[%swap3A_120, %swap3A_121, %swap3A_122], %swap3A_125 {strides = array<i32>} : memref<2x32x128xf32, #tpu.memory_space<vmem>>, vector<1x1x16xf32>,
      %broadcast_in_dim3A_126 = arith.constant 0.000000e+00 : f32
      %broadcast_in_dim3A_127 = vector.broadcast %broadcast_in_dim3A_126 : f32 to vector<16xf32>
      %swap3A_128 = arith.constant 0 : i32
      %swap3A_129 = arith.index_cast %swap3A_128 : i32 to index
      %swap3A_130 = arith.index_cast %scan3A_81 : i32 to index
      %swap3A_131 = arith.constant 80 : index
      %swap3A_132 = tpu.vector_load %arg16[%swap3A_129, %swap3A_130, %swap3A_131] {strides = array<i32>} : memref<2x32x128xf32, #tpu.memory_space<vmem>>, vector<1x1x16xf32>,
      %swap3A_133 = vector.shape_cast %swap3A_132 : vector<1x1x16xf32> to vector<16xf32>
      %swap3A_134 = vector.shape_cast %broadcast_in_dim3A_127 : vector<16xf32> to vector<1x1x16xf32>
      tpu.vector_store %arg16[%swap3A_129, %swap3A_130, %swap3A_131], %swap3A_134 {strides = array<i32>} : memref<2x32x128xf32, #tpu.memory_space<vmem>>, vector<1x1x16xf32>,
      %broadcast_in_dim3A_135 = arith.constant 0.000000e+00 : f32
      %broadcast_in_dim3A_136 = vector.broadcast %broadcast_in_dim3A_135 : f32 to vector<16xf32>
      %swap3A_137 = arith.constant 0 : i32
      %swap3A_138 = arith.index_cast %swap3A_137 : i32 to index
      %swap3A_139 = arith.index_cast %scan3A_81 : i32 to index
      %swap3A_140 = arith.constant 96 : index
      %swap3A_141 = tpu.vector_load %arg16[%swap3A_138, %swap3A_139, %swap3A_140] {strides = array<i32>} : memref<2x32x128xf32, #tpu.memory_space<vmem>>, vector<1x1x16xf32>,
      %swap3A_142 = vector.shape_cast %swap3A_141 : vector<1x1x16xf32> to vector<16xf32>
      %swap3A_143 = vector.shape_cast %broadcast_in_dim3A_136 : vector<16xf32> to vector<1x1x16xf32>
      tpu.vector_store %arg16[%swap3A_138, %swap3A_139, %swap3A_140], %swap3A_143 {strides = array<i32>} : memref<2x32x128xf32, #tpu.memory_space<vmem>>, vector<1x1x16xf32>,
      %broadcast_in_dim3A_144 = arith.constant 0.000000e+00 : f32
      %broadcast_in_dim3A_145 = vector.broadcast %broadcast_in_dim3A_144 : f32 to vector<16xf32>
      %swap3A_146 = arith.constant 0 : i32
      %swap3A_147 = arith.index_cast %swap3A_146 : i32 to index
      %swap3A_148 = arith.index_cast %scan3A_81 : i32 to index
      %swap3A_149 = arith.constant 112 : index
      %swap3A_150 = tpu.vector_load %arg16[%swap3A_147, %swap3A_148, %swap3A_149] {strides = array<i32>} : memref<2x32x128xf32, #tpu.memory_space<vmem>>, vector<1x1x16xf32>,
      %swap3A_151 = vector.shape_cast %swap3A_150 : vector<1x1x16xf32> to vector<16xf32>
      %swap3A_152 = vector.shape_cast %broadcast_in_dim3A_145 : vector<16xf32> to vector<1x1x16xf32>
      tpu.vector_store %arg16[%swap3A_147, %swap3A_148, %swap3A_149], %swap3A_152 {strides = array<i32>} : memref<2x32x128xf32, #tpu.memory_space<vmem>>, vector<1x1x16xf32>,
    }
    %scan3A_4 = arith.constant 32 : i32
    %scan3A_5 = arith.constant 0 : i32
    %scan3A_6 = arith.constant 20 : i32
    %scan3A_7 = arith.addi %scan3A_5, %scan3A_6 : i32
    %scan3A_8 = arith.constant 1 : i32
    scf.for %scan3A_81 = %scan3A_5 to %scan3A_7 step %scan3A_8  : i32 {
      %mul3A_82 = arith.constant 640 : i32
      %mul3A_83 = arith.muli %arg1, %mul3A_82 : i32
      %mul3A_84 = arith.constant 2 : i32
      %mul3A_85 = arith.muli %scan3A_81, %mul3A_84 : i32
      %mul3A_86 = arith.constant 16 : i32
      %mul3A_87 = arith.muli %mul3A_85, %mul3A_86 : i32
      %add3A_88 = arith.addi %mul3A_83, %mul3A_87 : i32
      %run_scoped3A = arith.constant 0 : i32
      "tpu.region"() ({
        %run_scoped3A_89 = tpu.sem_alloc : memref<!tpu.dma_semaphore, #tpu.memory_space<semaphore_mem>>
        %dma_start3A_90 = arith.constant 0 : i32
        %dma_start3A_91 = arith.constant 0 : i32
        %dma_start3A_92 = tpu.memref_slice %arg16[%run_scoped3A, %dma_start3A_90, %dma_start3A_91] : memref<2x32x128xf32, #tpu.memory_space<vmem>> -> memref<1x32x128xf32, #tpu.memory_space<vmem>>
        %dma_start3A_93 = tpu.memref_squeeze %dma_start3A_92 : memref<1x32x128xf32, #tpu.memory_space<vmem>> -> memref<32x128xf32, #tpu.memory_space<vmem>>
        %dma_start3A_94 = arith.constant 0 : i32
        %dma_start3A_95 = tpu.memref_slice %arg7[%add3A_88, %dma_start3A_94] : memref<10240x128xf32, #tpu.memory_space<vmem_shared>> -> memref<32x128xf32, #tpu.memory_space<vmem_shared>>
        %dma_start3A_96 = arith.constant 0 : i32
        %dma_start3A_97 = tpu.memref_slice %arg7[%add3A_88, %dma_start3A_96] : memref<10240x128xf32, #tpu.memory_space<vmem_shared>> -> memref<32x128xf32, #tpu.memory_space<vmem_shared>>
        %dma_start3A_98 = arith.constant 0 : i32
        %dma_start3A_99 = arith.constant 0 : i32
        %dma_start3A_100 = tpu.memref_slice %arg16[%run_scoped3A, %dma_start3A_98, %dma_start3A_99] : memref<2x32x128xf32, #tpu.memory_space<vmem>> -> memref<1x32x128xf32, #tpu.memory_space<vmem>>
        %dma_start3A_101 = tpu.memref_squeeze %dma_start3A_100 : memref<1x32x128xf32, #tpu.memory_space<vmem>> -> memref<32x128xf32, #tpu.memory_space<vmem>>
        tpu.enqueue_dma source(%dma_start3A_101 : memref<32x128xf32, #tpu.memory_space<vmem>>) target(%dma_start3A_97 : memref<32x128xf32, #tpu.memory_space<vmem_shared>>) target_semaphore(%run_scoped3A_89 : memref<!tpu.dma_semaphore, #tpu.memory_space<semaphore_mem>>)
        %dma_wait3A_102 = arith.constant 0 : i32
        %dma_wait3A_103 = arith.constant 0 : i32
        %dma_wait3A_104 = tpu.memref_slice %arg16[%run_scoped3A, %dma_wait3A_102, %dma_wait3A_103] : memref<2x32x128xf32, #tpu.memory_space<vmem>> -> memref<1x32x128xf32, #tpu.memory_space<vmem>>
        %dma_wait3A_105 = tpu.memref_squeeze %dma_wait3A_104 : memref<1x32x128xf32, #tpu.memory_space<vmem>> -> memref<32x128xf32, #tpu.memory_space<vmem>>
        %dma_wait3A_106 = arith.constant 0 : i32
        %dma_wait3A_107 = tpu.memref_slice %arg7[%add3A_88, %dma_wait3A_106] : memref<10240x128xf32, #tpu.memory_space<vmem_shared>> -> memref<32x128xf32, #tpu.memory_space<vmem_shared>>
        %dma_wait3A_108 = arith.constant 0 : i32
        %dma_wait3A_109 = tpu.memref_slice %arg7[%add3A_88, %dma_wait3A_108] : memref<10240x128xf32, #tpu.memory_space<vmem_shared>> -> memref<32x128xf32, #tpu.memory_space<vmem_shared>>
        %dma_wait3A_110 = arith.constant 0 : i32
        %dma_wait3A_111 = arith.constant 0 : i32
        %dma_wait3A_112 = tpu.memref_slice %arg16[%run_scoped3A, %dma_wait3A_110, %dma_wait3A_111] : memref<2x32x128xf32, #tpu.memory_space<vmem>> -> memref<1x32x128xf32, #tpu.memory_space<vmem>>
        %dma_wait3A_113 = tpu.memref_squeeze %dma_wait3A_112 : memref<1x32x128xf32, #tpu.memory_space<vmem>> -> memref<32x128xf32, #tpu.memory_space<vmem>>
        tpu.wait_dma2 semaphore(%run_scoped3A_89 : memref<!tpu.dma_semaphore, #tpu.memory_space<semaphore_mem>>) src(%dma_wait3A_113 : memref<32x128xf32, #tpu.memory_space<vmem>>) dst(%dma_wait3A_109 : memref<32x128xf32, #tpu.memory_space<vmem_shared>>)
        tpu.yield
      }) : () -> ()
    }
    %scan3A_9 = arith.constant 20 : i32
    %mul3A_10 = arith.constant 10000 : i32
    %mul3A_11 = arith.muli %add3A, %mul3A_10 : i32
    "tpu.region"() ({
      %run_scoped3A = tpu.sem_alloc : memref<!tpu.dma_semaphore, #tpu.memory_space<semaphore_mem>>
      %dma_start3A_81 = tpu.memref_slice %arg4[%mul3A_11] : memref<320000xi32, #tpu.memory_space<hbm>> -> memref<10000xi32, #tpu.memory_space<hbm>>
      %dma_start3A_82 = tpu.memref_slice %arg4[%mul3A_11] : memref<320000xi32, #tpu.memory_space<hbm>> -> memref<10000xi32, #tpu.memory_space<hbm>>
      tpu.enqueue_dma source(%dma_start3A_82 : memref<10000xi32, #tpu.memory_space<hbm>>) target(%arg8 : memref<10000xi32, #tpu.memory_space<vmem>>) target_semaphore(%run_scoped3A : memref<!tpu.dma_semaphore, #tpu.memory_space<semaphore_mem>>)
      %dma_wait3A_83 = tpu.memref_slice %arg4[%mul3A_11] : memref<320000xi32, #tpu.memory_space<hbm>> -> memref<10000xi32, #tpu.memory_space<hbm>>
      %dma_wait3A_84 = tpu.memref_slice %arg4[%mul3A_11] : memref<320000xi32, #tpu.memory_space<hbm>> -> memref<10000xi32, #tpu.memory_space<hbm>>
      tpu.wait_dma2 semaphore(%run_scoped3A : memref<!tpu.dma_semaphore, #tpu.memory_space<semaphore_mem>>) src(%dma_wait3A_84 : memref<10000xi32, #tpu.memory_space<hbm>>) dst(%arg8 : memref<10000xi32, #tpu.memory_space<vmem>>)
      tpu.yield
    }) : () -> ()
    "tpu.region"() ({
      %run_scoped3A = tpu.sem_alloc : memref<!tpu.dma_semaphore, #tpu.memory_space<semaphore_mem>>
      %dma_start3A_81 = tpu.memref_slice %arg5[%mul3A_11] : memref<320000xi32, #tpu.memory_space<hbm>> -> memref<10000xi32, #tpu.memory_space<hbm>>
      %dma_start3A_82 = tpu.memref_slice %arg5[%mul3A_11] : memref<320000xi32, #tpu.memory_space<hbm>> -> memref<10000xi32, #tpu.memory_space<hbm>>
      tpu.enqueue_dma source(%dma_start3A_82 : memref<10000xi32, #tpu.memory_space<hbm>>) target(%arg9 : memref<10000xi32, #tpu.memory_space<vmem>>) target_semaphore(%run_scoped3A : memref<!tpu.dma_semaphore, #tpu.memory_space<semaphore_mem>>)
      %dma_wait3A_83 = tpu.memref_slice %arg5[%mul3A_11] : memref<320000xi32, #tpu.memory_space<hbm>> -> memref<10000xi32, #tpu.memory_space<hbm>>
      %dma_wait3A_84 = tpu.memref_slice %arg5[%mul3A_11] : memref<320000xi32, #tpu.memory_space<hbm>> -> memref<10000xi32, #tpu.memory_space<hbm>>
      tpu.wait_dma2 semaphore(%run_scoped3A : memref<!tpu.dma_semaphore, #tpu.memory_space<semaphore_mem>>) src(%dma_wait3A_84 : memref<10000xi32, #tpu.memory_space<hbm>>) dst(%arg9 : memref<10000xi32, #tpu.memory_space<vmem>>)
      tpu.yield
    }) : () -> ()
    %barrier3A = arith.constant 0 : index
    tpu.barrier barrier_id(%barrier3A)
    %get3A = arith.constant 0 : index
    %get3A_12 = tpu.vector_load %arg8[%get3A] {strides = array<i32>} : memref<10000xi32, #tpu.memory_space<vmem>>, vector<16xi32>,
    %get3A_13 = vector.shape_cast %get3A_12 : vector<16xi32> to vector<16xi32>
    %get3A_14 = arith.constant 0 : index
    %get3A_15 = tpu.vector_load %arg9[%get3A_14] {strides = array<i32>} : memref<10000xi32, #tpu.memory_space<vmem>>, vector<16xi32>,
    %get3A_16 = vector.shape_cast %get3A_15 : vector<16xi32> to vector<16xi32>
    %swap3A = arith.constant 0 : index
    %swap3A_17 = tpu.vector_load %arg10[%swap3A] {strides = array<i32>} : memref<32xi32, #tpu.memory_space<vmem>>, vector<16xi32>,
    %swap3A_18 = vector.shape_cast %swap3A_17 : vector<16xi32> to vector<16xi32>
    %swap3A_19 = vector.shape_cast %get3A_13 : vector<16xi32> to vector<16xi32>
    tpu.vector_store %arg10[%swap3A], %swap3A_19 {strides = array<i32>} : memref<32xi32, #tpu.memory_space<vmem>>, vector<16xi32>,
    %swap3A_20 = arith.constant 16 : index
    %swap3A_21 = tpu.vector_load %arg10[%swap3A_20] {strides = array<i32>} : memref<32xi32, #tpu.memory_space<vmem>>, vector<16xi32>,
    %swap3A_22 = vector.shape_cast %swap3A_21 : vector<16xi32> to vector<16xi32>
    %swap3A_23 = vector.shape_cast %get3A_16 : vector<16xi32> to vector<16xi32>
    tpu.vector_store %arg10[%swap3A_20], %swap3A_23 {strides = array<i32>} : memref<32xi32, #tpu.memory_space<vmem>>, vector<16xi32>,
    %swap3A_24 = arith.constant 0 : index
    %swap3A_25 = tpu.vector_load %arg12[%swap3A_24] {strides = array<i32>} : memref<32xi32, #tpu.memory_space<vmem>>, vector<16xi32>,
    %swap3A_26 = vector.shape_cast %swap3A_25 : vector<16xi32> to vector<16xi32>
    %swap3A_27 = vector.shape_cast %get3A_16 : vector<16xi32> to vector<16xi32>
    tpu.vector_store %arg12[%swap3A_24], %swap3A_27 {strides = array<i32>} : memref<32xi32, #tpu.memory_space<vmem>>, vector<16xi32>,
    %swap3A_28 = arith.constant 16 : index
    %swap3A_29 = tpu.vector_load %arg12[%swap3A_28] {strides = array<i32>} : memref<32xi32, #tpu.memory_space<vmem>>, vector<16xi32>,
    %swap3A_30 = vector.shape_cast %swap3A_29 : vector<16xi32> to vector<16xi32>
    %swap3A_31 = vector.shape_cast %get3A_13 : vector<16xi32> to vector<16xi32>
    tpu.vector_store %arg12[%swap3A_28], %swap3A_31 {strides = array<i32>} : memref<32xi32, #tpu.memory_space<vmem>>, vector<16xi32>,
    %dma_start3A = arith.constant 0 : i32
    %dma_start3A_32 = arith.constant 0 : i32
    %dma_start3A_33 = arith.constant 0 : i32
    %dma_start3A_34 = tpu.memref_slice %arg14[%dma_start3A, %dma_start3A_32, %dma_start3A_33] : memref<2x32x128xi32, #tpu.memory_space<vmem>> -> memref<1x32x128xi32, #tpu.memory_space<vmem>>
    %dma_start3A_35 = tpu.memref_squeeze %dma_start3A_34 : memref<1x32x128xi32, #tpu.memory_space<vmem>> -> memref<32x128xi32, #tpu.memory_space<vmem>>
    %dma_start3A_36 = arith.constant 0 : i32
    %dma_start3A_37 = arith.constant 0 : i32
    %dma_start3A_38 = tpu.memref_slice %arg2[%dma_start3A_36, %dma_start3A_37] : memref<10000x128xi32, #tpu.memory_space<hbm>> -> memref<10000x128xi32, #tpu.memory_space<hbm>>
    tpu.enqueue_indirect_dma source(%dma_start3A_38 : memref<10000x128xi32, #tpu.memory_space<hbm>>) target(%dma_start3A_35 : memref<32x128xi32, #tpu.memory_space<vmem>>) offsets(%arg10 : memref<32xi32, #tpu.memory_space<vmem>>) semaphore(%arg17 : memref<!tpu.dma_semaphore, #tpu.memory_space<semaphore_mem>>)
    %mul3A_39 = arith.constant 5000 : i32
    %mul3A_40 = arith.muli %add3A, %mul3A_39 : i32
    %add3A_41 = arith.constant 0 : i32
    %add3A_42 = arith.addi %mul3A_40, %add3A_41 : i32
    %dma_start3A_43 = arith.constant 0 : i32
    %dma_start3A_44 = arith.constant 0 : i32
    %dma_start3A_45 = arith.constant 0 : i32
    %dma_start3A_46 = tpu.memref_slice %arg15[%dma_start3A_43, %dma_start3A_44, %dma_start3A_45] : memref<2x8x128xi32, #tpu.memory_space<vmem>> -> memref<1x8x128xi32, #tpu.memory_space<vmem>>
    %dma_start3A_47 = tpu.memref_squeeze %dma_start3A_46 : memref<1x8x128xi32, #tpu.memory_space<vmem>> -> memref<8x128xi32, #tpu.memory_space<vmem>>
    %dma_start3A_48 = arith.constant 0 : i32
    %dma_start3A_49 = tpu.memref_slice %arg3[%add3A_42, %dma_start3A_48] : memref<160000x128xi32, #tpu.memory_space<hbm>> -> memref<8x128xi32, #tpu.memory_space<hbm>>
    %dma_start3A_50 = arith.constant 0 : i32
    %dma_start3A_51 = arith.constant 0 : i32
    %dma_start3A_52 = tpu.memref_slice %arg15[%dma_start3A_43, %dma_start3A_50, %dma_start3A_51] : memref<2x8x128xi32, #tpu.memory_space<vmem>> -> memref<1x8x128xi32, #tpu.memory_space<vmem>>
    %dma_start3A_53 = tpu.memref_squeeze %dma_start3A_52 : memref<1x8x128xi32, #tpu.memory_space<vmem>> -> memref<8x128xi32, #tpu.memory_space<vmem>>
    %dma_start3A_54 = arith.constant 0 : i32
    %dma_start3A_55 = tpu.memref_slice %arg3[%add3A_42, %dma_start3A_54] : memref<160000x128xi32, #tpu.memory_space<hbm>> -> memref<8x128xi32, #tpu.memory_space<hbm>>
    tpu.enqueue_dma source(%dma_start3A_55 : memref<8x128xi32, #tpu.memory_space<hbm>>) target(%dma_start3A_53 : memref<8x128xi32, #tpu.memory_space<vmem>>) target_semaphore(%arg17 : memref<!tpu.dma_semaphore, #tpu.memory_space<semaphore_mem>>)
    %scan3A_56 = arith.constant 0 : i32
    %scan3A_57 = arith.constant 313 : i32
    %scan3A_58 = arith.addi %scan3A_56, %scan3A_57 : i32
    %scan3A_59 = arith.constant 1 : i32
    scf.for %scan3A_81 = %scan3A_56 to %scan3A_58 step %scan3A_59  : i32 {
      %mul3A_82 = arith.constant 2 : i32
      %mul3A_83 = arith.muli %scan3A_81, %mul3A_82 : i32
      %add3A_84 = arith.constant 0 : i32
      %add3A_85 = arith.addi %add3A_84, %mul3A_83 : i32
      %add3A_86 = arith.constant 0 : i32
      %add3A_87 = arith.addi %add3A_85, %add3A_86 : i32
      %lt3A = arith.constant 625 : i32
      %lt3A_88 = arith.cmpi slt, %add3A_87, %lt3A : i32
      %convert_element_type3A = arith.extui %lt3A_88 : i1 to i32
      %cond3A = arith.constant 0 : i32
      %cond3A_89 = arith.cmpi ne, %convert_element_type3A, %cond3A : i32
      scf.if %cond3A_89 {
        %add3A_97 = arith.constant 1 : i32
        %add3A_98 = arith.addi %add3A_87, %add3A_97 : i32
        %lt3A_99 = arith.constant 625 : i32
        %lt3A_100 = arith.cmpi slt, %add3A_98, %lt3A_99 : i32
        %convert_element_type3A_101 = arith.extui %lt3A_100 : i1 to i32
        %cond3A_102 = arith.constant 0 : i32
        %cond3A_103 = arith.cmpi ne, %convert_element_type3A_101, %cond3A_102 : i32
        scf.if %cond3A_103 {
          %ge3A = arith.constant 1 : i32
          %ge3A_144 = arith.cmpi sge, %add3A_87, %ge3A : i32
          %convert_element_type3A_145 = arith.extui %ge3A_144 : i1 to i32
          %cond3A_146 = arith.constant 0 : i32
          %cond3A_147 = arith.cmpi ne, %convert_element_type3A_145, %cond3A_146 : i32
          scf.if %cond3A_147 {
            %dma_wait3A_204 = arith.constant 1 : i32
            %dma_wait3A_205 = arith.constant 0 : i32
            %dma_wait3A_206 = arith.constant 0 : i32
            %dma_wait3A_207 = tpu.memref_slice %arg16[%dma_wait3A_204, %dma_wait3A_205, %dma_wait3A_206] : memref<2x32x128xf32, #tpu.memory_space<vmem>> -> memref<1x32x128xf32, #tpu.memory_space<vmem>>
            %dma_wait3A_208 = tpu.memref_squeeze %dma_wait3A_207 : memref<1x32x128xf32, #tpu.memory_space<vmem>> -> memref<32x128xf32, #tpu.memory_space<vmem>>
            %dma_wait3A_209 = arith.constant 0 : i32
            %dma_wait3A_210 = arith.constant 0 : i32
            %dma_wait3A_211 = tpu.memref_slice %arg7[%dma_wait3A_209, %dma_wait3A_210] : memref<10240x128xf32, #tpu.memory_space<vmem_shared>> -> memref<10240x128xf32, #tpu.memory_space<vmem_shared>>
            tpu.wait_indirect_dma semaphore(%arg20 : memref<!tpu.dma_semaphore, #tpu.memory_space<semaphore_mem>>) src(%dma_wait3A_208 : memref<32x128xf32, #tpu.memory_space<vmem>>) dst(%dma_wait3A_211 : memref<10240x128xf32, #tpu.memory_space<vmem_shared>>)
          } else {
          }
          %add3A_148 = arith.constant 1 : i32
          %add3A_149 = arith.addi %add3A_87, %add3A_148 : i32
          %mul3A_150 = arith.constant 16 : i32
          %mul3A_151 = arith.muli %add3A_149, %mul3A_150 : i32
          %get3A_152 = arith.index_cast %mul3A_151 : i32 to index
          %get3A_153 = tpu.vector_load %arg8[%get3A_152] {strides = array<i32>} : memref<10000xi32, #tpu.memory_space<vmem>>, vector<16xi32>,
          %get3A_154 = vector.shape_cast %get3A_153 : vector<16xi32> to vector<16xi32>
          %mul3A_155 = arith.constant 16 : i32
          %mul3A_156 = arith.muli %add3A_149, %mul3A_155 : i32
          %get3A_157 = arith.index_cast %mul3A_156 : i32 to index
          %get3A_158 = tpu.vector_load %arg9[%get3A_157] {strides = array<i32>} : memref<10000xi32, #tpu.memory_space<vmem>>, vector<16xi32>,
          %get3A_159 = vector.shape_cast %get3A_158 : vector<16xi32> to vector<16xi32>
          %swap3A_160 = arith.constant 0 : index
          %swap3A_161 = tpu.vector_load %arg11[%swap3A_160] {strides = array<i32>} : memref<32xi32, #tpu.memory_space<vmem>>, vector<16xi32>,
          %swap3A_162 = vector.shape_cast %swap3A_161 : vector<16xi32> to vector<16xi32>
          %swap3A_163 = vector.shape_cast %get3A_154 : vector<16xi32> to vector<16xi32>
          tpu.vector_store %arg11[%swap3A_160], %swap3A_163 {strides = array<i32>} : memref<32xi32, #tpu.memory_space<vmem>>, vector<16xi32>,
          %swap3A_164 = arith.constant 16 : index
          %swap3A_165 = tpu.vector_load %arg11[%swap3A_164] {strides = array<i32>} : memref<32xi32, #tpu.memory_space<vmem>>, vector<16xi32>,
          %swap3A_166 = vector.shape_cast %swap3A_165 : vector<16xi32> to vector<16xi32>
          %swap3A_167 = vector.shape_cast %get3A_159 : vector<16xi32> to vector<16xi32>
          tpu.vector_store %arg11[%swap3A_164], %swap3A_167 {strides = array<i32>} : memref<32xi32, #tpu.memory_space<vmem>>, vector<16xi32>,
          %swap3A_168 = arith.constant 0 : index
          %swap3A_169 = tpu.vector_load %arg13[%swap3A_168] {strides = array<i32>} : memref<32xi32, #tpu.memory_space<vmem>>, vector<16xi32>,
          %swap3A_170 = vector.shape_cast %swap3A_169 : vector<16xi32> to vector<16xi32>
          %swap3A_171 = vector.shape_cast %get3A_159 : vector<16xi32> to vector<16xi32>
          tpu.vector_store %arg13[%swap3A_168], %swap3A_171 {strides = array<i32>} : memref<32xi32, #tpu.memory_space<vmem>>, vector<16xi32>,
          %swap3A_172 = arith.constant 16 : index
          %swap3A_173 = tpu.vector_load %arg13[%swap3A_172] {strides = array<i32>} : memref<32xi32, #tpu.memory_space<vmem>>, vector<16xi32>,
          %swap3A_174 = vector.shape_cast %swap3A_173 : vector<16xi32> to vector<16xi32>
          %swap3A_175 = vector.shape_cast %get3A_154 : vector<16xi32> to vector<16xi32>
          tpu.vector_store %arg13[%swap3A_172], %swap3A_175 {strides = array<i32>} : memref<32xi32, #tpu.memory_space<vmem>>, vector<16xi32>,
          %add3A_176 = arith.constant 1 : i32
          %add3A_177 = arith.addi %add3A_87, %add3A_176 : i32
          %dma_start3A_178 = arith.constant 1 : i32
          %dma_start3A_179 = arith.constant 0 : i32
          %dma_start3A_180 = arith.constant 0 : i32
          %dma_start3A_181 = tpu.memref_slice %arg14[%dma_start3A_178, %dma_start3A_179, %dma_start3A_180] : memref<2x32x128xi32, #tpu.memory_space<vmem>> -> memref<1x32x128xi32, #tpu.memory_space<vmem>>
          %dma_start3A_182 = tpu.memref_squeeze %dma_start3A_181 : memref<1x32x128xi32, #tpu.memory_space<vmem>> -> memref<32x128xi32, #tpu.memory_space<vmem>>
          %dma_start3A_183 = arith.constant 0 : i32
          %dma_start3A_184 = arith.constant 0 : i32
          %dma_start3A_185 = tpu.memref_slice %arg2[%dma_start3A_183, %dma_start3A_184] : memref<10000x128xi32, #tpu.memory_space<hbm>> -> memref<10000x128xi32, #tpu.memory_space<hbm>>
          tpu.enqueue_indirect_dma source(%dma_start3A_185 : memref<10000x128xi32, #tpu.memory_space<hbm>>) target(%dma_start3A_182 : memref<32x128xi32, #tpu.memory_space<vmem>>) offsets(%arg11 : memref<32xi32, #tpu.memory_space<vmem>>) semaphore(%arg18 : memref<!tpu.dma_semaphore, #tpu.memory_space<semaphore_mem>>)
          %mul3A_186 = arith.constant 5000 : i32
          %mul3A_187 = arith.muli %add3A, %mul3A_186 : i32
          %mul3A_188 = arith.constant 8 : i32
          %mul3A_189 = arith.muli %add3A_177, %mul3A_188 : i32
          %add3A_190 = arith.addi %mul3A_187, %mul3A_189 : i32
          %dma_start3A_191 = arith.constant 1 : i32
          %dma_start3A_192 = arith.constant 0 : i32
          %dma_start3A_193 = arith.constant 0 : i32
          %dma_start3A_194 = tpu.memref_slice %arg15[%dma_start3A_191, %dma_start3A_192, %dma_start3A_193] : memref<2x8x128xi32, #tpu.memory_space<vmem>> -> memref<1x8x128xi32, #tpu.memory_space<vmem>>
          %dma_start3A_195 = tpu.memref_squeeze %dma_start3A_194 : memref<1x8x128xi32, #tpu.memory_space<vmem>> -> memref<8x128xi32, #tpu.memory_space<vmem>>
          %dma_start3A_196 = arith.constant 0 : i32
          %dma_start3A_197 = tpu.memref_slice %arg3[%add3A_190, %dma_start3A_196] : memref<160000x128xi32, #tpu.memory_space<hbm>> -> memref<8x128xi32, #tpu.memory_space<hbm>>
          %dma_start3A_198 = arith.constant 0 : i32
          %dma_start3A_199 = arith.constant 0 : i32
          %dma_start3A_200 = tpu.memref_slice %arg15[%dma_start3A_191, %dma_start3A_198, %dma_start3A_199] : memref<2x8x128xi32, #tpu.memory_space<vmem>> -> memref<1x8x128xi32, #tpu.memory_space<vmem>>
          %dma_start3A_201 = tpu.memref_squeeze %dma_start3A_200 : memref<1x8x128xi32, #tpu.memory_space<vmem>> -> memref<8x128xi32, #tpu.memory_space<vmem>>
          %dma_start3A_202 = arith.constant 0 : i32
          %dma_start3A_203 = tpu.memref_slice %arg3[%add3A_190, %dma_start3A_202] : memref<160000x128xi32, #tpu.memory_space<hbm>> -> memref<8x128xi32, #tpu.memory_space<hbm>>
          tpu.enqueue_dma source(%dma_start3A_203 : memref<8x128xi32, #tpu.memory_space<hbm>>) target(%dma_start3A_201 : memref<8x128xi32, #tpu.memory_space<vmem>>) target_semaphore(%arg18 : memref<!tpu.dma_semaphore, #tpu.memory_space<semaphore_mem>>)
        } else {
        }
        %dma_wait3A_104 = arith.constant 0 : i32
        %dma_wait3A_105 = arith.constant 0 : i32
        %dma_wait3A_106 = arith.constant 0 : i32
        %dma_wait3A_107 = tpu.memref_slice %arg14[%dma_wait3A_104, %dma_wait3A_105, %dma_wait3A_106] : memref<2x32x128xi32, #tpu.memory_space<vmem>> -> memref<1x32x128xi32, #tpu.memory_space<vmem>>
        %dma_wait3A_108 = tpu.memref_squeeze %dma_wait3A_107 : memref<1x32x128xi32, #tpu.memory_space<vmem>> -> memref<32x128xi32, #tpu.memory_space<vmem>>
        %dma_wait3A_109 = arith.constant 0 : i32
        %dma_wait3A_110 = arith.constant 0 : i32
        %dma_wait3A_111 = tpu.memref_slice %arg2[%dma_wait3A_109, %dma_wait3A_110] : memref<10000x128xi32, #tpu.memory_space<hbm>> -> memref<32x128xi32, #tpu.memory_space<hbm>>
        %dma_wait3A_112 = arith.constant 0 : i32
        %dma_wait3A_113 = arith.constant 0 : i32
        %dma_wait3A_114 = tpu.memref_slice %arg14[%dma_wait3A_104, %dma_wait3A_112, %dma_wait3A_113] : memref<2x32x128xi32, #tpu.memory_space<vmem>> -> memref<1x32x128xi32, #tpu.memory_space<vmem>>
        %dma_wait3A_115 = tpu.memref_squeeze %dma_wait3A_114 : memref<1x32x128xi32, #tpu.memory_space<vmem>> -> memref<32x128xi32, #tpu.memory_space<vmem>>
        %dma_wait3A_116 = arith.constant 0 : i32
        %dma_wait3A_117 = arith.constant 0 : i32
        %dma_wait3A_118 = tpu.memref_slice %arg2[%dma_wait3A_116, %dma_wait3A_117] : memref<10000x128xi32, #tpu.memory_space<hbm>> -> memref<32x128xi32, #tpu.memory_space<hbm>>
        tpu.wait_dma2 semaphore(%arg17 : memref<!tpu.dma_semaphore, #tpu.memory_space<semaphore_mem>>) src(%dma_wait3A_118 : memref<32x128xi32, #tpu.memory_space<hbm>>) dst(%dma_wait3A_115 : memref<32x128xi32, #tpu.memory_space<vmem>>)
        %dma_wait3A_119 = arith.constant 0 : i32
        %dma_wait3A_120 = arith.constant 0 : i32
        %dma_wait3A_121 = arith.constant 0 : i32
        %dma_wait3A_122 = tpu.memref_slice %arg15[%dma_wait3A_119, %dma_wait3A_120, %dma_wait3A_121] : memref<2x8x128xi32, #tpu.memory_space<vmem>> -> memref<1x8x128xi32, #tpu.memory_space<vmem>>
        %dma_wait3A_123 = tpu.memref_squeeze %dma_wait3A_122 : memref<1x8x128xi32, #tpu.memory_space<vmem>> -> memref<8x128xi32, #tpu.memory_space<vmem>>
        %dma_wait3A_124 = arith.constant 0 : i32
        %dma_wait3A_125 = arith.constant 0 : i32
        %dma_wait3A_126 = tpu.memref_slice %arg3[%dma_wait3A_124, %dma_wait3A_125] : memref<160000x128xi32, #tpu.memory_space<hbm>> -> memref<8x128xi32, #tpu.memory_space<hbm>>
        %dma_wait3A_127 = arith.constant 0 : i32
        %dma_wait3A_128 = arith.constant 0 : i32
        %dma_wait3A_129 = tpu.memref_slice %arg15[%dma_wait3A_119, %dma_wait3A_127, %dma_wait3A_128] : memref<2x8x128xi32, #tpu.memory_space<vmem>> -> memref<1x8x128xi32, #tpu.memory_space<vmem>>
        %dma_wait3A_130 = tpu.memref_squeeze %dma_wait3A_129 : memref<1x8x128xi32, #tpu.memory_space<vmem>> -> memref<8x128xi32, #tpu.memory_space<vmem>>
        %dma_wait3A_131 = arith.constant 0 : i32
        %dma_wait3A_132 = arith.constant 0 : i32
        %dma_wait3A_133 = tpu.memref_slice %arg3[%dma_wait3A_131, %dma_wait3A_132] : memref<160000x128xi32, #tpu.memory_space<hbm>> -> memref<8x128xi32, #tpu.memory_space<hbm>>
        tpu.wait_dma2 semaphore(%arg17 : memref<!tpu.dma_semaphore, #tpu.memory_space<semaphore_mem>>) src(%dma_wait3A_133 : memref<8x128xi32, #tpu.memory_space<hbm>>) dst(%dma_wait3A_130 : memref<8x128xi32, #tpu.memory_space<vmem>>)
        %parallel_loop3A = arith.constant 0 : i32
        %parallel_loop3A_134 = arith.constant 8 : i32
        %parallel_loop3A_135 = arith.constant 1 : i32
        scf.for %parallel_loop3A_144 = %parallel_loop3A to %parallel_loop3A_134 step %parallel_loop3A_135  : i32 {
          %parallel_loop3A_145 = arith.constant 2 : i32
          %parallel_loop3A_146 = arith.muli %parallel_loop3A_145, %parallel_loop3A_144 : i32
          %parallel_loop3A_147 = arith.constant 0 : i32
          %parallel_loop3A_148 = arith.addi %parallel_loop3A_146, %parallel_loop3A_147 : i32
          %parallel_loop3A_149 = arith.constant 0 : i32
          %parallel_loop3A_150 = arith.index_cast %parallel_loop3A_149 : i32 to index
          %parallel_loop3A_151 = arith.index_cast %parallel_loop3A_144 : i32 to index
          %parallel_loop3A_152 = arith.constant 0 : index
          %parallel_loop3A_153 = tpu.vector_load %arg15[%parallel_loop3A_150, %parallel_loop3A_151, %parallel_loop3A_152] {strides = array<i32>} : memref<2x8x128xi32, #tpu.memory_space<vmem>>, vector<1x1x16xi32>,
          %parallel_loop3A_154 = vector.shape_cast %parallel_loop3A_153 : vector<1x1x16xi32> to vector<16xi32>
          %parallel_loop3A_155 = arith.constant 16 : i32
          %parallel_loop3A_156 = vector.broadcast %parallel_loop3A_155 : i32 to vector<16xi32>
          %parallel_loop3A_157 = arith.shli %parallel_loop3A_154, %parallel_loop3A_156 : vector<16xi32>
          %parallel_loop3A_158 = tpu.bitcast %parallel_loop3A_157 : vector<16xi32> -> vector<16xf32>
          %parallel_loop3A_159 = arith.constant -65536 : i32
          %parallel_loop3A_160 = vector.broadcast %parallel_loop3A_159 : i32 to vector<16xi32>
          %parallel_loop3A_161 = arith.andi %parallel_loop3A_154, %parallel_loop3A_160 : vector<16xi32>
          %parallel_loop3A_162 = tpu.bitcast %parallel_loop3A_161 : vector<16xi32> -> vector<16xf32>
          %parallel_loop3A_163 = arith.constant 0 : i32
          %parallel_loop3A_164 = arith.index_cast %parallel_loop3A_163 : i32 to index
          %parallel_loop3A_165 = arith.index_cast %parallel_loop3A_148 : i32 to index
          %parallel_loop3A_166 = arith.constant 0 : index
          %parallel_loop3A_167 = tpu.vector_load %arg14[%parallel_loop3A_164, %parallel_loop3A_165, %parallel_loop3A_166] {strides = array<i32>} : memref<2x32x128xi32, #tpu.memory_space<vmem>>, vector<1x1x16xi32>,
          %parallel_loop3A_168 = vector.shape_cast %parallel_loop3A_167 : vector<1x1x16xi32> to vector<16xi32>
          %parallel_loop3A_169 = arith.constant 16 : i32
          %parallel_loop3A_170 = vector.broadcast %parallel_loop3A_169 : i32 to vector<16xi32>
          %parallel_loop3A_171 = arith.shli %parallel_loop3A_168, %parallel_loop3A_170 : vector<16xi32>
          %parallel_loop3A_172 = tpu.bitcast %parallel_loop3A_171 : vector<16xi32> -> vector<16xf32>
          %parallel_loop3A_173 = arith.constant -65536 : i32
          %parallel_loop3A_174 = vector.broadcast %parallel_loop3A_173 : i32 to vector<16xi32>
          %parallel_loop3A_175 = arith.andi %parallel_loop3A_168, %parallel_loop3A_174 : vector<16xi32>
          %parallel_loop3A_176 = tpu.bitcast %parallel_loop3A_175 : vector<16xi32> -> vector<16xf32>
          %parallel_loop3A_177 = arith.constant 0 : i32
          %parallel_loop3A_178 = arith.index_cast %parallel_loop3A_177 : i32 to index
          %parallel_loop3A_179 = arith.index_cast %parallel_loop3A_148 : i32 to index
          %parallel_loop3A_180 = arith.constant 64 : index
          %parallel_loop3A_181 = tpu.vector_load %arg14[%parallel_loop3A_178, %parallel_loop3A_179, %parallel_loop3A_180] {strides = array<i32>} : memref<2x32x128xi32, #tpu.memory_space<vmem>>, vector<1x1x16xi32>,
          %parallel_loop3A_182 = vector.shape_cast %parallel_loop3A_181 : vector<1x1x16xi32> to vector<16xi32>
          %parallel_loop3A_183 = arith.constant 16 : i32
          %parallel_loop3A_184 = vector.broadcast %parallel_loop3A_183 : i32 to vector<16xi32>
          %parallel_loop3A_185 = arith.shli %parallel_loop3A_182, %parallel_loop3A_184 : vector<16xi32>
          %parallel_loop3A_186 = tpu.bitcast %parallel_loop3A_185 : vector<16xi32> -> vector<16xf32>
          %parallel_loop3A_187 = arith.constant -65536 : i32
          %parallel_loop3A_188 = vector.broadcast %parallel_loop3A_187 : i32 to vector<16xi32>
          %parallel_loop3A_189 = arith.andi %parallel_loop3A_182, %parallel_loop3A_188 : vector<16xi32>
          %parallel_loop3A_190 = tpu.bitcast %parallel_loop3A_189 : vector<16xi32> -> vector<16xf32>
          %parallel_loop3A_191 = arith.constant 16 : i32
          %parallel_loop3A_192 = arith.addi %parallel_loop3A_191, %parallel_loop3A_148 : i32
          %parallel_loop3A_193 = arith.constant 0 : i32
          %parallel_loop3A_194 = arith.index_cast %parallel_loop3A_193 : i32 to index
          %parallel_loop3A_195 = arith.index_cast %parallel_loop3A_192 : i32 to index
          %parallel_loop3A_196 = arith.constant 0 : index
          %parallel_loop3A_197 = tpu.vector_load %arg14[%parallel_loop3A_194, %parallel_loop3A_195, %parallel_loop3A_196] {strides = array<i32>} : memref<2x32x128xi32, #tpu.memory_space<vmem>>, vector<1x1x16xi32>,
          %parallel_loop3A_198 = vector.shape_cast %parallel_loop3A_197 : vector<1x1x16xi32> to vector<16xi32>
          %parallel_loop3A_199 = arith.constant 16 : i32
          %parallel_loop3A_200 = vector.broadcast %parallel_loop3A_199 : i32 to vector<16xi32>
          %parallel_loop3A_201 = arith.shli %parallel_loop3A_198, %parallel_loop3A_200 : vector<16xi32>
          %parallel_loop3A_202 = tpu.bitcast %parallel_loop3A_201 : vector<16xi32> -> vector<16xf32>
          %parallel_loop3A_203 = arith.constant -65536 : i32
          %parallel_loop3A_204 = vector.broadcast %parallel_loop3A_203 : i32 to vector<16xi32>
          %parallel_loop3A_205 = arith.andi %parallel_loop3A_198, %parallel_loop3A_204 : vector<16xi32>
          %parallel_loop3A_206 = tpu.bitcast %parallel_loop3A_205 : vector<16xi32> -> vector<16xf32>
          %parallel_loop3A_207 = arith.constant 16 : i32
          %parallel_loop3A_208 = arith.addi %parallel_loop3A_207, %parallel_loop3A_148 : i32
          %parallel_loop3A_209 = arith.constant 0 : i32
          %parallel_loop3A_210 = arith.index_cast %parallel_loop3A_209 : i32 to index
          %parallel_loop3A_211 = arith.index_cast %parallel_loop3A_208 : i32 to index
          %parallel_loop3A_212 = arith.constant 64 : index
          %parallel_loop3A_213 = tpu.vector_load %arg14[%parallel_loop3A_210, %parallel_loop3A_211, %parallel_loop3A_212] {strides = array<i32>} : memref<2x32x128xi32, #tpu.memory_space<vmem>>, vector<1x1x16xi32>,
          %parallel_loop3A_214 = vector.shape_cast %parallel_loop3A_213 : vector<1x1x16xi32> to vector<16xi32>
          %parallel_loop3A_215 = arith.constant 16 : i32
          %parallel_loop3A_216 = vector.broadcast %parallel_loop3A_215 : i32 to vector<16xi32>
          %parallel_loop3A_217 = arith.shli %parallel_loop3A_214, %parallel_loop3A_216 : vector<16xi32>
          %parallel_loop3A_218 = tpu.bitcast %parallel_loop3A_217 : vector<16xi32> -> vector<16xf32>
          %parallel_loop3A_219 = arith.constant -65536 : i32
          %parallel_loop3A_220 = vector.broadcast %parallel_loop3A_219 : i32 to vector<16xi32>
          %parallel_loop3A_221 = arith.andi %parallel_loop3A_214, %parallel_loop3A_220 : vector<16xi32>
          %parallel_loop3A_222 = tpu.bitcast %parallel_loop3A_221 : vector<16xi32> -> vector<16xf32>
          %parallel_loop3A_223 = arith.addf %parallel_loop3A_172, %parallel_loop3A_218 : vector<16xf32>
          %parallel_loop3A_224 = arith.addf %parallel_loop3A_223, %parallel_loop3A_158 : vector<16xf32>
          %parallel_loop3A_225 = arith.addf %parallel_loop3A_176, %parallel_loop3A_222 : vector<16xf32>
          %parallel_loop3A_226 = arith.addf %parallel_loop3A_225, %parallel_loop3A_162 : vector<16xf32>
          %parallel_loop3A_227 = arith.addf %parallel_loop3A_202, %parallel_loop3A_186 : vector<16xf32>
          %parallel_loop3A_228 = arith.addf %parallel_loop3A_227, %parallel_loop3A_158 : vector<16xf32>
          %parallel_loop3A_229 = arith.addf %parallel_loop3A_206, %parallel_loop3A_190 : vector<16xf32>
          %parallel_loop3A_230 = arith.addf %parallel_loop3A_229, %parallel_loop3A_162 : vector<16xf32>
          %parallel_loop3A_231 = arith.constant 0.00999999977 : f32
          %parallel_loop3A_232 = vector.broadcast %parallel_loop3A_231 : f32 to vector<16xf32>
          %parallel_loop3A_233 = arith.mulf %parallel_loop3A_232, %parallel_loop3A_224 : vector<16xf32>
          %parallel_loop3A_234 = arith.maximumf %parallel_loop3A_224, %parallel_loop3A_233 : vector<16xf32>
          %parallel_loop3A_235 = arith.constant 0 : i32
          %parallel_loop3A_236 = arith.index_cast %parallel_loop3A_235 : i32 to index
          %parallel_loop3A_237 = arith.index_cast %parallel_loop3A_148 : i32 to index
          %parallel_loop3A_238 = arith.constant 0 : index
          %parallel_loop3A_239 = tpu.vector_load %arg16[%parallel_loop3A_236, %parallel_loop3A_237, %parallel_loop3A_238] {strides = array<i32>} : memref<2x32x128xf32, #tpu.memory_space<vmem>>, vector<1x1x16xf32>,
          %parallel_loop3A_240 = vector.shape_cast %parallel_loop3A_239 : vector<1x1x16xf32> to vector<16xf32>
          %parallel_loop3A_241 = vector.shape_cast %parallel_loop3A_234 : vector<16xf32> to vector<1x1x16xf32>
          tpu.vector_store %arg16[%parallel_loop3A_236, %parallel_loop3A_237, %parallel_loop3A_238], %parallel_loop3A_241 {strides = array<i32>} : memref<2x32x128xf32, #tpu.memory_space<vmem>>, vector<1x1x16xf32>,
          %parallel_loop3A_242 = arith.constant 0.00999999977 : f32
          %parallel_loop3A_243 = vector.broadcast %parallel_loop3A_242 : f32 to vector<16xf32>
          %parallel_loop3A_244 = arith.mulf %parallel_loop3A_243, %parallel_loop3A_226 : vector<16xf32>
          %parallel_loop3A_245 = arith.maximumf %parallel_loop3A_226, %parallel_loop3A_244 : vector<16xf32>
          %parallel_loop3A_246 = arith.constant 0 : i32
          %parallel_loop3A_247 = arith.index_cast %parallel_loop3A_246 : i32 to index
          %parallel_loop3A_248 = arith.index_cast %parallel_loop3A_148 : i32 to index
          %parallel_loop3A_249 = arith.constant 16 : index
          %parallel_loop3A_250 = tpu.vector_load %arg16[%parallel_loop3A_247, %parallel_loop3A_248, %parallel_loop3A_249] {strides = array<i32>} : memref<2x32x128xf32, #tpu.memory_space<vmem>>, vector<1x1x16xf32>,
          %parallel_loop3A_251 = vector.shape_cast %parallel_loop3A_250 : vector<1x1x16xf32> to vector<16xf32>
          %parallel_loop3A_252 = vector.shape_cast %parallel_loop3A_245 : vector<16xf32> to vector<1x1x16xf32>
          tpu.vector_store %arg16[%parallel_loop3A_247, %parallel_loop3A_248, %parallel_loop3A_249], %parallel_loop3A_252 {strides = array<i32>} : memref<2x32x128xf32, #tpu.memory_space<vmem>>, vector<1x1x16xf32>,
          %parallel_loop3A_253 = arith.constant 0.00999999977 : f32
          %parallel_loop3A_254 = vector.broadcast %parallel_loop3A_253 : f32 to vector<16xf32>
          %parallel_loop3A_255 = arith.mulf %parallel_loop3A_254, %parallel_loop3A_228 : vector<16xf32>
          %parallel_loop3A_256 = arith.maximumf %parallel_loop3A_228, %parallel_loop3A_255 : vector<16xf32>
          %parallel_loop3A_257 = arith.constant 16 : i32
          %parallel_loop3A_258 = arith.addi %parallel_loop3A_257, %parallel_loop3A_148 : i32
          %parallel_loop3A_259 = arith.constant 0 : i32
          %parallel_loop3A_260 = arith.index_cast %parallel_loop3A_259 : i32 to index
          %parallel_loop3A_261 = arith.index_cast %parallel_loop3A_258 : i32 to index
          %parallel_loop3A_262 = arith.constant 0 : index
          %parallel_loop3A_263 = tpu.vector_load %arg16[%parallel_loop3A_260, %parallel_loop3A_261, %parallel_loop3A_262] {strides = array<i32>} : memref<2x32x128xf32, #tpu.memory_space<vmem>>, vector<1x1x16xf32>,
          %parallel_loop3A_264 = vector.shape_cast %parallel_loop3A_263 : vector<1x1x16xf32> to vector<16xf32>
          %parallel_loop3A_265 = vector.shape_cast %parallel_loop3A_256 : vector<16xf32> to vector<1x1x16xf32>
          tpu.vector_store %arg16[%parallel_loop3A_260, %parallel_loop3A_261, %parallel_loop3A_262], %parallel_loop3A_265 {strides = array<i32>} : memref<2x32x128xf32, #tpu.memory_space<vmem>>, vector<1x1x16xf32>,
          %parallel_loop3A_266 = arith.constant 0.00999999977 : f32
          %parallel_loop3A_267 = vector.broadcast %parallel_loop3A_266 : f32 to vector<16xf32>
          %parallel_loop3A_268 = arith.mulf %parallel_loop3A_267, %parallel_loop3A_230 : vector<16xf32>
          %parallel_loop3A_269 = arith.maximumf %parallel_loop3A_230, %parallel_loop3A_268 : vector<16xf32>
          %parallel_loop3A_270 = arith.constant 16 : i32
          %parallel_loop3A_271 = arith.addi %parallel_loop3A_270, %parallel_loop3A_148 : i32
          %parallel_loop3A_272 = arith.constant 0 : i32
          %parallel_loop3A_273 = arith.index_cast %parallel_loop3A_272 : i32 to index
          %parallel_loop3A_274 = arith.index_cast %parallel_loop3A_271 : i32 to index
          %parallel_loop3A_275 = arith.constant 16 : index
          %parallel_loop3A_276 = tpu.vector_load %arg16[%parallel_loop3A_273, %parallel_loop3A_274, %parallel_loop3A_275] {strides = array<i32>} : memref<2x32x128xf32, #tpu.memory_space<vmem>>, vector<1x1x16xf32>,
          %parallel_loop3A_277 = vector.shape_cast %parallel_loop3A_276 : vector<1x1x16xf32> to vector<16xf32>
          %parallel_loop3A_278 = vector.shape_cast %parallel_loop3A_269 : vector<16xf32> to vector<1x1x16xf32>
          tpu.vector_store %arg16[%parallel_loop3A_273, %parallel_loop3A_274, %parallel_loop3A_275], %parallel_loop3A_278 {strides = array<i32>} : memref<2x32x128xf32, #tpu.memory_space<vmem>>, vector<1x1x16xf32>,
          %parallel_loop3A_279 = arith.constant 0 : i32
          %parallel_loop3A_280 = arith.index_cast %parallel_loop3A_279 : i32 to index
          %parallel_loop3A_281 = arith.index_cast %parallel_loop3A_144 : i32 to index
          %parallel_loop3A_282 = arith.constant 16 : index
          %parallel_loop3A_283 = tpu.vector_load %arg15[%parallel_loop3A_280, %parallel_loop3A_281, %parallel_loop3A_282] {strides = array<i32>} : memref<2x8x128xi32, #tpu.memory_space<vmem>>, vector<1x1x16xi32>,
          %parallel_loop3A_284 = vector.shape_cast %parallel_loop3A_283 : vector<1x1x16xi32> to vector<16xi32>
          %parallel_loop3A_285 = arith.constant 16 : i32
          %parallel_loop3A_286 = vector.broadcast %parallel_loop3A_285 : i32 to vector<16xi32>
          %parallel_loop3A_287 = arith.shli %parallel_loop3A_284, %parallel_loop3A_286 : vector<16xi32>
          %parallel_loop3A_288 = tpu.bitcast %parallel_loop3A_287 : vector<16xi32> -> vector<16xf32>
          %parallel_loop3A_289 = arith.constant -65536 : i32
          %parallel_loop3A_290 = vector.broadcast %parallel_loop3A_289 : i32 to vector<16xi32>
          %parallel_loop3A_291 = arith.andi %parallel_loop3A_284, %parallel_loop3A_290 : vector<16xi32>
          %parallel_loop3A_292 = tpu.bitcast %parallel_loop3A_291 : vector<16xi32> -> vector<16xf32>
          %parallel_loop3A_293 = arith.constant 0 : i32
          %parallel_loop3A_294 = arith.index_cast %parallel_loop3A_293 : i32 to index
          %parallel_loop3A_295 = arith.index_cast %parallel_loop3A_148 : i32 to index
          %parallel_loop3A_296 = arith.constant 16 : index
          %parallel_loop3A_297 = tpu.vector_load %arg14[%parallel_loop3A_294, %parallel_loop3A_295, %parallel_loop3A_296] {strides = array<i32>} : memref<2x32x128xi32, #tpu.memory_space<vmem>>, vector<1x1x16xi32>,
          %parallel_loop3A_298 = vector.shape_cast %parallel_loop3A_297 : vector<1x1x16xi32> to vector<16xi32>
          %parallel_loop3A_299 = arith.constant 16 : i32
          %parallel_loop3A_300 = vector.broadcast %parallel_loop3A_299 : i32 to vector<16xi32>
          %parallel_loop3A_301 = arith.shli %parallel_loop3A_298, %parallel_loop3A_300 : vector<16xi32>
          %parallel_loop3A_302 = tpu.bitcast %parallel_loop3A_301 : vector<16xi32> -> vector<16xf32>
          %parallel_loop3A_303 = arith.constant -65536 : i32
          %parallel_loop3A_304 = vector.broadcast %parallel_loop3A_303 : i32 to vector<16xi32>
          %parallel_loop3A_305 = arith.andi %parallel_loop3A_298, %parallel_loop3A_304 : vector<16xi32>
          %parallel_loop3A_306 = tpu.bitcast %parallel_loop3A_305 : vector<16xi32> -> vector<16xf32>
          %parallel_loop3A_307 = arith.constant 0 : i32
          %parallel_loop3A_308 = arith.index_cast %parallel_loop3A_307 : i32 to index
          %parallel_loop3A_309 = arith.index_cast %parallel_loop3A_148 : i32 to index
          %parallel_loop3A_310 = arith.constant 80 : index
          %parallel_loop3A_311 = tpu.vector_load %arg14[%parallel_loop3A_308, %parallel_loop3A_309, %parallel_loop3A_310] {strides = array<i32>} : memref<2x32x128xi32, #tpu.memory_space<vmem>>, vector<1x1x16xi32>,
          %parallel_loop3A_312 = vector.shape_cast %parallel_loop3A_311 : vector<1x1x16xi32> to vector<16xi32>
          %parallel_loop3A_313 = arith.constant 16 : i32
          %parallel_loop3A_314 = vector.broadcast %parallel_loop3A_313 : i32 to vector<16xi32>
          %parallel_loop3A_315 = arith.shli %parallel_loop3A_312, %parallel_loop3A_314 : vector<16xi32>
          %parallel_loop3A_316 = tpu.bitcast %parallel_loop3A_315 : vector<16xi32> -> vector<16xf32>
          %parallel_loop3A_317 = arith.constant -65536 : i32
          %parallel_loop3A_318 = vector.broadcast %parallel_loop3A_317 : i32 to vector<16xi32>
          %parallel_loop3A_319 = arith.andi %parallel_loop3A_312, %parallel_loop3A_318 : vector<16xi32>
          %parallel_loop3A_320 = tpu.bitcast %parallel_loop3A_319 : vector<16xi32> -> vector<16xf32>
          %parallel_loop3A_321 = arith.constant 16 : i32
          %parallel_loop3A_322 = arith.addi %parallel_loop3A_321, %parallel_loop3A_148 : i32
          %parallel_loop3A_323 = arith.constant 0 : i32
          %parallel_loop3A_324 = arith.index_cast %parallel_loop3A_323 : i32 to index
          %parallel_loop3A_325 = arith.index_cast %parallel_loop3A_322 : i32 to index
          %parallel_loop3A_326 = arith.constant 16 : index
          %parallel_loop3A_327 = tpu.vector_load %arg14[%parallel_loop3A_324, %parallel_loop3A_325, %parallel_loop3A_326] {strides = array<i32>} : memref<2x32x128xi32, #tpu.memory_space<vmem>>, vector<1x1x16xi32>,
          %parallel_loop3A_328 = vector.shape_cast %parallel_loop3A_327 : vector<1x1x16xi32> to vector<16xi32>
          %parallel_loop3A_329 = arith.constant 16 : i32
          %parallel_loop3A_330 = vector.broadcast %parallel_loop3A_329 : i32 to vector<16xi32>
          %parallel_loop3A_331 = arith.shli %parallel_loop3A_328, %parallel_loop3A_330 : vector<16xi32>
          %parallel_loop3A_332 = tpu.bitcast %parallel_loop3A_331 : vector<16xi32> -> vector<16xf32>
          %parallel_loop3A_333 = arith.constant -65536 : i32
          %parallel_loop3A_334 = vector.broadcast %parallel_loop3A_333 : i32 to vector<16xi32>
          %parallel_loop3A_335 = arith.andi %parallel_loop3A_328, %parallel_loop3A_334 : vector<16xi32>
          %parallel_loop3A_336 = tpu.bitcast %parallel_loop3A_335 : vector<16xi32> -> vector<16xf32>
          %parallel_loop3A_337 = arith.constant 16 : i32
          %parallel_loop3A_338 = arith.addi %parallel_loop3A_337, %parallel_loop3A_148 : i32
          %parallel_loop3A_339 = arith.constant 0 : i32
          %parallel_loop3A_340 = arith.index_cast %parallel_loop3A_339 : i32 to index
          %parallel_loop3A_341 = arith.index_cast %parallel_loop3A_338 : i32 to index
          %parallel_loop3A_342 = arith.constant 80 : index
          %parallel_loop3A_343 = tpu.vector_load %arg14[%parallel_loop3A_340, %parallel_loop3A_341, %parallel_loop3A_342] {strides = array<i32>} : memref<2x32x128xi32, #tpu.memory_space<vmem>>, vector<1x1x16xi32>,
          %parallel_loop3A_344 = vector.shape_cast %parallel_loop3A_343 : vector<1x1x16xi32> to vector<16xi32>
          %parallel_loop3A_345 = arith.constant 16 : i32
          %parallel_loop3A_346 = vector.broadcast %parallel_loop3A_345 : i32 to vector<16xi32>
          %parallel_loop3A_347 = arith.shli %parallel_loop3A_344, %parallel_loop3A_346 : vector<16xi32>
          %parallel_loop3A_348 = tpu.bitcast %parallel_loop3A_347 : vector<16xi32> -> vector<16xf32>
          %parallel_loop3A_349 = arith.constant -65536 : i32
          %parallel_loop3A_350 = vector.broadcast %parallel_loop3A_349 : i32 to vector<16xi32>
          %parallel_loop3A_351 = arith.andi %parallel_loop3A_344, %parallel_loop3A_350 : vector<16xi32>
          %parallel_loop3A_352 = tpu.bitcast %parallel_loop3A_351 : vector<16xi32> -> vector<16xf32>
          %parallel_loop3A_353 = arith.addf %parallel_loop3A_302, %parallel_loop3A_348 : vector<16xf32>
          %parallel_loop3A_354 = arith.addf %parallel_loop3A_353, %parallel_loop3A_288 : vector<16xf32>
          %parallel_loop3A_355 = arith.addf %parallel_loop3A_306, %parallel_loop3A_352 : vector<16xf32>
          %parallel_loop3A_356 = arith.addf %parallel_loop3A_355, %parallel_loop3A_292 : vector<16xf32>
          %parallel_loop3A_357 = arith.addf %parallel_loop3A_332, %parallel_loop3A_316 : vector<16xf32>
          %parallel_loop3A_358 = arith.addf %parallel_loop3A_357, %parallel_loop3A_288 : vector<16xf32>
          %parallel_loop3A_359 = arith.addf %parallel_loop3A_336, %parallel_loop3A_320 : vector<16xf32>
          %parallel_loop3A_360 = arith.addf %parallel_loop3A_359, %parallel_loop3A_292 : vector<16xf32>
          %parallel_loop3A_361 = arith.constant 0.00999999977 : f32
          %parallel_loop3A_362 = vector.broadcast %parallel_loop3A_361 : f32 to vector<16xf32>
          %parallel_loop3A_363 = arith.mulf %parallel_loop3A_362, %parallel_loop3A_354 : vector<16xf32>
          %parallel_loop3A_364 = arith.maximumf %parallel_loop3A_354, %parallel_loop3A_363 : vector<16xf32>
          %parallel_loop3A_365 = arith.constant 0 : i32
          %parallel_loop3A_366 = arith.index_cast %parallel_loop3A_365 : i32 to index
          %parallel_loop3A_367 = arith.index_cast %parallel_loop3A_148 : i32 to index
          %parallel_loop3A_368 = arith.constant 32 : index
          %parallel_loop3A_369 = tpu.vector_load %arg16[%parallel_loop3A_366, %parallel_loop3A_367, %parallel_loop3A_368] {strides = array<i32>} : memref<2x32x128xf32, #tpu.memory_space<vmem>>, vector<1x1x16xf32>,
          %parallel_loop3A_370 = vector.shape_cast %parallel_loop3A_369 : vector<1x1x16xf32> to vector<16xf32>
          %parallel_loop3A_371 = vector.shape_cast %parallel_loop3A_364 : vector<16xf32> to vector<1x1x16xf32>
          tpu.vector_store %arg16[%parallel_loop3A_366, %parallel_loop3A_367, %parallel_loop3A_368], %parallel_loop3A_371 {strides = array<i32>} : memref<2x32x128xf32, #tpu.memory_space<vmem>>, vector<1x1x16xf32>,
          %parallel_loop3A_372 = arith.constant 0.00999999977 : f32
          %parallel_loop3A_373 = vector.broadcast %parallel_loop3A_372 : f32 to vector<16xf32>
          %parallel_loop3A_374 = arith.mulf %parallel_loop3A_373, %parallel_loop3A_356 : vector<16xf32>
          %parallel_loop3A_375 = arith.maximumf %parallel_loop3A_356, %parallel_loop3A_374 : vector<16xf32>
          %parallel_loop3A_376 = arith.constant 0 : i32
          %parallel_loop3A_377 = arith.index_cast %parallel_loop3A_376 : i32 to index
          %parallel_loop3A_378 = arith.index_cast %parallel_loop3A_148 : i32 to index
          %parallel_loop3A_379 = arith.constant 48 : index
          %parallel_loop3A_380 = tpu.vector_load %arg16[%parallel_loop3A_377, %parallel_loop3A_378, %parallel_loop3A_379] {strides = array<i32>} : memref<2x32x128xf32, #tpu.memory_space<vmem>>, vector<1x1x16xf32>,
          %parallel_loop3A_381 = vector.shape_cast %parallel_loop3A_380 : vector<1x1x16xf32> to vector<16xf32>
          %parallel_loop3A_382 = vector.shape_cast %parallel_loop3A_375 : vector<16xf32> to vector<1x1x16xf32>
          tpu.vector_store %arg16[%parallel_loop3A_377, %parallel_loop3A_378, %parallel_loop3A_379], %parallel_loop3A_382 {strides = array<i32>} : memref<2x32x128xf32, #tpu.memory_space<vmem>>, vector<1x1x16xf32>,
          %parallel_loop3A_383 = arith.constant 0.00999999977 : f32
          %parallel_loop3A_384 = vector.broadcast %parallel_loop3A_383 : f32 to vector<16xf32>
          %parallel_loop3A_385 = arith.mulf %parallel_loop3A_384, %parallel_loop3A_358 : vector<16xf32>
          %parallel_loop3A_386 = arith.maximumf %parallel_loop3A_358, %parallel_loop3A_385 : vector<16xf32>
          %parallel_loop3A_387 = arith.constant 16 : i32
          %parallel_loop3A_388 = arith.addi %parallel_loop3A_387, %parallel_loop3A_148 : i32
          %parallel_loop3A_389 = arith.constant 0 : i32
          %parallel_loop3A_390 = arith.index_cast %parallel_loop3A_389 : i32 to index
          %parallel_loop3A_391 = arith.index_cast %parallel_loop3A_388 : i32 to index
          %parallel_loop3A_392 = arith.constant 32 : index
          %parallel_loop3A_393 = tpu.vector_load %arg16[%parallel_loop3A_390, %parallel_loop3A_391, %parallel_loop3A_392] {strides = array<i32>} : memref<2x32x128xf32, #tpu.memory_space<vmem>>, vector<1x1x16xf32>,
          %parallel_loop3A_394 = vector.shape_cast %parallel_loop3A_393 : vector<1x1x16xf32> to vector<16xf32>
          %parallel_loop3A_395 = vector.shape_cast %parallel_loop3A_386 : vector<16xf32> to vector<1x1x16xf32>
          tpu.vector_store %arg16[%parallel_loop3A_390, %parallel_loop3A_391, %parallel_loop3A_392], %parallel_loop3A_395 {strides = array<i32>} : memref<2x32x128xf32, #tpu.memory_space<vmem>>, vector<1x1x16xf32>,
          %parallel_loop3A_396 = arith.constant 0.00999999977 : f32
          %parallel_loop3A_397 = vector.broadcast %parallel_loop3A_396 : f32 to vector<16xf32>
          %parallel_loop3A_398 = arith.mulf %parallel_loop3A_397, %parallel_loop3A_360 : vector<16xf32>
          %parallel_loop3A_399 = arith.maximumf %parallel_loop3A_360, %parallel_loop3A_398 : vector<16xf32>
          %parallel_loop3A_400 = arith.constant 16 : i32
          %parallel_loop3A_401 = arith.addi %parallel_loop3A_400, %parallel_loop3A_148 : i32
          %parallel_loop3A_402 = arith.constant 0 : i32
          %parallel_loop3A_403 = arith.index_cast %parallel_loop3A_402 : i32 to index
          %parallel_loop3A_404 = arith.index_cast %parallel_loop3A_401 : i32 to index
          %parallel_loop3A_405 = arith.constant 48 : index
          %parallel_loop3A_406 = tpu.vector_load %arg16[%parallel_loop3A_403, %parallel_loop3A_404, %parallel_loop3A_405] {strides = array<i32>} : memref<2x32x128xf32, #tpu.memory_space<vmem>>, vector<1x1x16xf32>,
          %parallel_loop3A_407 = vector.shape_cast %parallel_loop3A_406 : vector<1x1x16xf32> to vector<16xf32>
          %parallel_loop3A_408 = vector.shape_cast %parallel_loop3A_399 : vector<16xf32> to vector<1x1x16xf32>
          tpu.vector_store %arg16[%parallel_loop3A_403, %parallel_loop3A_404, %parallel_loop3A_405], %parallel_loop3A_408 {strides = array<i32>} : memref<2x32x128xf32, #tpu.memory_space<vmem>>, vector<1x1x16xf32>,
          %parallel_loop3A_409 = arith.constant 0 : i32
          %parallel_loop3A_410 = arith.index_cast %parallel_loop3A_409 : i32 to index
          %parallel_loop3A_411 = arith.index_cast %parallel_loop3A_144 : i32 to index
          %parallel_loop3A_412 = arith.constant 32 : index
          %parallel_loop3A_413 = tpu.vector_load %arg15[%parallel_loop3A_410, %parallel_loop3A_411, %parallel_loop3A_412] {strides = array<i32>} : memref<2x8x128xi32, #tpu.memory_space<vmem>>, vector<1x1x16xi32>,
          %parallel_loop3A_414 = vector.shape_cast %parallel_loop3A_413 : vector<1x1x16xi32> to vector<16xi32>
          %parallel_loop3A_415 = arith.constant 16 : i32
          %parallel_loop3A_416 = vector.broadcast %parallel_loop3A_415 : i32 to vector<16xi32>
          %parallel_loop3A_417 = arith.shli %parallel_loop3A_414, %parallel_loop3A_416 : vector<16xi32>
          %parallel_loop3A_418 = tpu.bitcast %parallel_loop3A_417 : vector<16xi32> -> vector<16xf32>
          %parallel_loop3A_419 = arith.constant -65536 : i32
          %parallel_loop3A_420 = vector.broadcast %parallel_loop3A_419 : i32 to vector<16xi32>
          %parallel_loop3A_421 = arith.andi %parallel_loop3A_414, %parallel_loop3A_420 : vector<16xi32>
          %parallel_loop3A_422 = tpu.bitcast %parallel_loop3A_421 : vector<16xi32> -> vector<16xf32>
          %parallel_loop3A_423 = arith.constant 0 : i32
          %parallel_loop3A_424 = arith.index_cast %parallel_loop3A_423 : i32 to index
          %parallel_loop3A_425 = arith.index_cast %parallel_loop3A_148 : i32 to index
          %parallel_loop3A_426 = arith.constant 32 : index
          %parallel_loop3A_427 = tpu.vector_load %arg14[%parallel_loop3A_424, %parallel_loop3A_425, %parallel_loop3A_426] {strides = array<i32>} : memref<2x32x128xi32, #tpu.memory_space<vmem>>, vector<1x1x16xi32>,
          %parallel_loop3A_428 = vector.shape_cast %parallel_loop3A_427 : vector<1x1x16xi32> to vector<16xi32>
          %parallel_loop3A_429 = arith.constant 16 : i32
          %parallel_loop3A_430 = vector.broadcast %parallel_loop3A_429 : i32 to vector<16xi32>
          %parallel_loop3A_431 = arith.shli %parallel_loop3A_428, %parallel_loop3A_430 : vector<16xi32>
          %parallel_loop3A_432 = tpu.bitcast %parallel_loop3A_431 : vector<16xi32> -> vector<16xf32>
          %parallel_loop3A_433 = arith.constant -65536 : i32
          %parallel_loop3A_434 = vector.broadcast %parallel_loop3A_433 : i32 to vector<16xi32>
          %parallel_loop3A_435 = arith.andi %parallel_loop3A_428, %parallel_loop3A_434 : vector<16xi32>
          %parallel_loop3A_436 = tpu.bitcast %parallel_loop3A_435 : vector<16xi32> -> vector<16xf32>
          %parallel_loop3A_437 = arith.constant 0 : i32
          %parallel_loop3A_438 = arith.index_cast %parallel_loop3A_437 : i32 to index
          %parallel_loop3A_439 = arith.index_cast %parallel_loop3A_148 : i32 to index
          %parallel_loop3A_440 = arith.constant 96 : index
          %parallel_loop3A_441 = tpu.vector_load %arg14[%parallel_loop3A_438, %parallel_loop3A_439, %parallel_loop3A_440] {strides = array<i32>} : memref<2x32x128xi32, #tpu.memory_space<vmem>>, vector<1x1x16xi32>,
          %parallel_loop3A_442 = vector.shape_cast %parallel_loop3A_441 : vector<1x1x16xi32> to vector<16xi32>
          %parallel_loop3A_443 = arith.constant 16 : i32
          %parallel_loop3A_444 = vector.broadcast %parallel_loop3A_443 : i32 to vector<16xi32>
          %parallel_loop3A_445 = arith.shli %parallel_loop3A_442, %parallel_loop3A_444 : vector<16xi32>
          %parallel_loop3A_446 = tpu.bitcast %parallel_loop3A_445 : vector<16xi32> -> vector<16xf32>
          %parallel_loop3A_447 = arith.constant -65536 : i32
          %parallel_loop3A_448 = vector.broadcast %parallel_loop3A_447 : i32 to vector<16xi32>
          %parallel_loop3A_449 = arith.andi %parallel_loop3A_442, %parallel_loop3A_448 : vector<16xi32>
          %parallel_loop3A_450 = tpu.bitcast %parallel_loop3A_449 : vector<16xi32> -> vector<16xf32>
          %parallel_loop3A_451 = arith.constant 16 : i32
          %parallel_loop3A_452 = arith.addi %parallel_loop3A_451, %parallel_loop3A_148 : i32
          %parallel_loop3A_453 = arith.constant 0 : i32
          %parallel_loop3A_454 = arith.index_cast %parallel_loop3A_453 : i32 to index
          %parallel_loop3A_455 = arith.index_cast %parallel_loop3A_452 : i32 to index
          %parallel_loop3A_456 = arith.constant 32 : index
          %parallel_loop3A_457 = tpu.vector_load %arg14[%parallel_loop3A_454, %parallel_loop3A_455, %parallel_loop3A_456] {strides = array<i32>} : memref<2x32x128xi32, #tpu.memory_space<vmem>>, vector<1x1x16xi32>,
          %parallel_loop3A_458 = vector.shape_cast %parallel_loop3A_457 : vector<1x1x16xi32> to vector<16xi32>
          %parallel_loop3A_459 = arith.constant 16 : i32
          %parallel_loop3A_460 = vector.broadcast %parallel_loop3A_459 : i32 to vector<16xi32>
          %parallel_loop3A_461 = arith.shli %parallel_loop3A_458, %parallel_loop3A_460 : vector<16xi32>
          %parallel_loop3A_462 = tpu.bitcast %parallel_loop3A_461 : vector<16xi32> -> vector<16xf32>
          %parallel_loop3A_463 = arith.constant -65536 : i32
          %parallel_loop3A_464 = vector.broadcast %parallel_loop3A_463 : i32 to vector<16xi32>
          %parallel_loop3A_465 = arith.andi %parallel_loop3A_458, %parallel_loop3A_464 : vector<16xi32>
          %parallel_loop3A_466 = tpu.bitcast %parallel_loop3A_465 : vector<16xi32> -> vector<16xf32>
          %parallel_loop3A_467 = arith.constant 16 : i32
          %parallel_loop3A_468 = arith.addi %parallel_loop3A_467, %parallel_loop3A_148 : i32
          %parallel_loop3A_469 = arith.constant 0 : i32
          %parallel_loop3A_470 = arith.index_cast %parallel_loop3A_469 : i32 to index
          %parallel_loop3A_471 = arith.index_cast %parallel_loop3A_468 : i32 to index
          %parallel_loop3A_472 = arith.constant 96 : index
          %parallel_loop3A_473 = tpu.vector_load %arg14[%parallel_loop3A_470, %parallel_loop3A_471, %parallel_loop3A_472] {strides = array<i32>} : memref<2x32x128xi32, #tpu.memory_space<vmem>>, vector<1x1x16xi32>,
          %parallel_loop3A_474 = vector.shape_cast %parallel_loop3A_473 : vector<1x1x16xi32> to vector<16xi32>
          %parallel_loop3A_475 = arith.constant 16 : i32
          %parallel_loop3A_476 = vector.broadcast %parallel_loop3A_475 : i32 to vector<16xi32>
          %parallel_loop3A_477 = arith.shli %parallel_loop3A_474, %parallel_loop3A_476 : vector<16xi32>
          %parallel_loop3A_478 = tpu.bitcast %parallel_loop3A_477 : vector<16xi32> -> vector<16xf32>
          %parallel_loop3A_479 = arith.constant -65536 : i32
          %parallel_loop3A_480 = vector.broadcast %parallel_loop3A_479 : i32 to vector<16xi32>
          %parallel_loop3A_481 = arith.andi %parallel_loop3A_474, %parallel_loop3A_480 : vector<16xi32>
          %parallel_loop3A_482 = tpu.bitcast %parallel_loop3A_481 : vector<16xi32> -> vector<16xf32>
          %parallel_loop3A_483 = arith.addf %parallel_loop3A_432, %parallel_loop3A_478 : vector<16xf32>
          %parallel_loop3A_484 = arith.addf %parallel_loop3A_483, %parallel_loop3A_418 : vector<16xf32>
          %parallel_loop3A_485 = arith.addf %parallel_loop3A_436, %parallel_loop3A_482 : vector<16xf32>
          %parallel_loop3A_486 = arith.addf %parallel_loop3A_485, %parallel_loop3A_422 : vector<16xf32>
          %parallel_loop3A_487 = arith.addf %parallel_loop3A_462, %parallel_loop3A_446 : vector<16xf32>
          %parallel_loop3A_488 = arith.addf %parallel_loop3A_487, %parallel_loop3A_418 : vector<16xf32>
          %parallel_loop3A_489 = arith.addf %parallel_loop3A_466, %parallel_loop3A_450 : vector<16xf32>
          %parallel_loop3A_490 = arith.addf %parallel_loop3A_489, %parallel_loop3A_422 : vector<16xf32>
          %parallel_loop3A_491 = arith.constant 0.00999999977 : f32
          %parallel_loop3A_492 = vector.broadcast %parallel_loop3A_491 : f32 to vector<16xf32>
          %parallel_loop3A_493 = arith.mulf %parallel_loop3A_492, %parallel_loop3A_484 : vector<16xf32>
          %parallel_loop3A_494 = arith.maximumf %parallel_loop3A_484, %parallel_loop3A_493 : vector<16xf32>
          %parallel_loop3A_495 = arith.constant 0 : i32
          %parallel_loop3A_496 = arith.index_cast %parallel_loop3A_495 : i32 to index
          %parallel_loop3A_497 = arith.index_cast %parallel_loop3A_148 : i32 to index
          %parallel_loop3A_498 = arith.constant 64 : index
          %parallel_loop3A_499 = tpu.vector_load %arg16[%parallel_loop3A_496, %parallel_loop3A_497, %parallel_loop3A_498] {strides = array<i32>} : memref<2x32x128xf32, #tpu.memory_space<vmem>>, vector<1x1x16xf32>,
          %parallel_loop3A_500 = vector.shape_cast %parallel_loop3A_499 : vector<1x1x16xf32> to vector<16xf32>
          %parallel_loop3A_501 = vector.shape_cast %parallel_loop3A_494 : vector<16xf32> to vector<1x1x16xf32>
          tpu.vector_store %arg16[%parallel_loop3A_496, %parallel_loop3A_497, %parallel_loop3A_498], %parallel_loop3A_501 {strides = array<i32>} : memref<2x32x128xf32, #tpu.memory_space<vmem>>, vector<1x1x16xf32>,
          %parallel_loop3A_502 = arith.constant 0.00999999977 : f32
          %parallel_loop3A_503 = vector.broadcast %parallel_loop3A_502 : f32 to vector<16xf32>
          %parallel_loop3A_504 = arith.mulf %parallel_loop3A_503, %parallel_loop3A_486 : vector<16xf32>
          %parallel_loop3A_505 = arith.maximumf %parallel_loop3A_486, %parallel_loop3A_504 : vector<16xf32>
          %parallel_loop3A_506 = arith.constant 0 : i32
          %parallel_loop3A_507 = arith.index_cast %parallel_loop3A_506 : i32 to index
          %parallel_loop3A_508 = arith.index_cast %parallel_loop3A_148 : i32 to index
          %parallel_loop3A_509 = arith.constant 80 : index
          %parallel_loop3A_510 = tpu.vector_load %arg16[%parallel_loop3A_507, %parallel_loop3A_508, %parallel_loop3A_509] {strides = array<i32>} : memref<2x32x128xf32, #tpu.memory_space<vmem>>, vector<1x1x16xf32>,
          %parallel_loop3A_511 = vector.shape_cast %parallel_loop3A_510 : vector<1x1x16xf32> to vector<16xf32>
          %parallel_loop3A_512 = vector.shape_cast %parallel_loop3A_505 : vector<16xf32> to vector<1x1x16xf32>
          tpu.vector_store %arg16[%parallel_loop3A_507, %parallel_loop3A_508, %parallel_loop3A_509], %parallel_loop3A_512 {strides = array<i32>} : memref<2x32x128xf32, #tpu.memory_space<vmem>>, vector<1x1x16xf32>,
          %parallel_loop3A_513 = arith.constant 0.00999999977 : f32
          %parallel_loop3A_514 = vector.broadcast %parallel_loop3A_513 : f32 to vector<16xf32>
          %parallel_loop3A_515 = arith.mulf %parallel_loop3A_514, %parallel_loop3A_488 : vector<16xf32>
          %parallel_loop3A_516 = arith.maximumf %parallel_loop3A_488, %parallel_loop3A_515 : vector<16xf32>
          %parallel_loop3A_517 = arith.constant 16 : i32
          %parallel_loop3A_518 = arith.addi %parallel_loop3A_517, %parallel_loop3A_148 : i32
          %parallel_loop3A_519 = arith.constant 0 : i32
          %parallel_loop3A_520 = arith.index_cast %parallel_loop3A_519 : i32 to index
          %parallel_loop3A_521 = arith.index_cast %parallel_loop3A_518 : i32 to index
          %parallel_loop3A_522 = arith.constant 64 : index
          %parallel_loop3A_523 = tpu.vector_load %arg16[%parallel_loop3A_520, %parallel_loop3A_521, %parallel_loop3A_522] {strides = array<i32>} : memref<2x32x128xf32, #tpu.memory_space<vmem>>, vector<1x1x16xf32>,
          %parallel_loop3A_524 = vector.shape_cast %parallel_loop3A_523 : vector<1x1x16xf32> to vector<16xf32>
          %parallel_loop3A_525 = vector.shape_cast %parallel_loop3A_516 : vector<16xf32> to vector<1x1x16xf32>
          tpu.vector_store %arg16[%parallel_loop3A_520, %parallel_loop3A_521, %parallel_loop3A_522], %parallel_loop3A_525 {strides = array<i32>} : memref<2x32x128xf32, #tpu.memory_space<vmem>>, vector<1x1x16xf32>,
          %parallel_loop3A_526 = arith.constant 0.00999999977 : f32
          %parallel_loop3A_527 = vector.broadcast %parallel_loop3A_526 : f32 to vector<16xf32>
          %parallel_loop3A_528 = arith.mulf %parallel_loop3A_527, %parallel_loop3A_490 : vector<16xf32>
          %parallel_loop3A_529 = arith.maximumf %parallel_loop3A_490, %parallel_loop3A_528 : vector<16xf32>
          %parallel_loop3A_530 = arith.constant 16 : i32
          %parallel_loop3A_531 = arith.addi %parallel_loop3A_530, %parallel_loop3A_148 : i32
          %parallel_loop3A_532 = arith.constant 0 : i32
          %parallel_loop3A_533 = arith.index_cast %parallel_loop3A_532 : i32 to index
          %parallel_loop3A_534 = arith.index_cast %parallel_loop3A_531 : i32 to index
          %parallel_loop3A_535 = arith.constant 80 : index
          %parallel_loop3A_536 = tpu.vector_load %arg16[%parallel_loop3A_533, %parallel_loop3A_534, %parallel_loop3A_535] {strides = array<i32>} : memref<2x32x128xf32, #tpu.memory_space<vmem>>, vector<1x1x16xf32>,
          %parallel_loop3A_537 = vector.shape_cast %parallel_loop3A_536 : vector<1x1x16xf32> to vector<16xf32>
          %parallel_loop3A_538 = vector.shape_cast %parallel_loop3A_529 : vector<16xf32> to vector<1x1x16xf32>
          tpu.vector_store %arg16[%parallel_loop3A_533, %parallel_loop3A_534, %parallel_loop3A_535], %parallel_loop3A_538 {strides = array<i32>} : memref<2x32x128xf32, #tpu.memory_space<vmem>>, vector<1x1x16xf32>,
          %parallel_loop3A_539 = arith.constant 0 : i32
          %parallel_loop3A_540 = arith.index_cast %parallel_loop3A_539 : i32 to index
          %parallel_loop3A_541 = arith.index_cast %parallel_loop3A_144 : i32 to index
          %parallel_loop3A_542 = arith.constant 48 : index
          %parallel_loop3A_543 = tpu.vector_load %arg15[%parallel_loop3A_540, %parallel_loop3A_541, %parallel_loop3A_542] {strides = array<i32>} : memref<2x8x128xi32, #tpu.memory_space<vmem>>, vector<1x1x16xi32>,
          %parallel_loop3A_544 = vector.shape_cast %parallel_loop3A_543 : vector<1x1x16xi32> to vector<16xi32>
          %parallel_loop3A_545 = arith.constant 16 : i32
          %parallel_loop3A_546 = vector.broadcast %parallel_loop3A_545 : i32 to vector<16xi32>
          %parallel_loop3A_547 = arith.shli %parallel_loop3A_544, %parallel_loop3A_546 : vector<16xi32>
          %parallel_loop3A_548 = tpu.bitcast %parallel_loop3A_547 : vector<16xi32> -> vector<16xf32>
          %parallel_loop3A_549 = arith.constant -65536 : i32
          %parallel_loop3A_550 = vector.broadcast %parallel_loop3A_549 : i32 to vector<16xi32>
          %parallel_loop3A_551 = arith.andi %parallel_loop3A_544, %parallel_loop3A_550 : vector<16xi32>
          %parallel_loop3A_552 = tpu.bitcast %parallel_loop3A_551 : vector<16xi32> -> vector<16xf32>
          %parallel_loop3A_553 = arith.constant 0 : i32
          %parallel_loop3A_554 = arith.index_cast %parallel_loop3A_553 : i32 to index
          %parallel_loop3A_555 = arith.index_cast %parallel_loop3A_148 : i32 to index
          %parallel_loop3A_556 = arith.constant 48 : index
          %parallel_loop3A_557 = tpu.vector_load %arg14[%parallel_loop3A_554, %parallel_loop3A_555, %parallel_loop3A_556] {strides = array<i32>} : memref<2x32x128xi32, #tpu.memory_space<vmem>>, vector<1x1x16xi32>,
          %parallel_loop3A_558 = vector.shape_cast %parallel_loop3A_557 : vector<1x1x16xi32> to vector<16xi32>
          %parallel_loop3A_559 = arith.constant 16 : i32
          %parallel_loop3A_560 = vector.broadcast %parallel_loop3A_559 : i32 to vector<16xi32>
          %parallel_loop3A_561 = arith.shli %parallel_loop3A_558, %parallel_loop3A_560 : vector<16xi32>
          %parallel_loop3A_562 = tpu.bitcast %parallel_loop3A_561 : vector<16xi32> -> vector<16xf32>
          %parallel_loop3A_563 = arith.constant -65536 : i32
          %parallel_loop3A_564 = vector.broadcast %parallel_loop3A_563 : i32 to vector<16xi32>
          %parallel_loop3A_565 = arith.andi %parallel_loop3A_558, %parallel_loop3A_564 : vector<16xi32>
          %parallel_loop3A_566 = tpu.bitcast %parallel_loop3A_565 : vector<16xi32> -> vector<16xf32>
          %parallel_loop3A_567 = arith.constant 0 : i32
          %parallel_loop3A_568 = arith.index_cast %parallel_loop3A_567 : i32 to index
          %parallel_loop3A_569 = arith.index_cast %parallel_loop3A_148 : i32 to index
          %parallel_loop3A_570 = arith.constant 112 : index
          %parallel_loop3A_571 = tpu.vector_load %arg14[%parallel_loop3A_568, %parallel_loop3A_569, %parallel_loop3A_570] {strides = array<i32>} : memref<2x32x128xi32, #tpu.memory_space<vmem>>, vector<1x1x16xi32>,
          %parallel_loop3A_572 = vector.shape_cast %parallel_loop3A_571 : vector<1x1x16xi32> to vector<16xi32>
          %parallel_loop3A_573 = arith.constant 16 : i32
          %parallel_loop3A_574 = vector.broadcast %parallel_loop3A_573 : i32 to vector<16xi32>
          %parallel_loop3A_575 = arith.shli %parallel_loop3A_572, %parallel_loop3A_574 : vector<16xi32>
          %parallel_loop3A_576 = tpu.bitcast %parallel_loop3A_575 : vector<16xi32> -> vector<16xf32>
          %parallel_loop3A_577 = arith.constant -65536 : i32
          %parallel_loop3A_578 = vector.broadcast %parallel_loop3A_577 : i32 to vector<16xi32>
          %parallel_loop3A_579 = arith.andi %parallel_loop3A_572, %parallel_loop3A_578 : vector<16xi32>
          %parallel_loop3A_580 = tpu.bitcast %parallel_loop3A_579 : vector<16xi32> -> vector<16xf32>
          %parallel_loop3A_581 = arith.constant 16 : i32
          %parallel_loop3A_582 = arith.addi %parallel_loop3A_581, %parallel_loop3A_148 : i32
          %parallel_loop3A_583 = arith.constant 0 : i32
          %parallel_loop3A_584 = arith.index_cast %parallel_loop3A_583 : i32 to index
          %parallel_loop3A_585 = arith.index_cast %parallel_loop3A_582 : i32 to index
          %parallel_loop3A_586 = arith.constant 48 : index
          %parallel_loop3A_587 = tpu.vector_load %arg14[%parallel_loop3A_584, %parallel_loop3A_585, %parallel_loop3A_586] {strides = array<i32>} : memref<2x32x128xi32, #tpu.memory_space<vmem>>, vector<1x1x16xi32>,
          %parallel_loop3A_588 = vector.shape_cast %parallel_loop3A_587 : vector<1x1x16xi32> to vector<16xi32>
          %parallel_loop3A_589 = arith.constant 16 : i32
          %parallel_loop3A_590 = vector.broadcast %parallel_loop3A_589 : i32 to vector<16xi32>
          %parallel_loop3A_591 = arith.shli %parallel_loop3A_588, %parallel_loop3A_590 : vector<16xi32>
          %parallel_loop3A_592 = tpu.bitcast %parallel_loop3A_591 : vector<16xi32> -> vector<16xf32>
          %parallel_loop3A_593 = arith.constant -65536 : i32
          %parallel_loop3A_594 = vector.broadcast %parallel_loop3A_593 : i32 to vector<16xi32>
          %parallel_loop3A_595 = arith.andi %parallel_loop3A_588, %parallel_loop3A_594 : vector<16xi32>
          %parallel_loop3A_596 = tpu.bitcast %parallel_loop3A_595 : vector<16xi32> -> vector<16xf32>
          %parallel_loop3A_597 = arith.constant 16 : i32
          %parallel_loop3A_598 = arith.addi %parallel_loop3A_597, %parallel_loop3A_148 : i32
          %parallel_loop3A_599 = arith.constant 0 : i32
          %parallel_loop3A_600 = arith.index_cast %parallel_loop3A_599 : i32 to index
          %parallel_loop3A_601 = arith.index_cast %parallel_loop3A_598 : i32 to index
          %parallel_loop3A_602 = arith.constant 112 : index
          %parallel_loop3A_603 = tpu.vector_load %arg14[%parallel_loop3A_600, %parallel_loop3A_601, %parallel_loop3A_602] {strides = array<i32>} : memref<2x32x128xi32, #tpu.memory_space<vmem>>, vector<1x1x16xi32>,
          %parallel_loop3A_604 = vector.shape_cast %parallel_loop3A_603 : vector<1x1x16xi32> to vector<16xi32>
          %parallel_loop3A_605 = arith.constant 16 : i32
          %parallel_loop3A_606 = vector.broadcast %parallel_loop3A_605 : i32 to vector<16xi32>
          %parallel_loop3A_607 = arith.shli %parallel_loop3A_604, %parallel_loop3A_606 : vector<16xi32>
          %parallel_loop3A_608 = tpu.bitcast %parallel_loop3A_607 : vector<16xi32> -> vector<16xf32>
          %parallel_loop3A_609 = arith.constant -65536 : i32
          %parallel_loop3A_610 = vector.broadcast %parallel_loop3A_609 : i32 to vector<16xi32>
          %parallel_loop3A_611 = arith.andi %parallel_loop3A_604, %parallel_loop3A_610 : vector<16xi32>
          %parallel_loop3A_612 = tpu.bitcast %parallel_loop3A_611 : vector<16xi32> -> vector<16xf32>
          %parallel_loop3A_613 = arith.addf %parallel_loop3A_562, %parallel_loop3A_608 : vector<16xf32>
          %parallel_loop3A_614 = arith.addf %parallel_loop3A_613, %parallel_loop3A_548 : vector<16xf32>
          %parallel_loop3A_615 = arith.addf %parallel_loop3A_566, %parallel_loop3A_612 : vector<16xf32>
          %parallel_loop3A_616 = arith.addf %parallel_loop3A_615, %parallel_loop3A_552 : vector<16xf32>
          %parallel_loop3A_617 = arith.addf %parallel_loop3A_592, %parallel_loop3A_576 : vector<16xf32>
          %parallel_loop3A_618 = arith.addf %parallel_loop3A_617, %parallel_loop3A_548 : vector<16xf32>
          %parallel_loop3A_619 = arith.addf %parallel_loop3A_596, %parallel_loop3A_580 : vector<16xf32>
          %parallel_loop3A_620 = arith.addf %parallel_loop3A_619, %parallel_loop3A_552 : vector<16xf32>
          %parallel_loop3A_621 = arith.constant 0.00999999977 : f32
          %parallel_loop3A_622 = vector.broadcast %parallel_loop3A_621 : f32 to vector<16xf32>
          %parallel_loop3A_623 = arith.mulf %parallel_loop3A_622, %parallel_loop3A_614 : vector<16xf32>
          %parallel_loop3A_624 = arith.maximumf %parallel_loop3A_614, %parallel_loop3A_623 : vector<16xf32>
          %parallel_loop3A_625 = arith.constant 0 : i32
          %parallel_loop3A_626 = arith.index_cast %parallel_loop3A_625 : i32 to index
          %parallel_loop3A_627 = arith.index_cast %parallel_loop3A_148 : i32 to index
          %parallel_loop3A_628 = arith.constant 96 : index
          %parallel_loop3A_629 = tpu.vector_load %arg16[%parallel_loop3A_626, %parallel_loop3A_627, %parallel_loop3A_628] {strides = array<i32>} : memref<2x32x128xf32, #tpu.memory_space<vmem>>, vector<1x1x16xf32>,
          %parallel_loop3A_630 = vector.shape_cast %parallel_loop3A_629 : vector<1x1x16xf32> to vector<16xf32>
          %parallel_loop3A_631 = vector.shape_cast %parallel_loop3A_624 : vector<16xf32> to vector<1x1x16xf32>
          tpu.vector_store %arg16[%parallel_loop3A_626, %parallel_loop3A_627, %parallel_loop3A_628], %parallel_loop3A_631 {strides = array<i32>} : memref<2x32x128xf32, #tpu.memory_space<vmem>>, vector<1x1x16xf32>,
          %parallel_loop3A_632 = arith.constant 0.00999999977 : f32
          %parallel_loop3A_633 = vector.broadcast %parallel_loop3A_632 : f32 to vector<16xf32>
          %parallel_loop3A_634 = arith.mulf %parallel_loop3A_633, %parallel_loop3A_616 : vector<16xf32>
          %parallel_loop3A_635 = arith.maximumf %parallel_loop3A_616, %parallel_loop3A_634 : vector<16xf32>
          %parallel_loop3A_636 = arith.constant 0 : i32
          %parallel_loop3A_637 = arith.index_cast %parallel_loop3A_636 : i32 to index
          %parallel_loop3A_638 = arith.index_cast %parallel_loop3A_148 : i32 to index
          %parallel_loop3A_639 = arith.constant 112 : index
          %parallel_loop3A_640 = tpu.vector_load %arg16[%parallel_loop3A_637, %parallel_loop3A_638, %parallel_loop3A_639] {strides = array<i32>} : memref<2x32x128xf32, #tpu.memory_space<vmem>>, vector<1x1x16xf32>,
          %parallel_loop3A_641 = vector.shape_cast %parallel_loop3A_640 : vector<1x1x16xf32> to vector<16xf32>
          %parallel_loop3A_642 = vector.shape_cast %parallel_loop3A_635 : vector<16xf32> to vector<1x1x16xf32>
          tpu.vector_store %arg16[%parallel_loop3A_637, %parallel_loop3A_638, %parallel_loop3A_639], %parallel_loop3A_642 {strides = array<i32>} : memref<2x32x128xf32, #tpu.memory_space<vmem>>, vector<1x1x16xf32>,
          %parallel_loop3A_643 = arith.constant 0.00999999977 : f32
          %parallel_loop3A_644 = vector.broadcast %parallel_loop3A_643 : f32 to vector<16xf32>
          %parallel_loop3A_645 = arith.mulf %parallel_loop3A_644, %parallel_loop3A_618 : vector<16xf32>
          %parallel_loop3A_646 = arith.maximumf %parallel_loop3A_618, %parallel_loop3A_645 : vector<16xf32>
          %parallel_loop3A_647 = arith.constant 16 : i32
          %parallel_loop3A_648 = arith.addi %parallel_loop3A_647, %parallel_loop3A_148 : i32
          %parallel_loop3A_649 = arith.constant 0 : i32
          %parallel_loop3A_650 = arith.index_cast %parallel_loop3A_649 : i32 to index
          %parallel_loop3A_651 = arith.index_cast %parallel_loop3A_648 : i32 to index
          %parallel_loop3A_652 = arith.constant 96 : index
          %parallel_loop3A_653 = tpu.vector_load %arg16[%parallel_loop3A_650, %parallel_loop3A_651, %parallel_loop3A_652] {strides = array<i32>} : memref<2x32x128xf32, #tpu.memory_space<vmem>>, vector<1x1x16xf32>,
          %parallel_loop3A_654 = vector.shape_cast %parallel_loop3A_653 : vector<1x1x16xf32> to vector<16xf32>
          %parallel_loop3A_655 = vector.shape_cast %parallel_loop3A_646 : vector<16xf32> to vector<1x1x16xf32>
          tpu.vector_store %arg16[%parallel_loop3A_650, %parallel_loop3A_651, %parallel_loop3A_652], %parallel_loop3A_655 {strides = array<i32>} : memref<2x32x128xf32, #tpu.memory_space<vmem>>, vector<1x1x16xf32>,
          %parallel_loop3A_656 = arith.constant 0.00999999977 : f32
          %parallel_loop3A_657 = vector.broadcast %parallel_loop3A_656 : f32 to vector<16xf32>
          %parallel_loop3A_658 = arith.mulf %parallel_loop3A_657, %parallel_loop3A_620 : vector<16xf32>
          %parallel_loop3A_659 = arith.maximumf %parallel_loop3A_620, %parallel_loop3A_658 : vector<16xf32>
          %parallel_loop3A_660 = arith.constant 16 : i32
          %parallel_loop3A_661 = arith.addi %parallel_loop3A_660, %parallel_loop3A_148 : i32
          %parallel_loop3A_662 = arith.constant 0 : i32
          %parallel_loop3A_663 = arith.index_cast %parallel_loop3A_662 : i32 to index
          %parallel_loop3A_664 = arith.index_cast %parallel_loop3A_661 : i32 to index
          %parallel_loop3A_665 = arith.constant 112 : index
          %parallel_loop3A_666 = tpu.vector_load %arg16[%parallel_loop3A_663, %parallel_loop3A_664, %parallel_loop3A_665] {strides = array<i32>} : memref<2x32x128xf32, #tpu.memory_space<vmem>>, vector<1x1x16xf32>,
          %parallel_loop3A_667 = vector.shape_cast %parallel_loop3A_666 : vector<1x1x16xf32> to vector<16xf32>
          %parallel_loop3A_668 = vector.shape_cast %parallel_loop3A_659 : vector<16xf32> to vector<1x1x16xf32>
          tpu.vector_store %arg16[%parallel_loop3A_663, %parallel_loop3A_664, %parallel_loop3A_665], %parallel_loop3A_668 {strides = array<i32>} : memref<2x32x128xf32, #tpu.memory_space<vmem>>, vector<1x1x16xf32>,
          %parallel_loop3A_669 = arith.constant 2 : i32
          %parallel_loop3A_670 = arith.muli %parallel_loop3A_669, %parallel_loop3A_144 : i32
          %parallel_loop3A_671 = arith.constant 1 : i32
          %parallel_loop3A_672 = arith.addi %parallel_loop3A_670, %parallel_loop3A_671 : i32
          %parallel_loop3A_673 = arith.constant 0 : i32
          %parallel_loop3A_674 = arith.index_cast %parallel_loop3A_673 : i32 to index
          %parallel_loop3A_675 = arith.index_cast %parallel_loop3A_144 : i32 to index
          %parallel_loop3A_676 = arith.constant 64 : index
          %parallel_loop3A_677 = tpu.vector_load %arg15[%parallel_loop3A_674, %parallel_loop3A_675, %parallel_loop3A_676] {strides = array<i32>} : memref<2x8x128xi32, #tpu.memory_space<vmem>>, vector<1x1x16xi32>,
          %parallel_loop3A_678 = vector.shape_cast %parallel_loop3A_677 : vector<1x1x16xi32> to vector<16xi32>
          %parallel_loop3A_679 = arith.constant 16 : i32
          %parallel_loop3A_680 = vector.broadcast %parallel_loop3A_679 : i32 to vector<16xi32>
          %parallel_loop3A_681 = arith.shli %parallel_loop3A_678, %parallel_loop3A_680 : vector<16xi32>
          %parallel_loop3A_682 = tpu.bitcast %parallel_loop3A_681 : vector<16xi32> -> vector<16xf32>
          %parallel_loop3A_683 = arith.constant -65536 : i32
          %parallel_loop3A_684 = vector.broadcast %parallel_loop3A_683 : i32 to vector<16xi32>
          %parallel_loop3A_685 = arith.andi %parallel_loop3A_678, %parallel_loop3A_684 : vector<16xi32>
          %parallel_loop3A_686 = tpu.bitcast %parallel_loop3A_685 : vector<16xi32> -> vector<16xf32>
          %parallel_loop3A_687 = arith.constant 0 : i32
          %parallel_loop3A_688 = arith.index_cast %parallel_loop3A_687 : i32 to index
          %parallel_loop3A_689 = arith.index_cast %parallel_loop3A_672 : i32 to index
          %parallel_loop3A_690 = arith.constant 0 : index
          %parallel_loop3A_691 = tpu.vector_load %arg14[%parallel_loop3A_688, %parallel_loop3A_689, %parallel_loop3A_690] {strides = array<i32>} : memref<2x32x128xi32, #tpu.memory_space<vmem>>, vector<1x1x16xi32>,
          %parallel_loop3A_692 = vector.shape_cast %parallel_loop3A_691 : vector<1x1x16xi32> to vector<16xi32>
          %parallel_loop3A_693 = arith.constant 16 : i32
          %parallel_loop3A_694 = vector.broadcast %parallel_loop3A_693 : i32 to vector<16xi32>
          %parallel_loop3A_695 = arith.shli %parallel_loop3A_692, %parallel_loop3A_694 : vector<16xi32>
          %parallel_loop3A_696 = tpu.bitcast %parallel_loop3A_695 : vector<16xi32> -> vector<16xf32>
          %parallel_loop3A_697 = arith.constant -65536 : i32
          %parallel_loop3A_698 = vector.broadcast %parallel_loop3A_697 : i32 to vector<16xi32>
          %parallel_loop3A_699 = arith.andi %parallel_loop3A_692, %parallel_loop3A_698 : vector<16xi32>
          %parallel_loop3A_700 = tpu.bitcast %parallel_loop3A_699 : vector<16xi32> -> vector<16xf32>
          %parallel_loop3A_701 = arith.constant 0 : i32
          %parallel_loop3A_702 = arith.index_cast %parallel_loop3A_701 : i32 to index
          %parallel_loop3A_703 = arith.index_cast %parallel_loop3A_672 : i32 to index
          %parallel_loop3A_704 = arith.constant 64 : index
          %parallel_loop3A_705 = tpu.vector_load %arg14[%parallel_loop3A_702, %parallel_loop3A_703, %parallel_loop3A_704] {strides = array<i32>} : memref<2x32x128xi32, #tpu.memory_space<vmem>>, vector<1x1x16xi32>,
          %parallel_loop3A_706 = vector.shape_cast %parallel_loop3A_705 : vector<1x1x16xi32> to vector<16xi32>
          %parallel_loop3A_707 = arith.constant 16 : i32
          %parallel_loop3A_708 = vector.broadcast %parallel_loop3A_707 : i32 to vector<16xi32>
          %parallel_loop3A_709 = arith.shli %parallel_loop3A_706, %parallel_loop3A_708 : vector<16xi32>
          %parallel_loop3A_710 = tpu.bitcast %parallel_loop3A_709 : vector<16xi32> -> vector<16xf32>
          %parallel_loop3A_711 = arith.constant -65536 : i32
          %parallel_loop3A_712 = vector.broadcast %parallel_loop3A_711 : i32 to vector<16xi32>
          %parallel_loop3A_713 = arith.andi %parallel_loop3A_706, %parallel_loop3A_712 : vector<16xi32>
          %parallel_loop3A_714 = tpu.bitcast %parallel_loop3A_713 : vector<16xi32> -> vector<16xf32>
          %parallel_loop3A_715 = arith.constant 16 : i32
          %parallel_loop3A_716 = arith.addi %parallel_loop3A_715, %parallel_loop3A_672 : i32
          %parallel_loop3A_717 = arith.constant 0 : i32
          %parallel_loop3A_718 = arith.index_cast %parallel_loop3A_717 : i32 to index
          %parallel_loop3A_719 = arith.index_cast %parallel_loop3A_716 : i32 to index
          %parallel_loop3A_720 = arith.constant 0 : index
          %parallel_loop3A_721 = tpu.vector_load %arg14[%parallel_loop3A_718, %parallel_loop3A_719, %parallel_loop3A_720] {strides = array<i32>} : memref<2x32x128xi32, #tpu.memory_space<vmem>>, vector<1x1x16xi32>,
          %parallel_loop3A_722 = vector.shape_cast %parallel_loop3A_721 : vector<1x1x16xi32> to vector<16xi32>
          %parallel_loop3A_723 = arith.constant 16 : i32
          %parallel_loop3A_724 = vector.broadcast %parallel_loop3A_723 : i32 to vector<16xi32>
          %parallel_loop3A_725 = arith.shli %parallel_loop3A_722, %parallel_loop3A_724 : vector<16xi32>
          %parallel_loop3A_726 = tpu.bitcast %parallel_loop3A_725 : vector<16xi32> -> vector<16xf32>
          %parallel_loop3A_727 = arith.constant -65536 : i32
          %parallel_loop3A_728 = vector.broadcast %parallel_loop3A_727 : i32 to vector<16xi32>
          %parallel_loop3A_729 = arith.andi %parallel_loop3A_722, %parallel_loop3A_728 : vector<16xi32>
          %parallel_loop3A_730 = tpu.bitcast %parallel_loop3A_729 : vector<16xi32> -> vector<16xf32>
          %parallel_loop3A_731 = arith.constant 16 : i32
          %parallel_loop3A_732 = arith.addi %parallel_loop3A_731, %parallel_loop3A_672 : i32
          %parallel_loop3A_733 = arith.constant 0 : i32
          %parallel_loop3A_734 = arith.index_cast %parallel_loop3A_733 : i32 to index
          %parallel_loop3A_735 = arith.index_cast %parallel_loop3A_732 : i32 to index
          %parallel_loop3A_736 = arith.constant 64 : index
          %parallel_loop3A_737 = tpu.vector_load %arg14[%parallel_loop3A_734, %parallel_loop3A_735, %parallel_loop3A_736] {strides = array<i32>} : memref<2x32x128xi32, #tpu.memory_space<vmem>>, vector<1x1x16xi32>,
          %parallel_loop3A_738 = vector.shape_cast %parallel_loop3A_737 : vector<1x1x16xi32> to vector<16xi32>
          %parallel_loop3A_739 = arith.constant 16 : i32
          %parallel_loop3A_740 = vector.broadcast %parallel_loop3A_739 : i32 to vector<16xi32>
          %parallel_loop3A_741 = arith.shli %parallel_loop3A_738, %parallel_loop3A_740 : vector<16xi32>
          %parallel_loop3A_742 = tpu.bitcast %parallel_loop3A_741 : vector<16xi32> -> vector<16xf32>
          %parallel_loop3A_743 = arith.constant -65536 : i32
          %parallel_loop3A_744 = vector.broadcast %parallel_loop3A_743 : i32 to vector<16xi32>
          %parallel_loop3A_745 = arith.andi %parallel_loop3A_738, %parallel_loop3A_744 : vector<16xi32>
          %parallel_loop3A_746 = tpu.bitcast %parallel_loop3A_745 : vector<16xi32> -> vector<16xf32>
          %parallel_loop3A_747 = arith.addf %parallel_loop3A_696, %parallel_loop3A_742 : vector<16xf32>
          %parallel_loop3A_748 = arith.addf %parallel_loop3A_747, %parallel_loop3A_682 : vector<16xf32>
          %parallel_loop3A_749 = arith.addf %parallel_loop3A_700, %parallel_loop3A_746 : vector<16xf32>
          %parallel_loop3A_750 = arith.addf %parallel_loop3A_749, %parallel_loop3A_686 : vector<16xf32>
          %parallel_loop3A_751 = arith.addf %parallel_loop3A_726, %parallel_loop3A_710 : vector<16xf32>
          %parallel_loop3A_752 = arith.addf %parallel_loop3A_751, %parallel_loop3A_682 : vector<16xf32>
          %parallel_loop3A_753 = arith.addf %parallel_loop3A_730, %parallel_loop3A_714 : vector<16xf32>
          %parallel_loop3A_754 = arith.addf %parallel_loop3A_753, %parallel_loop3A_686 : vector<16xf32>
          %parallel_loop3A_755 = arith.constant 0.00999999977 : f32
          %parallel_loop3A_756 = vector.broadcast %parallel_loop3A_755 : f32 to vector<16xf32>
          %parallel_loop3A_757 = arith.mulf %parallel_loop3A_756, %parallel_loop3A_748 : vector<16xf32>
          %parallel_loop3A_758 = arith.maximumf %parallel_loop3A_748, %parallel_loop3A_757 : vector<16xf32>
          %parallel_loop3A_759 = arith.constant 0 : i32
          %parallel_loop3A_760 = arith.index_cast %parallel_loop3A_759 : i32 to index
          %parallel_loop3A_761 = arith.index_cast %parallel_loop3A_672 : i32 to index
          %parallel_loop3A_762 = arith.constant 0 : index
          %parallel_loop3A_763 = tpu.vector_load %arg16[%parallel_loop3A_760, %parallel_loop3A_761, %parallel_loop3A_762] {strides = array<i32>} : memref<2x32x128xf32, #tpu.memory_space<vmem>>, vector<1x1x16xf32>,
          %parallel_loop3A_764 = vector.shape_cast %parallel_loop3A_763 : vector<1x1x16xf32> to vector<16xf32>
          %parallel_loop3A_765 = vector.shape_cast %parallel_loop3A_758 : vector<16xf32> to vector<1x1x16xf32>
          tpu.vector_store %arg16[%parallel_loop3A_760, %parallel_loop3A_761, %parallel_loop3A_762], %parallel_loop3A_765 {strides = array<i32>} : memref<2x32x128xf32, #tpu.memory_space<vmem>>, vector<1x1x16xf32>,
          %parallel_loop3A_766 = arith.constant 0.00999999977 : f32
          %parallel_loop3A_767 = vector.broadcast %parallel_loop3A_766 : f32 to vector<16xf32>
          %parallel_loop3A_768 = arith.mulf %parallel_loop3A_767, %parallel_loop3A_750 : vector<16xf32>
          %parallel_loop3A_769 = arith.maximumf %parallel_loop3A_750, %parallel_loop3A_768 : vector<16xf32>
          %parallel_loop3A_770 = arith.constant 0 : i32
          %parallel_loop3A_771 = arith.index_cast %parallel_loop3A_770 : i32 to index
          %parallel_loop3A_772 = arith.index_cast %parallel_loop3A_672 : i32 to index
          %parallel_loop3A_773 = arith.constant 16 : index
          %parallel_loop3A_774 = tpu.vector_load %arg16[%parallel_loop3A_771, %parallel_loop3A_772, %parallel_loop3A_773] {strides = array<i32>} : memref<2x32x128xf32, #tpu.memory_space<vmem>>, vector<1x1x16xf32>,
          %parallel_loop3A_775 = vector.shape_cast %parallel_loop3A_774 : vector<1x1x16xf32> to vector<16xf32>
          %parallel_loop3A_776 = vector.shape_cast %parallel_loop3A_769 : vector<16xf32> to vector<1x1x16xf32>
          tpu.vector_store %arg16[%parallel_loop3A_771, %parallel_loop3A_772, %parallel_loop3A_773], %parallel_loop3A_776 {strides = array<i32>} : memref<2x32x128xf32, #tpu.memory_space<vmem>>, vector<1x1x16xf32>,
          %parallel_loop3A_777 = arith.constant 0.00999999977 : f32
          %parallel_loop3A_778 = vector.broadcast %parallel_loop3A_777 : f32 to vector<16xf32>
          %parallel_loop3A_779 = arith.mulf %parallel_loop3A_778, %parallel_loop3A_752 : vector<16xf32>
          %parallel_loop3A_780 = arith.maximumf %parallel_loop3A_752, %parallel_loop3A_779 : vector<16xf32>
          %parallel_loop3A_781 = arith.constant 16 : i32
          %parallel_loop3A_782 = arith.addi %parallel_loop3A_781, %parallel_loop3A_672 : i32
          %parallel_loop3A_783 = arith.constant 0 : i32
          %parallel_loop3A_784 = arith.index_cast %parallel_loop3A_783 : i32 to index
          %parallel_loop3A_785 = arith.index_cast %parallel_loop3A_782 : i32 to index
          %parallel_loop3A_786 = arith.constant 0 : index
          %parallel_loop3A_787 = tpu.vector_load %arg16[%parallel_loop3A_784, %parallel_loop3A_785, %parallel_loop3A_786] {strides = array<i32>} : memref<2x32x128xf32, #tpu.memory_space<vmem>>, vector<1x1x16xf32>,
          %parallel_loop3A_788 = vector.shape_cast %parallel_loop3A_787 : vector<1x1x16xf32> to vector<16xf32>
          %parallel_loop3A_789 = vector.shape_cast %parallel_loop3A_780 : vector<16xf32> to vector<1x1x16xf32>
          tpu.vector_store %arg16[%parallel_loop3A_784, %parallel_loop3A_785, %parallel_loop3A_786], %parallel_loop3A_789 {strides = array<i32>} : memref<2x32x128xf32, #tpu.memory_space<vmem>>, vector<1x1x16xf32>,
          %parallel_loop3A_790 = arith.constant 0.00999999977 : f32
          %parallel_loop3A_791 = vector.broadcast %parallel_loop3A_790 : f32 to vector<16xf32>
          %parallel_loop3A_792 = arith.mulf %parallel_loop3A_791, %parallel_loop3A_754 : vector<16xf32>
          %parallel_loop3A_793 = arith.maximumf %parallel_loop3A_754, %parallel_loop3A_792 : vector<16xf32>
          %parallel_loop3A_794 = arith.constant 16 : i32
          %parallel_loop3A_795 = arith.addi %parallel_loop3A_794, %parallel_loop3A_672 : i32
          %parallel_loop3A_796 = arith.constant 0 : i32
          %parallel_loop3A_797 = arith.index_cast %parallel_loop3A_796 : i32 to index
          %parallel_loop3A_798 = arith.index_cast %parallel_loop3A_795 : i32 to index
          %parallel_loop3A_799 = arith.constant 16 : index
          %parallel_loop3A_800 = tpu.vector_load %arg16[%parallel_loop3A_797, %parallel_loop3A_798, %parallel_loop3A_799] {strides = array<i32>} : memref<2x32x128xf32, #tpu.memory_space<vmem>>, vector<1x1x16xf32>,
          %parallel_loop3A_801 = vector.shape_cast %parallel_loop3A_800 : vector<1x1x16xf32> to vector<16xf32>
          %parallel_loop3A_802 = vector.shape_cast %parallel_loop3A_793 : vector<16xf32> to vector<1x1x16xf32>
          tpu.vector_store %arg16[%parallel_loop3A_797, %parallel_loop3A_798, %parallel_loop3A_799], %parallel_loop3A_802 {strides = array<i32>} : memref<2x32x128xf32, #tpu.memory_space<vmem>>, vector<1x1x16xf32>,
          %parallel_loop3A_803 = arith.constant 0 : i32
          %parallel_loop3A_804 = arith.index_cast %parallel_loop3A_803 : i32 to index
          %parallel_loop3A_805 = arith.index_cast %parallel_loop3A_144 : i32 to index
          %parallel_loop3A_806 = arith.constant 80 : index
          %parallel_loop3A_807 = tpu.vector_load %arg15[%parallel_loop3A_804, %parallel_loop3A_805, %parallel_loop3A_806] {strides = array<i32>} : memref<2x8x128xi32, #tpu.memory_space<vmem>>, vector<1x1x16xi32>,
          %parallel_loop3A_808 = vector.shape_cast %parallel_loop3A_807 : vector<1x1x16xi32> to vector<16xi32>
          %parallel_loop3A_809 = arith.constant 16 : i32
          %parallel_loop3A_810 = vector.broadcast %parallel_loop3A_809 : i32 to vector<16xi32>
          %parallel_loop3A_811 = arith.shli %parallel_loop3A_808, %parallel_loop3A_810 : vector<16xi32>
          %parallel_loop3A_812 = tpu.bitcast %parallel_loop3A_811 : vector<16xi32> -> vector<16xf32>
          %parallel_loop3A_813 = arith.constant -65536 : i32
          %parallel_loop3A_814 = vector.broadcast %parallel_loop3A_813 : i32 to vector<16xi32>
          %parallel_loop3A_815 = arith.andi %parallel_loop3A_808, %parallel_loop3A_814 : vector<16xi32>
          %parallel_loop3A_816 = tpu.bitcast %parallel_loop3A_815 : vector<16xi32> -> vector<16xf32>
          %parallel_loop3A_817 = arith.constant 0 : i32
          %parallel_loop3A_818 = arith.index_cast %parallel_loop3A_817 : i32 to index
          %parallel_loop3A_819 = arith.index_cast %parallel_loop3A_672 : i32 to index
          %parallel_loop3A_820 = arith.constant 16 : index
          %parallel_loop3A_821 = tpu.vector_load %arg14[%parallel_loop3A_818, %parallel_loop3A_819, %parallel_loop3A_820] {strides = array<i32>} : memref<2x32x128xi32, #tpu.memory_space<vmem>>, vector<1x1x16xi32>,
          %parallel_loop3A_822 = vector.shape_cast %parallel_loop3A_821 : vector<1x1x16xi32> to vector<16xi32>
          %parallel_loop3A_823 = arith.constant 16 : i32
          %parallel_loop3A_824 = vector.broadcast %parallel_loop3A_823 : i32 to vector<16xi32>
          %parallel_loop3A_825 = arith.shli %parallel_loop3A_822, %parallel_loop3A_824 : vector<16xi32>
          %parallel_loop3A_826 = tpu.bitcast %parallel_loop3A_825 : vector<16xi32> -> vector<16xf32>
          %parallel_loop3A_827 = arith.constant -65536 : i32
          %parallel_loop3A_828 = vector.broadcast %parallel_loop3A_827 : i32 to vector<16xi32>
          %parallel_loop3A_829 = arith.andi %parallel_loop3A_822, %parallel_loop3A_828 : vector<16xi32>
          %parallel_loop3A_830 = tpu.bitcast %parallel_loop3A_829 : vector<16xi32> -> vector<16xf32>
          %parallel_loop3A_831 = arith.constant 0 : i32
          %parallel_loop3A_832 = arith.index_cast %parallel_loop3A_831 : i32 to index
          %parallel_loop3A_833 = arith.index_cast %parallel_loop3A_672 : i32 to index
          %parallel_loop3A_834 = arith.constant 80 : index
          %parallel_loop3A_835 = tpu.vector_load %arg14[%parallel_loop3A_832, %parallel_loop3A_833, %parallel_loop3A_834] {strides = array<i32>} : memref<2x32x128xi32, #tpu.memory_space<vmem>>, vector<1x1x16xi32>,
          %parallel_loop3A_836 = vector.shape_cast %parallel_loop3A_835 : vector<1x1x16xi32> to vector<16xi32>
          %parallel_loop3A_837 = arith.constant 16 : i32
          %parallel_loop3A_838 = vector.broadcast %parallel_loop3A_837 : i32 to vector<16xi32>
          %parallel_loop3A_839 = arith.shli %parallel_loop3A_836, %parallel_loop3A_838 : vector<16xi32>
          %parallel_loop3A_840 = tpu.bitcast %parallel_loop3A_839 : vector<16xi32> -> vector<16xf32>
          %parallel_loop3A_841 = arith.constant -65536 : i32
          %parallel_loop3A_842 = vector.broadcast %parallel_loop3A_841 : i32 to vector<16xi32>
          %parallel_loop3A_843 = arith.andi %parallel_loop3A_836, %parallel_loop3A_842 : vector<16xi32>
          %parallel_loop3A_844 = tpu.bitcast %parallel_loop3A_843 : vector<16xi32> -> vector<16xf32>
          %parallel_loop3A_845 = arith.constant 16 : i32
          %parallel_loop3A_846 = arith.addi %parallel_loop3A_845, %parallel_loop3A_672 : i32
          %parallel_loop3A_847 = arith.constant 0 : i32
          %parallel_loop3A_848 = arith.index_cast %parallel_loop3A_847 : i32 to index
          %parallel_loop3A_849 = arith.index_cast %parallel_loop3A_846 : i32 to index
          %parallel_loop3A_850 = arith.constant 16 : index
          %parallel_loop3A_851 = tpu.vector_load %arg14[%parallel_loop3A_848, %parallel_loop3A_849, %parallel_loop3A_850] {strides = array<i32>} : memref<2x32x128xi32, #tpu.memory_space<vmem>>, vector<1x1x16xi32>,
          %parallel_loop3A_852 = vector.shape_cast %parallel_loop3A_851 : vector<1x1x16xi32> to vector<16xi32>
          %parallel_loop3A_853 = arith.constant 16 : i32
          %parallel_loop3A_854 = vector.broadcast %parallel_loop3A_853 : i32 to vector<16xi32>
          %parallel_loop3A_855 = arith.shli %parallel_loop3A_852, %parallel_loop3A_854 : vector<16xi32>
          %parallel_loop3A_856 = tpu.bitcast %parallel_loop3A_855 : vector<16xi32> -> vector<16xf32>
          %parallel_loop3A_857 = arith.constant -65536 : i32
          %parallel_loop3A_858 = vector.broadcast %parallel_loop3A_857 : i32 to vector<16xi32>
          %parallel_loop3A_859 = arith.andi %parallel_loop3A_852, %parallel_loop3A_858 : vector<16xi32>
          %parallel_loop3A_860 = tpu.bitcast %parallel_loop3A_859 : vector<16xi32> -> vector<16xf32>
          %parallel_loop3A_861 = arith.constant 16 : i32
          %parallel_loop3A_862 = arith.addi %parallel_loop3A_861, %parallel_loop3A_672 : i32
          %parallel_loop3A_863 = arith.constant 0 : i32
          %parallel_loop3A_864 = arith.index_cast %parallel_loop3A_863 : i32 to index
          %parallel_loop3A_865 = arith.index_cast %parallel_loop3A_862 : i32 to index
          %parallel_loop3A_866 = arith.constant 80 : index
          %parallel_loop3A_867 = tpu.vector_load %arg14[%parallel_loop3A_864, %parallel_loop3A_865, %parallel_loop3A_866] {strides = array<i32>} : memref<2x32x128xi32, #tpu.memory_space<vmem>>, vector<1x1x16xi32>,
          %parallel_loop3A_868 = vector.shape_cast %parallel_loop3A_867 : vector<1x1x16xi32> to vector<16xi32>
          %parallel_loop3A_869 = arith.constant 16 : i32
          %parallel_loop3A_870 = vector.broadcast %parallel_loop3A_869 : i32 to vector<16xi32>
          %parallel_loop3A_871 = arith.shli %parallel_loop3A_868, %parallel_loop3A_870 : vector<16xi32>
          %parallel_loop3A_872 = tpu.bitcast %parallel_loop3A_871 : vector<16xi32> -> vector<16xf32>
          %parallel_loop3A_873 = arith.constant -65536 : i32
          %parallel_loop3A_874 = vector.broadcast %parallel_loop3A_873 : i32 to vector<16xi32>
          %parallel_loop3A_875 = arith.andi %parallel_loop3A_868, %parallel_loop3A_874 : vector<16xi32>
          %parallel_loop3A_876 = tpu.bitcast %parallel_loop3A_875 : vector<16xi32> -> vector<16xf32>
          %parallel_loop3A_877 = arith.addf %parallel_loop3A_826, %parallel_loop3A_872 : vector<16xf32>
          %parallel_loop3A_878 = arith.addf %parallel_loop3A_877, %parallel_loop3A_812 : vector<16xf32>
          %parallel_loop3A_879 = arith.addf %parallel_loop3A_830, %parallel_loop3A_876 : vector<16xf32>
          %parallel_loop3A_880 = arith.addf %parallel_loop3A_879, %parallel_loop3A_816 : vector<16xf32>
          %parallel_loop3A_881 = arith.addf %parallel_loop3A_856, %parallel_loop3A_840 : vector<16xf32>
          %parallel_loop3A_882 = arith.addf %parallel_loop3A_881, %parallel_loop3A_812 : vector<16xf32>
          %parallel_loop3A_883 = arith.addf %parallel_loop3A_860, %parallel_loop3A_844 : vector<16xf32>
          %parallel_loop3A_884 = arith.addf %parallel_loop3A_883, %parallel_loop3A_816 : vector<16xf32>
          %parallel_loop3A_885 = arith.constant 0.00999999977 : f32
          %parallel_loop3A_886 = vector.broadcast %parallel_loop3A_885 : f32 to vector<16xf32>
          %parallel_loop3A_887 = arith.mulf %parallel_loop3A_886, %parallel_loop3A_878 : vector<16xf32>
          %parallel_loop3A_888 = arith.maximumf %parallel_loop3A_878, %parallel_loop3A_887 : vector<16xf32>
          %parallel_loop3A_889 = arith.constant 0 : i32
          %parallel_loop3A_890 = arith.index_cast %parallel_loop3A_889 : i32 to index
          %parallel_loop3A_891 = arith.index_cast %parallel_loop3A_672 : i32 to index
          %parallel_loop3A_892 = arith.constant 32 : index
          %parallel_loop3A_893 = tpu.vector_load %arg16[%parallel_loop3A_890, %parallel_loop3A_891, %parallel_loop3A_892] {strides = array<i32>} : memref<2x32x128xf32, #tpu.memory_space<vmem>>, vector<1x1x16xf32>,
          %parallel_loop3A_894 = vector.shape_cast %parallel_loop3A_893 : vector<1x1x16xf32> to vector<16xf32>
          %parallel_loop3A_895 = vector.shape_cast %parallel_loop3A_888 : vector<16xf32> to vector<1x1x16xf32>
          tpu.vector_store %arg16[%parallel_loop3A_890, %parallel_loop3A_891, %parallel_loop3A_892], %parallel_loop3A_895 {strides = array<i32>} : memref<2x32x128xf32, #tpu.memory_space<vmem>>, vector<1x1x16xf32>,
          %parallel_loop3A_896 = arith.constant 0.00999999977 : f32
          %parallel_loop3A_897 = vector.broadcast %parallel_loop3A_896 : f32 to vector<16xf32>
          %parallel_loop3A_898 = arith.mulf %parallel_loop3A_897, %parallel_loop3A_880 : vector<16xf32>
          %parallel_loop3A_899 = arith.maximumf %parallel_loop3A_880, %parallel_loop3A_898 : vector<16xf32>
          %parallel_loop3A_900 = arith.constant 0 : i32
          %parallel_loop3A_901 = arith.index_cast %parallel_loop3A_900 : i32 to index
          %parallel_loop3A_902 = arith.index_cast %parallel_loop3A_672 : i32 to index
          %parallel_loop3A_903 = arith.constant 48 : index
          %parallel_loop3A_904 = tpu.vector_load %arg16[%parallel_loop3A_901, %parallel_loop3A_902, %parallel_loop3A_903] {strides = array<i32>} : memref<2x32x128xf32, #tpu.memory_space<vmem>>, vector<1x1x16xf32>,
          %parallel_loop3A_905 = vector.shape_cast %parallel_loop3A_904 : vector<1x1x16xf32> to vector<16xf32>
          %parallel_loop3A_906 = vector.shape_cast %parallel_loop3A_899 : vector<16xf32> to vector<1x1x16xf32>
          tpu.vector_store %arg16[%parallel_loop3A_901, %parallel_loop3A_902, %parallel_loop3A_903], %parallel_loop3A_906 {strides = array<i32>} : memref<2x32x128xf32, #tpu.memory_space<vmem>>, vector<1x1x16xf32>,
          %parallel_loop3A_907 = arith.constant 0.00999999977 : f32
          %parallel_loop3A_908 = vector.broadcast %parallel_loop3A_907 : f32 to vector<16xf32>
          %parallel_loop3A_909 = arith.mulf %parallel_loop3A_908, %parallel_loop3A_882 : vector<16xf32>
          %parallel_loop3A_910 = arith.maximumf %parallel_loop3A_882, %parallel_loop3A_909 : vector<16xf32>
          %parallel_loop3A_911 = arith.constant 16 : i32
          %parallel_loop3A_912 = arith.addi %parallel_loop3A_911, %parallel_loop3A_672 : i32
          %parallel_loop3A_913 = arith.constant 0 : i32
          %parallel_loop3A_914 = arith.index_cast %parallel_loop3A_913 : i32 to index
          %parallel_loop3A_915 = arith.index_cast %parallel_loop3A_912 : i32 to index
          %parallel_loop3A_916 = arith.constant 32 : index
          %parallel_loop3A_917 = tpu.vector_load %arg16[%parallel_loop3A_914, %parallel_loop3A_915, %parallel_loop3A_916] {strides = array<i32>} : memref<2x32x128xf32, #tpu.memory_space<vmem>>, vector<1x1x16xf32>,
          %parallel_loop3A_918 = vector.shape_cast %parallel_loop3A_917 : vector<1x1x16xf32> to vector<16xf32>
          %parallel_loop3A_919 = vector.shape_cast %parallel_loop3A_910 : vector<16xf32> to vector<1x1x16xf32>
          tpu.vector_store %arg16[%parallel_loop3A_914, %parallel_loop3A_915, %parallel_loop3A_916], %parallel_loop3A_919 {strides = array<i32>} : memref<2x32x128xf32, #tpu.memory_space<vmem>>, vector<1x1x16xf32>,
          %parallel_loop3A_920 = arith.constant 0.00999999977 : f32
          %parallel_loop3A_921 = vector.broadcast %parallel_loop3A_920 : f32 to vector<16xf32>
          %parallel_loop3A_922 = arith.mulf %parallel_loop3A_921, %parallel_loop3A_884 : vector<16xf32>
          %parallel_loop3A_923 = arith.maximumf %parallel_loop3A_884, %parallel_loop3A_922 : vector<16xf32>
          %parallel_loop3A_924 = arith.constant 16 : i32
          %parallel_loop3A_925 = arith.addi %parallel_loop3A_924, %parallel_loop3A_672 : i32
          %parallel_loop3A_926 = arith.constant 0 : i32
          %parallel_loop3A_927 = arith.index_cast %parallel_loop3A_926 : i32 to index
          %parallel_loop3A_928 = arith.index_cast %parallel_loop3A_925 : i32 to index
          %parallel_loop3A_929 = arith.constant 48 : index
          %parallel_loop3A_930 = tpu.vector_load %arg16[%parallel_loop3A_927, %parallel_loop3A_928, %parallel_loop3A_929] {strides = array<i32>} : memref<2x32x128xf32, #tpu.memory_space<vmem>>, vector<1x1x16xf32>,
          %parallel_loop3A_931 = vector.shape_cast %parallel_loop3A_930 : vector<1x1x16xf32> to vector<16xf32>
          %parallel_loop3A_932 = vector.shape_cast %parallel_loop3A_923 : vector<16xf32> to vector<1x1x16xf32>
          tpu.vector_store %arg16[%parallel_loop3A_927, %parallel_loop3A_928, %parallel_loop3A_929], %parallel_loop3A_932 {strides = array<i32>} : memref<2x32x128xf32, #tpu.memory_space<vmem>>, vector<1x1x16xf32>,
          %parallel_loop3A_933 = arith.constant 0 : i32
          %parallel_loop3A_934 = arith.index_cast %parallel_loop3A_933 : i32 to index
          %parallel_loop3A_935 = arith.index_cast %parallel_loop3A_144 : i32 to index
          %parallel_loop3A_936 = arith.constant 96 : index
          %parallel_loop3A_937 = tpu.vector_load %arg15[%parallel_loop3A_934, %parallel_loop3A_935, %parallel_loop3A_936] {strides = array<i32>} : memref<2x8x128xi32, #tpu.memory_space<vmem>>, vector<1x1x16xi32>,
          %parallel_loop3A_938 = vector.shape_cast %parallel_loop3A_937 : vector<1x1x16xi32> to vector<16xi32>
          %parallel_loop3A_939 = arith.constant 16 : i32
          %parallel_loop3A_940 = vector.broadcast %parallel_loop3A_939 : i32 to vector<16xi32>
          %parallel_loop3A_941 = arith.shli %parallel_loop3A_938, %parallel_loop3A_940 : vector<16xi32>
          %parallel_loop3A_942 = tpu.bitcast %parallel_loop3A_941 : vector<16xi32> -> vector<16xf32>
          %parallel_loop3A_943 = arith.constant -65536 : i32
          %parallel_loop3A_944 = vector.broadcast %parallel_loop3A_943 : i32 to vector<16xi32>
          %parallel_loop3A_945 = arith.andi %parallel_loop3A_938, %parallel_loop3A_944 : vector<16xi32>
          %parallel_loop3A_946 = tpu.bitcast %parallel_loop3A_945 : vector<16xi32> -> vector<16xf32>
          %parallel_loop3A_947 = arith.constant 0 : i32
          %parallel_loop3A_948 = arith.index_cast %parallel_loop3A_947 : i32 to index
          %parallel_loop3A_949 = arith.index_cast %parallel_loop3A_672 : i32 to index
          %parallel_loop3A_950 = arith.constant 32 : index
          %parallel_loop3A_951 = tpu.vector_load %arg14[%parallel_loop3A_948, %parallel_loop3A_949, %parallel_loop3A_950] {strides = array<i32>} : memref<2x32x128xi32, #tpu.memory_space<vmem>>, vector<1x1x16xi32>,
          %parallel_loop3A_952 = vector.shape_cast %parallel_loop3A_951 : vector<1x1x16xi32> to vector<16xi32>
          %parallel_loop3A_953 = arith.constant 16 : i32
          %parallel_loop3A_954 = vector.broadcast %parallel_loop3A_953 : i32 to vector<16xi32>
          %parallel_loop3A_955 = arith.shli %parallel_loop3A_952, %parallel_loop3A_954 : vector<16xi32>
          %parallel_loop3A_956 = tpu.bitcast %parallel_loop3A_955 : vector<16xi32> -> vector<16xf32>
          %parallel_loop3A_957 = arith.constant -65536 : i32
          %parallel_loop3A_958 = vector.broadcast %parallel_loop3A_957 : i32 to vector<16xi32>
          %parallel_loop3A_959 = arith.andi %parallel_loop3A_952, %parallel_loop3A_958 : vector<16xi32>
          %parallel_loop3A_960 = tpu.bitcast %parallel_loop3A_959 : vector<16xi32> -> vector<16xf32>
          %parallel_loop3A_961 = arith.constant 0 : i32
          %parallel_loop3A_962 = arith.index_cast %parallel_loop3A_961 : i32 to index
          %parallel_loop3A_963 = arith.index_cast %parallel_loop3A_672 : i32 to index
          %parallel_loop3A_964 = arith.constant 96 : index
          %parallel_loop3A_965 = tpu.vector_load %arg14[%parallel_loop3A_962, %parallel_loop3A_963, %parallel_loop3A_964] {strides = array<i32>} : memref<2x32x128xi32, #tpu.memory_space<vmem>>, vector<1x1x16xi32>,
          %parallel_loop3A_966 = vector.shape_cast %parallel_loop3A_965 : vector<1x1x16xi32> to vector<16xi32>
          %parallel_loop3A_967 = arith.constant 16 : i32
          %parallel_loop3A_968 = vector.broadcast %parallel_loop3A_967 : i32 to vector<16xi32>
          %parallel_loop3A_969 = arith.shli %parallel_loop3A_966, %parallel_loop3A_968 : vector<16xi32>
          %parallel_loop3A_970 = tpu.bitcast %parallel_loop3A_969 : vector<16xi32> -> vector<16xf32>
          %parallel_loop3A_971 = arith.constant -65536 : i32
          %parallel_loop3A_972 = vector.broadcast %parallel_loop3A_971 : i32 to vector<16xi32>
          %parallel_loop3A_973 = arith.andi %parallel_loop3A_966, %parallel_loop3A_972 : vector<16xi32>
          %parallel_loop3A_974 = tpu.bitcast %parallel_loop3A_973 : vector<16xi32> -> vector<16xf32>
          %parallel_loop3A_975 = arith.constant 16 : i32
          %parallel_loop3A_976 = arith.addi %parallel_loop3A_975, %parallel_loop3A_672 : i32
          %parallel_loop3A_977 = arith.constant 0 : i32
          %parallel_loop3A_978 = arith.index_cast %parallel_loop3A_977 : i32 to index
          %parallel_loop3A_979 = arith.index_cast %parallel_loop3A_976 : i32 to index
          %parallel_loop3A_980 = arith.constant 32 : index
          %parallel_loop3A_981 = tpu.vector_load %arg14[%parallel_loop3A_978, %parallel_loop3A_979, %parallel_loop3A_980] {strides = array<i32>} : memref<2x32x128xi32, #tpu.memory_space<vmem>>, vector<1x1x16xi32>,
          %parallel_loop3A_982 = vector.shape_cast %parallel_loop3A_981 : vector<1x1x16xi32> to vector<16xi32>
          %parallel_loop3A_983 = arith.constant 16 : i32
          %parallel_loop3A_984 = vector.broadcast %parallel_loop3A_983 : i32 to vector<16xi32>
          %parallel_loop3A_985 = arith.shli %parallel_loop3A_982, %parallel_loop3A_984 : vector<16xi32>
          %parallel_loop3A_986 = tpu.bitcast %parallel_loop3A_985 : vector<16xi32> -> vector<16xf32>
          %parallel_loop3A_987 = arith.constant -65536 : i32
          %parallel_loop3A_988 = vector.broadcast %parallel_loop3A_987 : i32 to vector<16xi32>
          %parallel_loop3A_989 = arith.andi %parallel_loop3A_982, %parallel_loop3A_988 : vector<16xi32>
          %parallel_loop3A_990 = tpu.bitcast %parallel_loop3A_989 : vector<16xi32> -> vector<16xf32>
          %parallel_loop3A_991 = arith.constant 16 : i32
          %parallel_loop3A_992 = arith.addi %parallel_loop3A_991, %parallel_loop3A_672 : i32
          %parallel_loop3A_993 = arith.constant 0 : i32
          %parallel_loop3A_994 = arith.index_cast %parallel_loop3A_993 : i32 to index
          %parallel_loop3A_995 = arith.index_cast %parallel_loop3A_992 : i32 to index
          %parallel_loop3A_996 = arith.constant 96 : index
          %parallel_loop3A_997 = tpu.vector_load %arg14[%parallel_loop3A_994, %parallel_loop3A_995, %parallel_loop3A_996] {strides = array<i32>} : memref<2x32x128xi32, #tpu.memory_space<vmem>>, vector<1x1x16xi32>,
          %parallel_loop3A_998 = vector.shape_cast %parallel_loop3A_997 : vector<1x1x16xi32> to vector<16xi32>
          %parallel_loop3A_999 = arith.constant 16 : i32
          %parallel_loop3A_1000 = vector.broadcast %parallel_loop3A_999 : i32 to vector<16xi32>
          %parallel_loop3A_1001 = arith.shli %parallel_loop3A_998, %parallel_loop3A_1000 : vector<16xi32>
          %parallel_loop3A_1002 = tpu.bitcast %parallel_loop3A_1001 : vector<16xi32> -> vector<16xf32>
          %parallel_loop3A_1003 = arith.constant -65536 : i32
          %parallel_loop3A_1004 = vector.broadcast %parallel_loop3A_1003 : i32 to vector<16xi32>
          %parallel_loop3A_1005 = arith.andi %parallel_loop3A_998, %parallel_loop3A_1004 : vector<16xi32>
          %parallel_loop3A_1006 = tpu.bitcast %parallel_loop3A_1005 : vector<16xi32> -> vector<16xf32>
          %parallel_loop3A_1007 = arith.addf %parallel_loop3A_956, %parallel_loop3A_1002 : vector<16xf32>
          %parallel_loop3A_1008 = arith.addf %parallel_loop3A_1007, %parallel_loop3A_942 : vector<16xf32>
          %parallel_loop3A_1009 = arith.addf %parallel_loop3A_960, %parallel_loop3A_1006 : vector<16xf32>
          %parallel_loop3A_1010 = arith.addf %parallel_loop3A_1009, %parallel_loop3A_946 : vector<16xf32>
          %parallel_loop3A_1011 = arith.addf %parallel_loop3A_986, %parallel_loop3A_970 : vector<16xf32>
          %parallel_loop3A_1012 = arith.addf %parallel_loop3A_1011, %parallel_loop3A_942 : vector<16xf32>
          %parallel_loop3A_1013 = arith.addf %parallel_loop3A_990, %parallel_loop3A_974 : vector<16xf32>
          %parallel_loop3A_1014 = arith.addf %parallel_loop3A_1013, %parallel_loop3A_946 : vector<16xf32>
          %parallel_loop3A_1015 = arith.constant 0.00999999977 : f32
          %parallel_loop3A_1016 = vector.broadcast %parallel_loop3A_1015 : f32 to vector<16xf32>
          %parallel_loop3A_1017 = arith.mulf %parallel_loop3A_1016, %parallel_loop3A_1008 : vector<16xf32>
          %parallel_loop3A_1018 = arith.maximumf %parallel_loop3A_1008, %parallel_loop3A_1017 : vector<16xf32>
          %parallel_loop3A_1019 = arith.constant 0 : i32
          %parallel_loop3A_1020 = arith.index_cast %parallel_loop3A_1019 : i32 to index
          %parallel_loop3A_1021 = arith.index_cast %parallel_loop3A_672 : i32 to index
          %parallel_loop3A_1022 = arith.constant 64 : index
          %parallel_loop3A_1023 = tpu.vector_load %arg16[%parallel_loop3A_1020, %parallel_loop3A_1021, %parallel_loop3A_1022] {strides = array<i32>} : memref<2x32x128xf32, #tpu.memory_space<vmem>>, vector<1x1x16xf32>,
          %parallel_loop3A_1024 = vector.shape_cast %parallel_loop3A_1023 : vector<1x1x16xf32> to vector<16xf32>
          %parallel_loop3A_1025 = vector.shape_cast %parallel_loop3A_1018 : vector<16xf32> to vector<1x1x16xf32>
          tpu.vector_store %arg16[%parallel_loop3A_1020, %parallel_loop3A_1021, %parallel_loop3A_1022], %parallel_loop3A_1025 {strides = array<i32>} : memref<2x32x128xf32, #tpu.memory_space<vmem>>, vector<1x1x16xf32>,
          %parallel_loop3A_1026 = arith.constant 0.00999999977 : f32
          %parallel_loop3A_1027 = vector.broadcast %parallel_loop3A_1026 : f32 to vector<16xf32>
          %parallel_loop3A_1028 = arith.mulf %parallel_loop3A_1027, %parallel_loop3A_1010 : vector<16xf32>
          %parallel_loop3A_1029 = arith.maximumf %parallel_loop3A_1010, %parallel_loop3A_1028 : vector<16xf32>
          %parallel_loop3A_1030 = arith.constant 0 : i32
          %parallel_loop3A_1031 = arith.index_cast %parallel_loop3A_1030 : i32 to index
          %parallel_loop3A_1032 = arith.index_cast %parallel_loop3A_672 : i32 to index
          %parallel_loop3A_1033 = arith.constant 80 : index
          %parallel_loop3A_1034 = tpu.vector_load %arg16[%parallel_loop3A_1031, %parallel_loop3A_1032, %parallel_loop3A_1033] {strides = array<i32>} : memref<2x32x128xf32, #tpu.memory_space<vmem>>, vector<1x1x16xf32>,
          %parallel_loop3A_1035 = vector.shape_cast %parallel_loop3A_1034 : vector<1x1x16xf32> to vector<16xf32>
          %parallel_loop3A_1036 = vector.shape_cast %parallel_loop3A_1029 : vector<16xf32> to vector<1x1x16xf32>
          tpu.vector_store %arg16[%parallel_loop3A_1031, %parallel_loop3A_1032, %parallel_loop3A_1033], %parallel_loop3A_1036 {strides = array<i32>} : memref<2x32x128xf32, #tpu.memory_space<vmem>>, vector<1x1x16xf32>,
          %parallel_loop3A_1037 = arith.constant 0.00999999977 : f32
          %parallel_loop3A_1038 = vector.broadcast %parallel_loop3A_1037 : f32 to vector<16xf32>
          %parallel_loop3A_1039 = arith.mulf %parallel_loop3A_1038, %parallel_loop3A_1012 : vector<16xf32>
          %parallel_loop3A_1040 = arith.maximumf %parallel_loop3A_1012, %parallel_loop3A_1039 : vector<16xf32>
          %parallel_loop3A_1041 = arith.constant 16 : i32
          %parallel_loop3A_1042 = arith.addi %parallel_loop3A_1041, %parallel_loop3A_672 : i32
          %parallel_loop3A_1043 = arith.constant 0 : i32
          %parallel_loop3A_1044 = arith.index_cast %parallel_loop3A_1043 : i32 to index
          %parallel_loop3A_1045 = arith.index_cast %parallel_loop3A_1042 : i32 to index
          %parallel_loop3A_1046 = arith.constant 64 : index
          %parallel_loop3A_1047 = tpu.vector_load %arg16[%parallel_loop3A_1044, %parallel_loop3A_1045, %parallel_loop3A_1046] {strides = array<i32>} : memref<2x32x128xf32, #tpu.memory_space<vmem>>, vector<1x1x16xf32>,
          %parallel_loop3A_1048 = vector.shape_cast %parallel_loop3A_1047 : vector<1x1x16xf32> to vector<16xf32>
          %parallel_loop3A_1049 = vector.shape_cast %parallel_loop3A_1040 : vector<16xf32> to vector<1x1x16xf32>
          tpu.vector_store %arg16[%parallel_loop3A_1044, %parallel_loop3A_1045, %parallel_loop3A_1046], %parallel_loop3A_1049 {strides = array<i32>} : memref<2x32x128xf32, #tpu.memory_space<vmem>>, vector<1x1x16xf32>,
          %parallel_loop3A_1050 = arith.constant 0.00999999977 : f32
          %parallel_loop3A_1051 = vector.broadcast %parallel_loop3A_1050 : f32 to vector<16xf32>
          %parallel_loop3A_1052 = arith.mulf %parallel_loop3A_1051, %parallel_loop3A_1014 : vector<16xf32>
          %parallel_loop3A_1053 = arith.maximumf %parallel_loop3A_1014, %parallel_loop3A_1052 : vector<16xf32>
          %parallel_loop3A_1054 = arith.constant 16 : i32
          %parallel_loop3A_1055 = arith.addi %parallel_loop3A_1054, %parallel_loop3A_672 : i32
          %parallel_loop3A_1056 = arith.constant 0 : i32
          %parallel_loop3A_1057 = arith.index_cast %parallel_loop3A_1056 : i32 to index
          %parallel_loop3A_1058 = arith.index_cast %parallel_loop3A_1055 : i32 to index
          %parallel_loop3A_1059 = arith.constant 80 : index
          %parallel_loop3A_1060 = tpu.vector_load %arg16[%parallel_loop3A_1057, %parallel_loop3A_1058, %parallel_loop3A_1059] {strides = array<i32>} : memref<2x32x128xf32, #tpu.memory_space<vmem>>, vector<1x1x16xf32>,
          %parallel_loop3A_1061 = vector.shape_cast %parallel_loop3A_1060 : vector<1x1x16xf32> to vector<16xf32>
          %parallel_loop3A_1062 = vector.shape_cast %parallel_loop3A_1053 : vector<16xf32> to vector<1x1x16xf32>
          tpu.vector_store %arg16[%parallel_loop3A_1057, %parallel_loop3A_1058, %parallel_loop3A_1059], %parallel_loop3A_1062 {strides = array<i32>} : memref<2x32x128xf32, #tpu.memory_space<vmem>>, vector<1x1x16xf32>,
          %parallel_loop3A_1063 = arith.constant 0 : i32
          %parallel_loop3A_1064 = arith.index_cast %parallel_loop3A_1063 : i32 to index
          %parallel_loop3A_1065 = arith.index_cast %parallel_loop3A_144 : i32 to index
          %parallel_loop3A_1066 = arith.constant 112 : index
          %parallel_loop3A_1067 = tpu.vector_load %arg15[%parallel_loop3A_1064, %parallel_loop3A_1065, %parallel_loop3A_1066] {strides = array<i32>} : memref<2x8x128xi32, #tpu.memory_space<vmem>>, vector<1x1x16xi32>,
          %parallel_loop3A_1068 = vector.shape_cast %parallel_loop3A_1067 : vector<1x1x16xi32> to vector<16xi32>
          %parallel_loop3A_1069 = arith.constant 16 : i32
          %parallel_loop3A_1070 = vector.broadcast %parallel_loop3A_1069 : i32 to vector<16xi32>
          %parallel_loop3A_1071 = arith.shli %parallel_loop3A_1068, %parallel_loop3A_1070 : vector<16xi32>
          %parallel_loop3A_1072 = tpu.bitcast %parallel_loop3A_1071 : vector<16xi32> -> vector<16xf32>
          %parallel_loop3A_1073 = arith.constant -65536 : i32
          %parallel_loop3A_1074 = vector.broadcast %parallel_loop3A_1073 : i32 to vector<16xi32>
          %parallel_loop3A_1075 = arith.andi %parallel_loop3A_1068, %parallel_loop3A_1074 : vector<16xi32>
          %parallel_loop3A_1076 = tpu.bitcast %parallel_loop3A_1075 : vector<16xi32> -> vector<16xf32>
          %parallel_loop3A_1077 = arith.constant 0 : i32
          %parallel_loop3A_1078 = arith.index_cast %parallel_loop3A_1077 : i32 to index
          %parallel_loop3A_1079 = arith.index_cast %parallel_loop3A_672 : i32 to index
          %parallel_loop3A_1080 = arith.constant 48 : index
          %parallel_loop3A_1081 = tpu.vector_load %arg14[%parallel_loop3A_1078, %parallel_loop3A_1079, %parallel_loop3A_1080] {strides = array<i32>} : memref<2x32x128xi32, #tpu.memory_space<vmem>>, vector<1x1x16xi32>,
          %parallel_loop3A_1082 = vector.shape_cast %parallel_loop3A_1081 : vector<1x1x16xi32> to vector<16xi32>
          %parallel_loop3A_1083 = arith.constant 16 : i32
          %parallel_loop3A_1084 = vector.broadcast %parallel_loop3A_1083 : i32 to vector<16xi32>
          %parallel_loop3A_1085 = arith.shli %parallel_loop3A_1082, %parallel_loop3A_1084 : vector<16xi32>
          %parallel_loop3A_1086 = tpu.bitcast %parallel_loop3A_1085 : vector<16xi32> -> vector<16xf32>
          %parallel_loop3A_1087 = arith.constant -65536 : i32
          %parallel_loop3A_1088 = vector.broadcast %parallel_loop3A_1087 : i32 to vector<16xi32>
          %parallel_loop3A_1089 = arith.andi %parallel_loop3A_1082, %parallel_loop3A_1088 : vector<16xi32>
          %parallel_loop3A_1090 = tpu.bitcast %parallel_loop3A_1089 : vector<16xi32> -> vector<16xf32>
          %parallel_loop3A_1091 = arith.constant 0 : i32
          %parallel_loop3A_1092 = arith.index_cast %parallel_loop3A_1091 : i32 to index
          %parallel_loop3A_1093 = arith.index_cast %parallel_loop3A_672 : i32 to index
          %parallel_loop3A_1094 = arith.constant 112 : index
          %parallel_loop3A_1095 = tpu.vector_load %arg14[%parallel_loop3A_1092, %parallel_loop3A_1093, %parallel_loop3A_1094] {strides = array<i32>} : memref<2x32x128xi32, #tpu.memory_space<vmem>>, vector<1x1x16xi32>,
          %parallel_loop3A_1096 = vector.shape_cast %parallel_loop3A_1095 : vector<1x1x16xi32> to vector<16xi32>
          %parallel_loop3A_1097 = arith.constant 16 : i32
          %parallel_loop3A_1098 = vector.broadcast %parallel_loop3A_1097 : i32 to vector<16xi32>
          %parallel_loop3A_1099 = arith.shli %parallel_loop3A_1096, %parallel_loop3A_1098 : vector<16xi32>
          %parallel_loop3A_1100 = tpu.bitcast %parallel_loop3A_1099 : vector<16xi32> -> vector<16xf32>
          %parallel_loop3A_1101 = arith.constant -65536 : i32
          %parallel_loop3A_1102 = vector.broadcast %parallel_loop3A_1101 : i32 to vector<16xi32>
          %parallel_loop3A_1103 = arith.andi %parallel_loop3A_1096, %parallel_loop3A_1102 : vector<16xi32>
          %parallel_loop3A_1104 = tpu.bitcast %parallel_loop3A_1103 : vector<16xi32> -> vector<16xf32>
          %parallel_loop3A_1105 = arith.constant 16 : i32
          %parallel_loop3A_1106 = arith.addi %parallel_loop3A_1105, %parallel_loop3A_672 : i32
          %parallel_loop3A_1107 = arith.constant 0 : i32
          %parallel_loop3A_1108 = arith.index_cast %parallel_loop3A_1107 : i32 to index
          %parallel_loop3A_1109 = arith.index_cast %parallel_loop3A_1106 : i32 to index
          %parallel_loop3A_1110 = arith.constant 48 : index
          %parallel_loop3A_1111 = tpu.vector_load %arg14[%parallel_loop3A_1108, %parallel_loop3A_1109, %parallel_loop3A_1110] {strides = array<i32>} : memref<2x32x128xi32, #tpu.memory_space<vmem>>, vector<1x1x16xi32>,
          %parallel_loop3A_1112 = vector.shape_cast %parallel_loop3A_1111 : vector<1x1x16xi32> to vector<16xi32>
          %parallel_loop3A_1113 = arith.constant 16 : i32
          %parallel_loop3A_1114 = vector.broadcast %parallel_loop3A_1113 : i32 to vector<16xi32>
          %parallel_loop3A_1115 = arith.shli %parallel_loop3A_1112, %parallel_loop3A_1114 : vector<16xi32>
          %parallel_loop3A_1116 = tpu.bitcast %parallel_loop3A_1115 : vector<16xi32> -> vector<16xf32>
          %parallel_loop3A_1117 = arith.constant -65536 : i32
          %parallel_loop3A_1118 = vector.broadcast %parallel_loop3A_1117 : i32 to vector<16xi32>
          %parallel_loop3A_1119 = arith.andi %parallel_loop3A_1112, %parallel_loop3A_1118 : vector<16xi32>
          %parallel_loop3A_1120 = tpu.bitcast %parallel_loop3A_1119 : vector<16xi32> -> vector<16xf32>
          %parallel_loop3A_1121 = arith.constant 16 : i32
          %parallel_loop3A_1122 = arith.addi %parallel_loop3A_1121, %parallel_loop3A_672 : i32
          %parallel_loop3A_1123 = arith.constant 0 : i32
          %parallel_loop3A_1124 = arith.index_cast %parallel_loop3A_1123 : i32 to index
          %parallel_loop3A_1125 = arith.index_cast %parallel_loop3A_1122 : i32 to index
          %parallel_loop3A_1126 = arith.constant 112 : index
          %parallel_loop3A_1127 = tpu.vector_load %arg14[%parallel_loop3A_1124, %parallel_loop3A_1125, %parallel_loop3A_1126] {strides = array<i32>} : memref<2x32x128xi32, #tpu.memory_space<vmem>>, vector<1x1x16xi32>,
          %parallel_loop3A_1128 = vector.shape_cast %parallel_loop3A_1127 : vector<1x1x16xi32> to vector<16xi32>
          %parallel_loop3A_1129 = arith.constant 16 : i32
          %parallel_loop3A_1130 = vector.broadcast %parallel_loop3A_1129 : i32 to vector<16xi32>
          %parallel_loop3A_1131 = arith.shli %parallel_loop3A_1128, %parallel_loop3A_1130 : vector<16xi32>
          %parallel_loop3A_1132 = tpu.bitcast %parallel_loop3A_1131 : vector<16xi32> -> vector<16xf32>
          %parallel_loop3A_1133 = arith.constant -65536 : i32
          %parallel_loop3A_1134 = vector.broadcast %parallel_loop3A_1133 : i32 to vector<16xi32>
          %parallel_loop3A_1135 = arith.andi %parallel_loop3A_1128, %parallel_loop3A_1134 : vector<16xi32>
          %parallel_loop3A_1136 = tpu.bitcast %parallel_loop3A_1135 : vector<16xi32> -> vector<16xf32>
          %parallel_loop3A_1137 = arith.addf %parallel_loop3A_1086, %parallel_loop3A_1132 : vector<16xf32>
          %parallel_loop3A_1138 = arith.addf %parallel_loop3A_1137, %parallel_loop3A_1072 : vector<16xf32>
          %parallel_loop3A_1139 = arith.addf %parallel_loop3A_1090, %parallel_loop3A_1136 : vector<16xf32>
          %parallel_loop3A_1140 = arith.addf %parallel_loop3A_1139, %parallel_loop3A_1076 : vector<16xf32>
          %parallel_loop3A_1141 = arith.addf %parallel_loop3A_1116, %parallel_loop3A_1100 : vector<16xf32>
          %parallel_loop3A_1142 = arith.addf %parallel_loop3A_1141, %parallel_loop3A_1072 : vector<16xf32>
          %parallel_loop3A_1143 = arith.addf %parallel_loop3A_1120, %parallel_loop3A_1104 : vector<16xf32>
          %parallel_loop3A_1144 = arith.addf %parallel_loop3A_1143, %parallel_loop3A_1076 : vector<16xf32>
          %parallel_loop3A_1145 = arith.constant 0.00999999977 : f32
          %parallel_loop3A_1146 = vector.broadcast %parallel_loop3A_1145 : f32 to vector<16xf32>
          %parallel_loop3A_1147 = arith.mulf %parallel_loop3A_1146, %parallel_loop3A_1138 : vector<16xf32>
          %parallel_loop3A_1148 = arith.maximumf %parallel_loop3A_1138, %parallel_loop3A_1147 : vector<16xf32>
          %parallel_loop3A_1149 = arith.constant 0 : i32
          %parallel_loop3A_1150 = arith.index_cast %parallel_loop3A_1149 : i32 to index
          %parallel_loop3A_1151 = arith.index_cast %parallel_loop3A_672 : i32 to index
          %parallel_loop3A_1152 = arith.constant 96 : index
          %parallel_loop3A_1153 = tpu.vector_load %arg16[%parallel_loop3A_1150, %parallel_loop3A_1151, %parallel_loop3A_1152] {strides = array<i32>} : memref<2x32x128xf32, #tpu.memory_space<vmem>>, vector<1x1x16xf32>,
          %parallel_loop3A_1154 = vector.shape_cast %parallel_loop3A_1153 : vector<1x1x16xf32> to vector<16xf32>
          %parallel_loop3A_1155 = vector.shape_cast %parallel_loop3A_1148 : vector<16xf32> to vector<1x1x16xf32>
          tpu.vector_store %arg16[%parallel_loop3A_1150, %parallel_loop3A_1151, %parallel_loop3A_1152], %parallel_loop3A_1155 {strides = array<i32>} : memref<2x32x128xf32, #tpu.memory_space<vmem>>, vector<1x1x16xf32>,
          %parallel_loop3A_1156 = arith.constant 0.00999999977 : f32
          %parallel_loop3A_1157 = vector.broadcast %parallel_loop3A_1156 : f32 to vector<16xf32>
          %parallel_loop3A_1158 = arith.mulf %parallel_loop3A_1157, %parallel_loop3A_1140 : vector<16xf32>
          %parallel_loop3A_1159 = arith.maximumf %parallel_loop3A_1140, %parallel_loop3A_1158 : vector<16xf32>
          %parallel_loop3A_1160 = arith.constant 0 : i32
          %parallel_loop3A_1161 = arith.index_cast %parallel_loop3A_1160 : i32 to index
          %parallel_loop3A_1162 = arith.index_cast %parallel_loop3A_672 : i32 to index
          %parallel_loop3A_1163 = arith.constant 112 : index
          %parallel_loop3A_1164 = tpu.vector_load %arg16[%parallel_loop3A_1161, %parallel_loop3A_1162, %parallel_loop3A_1163] {strides = array<i32>} : memref<2x32x128xf32, #tpu.memory_space<vmem>>, vector<1x1x16xf32>,
          %parallel_loop3A_1165 = vector.shape_cast %parallel_loop3A_1164 : vector<1x1x16xf32> to vector<16xf32>
          %parallel_loop3A_1166 = vector.shape_cast %parallel_loop3A_1159 : vector<16xf32> to vector<1x1x16xf32>
          tpu.vector_store %arg16[%parallel_loop3A_1161, %parallel_loop3A_1162, %parallel_loop3A_1163], %parallel_loop3A_1166 {strides = array<i32>} : memref<2x32x128xf32, #tpu.memory_space<vmem>>, vector<1x1x16xf32>,
          %parallel_loop3A_1167 = arith.constant 0.00999999977 : f32
          %parallel_loop3A_1168 = vector.broadcast %parallel_loop3A_1167 : f32 to vector<16xf32>
          %parallel_loop3A_1169 = arith.mulf %parallel_loop3A_1168, %parallel_loop3A_1142 : vector<16xf32>
          %parallel_loop3A_1170 = arith.maximumf %parallel_loop3A_1142, %parallel_loop3A_1169 : vector<16xf32>
          %parallel_loop3A_1171 = arith.constant 16 : i32
          %parallel_loop3A_1172 = arith.addi %parallel_loop3A_1171, %parallel_loop3A_672 : i32
          %parallel_loop3A_1173 = arith.constant 0 : i32
          %parallel_loop3A_1174 = arith.index_cast %parallel_loop3A_1173 : i32 to index
          %parallel_loop3A_1175 = arith.index_cast %parallel_loop3A_1172 : i32 to index
          %parallel_loop3A_1176 = arith.constant 96 : index
          %parallel_loop3A_1177 = tpu.vector_load %arg16[%parallel_loop3A_1174, %parallel_loop3A_1175, %parallel_loop3A_1176] {strides = array<i32>} : memref<2x32x128xf32, #tpu.memory_space<vmem>>, vector<1x1x16xf32>,
          %parallel_loop3A_1178 = vector.shape_cast %parallel_loop3A_1177 : vector<1x1x16xf32> to vector<16xf32>
          %parallel_loop3A_1179 = vector.shape_cast %parallel_loop3A_1170 : vector<16xf32> to vector<1x1x16xf32>
          tpu.vector_store %arg16[%parallel_loop3A_1174, %parallel_loop3A_1175, %parallel_loop3A_1176], %parallel_loop3A_1179 {strides = array<i32>} : memref<2x32x128xf32, #tpu.memory_space<vmem>>, vector<1x1x16xf32>,
          %parallel_loop3A_1180 = arith.constant 0.00999999977 : f32
          %parallel_loop3A_1181 = vector.broadcast %parallel_loop3A_1180 : f32 to vector<16xf32>
          %parallel_loop3A_1182 = arith.mulf %parallel_loop3A_1181, %parallel_loop3A_1144 : vector<16xf32>
          %parallel_loop3A_1183 = arith.maximumf %parallel_loop3A_1144, %parallel_loop3A_1182 : vector<16xf32>
          %parallel_loop3A_1184 = arith.constant 16 : i32
          %parallel_loop3A_1185 = arith.addi %parallel_loop3A_1184, %parallel_loop3A_672 : i32
          %parallel_loop3A_1186 = arith.constant 0 : i32
          %parallel_loop3A_1187 = arith.index_cast %parallel_loop3A_1186 : i32 to index
          %parallel_loop3A_1188 = arith.index_cast %parallel_loop3A_1185 : i32 to index
          %parallel_loop3A_1189 = arith.constant 112 : index
          %parallel_loop3A_1190 = tpu.vector_load %arg16[%parallel_loop3A_1187, %parallel_loop3A_1188, %parallel_loop3A_1189] {strides = array<i32>} : memref<2x32x128xf32, #tpu.memory_space<vmem>>, vector<1x1x16xf32>,
          %parallel_loop3A_1191 = vector.shape_cast %parallel_loop3A_1190 : vector<1x1x16xf32> to vector<16xf32>
          %parallel_loop3A_1192 = vector.shape_cast %parallel_loop3A_1183 : vector<16xf32> to vector<1x1x16xf32>
          tpu.vector_store %arg16[%parallel_loop3A_1187, %parallel_loop3A_1188, %parallel_loop3A_1189], %parallel_loop3A_1192 {strides = array<i32>} : memref<2x32x128xf32, #tpu.memory_space<vmem>>, vector<1x1x16xf32>,
        } {sc.loop_unroll_factor = 2 : i64, sc.parallel_access}
        %dma_start3A_136 = arith.constant 0 : i32
        %dma_start3A_137 = arith.constant 0 : i32
        %dma_start3A_138 = arith.constant 0 : i32
        %dma_start3A_139 = tpu.memref_slice %arg16[%dma_start3A_136, %dma_start3A_137, %dma_start3A_138] : memref<2x32x128xf32, #tpu.memory_space<vmem>> -> memref<1x32x128xf32, #tpu.memory_space<vmem>>
        %dma_start3A_140 = tpu.memref_squeeze %dma_start3A_139 : memref<1x32x128xf32, #tpu.memory_space<vmem>> -> memref<32x128xf32, #tpu.memory_space<vmem>>
        %dma_start3A_141 = arith.constant 0 : i32
        %dma_start3A_142 = arith.constant 0 : i32
        %dma_start3A_143 = tpu.memref_slice %arg7[%dma_start3A_141, %dma_start3A_142] : memref<10240x128xf32, #tpu.memory_space<vmem_shared>> -> memref<10240x128xf32, #tpu.memory_space<vmem_shared>>
        tpu.enqueue_indirect_dma source(%dma_start3A_140 : memref<32x128xf32, #tpu.memory_space<vmem>>) target(%dma_start3A_143 : memref<10240x128xf32, #tpu.memory_space<vmem_shared>>) offsets(%arg12 : memref<32xi32, #tpu.memory_space<vmem>>) semaphore(%arg19 : memref<!tpu.dma_semaphore, #tpu.memory_space<semaphore_mem>>) {add = true}
      } else {
      }
      %add3A_90 = arith.constant 1 : i32
      %add3A_91 = arith.addi %add3A_85, %add3A_90 : i32
      %lt3A_92 = arith.constant 625 : i32
      %lt3A_93 = arith.cmpi slt, %add3A_91, %lt3A_92 : i32
      %convert_element_type3A_94 = arith.extui %lt3A_93 : i1 to i32
      %cond3A_95 = arith.constant 0 : i32
      %cond3A_96 = arith.cmpi ne, %convert_element_type3A_94, %cond3A_95 : i32
      scf.if %cond3A_96 {
        %add3A_97 = arith.constant 1 : i32
        %add3A_98 = arith.addi %add3A_91, %add3A_97 : i32
        %lt3A_99 = arith.constant 625 : i32
        %lt3A_100 = arith.cmpi slt, %add3A_98, %lt3A_99 : i32
        %convert_element_type3A_101 = arith.extui %lt3A_100 : i1 to i32
        %cond3A_102 = arith.constant 0 : i32
        %cond3A_103 = arith.cmpi ne, %convert_element_type3A_101, %cond3A_102 : i32
        scf.if %cond3A_103 {
          %ge3A = arith.constant 1 : i32
          %ge3A_144 = arith.cmpi sge, %add3A_91, %ge3A : i32
          %convert_element_type3A_145 = arith.extui %ge3A_144 : i1 to i32
          %cond3A_146 = arith.constant 0 : i32
          %cond3A_147 = arith.cmpi ne, %convert_element_type3A_145, %cond3A_146 : i32
          scf.if %cond3A_147 {
            %dma_wait3A_204 = arith.constant 0 : i32
            %dma_wait3A_205 = arith.constant 0 : i32
            %dma_wait3A_206 = arith.constant 0 : i32
            %dma_wait3A_207 = tpu.memref_slice %arg16[%dma_wait3A_204, %dma_wait3A_205, %dma_wait3A_206] : memref<2x32x128xf32, #tpu.memory_space<vmem>> -> memref<1x32x128xf32, #tpu.memory_space<vmem>>
            %dma_wait3A_208 = tpu.memref_squeeze %dma_wait3A_207 : memref<1x32x128xf32, #tpu.memory_space<vmem>> -> memref<32x128xf32, #tpu.memory_space<vmem>>
            %dma_wait3A_209 = arith.constant 0 : i32
            %dma_wait3A_210 = arith.constant 0 : i32
            %dma_wait3A_211 = tpu.memref_slice %arg7[%dma_wait3A_209, %dma_wait3A_210] : memref<10240x128xf32, #tpu.memory_space<vmem_shared>> -> memref<10240x128xf32, #tpu.memory_space<vmem_shared>>
            tpu.wait_indirect_dma semaphore(%arg19 : memref<!tpu.dma_semaphore, #tpu.memory_space<semaphore_mem>>) src(%dma_wait3A_208 : memref<32x128xf32, #tpu.memory_space<vmem>>) dst(%dma_wait3A_211 : memref<10240x128xf32, #tpu.memory_space<vmem_shared>>)
          } else {
          }
          %add3A_148 = arith.constant 1 : i32
          %add3A_149 = arith.addi %add3A_91, %add3A_148 : i32
          %mul3A_150 = arith.constant 16 : i32
          %mul3A_151 = arith.muli %add3A_149, %mul3A_150 : i32
          %get3A_152 = arith.index_cast %mul3A_151 : i32 to index
          %get3A_153 = tpu.vector_load %arg8[%get3A_152] {strides = array<i32>} : memref<10000xi32, #tpu.memory_space<vmem>>, vector<16xi32>,
          %get3A_154 = vector.shape_cast %get3A_153 : vector<16xi32> to vector<16xi32>
          %mul3A_155 = arith.constant 16 : i32
          %mul3A_156 = arith.muli %add3A_149, %mul3A_155 : i32
          %get3A_157 = arith.index_cast %mul3A_156 : i32 to index
          %get3A_158 = tpu.vector_load %arg9[%get3A_157] {strides = array<i32>} : memref<10000xi32, #tpu.memory_space<vmem>>, vector<16xi32>,
          %get3A_159 = vector.shape_cast %get3A_158 : vector<16xi32> to vector<16xi32>
          %swap3A_160 = arith.constant 0 : index
          %swap3A_161 = tpu.vector_load %arg10[%swap3A_160] {strides = array<i32>} : memref<32xi32, #tpu.memory_space<vmem>>, vector<16xi32>,
          %swap3A_162 = vector.shape_cast %swap3A_161 : vector<16xi32> to vector<16xi32>
          %swap3A_163 = vector.shape_cast %get3A_154 : vector<16xi32> to vector<16xi32>
          tpu.vector_store %arg10[%swap3A_160], %swap3A_163 {strides = array<i32>} : memref<32xi32, #tpu.memory_space<vmem>>, vector<16xi32>,
          %swap3A_164 = arith.constant 16 : index
          %swap3A_165 = tpu.vector_load %arg10[%swap3A_164] {strides = array<i32>} : memref<32xi32, #tpu.memory_space<vmem>>, vector<16xi32>,
          %swap3A_166 = vector.shape_cast %swap3A_165 : vector<16xi32> to vector<16xi32>
          %swap3A_167 = vector.shape_cast %get3A_159 : vector<16xi32> to vector<16xi32>
          tpu.vector_store %arg10[%swap3A_164], %swap3A_167 {strides = array<i32>} : memref<32xi32, #tpu.memory_space<vmem>>, vector<16xi32>,
          %swap3A_168 = arith.constant 0 : index
          %swap3A_169 = tpu.vector_load %arg12[%swap3A_168] {strides = array<i32>} : memref<32xi32, #tpu.memory_space<vmem>>, vector<16xi32>,
          %swap3A_170 = vector.shape_cast %swap3A_169 : vector<16xi32> to vector<16xi32>
          %swap3A_171 = vector.shape_cast %get3A_159 : vector<16xi32> to vector<16xi32>
          tpu.vector_store %arg12[%swap3A_168], %swap3A_171 {strides = array<i32>} : memref<32xi32, #tpu.memory_space<vmem>>, vector<16xi32>,
          %swap3A_172 = arith.constant 16 : index
          %swap3A_173 = tpu.vector_load %arg12[%swap3A_172] {strides = array<i32>} : memref<32xi32, #tpu.memory_space<vmem>>, vector<16xi32>,
          %swap3A_174 = vector.shape_cast %swap3A_173 : vector<16xi32> to vector<16xi32>
          %swap3A_175 = vector.shape_cast %get3A_154 : vector<16xi32> to vector<16xi32>
          tpu.vector_store %arg12[%swap3A_172], %swap3A_175 {strides = array<i32>} : memref<32xi32, #tpu.memory_space<vmem>>, vector<16xi32>,
          %add3A_176 = arith.constant 1 : i32
          %add3A_177 = arith.addi %add3A_91, %add3A_176 : i32
          %dma_start3A_178 = arith.constant 0 : i32
          %dma_start3A_179 = arith.constant 0 : i32
          %dma_start3A_180 = arith.constant 0 : i32
          %dma_start3A_181 = tpu.memref_slice %arg14[%dma_start3A_178, %dma_start3A_179, %dma_start3A_180] : memref<2x32x128xi32, #tpu.memory_space<vmem>> -> memref<1x32x128xi32, #tpu.memory_space<vmem>>
          %dma_start3A_182 = tpu.memref_squeeze %dma_start3A_181 : memref<1x32x128xi32, #tpu.memory_space<vmem>> -> memref<32x128xi32, #tpu.memory_space<vmem>>
          %dma_start3A_183 = arith.constant 0 : i32
          %dma_start3A_184 = arith.constant 0 : i32
          %dma_start3A_185 = tpu.memref_slice %arg2[%dma_start3A_183, %dma_start3A_184] : memref<10000x128xi32, #tpu.memory_space<hbm>> -> memref<10000x128xi32, #tpu.memory_space<hbm>>
          tpu.enqueue_indirect_dma source(%dma_start3A_185 : memref<10000x128xi32, #tpu.memory_space<hbm>>) target(%dma_start3A_182 : memref<32x128xi32, #tpu.memory_space<vmem>>) offsets(%arg10 : memref<32xi32, #tpu.memory_space<vmem>>) semaphore(%arg17 : memref<!tpu.dma_semaphore, #tpu.memory_space<semaphore_mem>>)
          %mul3A_186 = arith.constant 5000 : i32
          %mul3A_187 = arith.muli %add3A, %mul3A_186 : i32
          %mul3A_188 = arith.constant 8 : i32
          %mul3A_189 = arith.muli %add3A_177, %mul3A_188 : i32
          %add3A_190 = arith.addi %mul3A_187, %mul3A_189 : i32
          %dma_start3A_191 = arith.constant 0 : i32
          %dma_start3A_192 = arith.constant 0 : i32
          %dma_start3A_193 = arith.constant 0 : i32
          %dma_start3A_194 = tpu.memref_slice %arg15[%dma_start3A_191, %dma_start3A_192, %dma_start3A_193] : memref<2x8x128xi32, #tpu.memory_space<vmem>> -> memref<1x8x128xi32, #tpu.memory_space<vmem>>
          %dma_start3A_195 = tpu.memref_squeeze %dma_start3A_194 : memref<1x8x128xi32, #tpu.memory_space<vmem>> -> memref<8x128xi32, #tpu.memory_space<vmem>>
          %dma_start3A_196 = arith.constant 0 : i32
          %dma_start3A_197 = tpu.memref_slice %arg3[%add3A_190, %dma_start3A_196] : memref<160000x128xi32, #tpu.memory_space<hbm>> -> memref<8x128xi32, #tpu.memory_space<hbm>>
          %dma_start3A_198 = arith.constant 0 : i32
          %dma_start3A_199 = arith.constant 0 : i32
          %dma_start3A_200 = tpu.memref_slice %arg15[%dma_start3A_191, %dma_start3A_198, %dma_start3A_199] : memref<2x8x128xi32, #tpu.memory_space<vmem>> -> memref<1x8x128xi32, #tpu.memory_space<vmem>>
          %dma_start3A_201 = tpu.memref_squeeze %dma_start3A_200 : memref<1x8x128xi32, #tpu.memory_space<vmem>> -> memref<8x128xi32, #tpu.memory_space<vmem>>
          %dma_start3A_202 = arith.constant 0 : i32
          %dma_start3A_203 = tpu.memref_slice %arg3[%add3A_190, %dma_start3A_202] : memref<160000x128xi32, #tpu.memory_space<hbm>> -> memref<8x128xi32, #tpu.memory_space<hbm>>
          tpu.enqueue_dma source(%dma_start3A_203 : memref<8x128xi32, #tpu.memory_space<hbm>>) target(%dma_start3A_201 : memref<8x128xi32, #tpu.memory_space<vmem>>) target_semaphore(%arg17 : memref<!tpu.dma_semaphore, #tpu.memory_space<semaphore_mem>>)
        } else {
        }
        %dma_wait3A_104 = arith.constant 1 : i32
        %dma_wait3A_105 = arith.constant 0 : i32
        %dma_wait3A_106 = arith.constant 0 : i32
        %dma_wait3A_107 = tpu.memref_slice %arg14[%dma_wait3A_104, %dma_wait3A_105, %dma_wait3A_106] : memref<2x32x128xi32, #tpu.memory_space<vmem>> -> memref<1x32x128xi32, #tpu.memory_space<vmem>>
        %dma_wait3A_108 = tpu.memref_squeeze %dma_wait3A_107 : memref<1x32x128xi32, #tpu.memory_space<vmem>> -> memref<32x128xi32, #tpu.memory_space<vmem>>
        %dma_wait3A_109 = arith.constant 0 : i32
        %dma_wait3A_110 = arith.constant 0 : i32
        %dma_wait3A_111 = tpu.memref_slice %arg2[%dma_wait3A_109, %dma_wait3A_110] : memref<10000x128xi32, #tpu.memory_space<hbm>> -> memref<32x128xi32, #tpu.memory_space<hbm>>
        %dma_wait3A_112 = arith.constant 0 : i32
        %dma_wait3A_113 = arith.constant 0 : i32
        %dma_wait3A_114 = tpu.memref_slice %arg14[%dma_wait3A_104, %dma_wait3A_112, %dma_wait3A_113] : memref<2x32x128xi32, #tpu.memory_space<vmem>> -> memref<1x32x128xi32, #tpu.memory_space<vmem>>
        %dma_wait3A_115 = tpu.memref_squeeze %dma_wait3A_114 : memref<1x32x128xi32, #tpu.memory_space<vmem>> -> memref<32x128xi32, #tpu.memory_space<vmem>>
        %dma_wait3A_116 = arith.constant 0 : i32
        %dma_wait3A_117 = arith.constant 0 : i32
        %dma_wait3A_118 = tpu.memref_slice %arg2[%dma_wait3A_116, %dma_wait3A_117] : memref<10000x128xi32, #tpu.memory_space<hbm>> -> memref<32x128xi32, #tpu.memory_space<hbm>>
        tpu.wait_dma2 semaphore(%arg18 : memref<!tpu.dma_semaphore, #tpu.memory_space<semaphore_mem>>) src(%dma_wait3A_118 : memref<32x128xi32, #tpu.memory_space<hbm>>) dst(%dma_wait3A_115 : memref<32x128xi32, #tpu.memory_space<vmem>>)
        %dma_wait3A_119 = arith.constant 1 : i32
        %dma_wait3A_120 = arith.constant 0 : i32
        %dma_wait3A_121 = arith.constant 0 : i32
        %dma_wait3A_122 = tpu.memref_slice %arg15[%dma_wait3A_119, %dma_wait3A_120, %dma_wait3A_121] : memref<2x8x128xi32, #tpu.memory_space<vmem>> -> memref<1x8x128xi32, #tpu.memory_space<vmem>>
        %dma_wait3A_123 = tpu.memref_squeeze %dma_wait3A_122 : memref<1x8x128xi32, #tpu.memory_space<vmem>> -> memref<8x128xi32, #tpu.memory_space<vmem>>
        %dma_wait3A_124 = arith.constant 0 : i32
        %dma_wait3A_125 = arith.constant 0 : i32
        %dma_wait3A_126 = tpu.memref_slice %arg3[%dma_wait3A_124, %dma_wait3A_125] : memref<160000x128xi32, #tpu.memory_space<hbm>> -> memref<8x128xi32, #tpu.memory_space<hbm>>
        %dma_wait3A_127 = arith.constant 0 : i32
        %dma_wait3A_128 = arith.constant 0 : i32
        %dma_wait3A_129 = tpu.memref_slice %arg15[%dma_wait3A_119, %dma_wait3A_127, %dma_wait3A_128] : memref<2x8x128xi32, #tpu.memory_space<vmem>> -> memref<1x8x128xi32, #tpu.memory_space<vmem>>
        %dma_wait3A_130 = tpu.memref_squeeze %dma_wait3A_129 : memref<1x8x128xi32, #tpu.memory_space<vmem>> -> memref<8x128xi32, #tpu.memory_space<vmem>>
        %dma_wait3A_131 = arith.constant 0 : i32
        %dma_wait3A_132 = arith.constant 0 : i32
        %dma_wait3A_133 = tpu.memref_slice %arg3[%dma_wait3A_131, %dma_wait3A_132] : memref<160000x128xi32, #tpu.memory_space<hbm>> -> memref<8x128xi32, #tpu.memory_space<hbm>>
        tpu.wait_dma2 semaphore(%arg18 : memref<!tpu.dma_semaphore, #tpu.memory_space<semaphore_mem>>) src(%dma_wait3A_133 : memref<8x128xi32, #tpu.memory_space<hbm>>) dst(%dma_wait3A_130 : memref<8x128xi32, #tpu.memory_space<vmem>>)
        %parallel_loop3A = arith.constant 0 : i32
        %parallel_loop3A_134 = arith.constant 8 : i32
        %parallel_loop3A_135 = arith.constant 1 : i32
        scf.for %parallel_loop3A_144 = %parallel_loop3A to %parallel_loop3A_134 step %parallel_loop3A_135  : i32 {
          %parallel_loop3A_145 = arith.constant 2 : i32
          %parallel_loop3A_146 = arith.muli %parallel_loop3A_145, %parallel_loop3A_144 : i32
          %parallel_loop3A_147 = arith.constant 0 : i32
          %parallel_loop3A_148 = arith.addi %parallel_loop3A_146, %parallel_loop3A_147 : i32
          %parallel_loop3A_149 = arith.constant 1 : i32
          %parallel_loop3A_150 = arith.index_cast %parallel_loop3A_149 : i32 to index
          %parallel_loop3A_151 = arith.index_cast %parallel_loop3A_144 : i32 to index
          %parallel_loop3A_152 = arith.constant 0 : index
          %parallel_loop3A_153 = tpu.vector_load %arg15[%parallel_loop3A_150, %parallel_loop3A_151, %parallel_loop3A_152] {strides = array<i32>} : memref<2x8x128xi32, #tpu.memory_space<vmem>>, vector<1x1x16xi32>,
          %parallel_loop3A_154 = vector.shape_cast %parallel_loop3A_153 : vector<1x1x16xi32> to vector<16xi32>
          %parallel_loop3A_155 = arith.constant 16 : i32
          %parallel_loop3A_156 = vector.broadcast %parallel_loop3A_155 : i32 to vector<16xi32>
          %parallel_loop3A_157 = arith.shli %parallel_loop3A_154, %parallel_loop3A_156 : vector<16xi32>
          %parallel_loop3A_158 = tpu.bitcast %parallel_loop3A_157 : vector<16xi32> -> vector<16xf32>
          %parallel_loop3A_159 = arith.constant -65536 : i32
          %parallel_loop3A_160 = vector.broadcast %parallel_loop3A_159 : i32 to vector<16xi32>
          %parallel_loop3A_161 = arith.andi %parallel_loop3A_154, %parallel_loop3A_160 : vector<16xi32>
          %parallel_loop3A_162 = tpu.bitcast %parallel_loop3A_161 : vector<16xi32> -> vector<16xf32>
          %parallel_loop3A_163 = arith.constant 1 : i32
          %parallel_loop3A_164 = arith.index_cast %parallel_loop3A_163 : i32 to index
          %parallel_loop3A_165 = arith.index_cast %parallel_loop3A_148 : i32 to index
          %parallel_loop3A_166 = arith.constant 0 : index
          %parallel_loop3A_167 = tpu.vector_load %arg14[%parallel_loop3A_164, %parallel_loop3A_165, %parallel_loop3A_166] {strides = array<i32>} : memref<2x32x128xi32, #tpu.memory_space<vmem>>, vector<1x1x16xi32>,
          %parallel_loop3A_168 = vector.shape_cast %parallel_loop3A_167 : vector<1x1x16xi32> to vector<16xi32>
          %parallel_loop3A_169 = arith.constant 16 : i32
          %parallel_loop3A_170 = vector.broadcast %parallel_loop3A_169 : i32 to vector<16xi32>
          %parallel_loop3A_171 = arith.shli %parallel_loop3A_168, %parallel_loop3A_170 : vector<16xi32>
          %parallel_loop3A_172 = tpu.bitcast %parallel_loop3A_171 : vector<16xi32> -> vector<16xf32>
          %parallel_loop3A_173 = arith.constant -65536 : i32
          %parallel_loop3A_174 = vector.broadcast %parallel_loop3A_173 : i32 to vector<16xi32>
          %parallel_loop3A_175 = arith.andi %parallel_loop3A_168, %parallel_loop3A_174 : vector<16xi32>
          %parallel_loop3A_176 = tpu.bitcast %parallel_loop3A_175 : vector<16xi32> -> vector<16xf32>
          %parallel_loop3A_177 = arith.constant 1 : i32
          %parallel_loop3A_178 = arith.index_cast %parallel_loop3A_177 : i32 to index
          %parallel_loop3A_179 = arith.index_cast %parallel_loop3A_148 : i32 to index
          %parallel_loop3A_180 = arith.constant 64 : index
          %parallel_loop3A_181 = tpu.vector_load %arg14[%parallel_loop3A_178, %parallel_loop3A_179, %parallel_loop3A_180] {strides = array<i32>} : memref<2x32x128xi32, #tpu.memory_space<vmem>>, vector<1x1x16xi32>,
          %parallel_loop3A_182 = vector.shape_cast %parallel_loop3A_181 : vector<1x1x16xi32> to vector<16xi32>
          %parallel_loop3A_183 = arith.constant 16 : i32
          %parallel_loop3A_184 = vector.broadcast %parallel_loop3A_183 : i32 to vector<16xi32>
          %parallel_loop3A_185 = arith.shli %parallel_loop3A_182, %parallel_loop3A_184 : vector<16xi32>
          %parallel_loop3A_186 = tpu.bitcast %parallel_loop3A_185 : vector<16xi32> -> vector<16xf32>
          %parallel_loop3A_187 = arith.constant -65536 : i32
          %parallel_loop3A_188 = vector.broadcast %parallel_loop3A_187 : i32 to vector<16xi32>
          %parallel_loop3A_189 = arith.andi %parallel_loop3A_182, %parallel_loop3A_188 : vector<16xi32>
          %parallel_loop3A_190 = tpu.bitcast %parallel_loop3A_189 : vector<16xi32> -> vector<16xf32>
          %parallel_loop3A_191 = arith.constant 16 : i32
          %parallel_loop3A_192 = arith.addi %parallel_loop3A_191, %parallel_loop3A_148 : i32
          %parallel_loop3A_193 = arith.constant 1 : i32
          %parallel_loop3A_194 = arith.index_cast %parallel_loop3A_193 : i32 to index
          %parallel_loop3A_195 = arith.index_cast %parallel_loop3A_192 : i32 to index
          %parallel_loop3A_196 = arith.constant 0 : index
          %parallel_loop3A_197 = tpu.vector_load %arg14[%parallel_loop3A_194, %parallel_loop3A_195, %parallel_loop3A_196] {strides = array<i32>} : memref<2x32x128xi32, #tpu.memory_space<vmem>>, vector<1x1x16xi32>,
          %parallel_loop3A_198 = vector.shape_cast %parallel_loop3A_197 : vector<1x1x16xi32> to vector<16xi32>
          %parallel_loop3A_199 = arith.constant 16 : i32
          %parallel_loop3A_200 = vector.broadcast %parallel_loop3A_199 : i32 to vector<16xi32>
          %parallel_loop3A_201 = arith.shli %parallel_loop3A_198, %parallel_loop3A_200 : vector<16xi32>
          %parallel_loop3A_202 = tpu.bitcast %parallel_loop3A_201 : vector<16xi32> -> vector<16xf32>
          %parallel_loop3A_203 = arith.constant -65536 : i32
          %parallel_loop3A_204 = vector.broadcast %parallel_loop3A_203 : i32 to vector<16xi32>
          %parallel_loop3A_205 = arith.andi %parallel_loop3A_198, %parallel_loop3A_204 : vector<16xi32>
          %parallel_loop3A_206 = tpu.bitcast %parallel_loop3A_205 : vector<16xi32> -> vector<16xf32>
          %parallel_loop3A_207 = arith.constant 16 : i32
          %parallel_loop3A_208 = arith.addi %parallel_loop3A_207, %parallel_loop3A_148 : i32
          %parallel_loop3A_209 = arith.constant 1 : i32
          %parallel_loop3A_210 = arith.index_cast %parallel_loop3A_209 : i32 to index
          %parallel_loop3A_211 = arith.index_cast %parallel_loop3A_208 : i32 to index
          %parallel_loop3A_212 = arith.constant 64 : index
          %parallel_loop3A_213 = tpu.vector_load %arg14[%parallel_loop3A_210, %parallel_loop3A_211, %parallel_loop3A_212] {strides = array<i32>} : memref<2x32x128xi32, #tpu.memory_space<vmem>>, vector<1x1x16xi32>,
          %parallel_loop3A_214 = vector.shape_cast %parallel_loop3A_213 : vector<1x1x16xi32> to vector<16xi32>
          %parallel_loop3A_215 = arith.constant 16 : i32
          %parallel_loop3A_216 = vector.broadcast %parallel_loop3A_215 : i32 to vector<16xi32>
          %parallel_loop3A_217 = arith.shli %parallel_loop3A_214, %parallel_loop3A_216 : vector<16xi32>
          %parallel_loop3A_218 = tpu.bitcast %parallel_loop3A_217 : vector<16xi32> -> vector<16xf32>
          %parallel_loop3A_219 = arith.constant -65536 : i32
          %parallel_loop3A_220 = vector.broadcast %parallel_loop3A_219 : i32 to vector<16xi32>
          %parallel_loop3A_221 = arith.andi %parallel_loop3A_214, %parallel_loop3A_220 : vector<16xi32>
          %parallel_loop3A_222 = tpu.bitcast %parallel_loop3A_221 : vector<16xi32> -> vector<16xf32>
          %parallel_loop3A_223 = arith.addf %parallel_loop3A_172, %parallel_loop3A_218 : vector<16xf32>
          %parallel_loop3A_224 = arith.addf %parallel_loop3A_223, %parallel_loop3A_158 : vector<16xf32>
          %parallel_loop3A_225 = arith.addf %parallel_loop3A_176, %parallel_loop3A_222 : vector<16xf32>
          %parallel_loop3A_226 = arith.addf %parallel_loop3A_225, %parallel_loop3A_162 : vector<16xf32>
          %parallel_loop3A_227 = arith.addf %parallel_loop3A_202, %parallel_loop3A_186 : vector<16xf32>
          %parallel_loop3A_228 = arith.addf %parallel_loop3A_227, %parallel_loop3A_158 : vector<16xf32>
          %parallel_loop3A_229 = arith.addf %parallel_loop3A_206, %parallel_loop3A_190 : vector<16xf32>
          %parallel_loop3A_230 = arith.addf %parallel_loop3A_229, %parallel_loop3A_162 : vector<16xf32>
          %parallel_loop3A_231 = arith.constant 0.00999999977 : f32
          %parallel_loop3A_232 = vector.broadcast %parallel_loop3A_231 : f32 to vector<16xf32>
          %parallel_loop3A_233 = arith.mulf %parallel_loop3A_232, %parallel_loop3A_224 : vector<16xf32>
          %parallel_loop3A_234 = arith.maximumf %parallel_loop3A_224, %parallel_loop3A_233 : vector<16xf32>
          %parallel_loop3A_235 = arith.constant 1 : i32
          %parallel_loop3A_236 = arith.index_cast %parallel_loop3A_235 : i32 to index
          %parallel_loop3A_237 = arith.index_cast %parallel_loop3A_148 : i32 to index
          %parallel_loop3A_238 = arith.constant 0 : index
          %parallel_loop3A_239 = tpu.vector_load %arg16[%parallel_loop3A_236, %parallel_loop3A_237, %parallel_loop3A_238] {strides = array<i32>} : memref<2x32x128xf32, #tpu.memory_space<vmem>>, vector<1x1x16xf32>,
          %parallel_loop3A_240 = vector.shape_cast %parallel_loop3A_239 : vector<1x1x16xf32> to vector<16xf32>
          %parallel_loop3A_241 = vector.shape_cast %parallel_loop3A_234 : vector<16xf32> to vector<1x1x16xf32>
          tpu.vector_store %arg16[%parallel_loop3A_236, %parallel_loop3A_237, %parallel_loop3A_238], %parallel_loop3A_241 {strides = array<i32>} : memref<2x32x128xf32, #tpu.memory_space<vmem>>, vector<1x1x16xf32>,
          %parallel_loop3A_242 = arith.constant 0.00999999977 : f32
          %parallel_loop3A_243 = vector.broadcast %parallel_loop3A_242 : f32 to vector<16xf32>
          %parallel_loop3A_244 = arith.mulf %parallel_loop3A_243, %parallel_loop3A_226 : vector<16xf32>
          %parallel_loop3A_245 = arith.maximumf %parallel_loop3A_226, %parallel_loop3A_244 : vector<16xf32>
          %parallel_loop3A_246 = arith.constant 1 : i32
          %parallel_loop3A_247 = arith.index_cast %parallel_loop3A_246 : i32 to index
          %parallel_loop3A_248 = arith.index_cast %parallel_loop3A_148 : i32 to index
          %parallel_loop3A_249 = arith.constant 16 : index
          %parallel_loop3A_250 = tpu.vector_load %arg16[%parallel_loop3A_247, %parallel_loop3A_248, %parallel_loop3A_249] {strides = array<i32>} : memref<2x32x128xf32, #tpu.memory_space<vmem>>, vector<1x1x16xf32>,
          %parallel_loop3A_251 = vector.shape_cast %parallel_loop3A_250 : vector<1x1x16xf32> to vector<16xf32>
          %parallel_loop3A_252 = vector.shape_cast %parallel_loop3A_245 : vector<16xf32> to vector<1x1x16xf32>
          tpu.vector_store %arg16[%parallel_loop3A_247, %parallel_loop3A_248, %parallel_loop3A_249], %parallel_loop3A_252 {strides = array<i32>} : memref<2x32x128xf32, #tpu.memory_space<vmem>>, vector<1x1x16xf32>,
          %parallel_loop3A_253 = arith.constant 0.00999999977 : f32
          %parallel_loop3A_254 = vector.broadcast %parallel_loop3A_253 : f32 to vector<16xf32>
          %parallel_loop3A_255 = arith.mulf %parallel_loop3A_254, %parallel_loop3A_228 : vector<16xf32>
          %parallel_loop3A_256 = arith.maximumf %parallel_loop3A_228, %parallel_loop3A_255 : vector<16xf32>
          %parallel_loop3A_257 = arith.constant 16 : i32
          %parallel_loop3A_258 = arith.addi %parallel_loop3A_257, %parallel_loop3A_148 : i32
          %parallel_loop3A_259 = arith.constant 1 : i32
          %parallel_loop3A_260 = arith.index_cast %parallel_loop3A_259 : i32 to index
          %parallel_loop3A_261 = arith.index_cast %parallel_loop3A_258 : i32 to index
          %parallel_loop3A_262 = arith.constant 0 : index
          %parallel_loop3A_263 = tpu.vector_load %arg16[%parallel_loop3A_260, %parallel_loop3A_261, %parallel_loop3A_262] {strides = array<i32>} : memref<2x32x128xf32, #tpu.memory_space<vmem>>, vector<1x1x16xf32>,
          %parallel_loop3A_264 = vector.shape_cast %parallel_loop3A_263 : vector<1x1x16xf32> to vector<16xf32>
          %parallel_loop3A_265 = vector.shape_cast %parallel_loop3A_256 : vector<16xf32> to vector<1x1x16xf32>
          tpu.vector_store %arg16[%parallel_loop3A_260, %parallel_loop3A_261, %parallel_loop3A_262], %parallel_loop3A_265 {strides = array<i32>} : memref<2x32x128xf32, #tpu.memory_space<vmem>>, vector<1x1x16xf32>,
          %parallel_loop3A_266 = arith.constant 0.00999999977 : f32
          %parallel_loop3A_267 = vector.broadcast %parallel_loop3A_266 : f32 to vector<16xf32>
          %parallel_loop3A_268 = arith.mulf %parallel_loop3A_267, %parallel_loop3A_230 : vector<16xf32>
          %parallel_loop3A_269 = arith.maximumf %parallel_loop3A_230, %parallel_loop3A_268 : vector<16xf32>
          %parallel_loop3A_270 = arith.constant 16 : i32
          %parallel_loop3A_271 = arith.addi %parallel_loop3A_270, %parallel_loop3A_148 : i32
          %parallel_loop3A_272 = arith.constant 1 : i32
          %parallel_loop3A_273 = arith.index_cast %parallel_loop3A_272 : i32 to index
          %parallel_loop3A_274 = arith.index_cast %parallel_loop3A_271 : i32 to index
          %parallel_loop3A_275 = arith.constant 16 : index
          %parallel_loop3A_276 = tpu.vector_load %arg16[%parallel_loop3A_273, %parallel_loop3A_274, %parallel_loop3A_275] {strides = array<i32>} : memref<2x32x128xf32, #tpu.memory_space<vmem>>, vector<1x1x16xf32>,
          %parallel_loop3A_277 = vector.shape_cast %parallel_loop3A_276 : vector<1x1x16xf32> to vector<16xf32>
          %parallel_loop3A_278 = vector.shape_cast %parallel_loop3A_269 : vector<16xf32> to vector<1x1x16xf32>
          tpu.vector_store %arg16[%parallel_loop3A_273, %parallel_loop3A_274, %parallel_loop3A_275], %parallel_loop3A_278 {strides = array<i32>} : memref<2x32x128xf32, #tpu.memory_space<vmem>>, vector<1x1x16xf32>,
          %parallel_loop3A_279 = arith.constant 1 : i32
          %parallel_loop3A_280 = arith.index_cast %parallel_loop3A_279 : i32 to index
          %parallel_loop3A_281 = arith.index_cast %parallel_loop3A_144 : i32 to index
          %parallel_loop3A_282 = arith.constant 16 : index
          %parallel_loop3A_283 = tpu.vector_load %arg15[%parallel_loop3A_280, %parallel_loop3A_281, %parallel_loop3A_282] {strides = array<i32>} : memref<2x8x128xi32, #tpu.memory_space<vmem>>, vector<1x1x16xi32>,
          %parallel_loop3A_284 = vector.shape_cast %parallel_loop3A_283 : vector<1x1x16xi32> to vector<16xi32>
          %parallel_loop3A_285 = arith.constant 16 : i32
          %parallel_loop3A_286 = vector.broadcast %parallel_loop3A_285 : i32 to vector<16xi32>
          %parallel_loop3A_287 = arith.shli %parallel_loop3A_284, %parallel_loop3A_286 : vector<16xi32>
          %parallel_loop3A_288 = tpu.bitcast %parallel_loop3A_287 : vector<16xi32> -> vector<16xf32>
          %parallel_loop3A_289 = arith.constant -65536 : i32
          %parallel_loop3A_290 = vector.broadcast %parallel_loop3A_289 : i32 to vector<16xi32>
          %parallel_loop3A_291 = arith.andi %parallel_loop3A_284, %parallel_loop3A_290 : vector<16xi32>
          %parallel_loop3A_292 = tpu.bitcast %parallel_loop3A_291 : vector<16xi32> -> vector<16xf32>
          %parallel_loop3A_293 = arith.constant 1 : i32
          %parallel_loop3A_294 = arith.index_cast %parallel_loop3A_293 : i32 to index
          %parallel_loop3A_295 = arith.index_cast %parallel_loop3A_148 : i32 to index
          %parallel_loop3A_296 = arith.constant 16 : index
          %parallel_loop3A_297 = tpu.vector_load %arg14[%parallel_loop3A_294, %parallel_loop3A_295, %parallel_loop3A_296] {strides = array<i32>} : memref<2x32x128xi32, #tpu.memory_space<vmem>>, vector<1x1x16xi32>,
          %parallel_loop3A_298 = vector.shape_cast %parallel_loop3A_297 : vector<1x1x16xi32> to vector<16xi32>
          %parallel_loop3A_299 = arith.constant 16 : i32
          %parallel_loop3A_300 = vector.broadcast %parallel_loop3A_299 : i32 to vector<16xi32>
          %parallel_loop3A_301 = arith.shli %parallel_loop3A_298, %parallel_loop3A_300 : vector<16xi32>
          %parallel_loop3A_302 = tpu.bitcast %parallel_loop3A_301 : vector<16xi32> -> vector<16xf32>
          %parallel_loop3A_303 = arith.constant -65536 : i32
          %parallel_loop3A_304 = vector.broadcast %parallel_loop3A_303 : i32 to vector<16xi32>
          %parallel_loop3A_305 = arith.andi %parallel_loop3A_298, %parallel_loop3A_304 : vector<16xi32>
          %parallel_loop3A_306 = tpu.bitcast %parallel_loop3A_305 : vector<16xi32> -> vector<16xf32>
          %parallel_loop3A_307 = arith.constant 1 : i32
          %parallel_loop3A_308 = arith.index_cast %parallel_loop3A_307 : i32 to index
          %parallel_loop3A_309 = arith.index_cast %parallel_loop3A_148 : i32 to index
          %parallel_loop3A_310 = arith.constant 80 : index
          %parallel_loop3A_311 = tpu.vector_load %arg14[%parallel_loop3A_308, %parallel_loop3A_309, %parallel_loop3A_310] {strides = array<i32>} : memref<2x32x128xi32, #tpu.memory_space<vmem>>, vector<1x1x16xi32>,
          %parallel_loop3A_312 = vector.shape_cast %parallel_loop3A_311 : vector<1x1x16xi32> to vector<16xi32>
          %parallel_loop3A_313 = arith.constant 16 : i32
          %parallel_loop3A_314 = vector.broadcast %parallel_loop3A_313 : i32 to vector<16xi32>
          %parallel_loop3A_315 = arith.shli %parallel_loop3A_312, %parallel_loop3A_314 : vector<16xi32>
          %parallel_loop3A_316 = tpu.bitcast %parallel_loop3A_315 : vector<16xi32> -> vector<16xf32>
          %parallel_loop3A_317 = arith.constant -65536 : i32
          %parallel_loop3A_318 = vector.broadcast %parallel_loop3A_317 : i32 to vector<16xi32>
          %parallel_loop3A_319 = arith.andi %parallel_loop3A_312, %parallel_loop3A_318 : vector<16xi32>
          %parallel_loop3A_320 = tpu.bitcast %parallel_loop3A_319 : vector<16xi32> -> vector<16xf32>
          %parallel_loop3A_321 = arith.constant 16 : i32
          %parallel_loop3A_322 = arith.addi %parallel_loop3A_321, %parallel_loop3A_148 : i32
          %parallel_loop3A_323 = arith.constant 1 : i32
          %parallel_loop3A_324 = arith.index_cast %parallel_loop3A_323 : i32 to index
          %parallel_loop3A_325 = arith.index_cast %parallel_loop3A_322 : i32 to index
          %parallel_loop3A_326 = arith.constant 16 : index
          %parallel_loop3A_327 = tpu.vector_load %arg14[%parallel_loop3A_324, %parallel_loop3A_325, %parallel_loop3A_326] {strides = array<i32>} : memref<2x32x128xi32, #tpu.memory_space<vmem>>, vector<1x1x16xi32>,
          %parallel_loop3A_328 = vector.shape_cast %parallel_loop3A_327 : vector<1x1x16xi32> to vector<16xi32>
          %parallel_loop3A_329 = arith.constant 16 : i32
          %parallel_loop3A_330 = vector.broadcast %parallel_loop3A_329 : i32 to vector<16xi32>
          %parallel_loop3A_331 = arith.shli %parallel_loop3A_328, %parallel_loop3A_330 : vector<16xi32>
          %parallel_loop3A_332 = tpu.bitcast %parallel_loop3A_331 : vector<16xi32> -> vector<16xf32>
          %parallel_loop3A_333 = arith.constant -65536 : i32
          %parallel_loop3A_334 = vector.broadcast %parallel_loop3A_333 : i32 to vector<16xi32>
          %parallel_loop3A_335 = arith.andi %parallel_loop3A_328, %parallel_loop3A_334 : vector<16xi32>
          %parallel_loop3A_336 = tpu.bitcast %parallel_loop3A_335 : vector<16xi32> -> vector<16xf32>
          %parallel_loop3A_337 = arith.constant 16 : i32
          %parallel_loop3A_338 = arith.addi %parallel_loop3A_337, %parallel_loop3A_148 : i32
          %parallel_loop3A_339 = arith.constant 1 : i32
          %parallel_loop3A_340 = arith.index_cast %parallel_loop3A_339 : i32 to index
          %parallel_loop3A_341 = arith.index_cast %parallel_loop3A_338 : i32 to index
          %parallel_loop3A_342 = arith.constant 80 : index
          %parallel_loop3A_343 = tpu.vector_load %arg14[%parallel_loop3A_340, %parallel_loop3A_341, %parallel_loop3A_342] {strides = array<i32>} : memref<2x32x128xi32, #tpu.memory_space<vmem>>, vector<1x1x16xi32>,
          %parallel_loop3A_344 = vector.shape_cast %parallel_loop3A_343 : vector<1x1x16xi32> to vector<16xi32>
          %parallel_loop3A_345 = arith.constant 16 : i32
          %parallel_loop3A_346 = vector.broadcast %parallel_loop3A_345 : i32 to vector<16xi32>
          %parallel_loop3A_347 = arith.shli %parallel_loop3A_344, %parallel_loop3A_346 : vector<16xi32>
          %parallel_loop3A_348 = tpu.bitcast %parallel_loop3A_347 : vector<16xi32> -> vector<16xf32>
          %parallel_loop3A_349 = arith.constant -65536 : i32
          %parallel_loop3A_350 = vector.broadcast %parallel_loop3A_349 : i32 to vector<16xi32>
          %parallel_loop3A_351 = arith.andi %parallel_loop3A_344, %parallel_loop3A_350 : vector<16xi32>
          %parallel_loop3A_352 = tpu.bitcast %parallel_loop3A_351 : vector<16xi32> -> vector<16xf32>
          %parallel_loop3A_353 = arith.addf %parallel_loop3A_302, %parallel_loop3A_348 : vector<16xf32>
          %parallel_loop3A_354 = arith.addf %parallel_loop3A_353, %parallel_loop3A_288 : vector<16xf32>
          %parallel_loop3A_355 = arith.addf %parallel_loop3A_306, %parallel_loop3A_352 : vector<16xf32>
          %parallel_loop3A_356 = arith.addf %parallel_loop3A_355, %parallel_loop3A_292 : vector<16xf32>
          %parallel_loop3A_357 = arith.addf %parallel_loop3A_332, %parallel_loop3A_316 : vector<16xf32>
          %parallel_loop3A_358 = arith.addf %parallel_loop3A_357, %parallel_loop3A_288 : vector<16xf32>
          %parallel_loop3A_359 = arith.addf %parallel_loop3A_336, %parallel_loop3A_320 : vector<16xf32>
          %parallel_loop3A_360 = arith.addf %parallel_loop3A_359, %parallel_loop3A_292 : vector<16xf32>
          %parallel_loop3A_361 = arith.constant 0.00999999977 : f32
          %parallel_loop3A_362 = vector.broadcast %parallel_loop3A_361 : f32 to vector<16xf32>
          %parallel_loop3A_363 = arith.mulf %parallel_loop3A_362, %parallel_loop3A_354 : vector<16xf32>
          %parallel_loop3A_364 = arith.maximumf %parallel_loop3A_354, %parallel_loop3A_363 : vector<16xf32>
          %parallel_loop3A_365 = arith.constant 1 : i32
          %parallel_loop3A_366 = arith.index_cast %parallel_loop3A_365 : i32 to index
          %parallel_loop3A_367 = arith.index_cast %parallel_loop3A_148 : i32 to index
          %parallel_loop3A_368 = arith.constant 32 : index
          %parallel_loop3A_369 = tpu.vector_load %arg16[%parallel_loop3A_366, %parallel_loop3A_367, %parallel_loop3A_368] {strides = array<i32>} : memref<2x32x128xf32, #tpu.memory_space<vmem>>, vector<1x1x16xf32>,
          %parallel_loop3A_370 = vector.shape_cast %parallel_loop3A_369 : vector<1x1x16xf32> to vector<16xf32>
          %parallel_loop3A_371 = vector.shape_cast %parallel_loop3A_364 : vector<16xf32> to vector<1x1x16xf32>
          tpu.vector_store %arg16[%parallel_loop3A_366, %parallel_loop3A_367, %parallel_loop3A_368], %parallel_loop3A_371 {strides = array<i32>} : memref<2x32x128xf32, #tpu.memory_space<vmem>>, vector<1x1x16xf32>,
          %parallel_loop3A_372 = arith.constant 0.00999999977 : f32
          %parallel_loop3A_373 = vector.broadcast %parallel_loop3A_372 : f32 to vector<16xf32>
          %parallel_loop3A_374 = arith.mulf %parallel_loop3A_373, %parallel_loop3A_356 : vector<16xf32>
          %parallel_loop3A_375 = arith.maximumf %parallel_loop3A_356, %parallel_loop3A_374 : vector<16xf32>
          %parallel_loop3A_376 = arith.constant 1 : i32
          %parallel_loop3A_377 = arith.index_cast %parallel_loop3A_376 : i32 to index
          %parallel_loop3A_378 = arith.index_cast %parallel_loop3A_148 : i32 to index
          %parallel_loop3A_379 = arith.constant 48 : index
          %parallel_loop3A_380 = tpu.vector_load %arg16[%parallel_loop3A_377, %parallel_loop3A_378, %parallel_loop3A_379] {strides = array<i32>} : memref<2x32x128xf32, #tpu.memory_space<vmem>>, vector<1x1x16xf32>,
          %parallel_loop3A_381 = vector.shape_cast %parallel_loop3A_380 : vector<1x1x16xf32> to vector<16xf32>
          %parallel_loop3A_382 = vector.shape_cast %parallel_loop3A_375 : vector<16xf32> to vector<1x1x16xf32>
          tpu.vector_store %arg16[%parallel_loop3A_377, %parallel_loop3A_378, %parallel_loop3A_379], %parallel_loop3A_382 {strides = array<i32>} : memref<2x32x128xf32, #tpu.memory_space<vmem>>, vector<1x1x16xf32>,
          %parallel_loop3A_383 = arith.constant 0.00999999977 : f32
          %parallel_loop3A_384 = vector.broadcast %parallel_loop3A_383 : f32 to vector<16xf32>
          %parallel_loop3A_385 = arith.mulf %parallel_loop3A_384, %parallel_loop3A_358 : vector<16xf32>
          %parallel_loop3A_386 = arith.maximumf %parallel_loop3A_358, %parallel_loop3A_385 : vector<16xf32>
          %parallel_loop3A_387 = arith.constant 16 : i32
          %parallel_loop3A_388 = arith.addi %parallel_loop3A_387, %parallel_loop3A_148 : i32
          %parallel_loop3A_389 = arith.constant 1 : i32
          %parallel_loop3A_390 = arith.index_cast %parallel_loop3A_389 : i32 to index
          %parallel_loop3A_391 = arith.index_cast %parallel_loop3A_388 : i32 to index
          %parallel_loop3A_392 = arith.constant 32 : index
          %parallel_loop3A_393 = tpu.vector_load %arg16[%parallel_loop3A_390, %parallel_loop3A_391, %parallel_loop3A_392] {strides = array<i32>} : memref<2x32x128xf32, #tpu.memory_space<vmem>>, vector<1x1x16xf32>,
          %parallel_loop3A_394 = vector.shape_cast %parallel_loop3A_393 : vector<1x1x16xf32> to vector<16xf32>
          %parallel_loop3A_395 = vector.shape_cast %parallel_loop3A_386 : vector<16xf32> to vector<1x1x16xf32>
          tpu.vector_store %arg16[%parallel_loop3A_390, %parallel_loop3A_391, %parallel_loop3A_392], %parallel_loop3A_395 {strides = array<i32>} : memref<2x32x128xf32, #tpu.memory_space<vmem>>, vector<1x1x16xf32>,
          %parallel_loop3A_396 = arith.constant 0.00999999977 : f32
          %parallel_loop3A_397 = vector.broadcast %parallel_loop3A_396 : f32 to vector<16xf32>
          %parallel_loop3A_398 = arith.mulf %parallel_loop3A_397, %parallel_loop3A_360 : vector<16xf32>
          %parallel_loop3A_399 = arith.maximumf %parallel_loop3A_360, %parallel_loop3A_398 : vector<16xf32>
          %parallel_loop3A_400 = arith.constant 16 : i32
          %parallel_loop3A_401 = arith.addi %parallel_loop3A_400, %parallel_loop3A_148 : i32
          %parallel_loop3A_402 = arith.constant 1 : i32
          %parallel_loop3A_403 = arith.index_cast %parallel_loop3A_402 : i32 to index
          %parallel_loop3A_404 = arith.index_cast %parallel_loop3A_401 : i32 to index
          %parallel_loop3A_405 = arith.constant 48 : index
          %parallel_loop3A_406 = tpu.vector_load %arg16[%parallel_loop3A_403, %parallel_loop3A_404, %parallel_loop3A_405] {strides = array<i32>} : memref<2x32x128xf32, #tpu.memory_space<vmem>>, vector<1x1x16xf32>,
          %parallel_loop3A_407 = vector.shape_cast %parallel_loop3A_406 : vector<1x1x16xf32> to vector<16xf32>
          %parallel_loop3A_408 = vector.shape_cast %parallel_loop3A_399 : vector<16xf32> to vector<1x1x16xf32>
          tpu.vector_store %arg16[%parallel_loop3A_403, %parallel_loop3A_404, %parallel_loop3A_405], %parallel_loop3A_408 {strides = array<i32>} : memref<2x32x128xf32, #tpu.memory_space<vmem>>, vector<1x1x16xf32>,
          %parallel_loop3A_409 = arith.constant 1 : i32
          %parallel_loop3A_410 = arith.index_cast %parallel_loop3A_409 : i32 to index
          %parallel_loop3A_411 = arith.index_cast %parallel_loop3A_144 : i32 to index
          %parallel_loop3A_412 = arith.constant 32 : index
          %parallel_loop3A_413 = tpu.vector_load %arg15[%parallel_loop3A_410, %parallel_loop3A_411, %parallel_loop3A_412] {strides = array<i32>} : memref<2x8x128xi32, #tpu.memory_space<vmem>>, vector<1x1x16xi32>,
          %parallel_loop3A_414 = vector.shape_cast %parallel_loop3A_413 : vector<1x1x16xi32> to vector<16xi32>
          %parallel_loop3A_415 = arith.constant 16 : i32
          %parallel_loop3A_416 = vector.broadcast %parallel_loop3A_415 : i32 to vector<16xi32>
          %parallel_loop3A_417 = arith.shli %parallel_loop3A_414, %parallel_loop3A_416 : vector<16xi32>
          %parallel_loop3A_418 = tpu.bitcast %parallel_loop3A_417 : vector<16xi32> -> vector<16xf32>
          %parallel_loop3A_419 = arith.constant -65536 : i32
          %parallel_loop3A_420 = vector.broadcast %parallel_loop3A_419 : i32 to vector<16xi32>
          %parallel_loop3A_421 = arith.andi %parallel_loop3A_414, %parallel_loop3A_420 : vector<16xi32>
          %parallel_loop3A_422 = tpu.bitcast %parallel_loop3A_421 : vector<16xi32> -> vector<16xf32>
          %parallel_loop3A_423 = arith.constant 1 : i32
          %parallel_loop3A_424 = arith.index_cast %parallel_loop3A_423 : i32 to index
          %parallel_loop3A_425 = arith.index_cast %parallel_loop3A_148 : i32 to index
          %parallel_loop3A_426 = arith.constant 32 : index
          %parallel_loop3A_427 = tpu.vector_load %arg14[%parallel_loop3A_424, %parallel_loop3A_425, %parallel_loop3A_426] {strides = array<i32>} : memref<2x32x128xi32, #tpu.memory_space<vmem>>, vector<1x1x16xi32>,
          %parallel_loop3A_428 = vector.shape_cast %parallel_loop3A_427 : vector<1x1x16xi32> to vector<16xi32>
          %parallel_loop3A_429 = arith.constant 16 : i32
          %parallel_loop3A_430 = vector.broadcast %parallel_loop3A_429 : i32 to vector<16xi32>
          %parallel_loop3A_431 = arith.shli %parallel_loop3A_428, %parallel_loop3A_430 : vector<16xi32>
          %parallel_loop3A_432 = tpu.bitcast %parallel_loop3A_431 : vector<16xi32> -> vector<16xf32>
          %parallel_loop3A_433 = arith.constant -65536 : i32
          %parallel_loop3A_434 = vector.broadcast %parallel_loop3A_433 : i32 to vector<16xi32>
          %parallel_loop3A_435 = arith.andi %parallel_loop3A_428, %parallel_loop3A_434 : vector<16xi32>
          %parallel_loop3A_436 = tpu.bitcast %parallel_loop3A_435 : vector<16xi32> -> vector<16xf32>
          %parallel_loop3A_437 = arith.constant 1 : i32
          %parallel_loop3A_438 = arith.index_cast %parallel_loop3A_437 : i32 to index
          %parallel_loop3A_439 = arith.index_cast %parallel_loop3A_148 : i32 to index
          %parallel_loop3A_440 = arith.constant 96 : index
          %parallel_loop3A_441 = tpu.vector_load %arg14[%parallel_loop3A_438, %parallel_loop3A_439, %parallel_loop3A_440] {strides = array<i32>} : memref<2x32x128xi32, #tpu.memory_space<vmem>>, vector<1x1x16xi32>,
          %parallel_loop3A_442 = vector.shape_cast %parallel_loop3A_441 : vector<1x1x16xi32> to vector<16xi32>
          %parallel_loop3A_443 = arith.constant 16 : i32
          %parallel_loop3A_444 = vector.broadcast %parallel_loop3A_443 : i32 to vector<16xi32>
          %parallel_loop3A_445 = arith.shli %parallel_loop3A_442, %parallel_loop3A_444 : vector<16xi32>
          %parallel_loop3A_446 = tpu.bitcast %parallel_loop3A_445 : vector<16xi32> -> vector<16xf32>
          %parallel_loop3A_447 = arith.constant -65536 : i32
          %parallel_loop3A_448 = vector.broadcast %parallel_loop3A_447 : i32 to vector<16xi32>
          %parallel_loop3A_449 = arith.andi %parallel_loop3A_442, %parallel_loop3A_448 : vector<16xi32>
          %parallel_loop3A_450 = tpu.bitcast %parallel_loop3A_449 : vector<16xi32> -> vector<16xf32>
          %parallel_loop3A_451 = arith.constant 16 : i32
          %parallel_loop3A_452 = arith.addi %parallel_loop3A_451, %parallel_loop3A_148 : i32
          %parallel_loop3A_453 = arith.constant 1 : i32
          %parallel_loop3A_454 = arith.index_cast %parallel_loop3A_453 : i32 to index
          %parallel_loop3A_455 = arith.index_cast %parallel_loop3A_452 : i32 to index
          %parallel_loop3A_456 = arith.constant 32 : index
          %parallel_loop3A_457 = tpu.vector_load %arg14[%parallel_loop3A_454, %parallel_loop3A_455, %parallel_loop3A_456] {strides = array<i32>} : memref<2x32x128xi32, #tpu.memory_space<vmem>>, vector<1x1x16xi32>,
          %parallel_loop3A_458 = vector.shape_cast %parallel_loop3A_457 : vector<1x1x16xi32> to vector<16xi32>
          %parallel_loop3A_459 = arith.constant 16 : i32
          %parallel_loop3A_460 = vector.broadcast %parallel_loop3A_459 : i32 to vector<16xi32>
          %parallel_loop3A_461 = arith.shli %parallel_loop3A_458, %parallel_loop3A_460 : vector<16xi32>
          %parallel_loop3A_462 = tpu.bitcast %parallel_loop3A_461 : vector<16xi32> -> vector<16xf32>
          %parallel_loop3A_463 = arith.constant -65536 : i32
          %parallel_loop3A_464 = vector.broadcast %parallel_loop3A_463 : i32 to vector<16xi32>
          %parallel_loop3A_465 = arith.andi %parallel_loop3A_458, %parallel_loop3A_464 : vector<16xi32>
          %parallel_loop3A_466 = tpu.bitcast %parallel_loop3A_465 : vector<16xi32> -> vector<16xf32>
          %parallel_loop3A_467 = arith.constant 16 : i32
          %parallel_loop3A_468 = arith.addi %parallel_loop3A_467, %parallel_loop3A_148 : i32
          %parallel_loop3A_469 = arith.constant 1 : i32
          %parallel_loop3A_470 = arith.index_cast %parallel_loop3A_469 : i32 to index
          %parallel_loop3A_471 = arith.index_cast %parallel_loop3A_468 : i32 to index
          %parallel_loop3A_472 = arith.constant 96 : index
          %parallel_loop3A_473 = tpu.vector_load %arg14[%parallel_loop3A_470, %parallel_loop3A_471, %parallel_loop3A_472] {strides = array<i32>} : memref<2x32x128xi32, #tpu.memory_space<vmem>>, vector<1x1x16xi32>,
          %parallel_loop3A_474 = vector.shape_cast %parallel_loop3A_473 : vector<1x1x16xi32> to vector<16xi32>
          %parallel_loop3A_475 = arith.constant 16 : i32
          %parallel_loop3A_476 = vector.broadcast %parallel_loop3A_475 : i32 to vector<16xi32>
          %parallel_loop3A_477 = arith.shli %parallel_loop3A_474, %parallel_loop3A_476 : vector<16xi32>
          %parallel_loop3A_478 = tpu.bitcast %parallel_loop3A_477 : vector<16xi32> -> vector<16xf32>
          %parallel_loop3A_479 = arith.constant -65536 : i32
          %parallel_loop3A_480 = vector.broadcast %parallel_loop3A_479 : i32 to vector<16xi32>
          %parallel_loop3A_481 = arith.andi %parallel_loop3A_474, %parallel_loop3A_480 : vector<16xi32>
          %parallel_loop3A_482 = tpu.bitcast %parallel_loop3A_481 : vector<16xi32> -> vector<16xf32>
          %parallel_loop3A_483 = arith.addf %parallel_loop3A_432, %parallel_loop3A_478 : vector<16xf32>
          %parallel_loop3A_484 = arith.addf %parallel_loop3A_483, %parallel_loop3A_418 : vector<16xf32>
          %parallel_loop3A_485 = arith.addf %parallel_loop3A_436, %parallel_loop3A_482 : vector<16xf32>
          %parallel_loop3A_486 = arith.addf %parallel_loop3A_485, %parallel_loop3A_422 : vector<16xf32>
          %parallel_loop3A_487 = arith.addf %parallel_loop3A_462, %parallel_loop3A_446 : vector<16xf32>
          %parallel_loop3A_488 = arith.addf %parallel_loop3A_487, %parallel_loop3A_418 : vector<16xf32>
          %parallel_loop3A_489 = arith.addf %parallel_loop3A_466, %parallel_loop3A_450 : vector<16xf32>
          %parallel_loop3A_490 = arith.addf %parallel_loop3A_489, %parallel_loop3A_422 : vector<16xf32>
          %parallel_loop3A_491 = arith.constant 0.00999999977 : f32
          %parallel_loop3A_492 = vector.broadcast %parallel_loop3A_491 : f32 to vector<16xf32>
          %parallel_loop3A_493 = arith.mulf %parallel_loop3A_492, %parallel_loop3A_484 : vector<16xf32>
          %parallel_loop3A_494 = arith.maximumf %parallel_loop3A_484, %parallel_loop3A_493 : vector<16xf32>
          %parallel_loop3A_495 = arith.constant 1 : i32
          %parallel_loop3A_496 = arith.index_cast %parallel_loop3A_495 : i32 to index
          %parallel_loop3A_497 = arith.index_cast %parallel_loop3A_148 : i32 to index
          %parallel_loop3A_498 = arith.constant 64 : index
          %parallel_loop3A_499 = tpu.vector_load %arg16[%parallel_loop3A_496, %parallel_loop3A_497, %parallel_loop3A_498] {strides = array<i32>} : memref<2x32x128xf32, #tpu.memory_space<vmem>>, vector<1x1x16xf32>,
          %parallel_loop3A_500 = vector.shape_cast %parallel_loop3A_499 : vector<1x1x16xf32> to vector<16xf32>
          %parallel_loop3A_501 = vector.shape_cast %parallel_loop3A_494 : vector<16xf32> to vector<1x1x16xf32>
          tpu.vector_store %arg16[%parallel_loop3A_496, %parallel_loop3A_497, %parallel_loop3A_498], %parallel_loop3A_501 {strides = array<i32>} : memref<2x32x128xf32, #tpu.memory_space<vmem>>, vector<1x1x16xf32>,
          %parallel_loop3A_502 = arith.constant 0.00999999977 : f32
          %parallel_loop3A_503 = vector.broadcast %parallel_loop3A_502 : f32 to vector<16xf32>
          %parallel_loop3A_504 = arith.mulf %parallel_loop3A_503, %parallel_loop3A_486 : vector<16xf32>
          %parallel_loop3A_505 = arith.maximumf %parallel_loop3A_486, %parallel_loop3A_504 : vector<16xf32>
          %parallel_loop3A_506 = arith.constant 1 : i32
          %parallel_loop3A_507 = arith.index_cast %parallel_loop3A_506 : i32 to index
          %parallel_loop3A_508 = arith.index_cast %parallel_loop3A_148 : i32 to index
          %parallel_loop3A_509 = arith.constant 80 : index
          %parallel_loop3A_510 = tpu.vector_load %arg16[%parallel_loop3A_507, %parallel_loop3A_508, %parallel_loop3A_509] {strides = array<i32>} : memref<2x32x128xf32, #tpu.memory_space<vmem>>, vector<1x1x16xf32>,
          %parallel_loop3A_511 = vector.shape_cast %parallel_loop3A_510 : vector<1x1x16xf32> to vector<16xf32>
          %parallel_loop3A_512 = vector.shape_cast %parallel_loop3A_505 : vector<16xf32> to vector<1x1x16xf32>
          tpu.vector_store %arg16[%parallel_loop3A_507, %parallel_loop3A_508, %parallel_loop3A_509], %parallel_loop3A_512 {strides = array<i32>} : memref<2x32x128xf32, #tpu.memory_space<vmem>>, vector<1x1x16xf32>,
          %parallel_loop3A_513 = arith.constant 0.00999999977 : f32
          %parallel_loop3A_514 = vector.broadcast %parallel_loop3A_513 : f32 to vector<16xf32>
          %parallel_loop3A_515 = arith.mulf %parallel_loop3A_514, %parallel_loop3A_488 : vector<16xf32>
          %parallel_loop3A_516 = arith.maximumf %parallel_loop3A_488, %parallel_loop3A_515 : vector<16xf32>
          %parallel_loop3A_517 = arith.constant 16 : i32
          %parallel_loop3A_518 = arith.addi %parallel_loop3A_517, %parallel_loop3A_148 : i32
          %parallel_loop3A_519 = arith.constant 1 : i32
          %parallel_loop3A_520 = arith.index_cast %parallel_loop3A_519 : i32 to index
          %parallel_loop3A_521 = arith.index_cast %parallel_loop3A_518 : i32 to index
          %parallel_loop3A_522 = arith.constant 64 : index
          %parallel_loop3A_523 = tpu.vector_load %arg16[%parallel_loop3A_520, %parallel_loop3A_521, %parallel_loop3A_522] {strides = array<i32>} : memref<2x32x128xf32, #tpu.memory_space<vmem>>, vector<1x1x16xf32>,
          %parallel_loop3A_524 = vector.shape_cast %parallel_loop3A_523 : vector<1x1x16xf32> to vector<16xf32>
          %parallel_loop3A_525 = vector.shape_cast %parallel_loop3A_516 : vector<16xf32> to vector<1x1x16xf32>
          tpu.vector_store %arg16[%parallel_loop3A_520, %parallel_loop3A_521, %parallel_loop3A_522], %parallel_loop3A_525 {strides = array<i32>} : memref<2x32x128xf32, #tpu.memory_space<vmem>>, vector<1x1x16xf32>,
          %parallel_loop3A_526 = arith.constant 0.00999999977 : f32
          %parallel_loop3A_527 = vector.broadcast %parallel_loop3A_526 : f32 to vector<16xf32>
          %parallel_loop3A_528 = arith.mulf %parallel_loop3A_527, %parallel_loop3A_490 : vector<16xf32>
          %parallel_loop3A_529 = arith.maximumf %parallel_loop3A_490, %parallel_loop3A_528 : vector<16xf32>
          %parallel_loop3A_530 = arith.constant 16 : i32
          %parallel_loop3A_531 = arith.addi %parallel_loop3A_530, %parallel_loop3A_148 : i32
          %parallel_loop3A_532 = arith.constant 1 : i32
          %parallel_loop3A_533 = arith.index_cast %parallel_loop3A_532 : i32 to index
          %parallel_loop3A_534 = arith.index_cast %parallel_loop3A_531 : i32 to index
          %parallel_loop3A_535 = arith.constant 80 : index
          %parallel_loop3A_536 = tpu.vector_load %arg16[%parallel_loop3A_533, %parallel_loop3A_534, %parallel_loop3A_535] {strides = array<i32>} : memref<2x32x128xf32, #tpu.memory_space<vmem>>, vector<1x1x16xf32>,
          %parallel_loop3A_537 = vector.shape_cast %parallel_loop3A_536 : vector<1x1x16xf32> to vector<16xf32>
          %parallel_loop3A_538 = vector.shape_cast %parallel_loop3A_529 : vector<16xf32> to vector<1x1x16xf32>
          tpu.vector_store %arg16[%parallel_loop3A_533, %parallel_loop3A_534, %parallel_loop3A_535], %parallel_loop3A_538 {strides = array<i32>} : memref<2x32x128xf32, #tpu.memory_space<vmem>>, vector<1x1x16xf32>,
          %parallel_loop3A_539 = arith.constant 1 : i32
          %parallel_loop3A_540 = arith.index_cast %parallel_loop3A_539 : i32 to index
          %parallel_loop3A_541 = arith.index_cast %parallel_loop3A_144 : i32 to index
          %parallel_loop3A_542 = arith.constant 48 : index
          %parallel_loop3A_543 = tpu.vector_load %arg15[%parallel_loop3A_540, %parallel_loop3A_541, %parallel_loop3A_542] {strides = array<i32>} : memref<2x8x128xi32, #tpu.memory_space<vmem>>, vector<1x1x16xi32>,
          %parallel_loop3A_544 = vector.shape_cast %parallel_loop3A_543 : vector<1x1x16xi32> to vector<16xi32>
          %parallel_loop3A_545 = arith.constant 16 : i32
          %parallel_loop3A_546 = vector.broadcast %parallel_loop3A_545 : i32 to vector<16xi32>
          %parallel_loop3A_547 = arith.shli %parallel_loop3A_544, %parallel_loop3A_546 : vector<16xi32>
          %parallel_loop3A_548 = tpu.bitcast %parallel_loop3A_547 : vector<16xi32> -> vector<16xf32>
          %parallel_loop3A_549 = arith.constant -65536 : i32
          %parallel_loop3A_550 = vector.broadcast %parallel_loop3A_549 : i32 to vector<16xi32>
          %parallel_loop3A_551 = arith.andi %parallel_loop3A_544, %parallel_loop3A_550 : vector<16xi32>
          %parallel_loop3A_552 = tpu.bitcast %parallel_loop3A_551 : vector<16xi32> -> vector<16xf32>
          %parallel_loop3A_553 = arith.constant 1 : i32
          %parallel_loop3A_554 = arith.index_cast %parallel_loop3A_553 : i32 to index
          %parallel_loop3A_555 = arith.index_cast %parallel_loop3A_148 : i32 to index
          %parallel_loop3A_556 = arith.constant 48 : index
          %parallel_loop3A_557 = tpu.vector_load %arg14[%parallel_loop3A_554, %parallel_loop3A_555, %parallel_loop3A_556] {strides = array<i32>} : memref<2x32x128xi32, #tpu.memory_space<vmem>>, vector<1x1x16xi32>,
          %parallel_loop3A_558 = vector.shape_cast %parallel_loop3A_557 : vector<1x1x16xi32> to vector<16xi32>
          %parallel_loop3A_559 = arith.constant 16 : i32
          %parallel_loop3A_560 = vector.broadcast %parallel_loop3A_559 : i32 to vector<16xi32>
          %parallel_loop3A_561 = arith.shli %parallel_loop3A_558, %parallel_loop3A_560 : vector<16xi32>
          %parallel_loop3A_562 = tpu.bitcast %parallel_loop3A_561 : vector<16xi32> -> vector<16xf32>
          %parallel_loop3A_563 = arith.constant -65536 : i32
          %parallel_loop3A_564 = vector.broadcast %parallel_loop3A_563 : i32 to vector<16xi32>
          %parallel_loop3A_565 = arith.andi %parallel_loop3A_558, %parallel_loop3A_564 : vector<16xi32>
          %parallel_loop3A_566 = tpu.bitcast %parallel_loop3A_565 : vector<16xi32> -> vector<16xf32>
          %parallel_loop3A_567 = arith.constant 1 : i32
          %parallel_loop3A_568 = arith.index_cast %parallel_loop3A_567 : i32 to index
          %parallel_loop3A_569 = arith.index_cast %parallel_loop3A_148 : i32 to index
          %parallel_loop3A_570 = arith.constant 112 : index
          %parallel_loop3A_571 = tpu.vector_load %arg14[%parallel_loop3A_568, %parallel_loop3A_569, %parallel_loop3A_570] {strides = array<i32>} : memref<2x32x128xi32, #tpu.memory_space<vmem>>, vector<1x1x16xi32>,
          %parallel_loop3A_572 = vector.shape_cast %parallel_loop3A_571 : vector<1x1x16xi32> to vector<16xi32>
          %parallel_loop3A_573 = arith.constant 16 : i32
          %parallel_loop3A_574 = vector.broadcast %parallel_loop3A_573 : i32 to vector<16xi32>
          %parallel_loop3A_575 = arith.shli %parallel_loop3A_572, %parallel_loop3A_574 : vector<16xi32>
          %parallel_loop3A_576 = tpu.bitcast %parallel_loop3A_575 : vector<16xi32> -> vector<16xf32>
          %parallel_loop3A_577 = arith.constant -65536 : i32
          %parallel_loop3A_578 = vector.broadcast %parallel_loop3A_577 : i32 to vector<16xi32>
          %parallel_loop3A_579 = arith.andi %parallel_loop3A_572, %parallel_loop3A_578 : vector<16xi32>
          %parallel_loop3A_580 = tpu.bitcast %parallel_loop3A_579 : vector<16xi32> -> vector<16xf32>
          %parallel_loop3A_581 = arith.constant 16 : i32
          %parallel_loop3A_582 = arith.addi %parallel_loop3A_581, %parallel_loop3A_148 : i32
          %parallel_loop3A_583 = arith.constant 1 : i32
          %parallel_loop3A_584 = arith.index_cast %parallel_loop3A_583 : i32 to index
          %parallel_loop3A_585 = arith.index_cast %parallel_loop3A_582 : i32 to index
          %parallel_loop3A_586 = arith.constant 48 : index
          %parallel_loop3A_587 = tpu.vector_load %arg14[%parallel_loop3A_584, %parallel_loop3A_585, %parallel_loop3A_586] {strides = array<i32>} : memref<2x32x128xi32, #tpu.memory_space<vmem>>, vector<1x1x16xi32>,
          %parallel_loop3A_588 = vector.shape_cast %parallel_loop3A_587 : vector<1x1x16xi32> to vector<16xi32>
          %parallel_loop3A_589 = arith.constant 16 : i32
          %parallel_loop3A_590 = vector.broadcast %parallel_loop3A_589 : i32 to vector<16xi32>
          %parallel_loop3A_591 = arith.shli %parallel_loop3A_588, %parallel_loop3A_590 : vector<16xi32>
          %parallel_loop3A_592 = tpu.bitcast %parallel_loop3A_591 : vector<16xi32> -> vector<16xf32>
          %parallel_loop3A_593 = arith.constant -65536 : i32
          %parallel_loop3A_594 = vector.broadcast %parallel_loop3A_593 : i32 to vector<16xi32>
          %parallel_loop3A_595 = arith.andi %parallel_loop3A_588, %parallel_loop3A_594 : vector<16xi32>
          %parallel_loop3A_596 = tpu.bitcast %parallel_loop3A_595 : vector<16xi32> -> vector<16xf32>
          %parallel_loop3A_597 = arith.constant 16 : i32
          %parallel_loop3A_598 = arith.addi %parallel_loop3A_597, %parallel_loop3A_148 : i32
          %parallel_loop3A_599 = arith.constant 1 : i32
          %parallel_loop3A_600 = arith.index_cast %parallel_loop3A_599 : i32 to index
          %parallel_loop3A_601 = arith.index_cast %parallel_loop3A_598 : i32 to index
          %parallel_loop3A_602 = arith.constant 112 : index
          %parallel_loop3A_603 = tpu.vector_load %arg14[%parallel_loop3A_600, %parallel_loop3A_601, %parallel_loop3A_602] {strides = array<i32>} : memref<2x32x128xi32, #tpu.memory_space<vmem>>, vector<1x1x16xi32>,
          %parallel_loop3A_604 = vector.shape_cast %parallel_loop3A_603 : vector<1x1x16xi32> to vector<16xi32>
          %parallel_loop3A_605 = arith.constant 16 : i32
          %parallel_loop3A_606 = vector.broadcast %parallel_loop3A_605 : i32 to vector<16xi32>
          %parallel_loop3A_607 = arith.shli %parallel_loop3A_604, %parallel_loop3A_606 : vector<16xi32>
          %parallel_loop3A_608 = tpu.bitcast %parallel_loop3A_607 : vector<16xi32> -> vector<16xf32>
          %parallel_loop3A_609 = arith.constant -65536 : i32
          %parallel_loop3A_610 = vector.broadcast %parallel_loop3A_609 : i32 to vector<16xi32>
          %parallel_loop3A_611 = arith.andi %parallel_loop3A_604, %parallel_loop3A_610 : vector<16xi32>
          %parallel_loop3A_612 = tpu.bitcast %parallel_loop3A_611 : vector<16xi32> -> vector<16xf32>
          %parallel_loop3A_613 = arith.addf %parallel_loop3A_562, %parallel_loop3A_608 : vector<16xf32>
          %parallel_loop3A_614 = arith.addf %parallel_loop3A_613, %parallel_loop3A_548 : vector<16xf32>
          %parallel_loop3A_615 = arith.addf %parallel_loop3A_566, %parallel_loop3A_612 : vector<16xf32>
          %parallel_loop3A_616 = arith.addf %parallel_loop3A_615, %parallel_loop3A_552 : vector<16xf32>
          %parallel_loop3A_617 = arith.addf %parallel_loop3A_592, %parallel_loop3A_576 : vector<16xf32>
          %parallel_loop3A_618 = arith.addf %parallel_loop3A_617, %parallel_loop3A_548 : vector<16xf32>
          %parallel_loop3A_619 = arith.addf %parallel_loop3A_596, %parallel_loop3A_580 : vector<16xf32>
          %parallel_loop3A_620 = arith.addf %parallel_loop3A_619, %parallel_loop3A_552 : vector<16xf32>
          %parallel_loop3A_621 = arith.constant 0.00999999977 : f32
          %parallel_loop3A_622 = vector.broadcast %parallel_loop3A_621 : f32 to vector<16xf32>
          %parallel_loop3A_623 = arith.mulf %parallel_loop3A_622, %parallel_loop3A_614 : vector<16xf32>
          %parallel_loop3A_624 = arith.maximumf %parallel_loop3A_614, %parallel_loop3A_623 : vector<16xf32>
          %parallel_loop3A_625 = arith.constant 1 : i32
          %parallel_loop3A_626 = arith.index_cast %parallel_loop3A_625 : i32 to index
          %parallel_loop3A_627 = arith.index_cast %parallel_loop3A_148 : i32 to index
          %parallel_loop3A_628 = arith.constant 96 : index
          %parallel_loop3A_629 = tpu.vector_load %arg16[%parallel_loop3A_626, %parallel_loop3A_627, %parallel_loop3A_628] {strides = array<i32>} : memref<2x32x128xf32, #tpu.memory_space<vmem>>, vector<1x1x16xf32>,
          %parallel_loop3A_630 = vector.shape_cast %parallel_loop3A_629 : vector<1x1x16xf32> to vector<16xf32>
          %parallel_loop3A_631 = vector.shape_cast %parallel_loop3A_624 : vector<16xf32> to vector<1x1x16xf32>
          tpu.vector_store %arg16[%parallel_loop3A_626, %parallel_loop3A_627, %parallel_loop3A_628], %parallel_loop3A_631 {strides = array<i32>} : memref<2x32x128xf32, #tpu.memory_space<vmem>>, vector<1x1x16xf32>,
          %parallel_loop3A_632 = arith.constant 0.00999999977 : f32
          %parallel_loop3A_633 = vector.broadcast %parallel_loop3A_632 : f32 to vector<16xf32>
          %parallel_loop3A_634 = arith.mulf %parallel_loop3A_633, %parallel_loop3A_616 : vector<16xf32>
          %parallel_loop3A_635 = arith.maximumf %parallel_loop3A_616, %parallel_loop3A_634 : vector<16xf32>
          %parallel_loop3A_636 = arith.constant 1 : i32
          %parallel_loop3A_637 = arith.index_cast %parallel_loop3A_636 : i32 to index
          %parallel_loop3A_638 = arith.index_cast %parallel_loop3A_148 : i32 to index
          %parallel_loop3A_639 = arith.constant 112 : index
          %parallel_loop3A_640 = tpu.vector_load %arg16[%parallel_loop3A_637, %parallel_loop3A_638, %parallel_loop3A_639] {strides = array<i32>} : memref<2x32x128xf32, #tpu.memory_space<vmem>>, vector<1x1x16xf32>,
          %parallel_loop3A_641 = vector.shape_cast %parallel_loop3A_640 : vector<1x1x16xf32> to vector<16xf32>
          %parallel_loop3A_642 = vector.shape_cast %parallel_loop3A_635 : vector<16xf32> to vector<1x1x16xf32>
          tpu.vector_store %arg16[%parallel_loop3A_637, %parallel_loop3A_638, %parallel_loop3A_639], %parallel_loop3A_642 {strides = array<i32>} : memref<2x32x128xf32, #tpu.memory_space<vmem>>, vector<1x1x16xf32>,
          %parallel_loop3A_643 = arith.constant 0.00999999977 : f32
          %parallel_loop3A_644 = vector.broadcast %parallel_loop3A_643 : f32 to vector<16xf32>
          %parallel_loop3A_645 = arith.mulf %parallel_loop3A_644, %parallel_loop3A_618 : vector<16xf32>
          %parallel_loop3A_646 = arith.maximumf %parallel_loop3A_618, %parallel_loop3A_645 : vector<16xf32>
          %parallel_loop3A_647 = arith.constant 16 : i32
          %parallel_loop3A_648 = arith.addi %parallel_loop3A_647, %parallel_loop3A_148 : i32
          %parallel_loop3A_649 = arith.constant 1 : i32
          %parallel_loop3A_650 = arith.index_cast %parallel_loop3A_649 : i32 to index
          %parallel_loop3A_651 = arith.index_cast %parallel_loop3A_648 : i32 to index
          %parallel_loop3A_652 = arith.constant 96 : index
          %parallel_loop3A_653 = tpu.vector_load %arg16[%parallel_loop3A_650, %parallel_loop3A_651, %parallel_loop3A_652] {strides = array<i32>} : memref<2x32x128xf32, #tpu.memory_space<vmem>>, vector<1x1x16xf32>,
          %parallel_loop3A_654 = vector.shape_cast %parallel_loop3A_653 : vector<1x1x16xf32> to vector<16xf32>
          %parallel_loop3A_655 = vector.shape_cast %parallel_loop3A_646 : vector<16xf32> to vector<1x1x16xf32>
          tpu.vector_store %arg16[%parallel_loop3A_650, %parallel_loop3A_651, %parallel_loop3A_652], %parallel_loop3A_655 {strides = array<i32>} : memref<2x32x128xf32, #tpu.memory_space<vmem>>, vector<1x1x16xf32>,
          %parallel_loop3A_656 = arith.constant 0.00999999977 : f32
          %parallel_loop3A_657 = vector.broadcast %parallel_loop3A_656 : f32 to vector<16xf32>
          %parallel_loop3A_658 = arith.mulf %parallel_loop3A_657, %parallel_loop3A_620 : vector<16xf32>
          %parallel_loop3A_659 = arith.maximumf %parallel_loop3A_620, %parallel_loop3A_658 : vector<16xf32>
          %parallel_loop3A_660 = arith.constant 16 : i32
          %parallel_loop3A_661 = arith.addi %parallel_loop3A_660, %parallel_loop3A_148 : i32
          %parallel_loop3A_662 = arith.constant 1 : i32
          %parallel_loop3A_663 = arith.index_cast %parallel_loop3A_662 : i32 to index
          %parallel_loop3A_664 = arith.index_cast %parallel_loop3A_661 : i32 to index
          %parallel_loop3A_665 = arith.constant 112 : index
          %parallel_loop3A_666 = tpu.vector_load %arg16[%parallel_loop3A_663, %parallel_loop3A_664, %parallel_loop3A_665] {strides = array<i32>} : memref<2x32x128xf32, #tpu.memory_space<vmem>>, vector<1x1x16xf32>,
          %parallel_loop3A_667 = vector.shape_cast %parallel_loop3A_666 : vector<1x1x16xf32> to vector<16xf32>
          %parallel_loop3A_668 = vector.shape_cast %parallel_loop3A_659 : vector<16xf32> to vector<1x1x16xf32>
          tpu.vector_store %arg16[%parallel_loop3A_663, %parallel_loop3A_664, %parallel_loop3A_665], %parallel_loop3A_668 {strides = array<i32>} : memref<2x32x128xf32, #tpu.memory_space<vmem>>, vector<1x1x16xf32>,
          %parallel_loop3A_669 = arith.constant 2 : i32
          %parallel_loop3A_670 = arith.muli %parallel_loop3A_669, %parallel_loop3A_144 : i32
          %parallel_loop3A_671 = arith.constant 1 : i32
          %parallel_loop3A_672 = arith.addi %parallel_loop3A_670, %parallel_loop3A_671 : i32
          %parallel_loop3A_673 = arith.constant 1 : i32
          %parallel_loop3A_674 = arith.index_cast %parallel_loop3A_673 : i32 to index
          %parallel_loop3A_675 = arith.index_cast %parallel_loop3A_144 : i32 to index
          %parallel_loop3A_676 = arith.constant 64 : index
          %parallel_loop3A_677 = tpu.vector_load %arg15[%parallel_loop3A_674, %parallel_loop3A_675, %parallel_loop3A_676] {strides = array<i32>} : memref<2x8x128xi32, #tpu.memory_space<vmem>>, vector<1x1x16xi32>,
          %parallel_loop3A_678 = vector.shape_cast %parallel_loop3A_677 : vector<1x1x16xi32> to vector<16xi32>
          %parallel_loop3A_679 = arith.constant 16 : i32
          %parallel_loop3A_680 = vector.broadcast %parallel_loop3A_679 : i32 to vector<16xi32>
          %parallel_loop3A_681 = arith.shli %parallel_loop3A_678, %parallel_loop3A_680 : vector<16xi32>
          %parallel_loop3A_682 = tpu.bitcast %parallel_loop3A_681 : vector<16xi32> -> vector<16xf32>
          %parallel_loop3A_683 = arith.constant -65536 : i32
          %parallel_loop3A_684 = vector.broadcast %parallel_loop3A_683 : i32 to vector<16xi32>
          %parallel_loop3A_685 = arith.andi %parallel_loop3A_678, %parallel_loop3A_684 : vector<16xi32>
          %parallel_loop3A_686 = tpu.bitcast %parallel_loop3A_685 : vector<16xi32> -> vector<16xf32>
          %parallel_loop3A_687 = arith.constant 1 : i32
          %parallel_loop3A_688 = arith.index_cast %parallel_loop3A_687 : i32 to index
          %parallel_loop3A_689 = arith.index_cast %parallel_loop3A_672 : i32 to index
          %parallel_loop3A_690 = arith.constant 0 : index
          %parallel_loop3A_691 = tpu.vector_load %arg14[%parallel_loop3A_688, %parallel_loop3A_689, %parallel_loop3A_690] {strides = array<i32>} : memref<2x32x128xi32, #tpu.memory_space<vmem>>, vector<1x1x16xi32>,
          %parallel_loop3A_692 = vector.shape_cast %parallel_loop3A_691 : vector<1x1x16xi32> to vector<16xi32>
          %parallel_loop3A_693 = arith.constant 16 : i32
          %parallel_loop3A_694 = vector.broadcast %parallel_loop3A_693 : i32 to vector<16xi32>
          %parallel_loop3A_695 = arith.shli %parallel_loop3A_692, %parallel_loop3A_694 : vector<16xi32>
          %parallel_loop3A_696 = tpu.bitcast %parallel_loop3A_695 : vector<16xi32> -> vector<16xf32>
          %parallel_loop3A_697 = arith.constant -65536 : i32
          %parallel_loop3A_698 = vector.broadcast %parallel_loop3A_697 : i32 to vector<16xi32>
          %parallel_loop3A_699 = arith.andi %parallel_loop3A_692, %parallel_loop3A_698 : vector<16xi32>
          %parallel_loop3A_700 = tpu.bitcast %parallel_loop3A_699 : vector<16xi32> -> vector<16xf32>
          %parallel_loop3A_701 = arith.constant 1 : i32
          %parallel_loop3A_702 = arith.index_cast %parallel_loop3A_701 : i32 to index
          %parallel_loop3A_703 = arith.index_cast %parallel_loop3A_672 : i32 to index
          %parallel_loop3A_704 = arith.constant 64 : index
          %parallel_loop3A_705 = tpu.vector_load %arg14[%parallel_loop3A_702, %parallel_loop3A_703, %parallel_loop3A_704] {strides = array<i32>} : memref<2x32x128xi32, #tpu.memory_space<vmem>>, vector<1x1x16xi32>,
          %parallel_loop3A_706 = vector.shape_cast %parallel_loop3A_705 : vector<1x1x16xi32> to vector<16xi32>
          %parallel_loop3A_707 = arith.constant 16 : i32
          %parallel_loop3A_708 = vector.broadcast %parallel_loop3A_707 : i32 to vector<16xi32>
          %parallel_loop3A_709 = arith.shli %parallel_loop3A_706, %parallel_loop3A_708 : vector<16xi32>
          %parallel_loop3A_710 = tpu.bitcast %parallel_loop3A_709 : vector<16xi32> -> vector<16xf32>
          %parallel_loop3A_711 = arith.constant -65536 : i32
          %parallel_loop3A_712 = vector.broadcast %parallel_loop3A_711 : i32 to vector<16xi32>
          %parallel_loop3A_713 = arith.andi %parallel_loop3A_706, %parallel_loop3A_712 : vector<16xi32>
          %parallel_loop3A_714 = tpu.bitcast %parallel_loop3A_713 : vector<16xi32> -> vector<16xf32>
          %parallel_loop3A_715 = arith.constant 16 : i32
          %parallel_loop3A_716 = arith.addi %parallel_loop3A_715, %parallel_loop3A_672 : i32
          %parallel_loop3A_717 = arith.constant 1 : i32
          %parallel_loop3A_718 = arith.index_cast %parallel_loop3A_717 : i32 to index
          %parallel_loop3A_719 = arith.index_cast %parallel_loop3A_716 : i32 to index
          %parallel_loop3A_720 = arith.constant 0 : index
          %parallel_loop3A_721 = tpu.vector_load %arg14[%parallel_loop3A_718, %parallel_loop3A_719, %parallel_loop3A_720] {strides = array<i32>} : memref<2x32x128xi32, #tpu.memory_space<vmem>>, vector<1x1x16xi32>,
          %parallel_loop3A_722 = vector.shape_cast %parallel_loop3A_721 : vector<1x1x16xi32> to vector<16xi32>
          %parallel_loop3A_723 = arith.constant 16 : i32
          %parallel_loop3A_724 = vector.broadcast %parallel_loop3A_723 : i32 to vector<16xi32>
          %parallel_loop3A_725 = arith.shli %parallel_loop3A_722, %parallel_loop3A_724 : vector<16xi32>
          %parallel_loop3A_726 = tpu.bitcast %parallel_loop3A_725 : vector<16xi32> -> vector<16xf32>
          %parallel_loop3A_727 = arith.constant -65536 : i32
          %parallel_loop3A_728 = vector.broadcast %parallel_loop3A_727 : i32 to vector<16xi32>
          %parallel_loop3A_729 = arith.andi %parallel_loop3A_722, %parallel_loop3A_728 : vector<16xi32>
          %parallel_loop3A_730 = tpu.bitcast %parallel_loop3A_729 : vector<16xi32> -> vector<16xf32>
          %parallel_loop3A_731 = arith.constant 16 : i32
          %parallel_loop3A_732 = arith.addi %parallel_loop3A_731, %parallel_loop3A_672 : i32
          %parallel_loop3A_733 = arith.constant 1 : i32
          %parallel_loop3A_734 = arith.index_cast %parallel_loop3A_733 : i32 to index
          %parallel_loop3A_735 = arith.index_cast %parallel_loop3A_732 : i32 to index
          %parallel_loop3A_736 = arith.constant 64 : index
          %parallel_loop3A_737 = tpu.vector_load %arg14[%parallel_loop3A_734, %parallel_loop3A_735, %parallel_loop3A_736] {strides = array<i32>} : memref<2x32x128xi32, #tpu.memory_space<vmem>>, vector<1x1x16xi32>,
          %parallel_loop3A_738 = vector.shape_cast %parallel_loop3A_737 : vector<1x1x16xi32> to vector<16xi32>
          %parallel_loop3A_739 = arith.constant 16 : i32
          %parallel_loop3A_740 = vector.broadcast %parallel_loop3A_739 : i32 to vector<16xi32>
          %parallel_loop3A_741 = arith.shli %parallel_loop3A_738, %parallel_loop3A_740 : vector<16xi32>
          %parallel_loop3A_742 = tpu.bitcast %parallel_loop3A_741 : vector<16xi32> -> vector<16xf32>
          %parallel_loop3A_743 = arith.constant -65536 : i32
          %parallel_loop3A_744 = vector.broadcast %parallel_loop3A_743 : i32 to vector<16xi32>
          %parallel_loop3A_745 = arith.andi %parallel_loop3A_738, %parallel_loop3A_744 : vector<16xi32>
          %parallel_loop3A_746 = tpu.bitcast %parallel_loop3A_745 : vector<16xi32> -> vector<16xf32>
          %parallel_loop3A_747 = arith.addf %parallel_loop3A_696, %parallel_loop3A_742 : vector<16xf32>
          %parallel_loop3A_748 = arith.addf %parallel_loop3A_747, %parallel_loop3A_682 : vector<16xf32>
          %parallel_loop3A_749 = arith.addf %parallel_loop3A_700, %parallel_loop3A_746 : vector<16xf32>
          %parallel_loop3A_750 = arith.addf %parallel_loop3A_749, %parallel_loop3A_686 : vector<16xf32>
          %parallel_loop3A_751 = arith.addf %parallel_loop3A_726, %parallel_loop3A_710 : vector<16xf32>
          %parallel_loop3A_752 = arith.addf %parallel_loop3A_751, %parallel_loop3A_682 : vector<16xf32>
          %parallel_loop3A_753 = arith.addf %parallel_loop3A_730, %parallel_loop3A_714 : vector<16xf32>
          %parallel_loop3A_754 = arith.addf %parallel_loop3A_753, %parallel_loop3A_686 : vector<16xf32>
          %parallel_loop3A_755 = arith.constant 0.00999999977 : f32
          %parallel_loop3A_756 = vector.broadcast %parallel_loop3A_755 : f32 to vector<16xf32>
          %parallel_loop3A_757 = arith.mulf %parallel_loop3A_756, %parallel_loop3A_748 : vector<16xf32>
          %parallel_loop3A_758 = arith.maximumf %parallel_loop3A_748, %parallel_loop3A_757 : vector<16xf32>
          %parallel_loop3A_759 = arith.constant 1 : i32
          %parallel_loop3A_760 = arith.index_cast %parallel_loop3A_759 : i32 to index
          %parallel_loop3A_761 = arith.index_cast %parallel_loop3A_672 : i32 to index
          %parallel_loop3A_762 = arith.constant 0 : index
          %parallel_loop3A_763 = tpu.vector_load %arg16[%parallel_loop3A_760, %parallel_loop3A_761, %parallel_loop3A_762] {strides = array<i32>} : memref<2x32x128xf32, #tpu.memory_space<vmem>>, vector<1x1x16xf32>,
          %parallel_loop3A_764 = vector.shape_cast %parallel_loop3A_763 : vector<1x1x16xf32> to vector<16xf32>
          %parallel_loop3A_765 = vector.shape_cast %parallel_loop3A_758 : vector<16xf32> to vector<1x1x16xf32>
          tpu.vector_store %arg16[%parallel_loop3A_760, %parallel_loop3A_761, %parallel_loop3A_762], %parallel_loop3A_765 {strides = array<i32>} : memref<2x32x128xf32, #tpu.memory_space<vmem>>, vector<1x1x16xf32>,
          %parallel_loop3A_766 = arith.constant 0.00999999977 : f32
          %parallel_loop3A_767 = vector.broadcast %parallel_loop3A_766 : f32 to vector<16xf32>
          %parallel_loop3A_768 = arith.mulf %parallel_loop3A_767, %parallel_loop3A_750 : vector<16xf32>
          %parallel_loop3A_769 = arith.maximumf %parallel_loop3A_750, %parallel_loop3A_768 : vector<16xf32>
          %parallel_loop3A_770 = arith.constant 1 : i32
          %parallel_loop3A_771 = arith.index_cast %parallel_loop3A_770 : i32 to index
          %parallel_loop3A_772 = arith.index_cast %parallel_loop3A_672 : i32 to index
          %parallel_loop3A_773 = arith.constant 16 : index
          %parallel_loop3A_774 = tpu.vector_load %arg16[%parallel_loop3A_771, %parallel_loop3A_772, %parallel_loop3A_773] {strides = array<i32>} : memref<2x32x128xf32, #tpu.memory_space<vmem>>, vector<1x1x16xf32>,
          %parallel_loop3A_775 = vector.shape_cast %parallel_loop3A_774 : vector<1x1x16xf32> to vector<16xf32>
          %parallel_loop3A_776 = vector.shape_cast %parallel_loop3A_769 : vector<16xf32> to vector<1x1x16xf32>
          tpu.vector_store %arg16[%parallel_loop3A_771, %parallel_loop3A_772, %parallel_loop3A_773], %parallel_loop3A_776 {strides = array<i32>} : memref<2x32x128xf32, #tpu.memory_space<vmem>>, vector<1x1x16xf32>,
          %parallel_loop3A_777 = arith.constant 0.00999999977 : f32
          %parallel_loop3A_778 = vector.broadcast %parallel_loop3A_777 : f32 to vector<16xf32>
          %parallel_loop3A_779 = arith.mulf %parallel_loop3A_778, %parallel_loop3A_752 : vector<16xf32>
          %parallel_loop3A_780 = arith.maximumf %parallel_loop3A_752, %parallel_loop3A_779 : vector<16xf32>
          %parallel_loop3A_781 = arith.constant 16 : i32
          %parallel_loop3A_782 = arith.addi %parallel_loop3A_781, %parallel_loop3A_672 : i32
          %parallel_loop3A_783 = arith.constant 1 : i32
          %parallel_loop3A_784 = arith.index_cast %parallel_loop3A_783 : i32 to index
          %parallel_loop3A_785 = arith.index_cast %parallel_loop3A_782 : i32 to index
          %parallel_loop3A_786 = arith.constant 0 : index
          %parallel_loop3A_787 = tpu.vector_load %arg16[%parallel_loop3A_784, %parallel_loop3A_785, %parallel_loop3A_786] {strides = array<i32>} : memref<2x32x128xf32, #tpu.memory_space<vmem>>, vector<1x1x16xf32>,
          %parallel_loop3A_788 = vector.shape_cast %parallel_loop3A_787 : vector<1x1x16xf32> to vector<16xf32>
          %parallel_loop3A_789 = vector.shape_cast %parallel_loop3A_780 : vector<16xf32> to vector<1x1x16xf32>
          tpu.vector_store %arg16[%parallel_loop3A_784, %parallel_loop3A_785, %parallel_loop3A_786], %parallel_loop3A_789 {strides = array<i32>} : memref<2x32x128xf32, #tpu.memory_space<vmem>>, vector<1x1x16xf32>,
          %parallel_loop3A_790 = arith.constant 0.00999999977 : f32
          %parallel_loop3A_791 = vector.broadcast %parallel_loop3A_790 : f32 to vector<16xf32>
          %parallel_loop3A_792 = arith.mulf %parallel_loop3A_791, %parallel_loop3A_754 : vector<16xf32>
          %parallel_loop3A_793 = arith.maximumf %parallel_loop3A_754, %parallel_loop3A_792 : vector<16xf32>
          %parallel_loop3A_794 = arith.constant 16 : i32
          %parallel_loop3A_795 = arith.addi %parallel_loop3A_794, %parallel_loop3A_672 : i32
          %parallel_loop3A_796 = arith.constant 1 : i32
          %parallel_loop3A_797 = arith.index_cast %parallel_loop3A_796 : i32 to index
          %parallel_loop3A_798 = arith.index_cast %parallel_loop3A_795 : i32 to index
          %parallel_loop3A_799 = arith.constant 16 : index
          %parallel_loop3A_800 = tpu.vector_load %arg16[%parallel_loop3A_797, %parallel_loop3A_798, %parallel_loop3A_799] {strides = array<i32>} : memref<2x32x128xf32, #tpu.memory_space<vmem>>, vector<1x1x16xf32>,
          %parallel_loop3A_801 = vector.shape_cast %parallel_loop3A_800 : vector<1x1x16xf32> to vector<16xf32>
          %parallel_loop3A_802 = vector.shape_cast %parallel_loop3A_793 : vector<16xf32> to vector<1x1x16xf32>
          tpu.vector_store %arg16[%parallel_loop3A_797, %parallel_loop3A_798, %parallel_loop3A_799], %parallel_loop3A_802 {strides = array<i32>} : memref<2x32x128xf32, #tpu.memory_space<vmem>>, vector<1x1x16xf32>,
          %parallel_loop3A_803 = arith.constant 1 : i32
          %parallel_loop3A_804 = arith.index_cast %parallel_loop3A_803 : i32 to index
          %parallel_loop3A_805 = arith.index_cast %parallel_loop3A_144 : i32 to index
          %parallel_loop3A_806 = arith.constant 80 : index
          %parallel_loop3A_807 = tpu.vector_load %arg15[%parallel_loop3A_804, %parallel_loop3A_805, %parallel_loop3A_806] {strides = array<i32>} : memref<2x8x128xi32, #tpu.memory_space<vmem>>, vector<1x1x16xi32>,
          %parallel_loop3A_808 = vector.shape_cast %parallel_loop3A_807 : vector<1x1x16xi32> to vector<16xi32>
          %parallel_loop3A_809 = arith.constant 16 : i32
          %parallel_loop3A_810 = vector.broadcast %parallel_loop3A_809 : i32 to vector<16xi32>
          %parallel_loop3A_811 = arith.shli %parallel_loop3A_808, %parallel_loop3A_810 : vector<16xi32>
          %parallel_loop3A_812 = tpu.bitcast %parallel_loop3A_811 : vector<16xi32> -> vector<16xf32>
          %parallel_loop3A_813 = arith.constant -65536 : i32
          %parallel_loop3A_814 = vector.broadcast %parallel_loop3A_813 : i32 to vector<16xi32>
          %parallel_loop3A_815 = arith.andi %parallel_loop3A_808, %parallel_loop3A_814 : vector<16xi32>
          %parallel_loop3A_816 = tpu.bitcast %parallel_loop3A_815 : vector<16xi32> -> vector<16xf32>
          %parallel_loop3A_817 = arith.constant 1 : i32
          %parallel_loop3A_818 = arith.index_cast %parallel_loop3A_817 : i32 to index
          %parallel_loop3A_819 = arith.index_cast %parallel_loop3A_672 : i32 to index
          %parallel_loop3A_820 = arith.constant 16 : index
          %parallel_loop3A_821 = tpu.vector_load %arg14[%parallel_loop3A_818, %parallel_loop3A_819, %parallel_loop3A_820] {strides = array<i32>} : memref<2x32x128xi32, #tpu.memory_space<vmem>>, vector<1x1x16xi32>,
          %parallel_loop3A_822 = vector.shape_cast %parallel_loop3A_821 : vector<1x1x16xi32> to vector<16xi32>
          %parallel_loop3A_823 = arith.constant 16 : i32
          %parallel_loop3A_824 = vector.broadcast %parallel_loop3A_823 : i32 to vector<16xi32>
          %parallel_loop3A_825 = arith.shli %parallel_loop3A_822, %parallel_loop3A_824 : vector<16xi32>
          %parallel_loop3A_826 = tpu.bitcast %parallel_loop3A_825 : vector<16xi32> -> vector<16xf32>
          %parallel_loop3A_827 = arith.constant -65536 : i32
          %parallel_loop3A_828 = vector.broadcast %parallel_loop3A_827 : i32 to vector<16xi32>
          %parallel_loop3A_829 = arith.andi %parallel_loop3A_822, %parallel_loop3A_828 : vector<16xi32>
          %parallel_loop3A_830 = tpu.bitcast %parallel_loop3A_829 : vector<16xi32> -> vector<16xf32>
          %parallel_loop3A_831 = arith.constant 1 : i32
          %parallel_loop3A_832 = arith.index_cast %parallel_loop3A_831 : i32 to index
          %parallel_loop3A_833 = arith.index_cast %parallel_loop3A_672 : i32 to index
          %parallel_loop3A_834 = arith.constant 80 : index
          %parallel_loop3A_835 = tpu.vector_load %arg14[%parallel_loop3A_832, %parallel_loop3A_833, %parallel_loop3A_834] {strides = array<i32>} : memref<2x32x128xi32, #tpu.memory_space<vmem>>, vector<1x1x16xi32>,
          %parallel_loop3A_836 = vector.shape_cast %parallel_loop3A_835 : vector<1x1x16xi32> to vector<16xi32>
          %parallel_loop3A_837 = arith.constant 16 : i32
          %parallel_loop3A_838 = vector.broadcast %parallel_loop3A_837 : i32 to vector<16xi32>
          %parallel_loop3A_839 = arith.shli %parallel_loop3A_836, %parallel_loop3A_838 : vector<16xi32>
          %parallel_loop3A_840 = tpu.bitcast %parallel_loop3A_839 : vector<16xi32> -> vector<16xf32>
          %parallel_loop3A_841 = arith.constant -65536 : i32
          %parallel_loop3A_842 = vector.broadcast %parallel_loop3A_841 : i32 to vector<16xi32>
          %parallel_loop3A_843 = arith.andi %parallel_loop3A_836, %parallel_loop3A_842 : vector<16xi32>
          %parallel_loop3A_844 = tpu.bitcast %parallel_loop3A_843 : vector<16xi32> -> vector<16xf32>
          %parallel_loop3A_845 = arith.constant 16 : i32
          %parallel_loop3A_846 = arith.addi %parallel_loop3A_845, %parallel_loop3A_672 : i32
          %parallel_loop3A_847 = arith.constant 1 : i32
          %parallel_loop3A_848 = arith.index_cast %parallel_loop3A_847 : i32 to index
          %parallel_loop3A_849 = arith.index_cast %parallel_loop3A_846 : i32 to index
          %parallel_loop3A_850 = arith.constant 16 : index
          %parallel_loop3A_851 = tpu.vector_load %arg14[%parallel_loop3A_848, %parallel_loop3A_849, %parallel_loop3A_850] {strides = array<i32>} : memref<2x32x128xi32, #tpu.memory_space<vmem>>, vector<1x1x16xi32>,
          %parallel_loop3A_852 = vector.shape_cast %parallel_loop3A_851 : vector<1x1x16xi32> to vector<16xi32>
          %parallel_loop3A_853 = arith.constant 16 : i32
          %parallel_loop3A_854 = vector.broadcast %parallel_loop3A_853 : i32 to vector<16xi32>
          %parallel_loop3A_855 = arith.shli %parallel_loop3A_852, %parallel_loop3A_854 : vector<16xi32>
          %parallel_loop3A_856 = tpu.bitcast %parallel_loop3A_855 : vector<16xi32> -> vector<16xf32>
          %parallel_loop3A_857 = arith.constant -65536 : i32
          %parallel_loop3A_858 = vector.broadcast %parallel_loop3A_857 : i32 to vector<16xi32>
          %parallel_loop3A_859 = arith.andi %parallel_loop3A_852, %parallel_loop3A_858 : vector<16xi32>
          %parallel_loop3A_860 = tpu.bitcast %parallel_loop3A_859 : vector<16xi32> -> vector<16xf32>
          %parallel_loop3A_861 = arith.constant 16 : i32
          %parallel_loop3A_862 = arith.addi %parallel_loop3A_861, %parallel_loop3A_672 : i32
          %parallel_loop3A_863 = arith.constant 1 : i32
          %parallel_loop3A_864 = arith.index_cast %parallel_loop3A_863 : i32 to index
          %parallel_loop3A_865 = arith.index_cast %parallel_loop3A_862 : i32 to index
          %parallel_loop3A_866 = arith.constant 80 : index
          %parallel_loop3A_867 = tpu.vector_load %arg14[%parallel_loop3A_864, %parallel_loop3A_865, %parallel_loop3A_866] {strides = array<i32>} : memref<2x32x128xi32, #tpu.memory_space<vmem>>, vector<1x1x16xi32>,
          %parallel_loop3A_868 = vector.shape_cast %parallel_loop3A_867 : vector<1x1x16xi32> to vector<16xi32>
          %parallel_loop3A_869 = arith.constant 16 : i32
          %parallel_loop3A_870 = vector.broadcast %parallel_loop3A_869 : i32 to vector<16xi32>
          %parallel_loop3A_871 = arith.shli %parallel_loop3A_868, %parallel_loop3A_870 : vector<16xi32>
          %parallel_loop3A_872 = tpu.bitcast %parallel_loop3A_871 : vector<16xi32> -> vector<16xf32>
          %parallel_loop3A_873 = arith.constant -65536 : i32
          %parallel_loop3A_874 = vector.broadcast %parallel_loop3A_873 : i32 to vector<16xi32>
          %parallel_loop3A_875 = arith.andi %parallel_loop3A_868, %parallel_loop3A_874 : vector<16xi32>
          %parallel_loop3A_876 = tpu.bitcast %parallel_loop3A_875 : vector<16xi32> -> vector<16xf32>
          %parallel_loop3A_877 = arith.addf %parallel_loop3A_826, %parallel_loop3A_872 : vector<16xf32>
          %parallel_loop3A_878 = arith.addf %parallel_loop3A_877, %parallel_loop3A_812 : vector<16xf32>
          %parallel_loop3A_879 = arith.addf %parallel_loop3A_830, %parallel_loop3A_876 : vector<16xf32>
          %parallel_loop3A_880 = arith.addf %parallel_loop3A_879, %parallel_loop3A_816 : vector<16xf32>
          %parallel_loop3A_881 = arith.addf %parallel_loop3A_856, %parallel_loop3A_840 : vector<16xf32>
          %parallel_loop3A_882 = arith.addf %parallel_loop3A_881, %parallel_loop3A_812 : vector<16xf32>
          %parallel_loop3A_883 = arith.addf %parallel_loop3A_860, %parallel_loop3A_844 : vector<16xf32>
          %parallel_loop3A_884 = arith.addf %parallel_loop3A_883, %parallel_loop3A_816 : vector<16xf32>
          %parallel_loop3A_885 = arith.constant 0.00999999977 : f32
          %parallel_loop3A_886 = vector.broadcast %parallel_loop3A_885 : f32 to vector<16xf32>
          %parallel_loop3A_887 = arith.mulf %parallel_loop3A_886, %parallel_loop3A_878 : vector<16xf32>
          %parallel_loop3A_888 = arith.maximumf %parallel_loop3A_878, %parallel_loop3A_887 : vector<16xf32>
          %parallel_loop3A_889 = arith.constant 1 : i32
          %parallel_loop3A_890 = arith.index_cast %parallel_loop3A_889 : i32 to index
          %parallel_loop3A_891 = arith.index_cast %parallel_loop3A_672 : i32 to index
          %parallel_loop3A_892 = arith.constant 32 : index
          %parallel_loop3A_893 = tpu.vector_load %arg16[%parallel_loop3A_890, %parallel_loop3A_891, %parallel_loop3A_892] {strides = array<i32>} : memref<2x32x128xf32, #tpu.memory_space<vmem>>, vector<1x1x16xf32>,
          %parallel_loop3A_894 = vector.shape_cast %parallel_loop3A_893 : vector<1x1x16xf32> to vector<16xf32>
          %parallel_loop3A_895 = vector.shape_cast %parallel_loop3A_888 : vector<16xf32> to vector<1x1x16xf32>
          tpu.vector_store %arg16[%parallel_loop3A_890, %parallel_loop3A_891, %parallel_loop3A_892], %parallel_loop3A_895 {strides = array<i32>} : memref<2x32x128xf32, #tpu.memory_space<vmem>>, vector<1x1x16xf32>,
          %parallel_loop3A_896 = arith.constant 0.00999999977 : f32
          %parallel_loop3A_897 = vector.broadcast %parallel_loop3A_896 : f32 to vector<16xf32>
          %parallel_loop3A_898 = arith.mulf %parallel_loop3A_897, %parallel_loop3A_880 : vector<16xf32>
          %parallel_loop3A_899 = arith.maximumf %parallel_loop3A_880, %parallel_loop3A_898 : vector<16xf32>
          %parallel_loop3A_900 = arith.constant 1 : i32
          %parallel_loop3A_901 = arith.index_cast %parallel_loop3A_900 : i32 to index
          %parallel_loop3A_902 = arith.index_cast %parallel_loop3A_672 : i32 to index
          %parallel_loop3A_903 = arith.constant 48 : index
          %parallel_loop3A_904 = tpu.vector_load %arg16[%parallel_loop3A_901, %parallel_loop3A_902, %parallel_loop3A_903] {strides = array<i32>} : memref<2x32x128xf32, #tpu.memory_space<vmem>>, vector<1x1x16xf32>,
          %parallel_loop3A_905 = vector.shape_cast %parallel_loop3A_904 : vector<1x1x16xf32> to vector<16xf32>
          %parallel_loop3A_906 = vector.shape_cast %parallel_loop3A_899 : vector<16xf32> to vector<1x1x16xf32>
          tpu.vector_store %arg16[%parallel_loop3A_901, %parallel_loop3A_902, %parallel_loop3A_903], %parallel_loop3A_906 {strides = array<i32>} : memref<2x32x128xf32, #tpu.memory_space<vmem>>, vector<1x1x16xf32>,
          %parallel_loop3A_907 = arith.constant 0.00999999977 : f32
          %parallel_loop3A_908 = vector.broadcast %parallel_loop3A_907 : f32 to vector<16xf32>
          %parallel_loop3A_909 = arith.mulf %parallel_loop3A_908, %parallel_loop3A_882 : vector<16xf32>
          %parallel_loop3A_910 = arith.maximumf %parallel_loop3A_882, %parallel_loop3A_909 : vector<16xf32>
          %parallel_loop3A_911 = arith.constant 16 : i32
          %parallel_loop3A_912 = arith.addi %parallel_loop3A_911, %parallel_loop3A_672 : i32
          %parallel_loop3A_913 = arith.constant 1 : i32
          %parallel_loop3A_914 = arith.index_cast %parallel_loop3A_913 : i32 to index
          %parallel_loop3A_915 = arith.index_cast %parallel_loop3A_912 : i32 to index
          %parallel_loop3A_916 = arith.constant 32 : index
          %parallel_loop3A_917 = tpu.vector_load %arg16[%parallel_loop3A_914, %parallel_loop3A_915, %parallel_loop3A_916] {strides = array<i32>} : memref<2x32x128xf32, #tpu.memory_space<vmem>>, vector<1x1x16xf32>,
          %parallel_loop3A_918 = vector.shape_cast %parallel_loop3A_917 : vector<1x1x16xf32> to vector<16xf32>
          %parallel_loop3A_919 = vector.shape_cast %parallel_loop3A_910 : vector<16xf32> to vector<1x1x16xf32>
          tpu.vector_store %arg16[%parallel_loop3A_914, %parallel_loop3A_915, %parallel_loop3A_916], %parallel_loop3A_919 {strides = array<i32>} : memref<2x32x128xf32, #tpu.memory_space<vmem>>, vector<1x1x16xf32>,
          %parallel_loop3A_920 = arith.constant 0.00999999977 : f32
          %parallel_loop3A_921 = vector.broadcast %parallel_loop3A_920 : f32 to vector<16xf32>
          %parallel_loop3A_922 = arith.mulf %parallel_loop3A_921, %parallel_loop3A_884 : vector<16xf32>
          %parallel_loop3A_923 = arith.maximumf %parallel_loop3A_884, %parallel_loop3A_922 : vector<16xf32>
          %parallel_loop3A_924 = arith.constant 16 : i32
          %parallel_loop3A_925 = arith.addi %parallel_loop3A_924, %parallel_loop3A_672 : i32
          %parallel_loop3A_926 = arith.constant 1 : i32
          %parallel_loop3A_927 = arith.index_cast %parallel_loop3A_926 : i32 to index
          %parallel_loop3A_928 = arith.index_cast %parallel_loop3A_925 : i32 to index
          %parallel_loop3A_929 = arith.constant 48 : index
          %parallel_loop3A_930 = tpu.vector_load %arg16[%parallel_loop3A_927, %parallel_loop3A_928, %parallel_loop3A_929] {strides = array<i32>} : memref<2x32x128xf32, #tpu.memory_space<vmem>>, vector<1x1x16xf32>,
          %parallel_loop3A_931 = vector.shape_cast %parallel_loop3A_930 : vector<1x1x16xf32> to vector<16xf32>
          %parallel_loop3A_932 = vector.shape_cast %parallel_loop3A_923 : vector<16xf32> to vector<1x1x16xf32>
          tpu.vector_store %arg16[%parallel_loop3A_927, %parallel_loop3A_928, %parallel_loop3A_929], %parallel_loop3A_932 {strides = array<i32>} : memref<2x32x128xf32, #tpu.memory_space<vmem>>, vector<1x1x16xf32>,
          %parallel_loop3A_933 = arith.constant 1 : i32
          %parallel_loop3A_934 = arith.index_cast %parallel_loop3A_933 : i32 to index
          %parallel_loop3A_935 = arith.index_cast %parallel_loop3A_144 : i32 to index
          %parallel_loop3A_936 = arith.constant 96 : index
          %parallel_loop3A_937 = tpu.vector_load %arg15[%parallel_loop3A_934, %parallel_loop3A_935, %parallel_loop3A_936] {strides = array<i32>} : memref<2x8x128xi32, #tpu.memory_space<vmem>>, vector<1x1x16xi32>,
          %parallel_loop3A_938 = vector.shape_cast %parallel_loop3A_937 : vector<1x1x16xi32> to vector<16xi32>
          %parallel_loop3A_939 = arith.constant 16 : i32
          %parallel_loop3A_940 = vector.broadcast %parallel_loop3A_939 : i32 to vector<16xi32>
          %parallel_loop3A_941 = arith.shli %parallel_loop3A_938, %parallel_loop3A_940 : vector<16xi32>
          %parallel_loop3A_942 = tpu.bitcast %parallel_loop3A_941 : vector<16xi32> -> vector<16xf32>
          %parallel_loop3A_943 = arith.constant -65536 : i32
          %parallel_loop3A_944 = vector.broadcast %parallel_loop3A_943 : i32 to vector<16xi32>
          %parallel_loop3A_945 = arith.andi %parallel_loop3A_938, %parallel_loop3A_944 : vector<16xi32>
          %parallel_loop3A_946 = tpu.bitcast %parallel_loop3A_945 : vector<16xi32> -> vector<16xf32>
          %parallel_loop3A_947 = arith.constant 1 : i32
          %parallel_loop3A_948 = arith.index_cast %parallel_loop3A_947 : i32 to index
          %parallel_loop3A_949 = arith.index_cast %parallel_loop3A_672 : i32 to index
          %parallel_loop3A_950 = arith.constant 32 : index
          %parallel_loop3A_951 = tpu.vector_load %arg14[%parallel_loop3A_948, %parallel_loop3A_949, %parallel_loop3A_950] {strides = array<i32>} : memref<2x32x128xi32, #tpu.memory_space<vmem>>, vector<1x1x16xi32>,
          %parallel_loop3A_952 = vector.shape_cast %parallel_loop3A_951 : vector<1x1x16xi32> to vector<16xi32>
          %parallel_loop3A_953 = arith.constant 16 : i32
          %parallel_loop3A_954 = vector.broadcast %parallel_loop3A_953 : i32 to vector<16xi32>
          %parallel_loop3A_955 = arith.shli %parallel_loop3A_952, %parallel_loop3A_954 : vector<16xi32>
          %parallel_loop3A_956 = tpu.bitcast %parallel_loop3A_955 : vector<16xi32> -> vector<16xf32>
          %parallel_loop3A_957 = arith.constant -65536 : i32
          %parallel_loop3A_958 = vector.broadcast %parallel_loop3A_957 : i32 to vector<16xi32>
          %parallel_loop3A_959 = arith.andi %parallel_loop3A_952, %parallel_loop3A_958 : vector<16xi32>
          %parallel_loop3A_960 = tpu.bitcast %parallel_loop3A_959 : vector<16xi32> -> vector<16xf32>
          %parallel_loop3A_961 = arith.constant 1 : i32
          %parallel_loop3A_962 = arith.index_cast %parallel_loop3A_961 : i32 to index
          %parallel_loop3A_963 = arith.index_cast %parallel_loop3A_672 : i32 to index
          %parallel_loop3A_964 = arith.constant 96 : index
          %parallel_loop3A_965 = tpu.vector_load %arg14[%parallel_loop3A_962, %parallel_loop3A_963, %parallel_loop3A_964] {strides = array<i32>} : memref<2x32x128xi32, #tpu.memory_space<vmem>>, vector<1x1x16xi32>,
          %parallel_loop3A_966 = vector.shape_cast %parallel_loop3A_965 : vector<1x1x16xi32> to vector<16xi32>
          %parallel_loop3A_967 = arith.constant 16 : i32
          %parallel_loop3A_968 = vector.broadcast %parallel_loop3A_967 : i32 to vector<16xi32>
          %parallel_loop3A_969 = arith.shli %parallel_loop3A_966, %parallel_loop3A_968 : vector<16xi32>
          %parallel_loop3A_970 = tpu.bitcast %parallel_loop3A_969 : vector<16xi32> -> vector<16xf32>
          %parallel_loop3A_971 = arith.constant -65536 : i32
          %parallel_loop3A_972 = vector.broadcast %parallel_loop3A_971 : i32 to vector<16xi32>
          %parallel_loop3A_973 = arith.andi %parallel_loop3A_966, %parallel_loop3A_972 : vector<16xi32>
          %parallel_loop3A_974 = tpu.bitcast %parallel_loop3A_973 : vector<16xi32> -> vector<16xf32>
          %parallel_loop3A_975 = arith.constant 16 : i32
          %parallel_loop3A_976 = arith.addi %parallel_loop3A_975, %parallel_loop3A_672 : i32
          %parallel_loop3A_977 = arith.constant 1 : i32
          %parallel_loop3A_978 = arith.index_cast %parallel_loop3A_977 : i32 to index
          %parallel_loop3A_979 = arith.index_cast %parallel_loop3A_976 : i32 to index
          %parallel_loop3A_980 = arith.constant 32 : index
          %parallel_loop3A_981 = tpu.vector_load %arg14[%parallel_loop3A_978, %parallel_loop3A_979, %parallel_loop3A_980] {strides = array<i32>} : memref<2x32x128xi32, #tpu.memory_space<vmem>>, vector<1x1x16xi32>,
          %parallel_loop3A_982 = vector.shape_cast %parallel_loop3A_981 : vector<1x1x16xi32> to vector<16xi32>
          %parallel_loop3A_983 = arith.constant 16 : i32
          %parallel_loop3A_984 = vector.broadcast %parallel_loop3A_983 : i32 to vector<16xi32>
          %parallel_loop3A_985 = arith.shli %parallel_loop3A_982, %parallel_loop3A_984 : vector<16xi32>
          %parallel_loop3A_986 = tpu.bitcast %parallel_loop3A_985 : vector<16xi32> -> vector<16xf32>
          %parallel_loop3A_987 = arith.constant -65536 : i32
          %parallel_loop3A_988 = vector.broadcast %parallel_loop3A_987 : i32 to vector<16xi32>
          %parallel_loop3A_989 = arith.andi %parallel_loop3A_982, %parallel_loop3A_988 : vector<16xi32>
          %parallel_loop3A_990 = tpu.bitcast %parallel_loop3A_989 : vector<16xi32> -> vector<16xf32>
          %parallel_loop3A_991 = arith.constant 16 : i32
          %parallel_loop3A_992 = arith.addi %parallel_loop3A_991, %parallel_loop3A_672 : i32
          %parallel_loop3A_993 = arith.constant 1 : i32
          %parallel_loop3A_994 = arith.index_cast %parallel_loop3A_993 : i32 to index
          %parallel_loop3A_995 = arith.index_cast %parallel_loop3A_992 : i32 to index
          %parallel_loop3A_996 = arith.constant 96 : index
          %parallel_loop3A_997 = tpu.vector_load %arg14[%parallel_loop3A_994, %parallel_loop3A_995, %parallel_loop3A_996] {strides = array<i32>} : memref<2x32x128xi32, #tpu.memory_space<vmem>>, vector<1x1x16xi32>,
          %parallel_loop3A_998 = vector.shape_cast %parallel_loop3A_997 : vector<1x1x16xi32> to vector<16xi32>
          %parallel_loop3A_999 = arith.constant 16 : i32
          %parallel_loop3A_1000 = vector.broadcast %parallel_loop3A_999 : i32 to vector<16xi32>
          %parallel_loop3A_1001 = arith.shli %parallel_loop3A_998, %parallel_loop3A_1000 : vector<16xi32>
          %parallel_loop3A_1002 = tpu.bitcast %parallel_loop3A_1001 : vector<16xi32> -> vector<16xf32>
          %parallel_loop3A_1003 = arith.constant -65536 : i32
          %parallel_loop3A_1004 = vector.broadcast %parallel_loop3A_1003 : i32 to vector<16xi32>
          %parallel_loop3A_1005 = arith.andi %parallel_loop3A_998, %parallel_loop3A_1004 : vector<16xi32>
          %parallel_loop3A_1006 = tpu.bitcast %parallel_loop3A_1005 : vector<16xi32> -> vector<16xf32>
          %parallel_loop3A_1007 = arith.addf %parallel_loop3A_956, %parallel_loop3A_1002 : vector<16xf32>
          %parallel_loop3A_1008 = arith.addf %parallel_loop3A_1007, %parallel_loop3A_942 : vector<16xf32>
          %parallel_loop3A_1009 = arith.addf %parallel_loop3A_960, %parallel_loop3A_1006 : vector<16xf32>
          %parallel_loop3A_1010 = arith.addf %parallel_loop3A_1009, %parallel_loop3A_946 : vector<16xf32>
          %parallel_loop3A_1011 = arith.addf %parallel_loop3A_986, %parallel_loop3A_970 : vector<16xf32>
          %parallel_loop3A_1012 = arith.addf %parallel_loop3A_1011, %parallel_loop3A_942 : vector<16xf32>
          %parallel_loop3A_1013 = arith.addf %parallel_loop3A_990, %parallel_loop3A_974 : vector<16xf32>
          %parallel_loop3A_1014 = arith.addf %parallel_loop3A_1013, %parallel_loop3A_946 : vector<16xf32>
          %parallel_loop3A_1015 = arith.constant 0.00999999977 : f32
          %parallel_loop3A_1016 = vector.broadcast %parallel_loop3A_1015 : f32 to vector<16xf32>
          %parallel_loop3A_1017 = arith.mulf %parallel_loop3A_1016, %parallel_loop3A_1008 : vector<16xf32>
          %parallel_loop3A_1018 = arith.maximumf %parallel_loop3A_1008, %parallel_loop3A_1017 : vector<16xf32>
          %parallel_loop3A_1019 = arith.constant 1 : i32
          %parallel_loop3A_1020 = arith.index_cast %parallel_loop3A_1019 : i32 to index
          %parallel_loop3A_1021 = arith.index_cast %parallel_loop3A_672 : i32 to index
          %parallel_loop3A_1022 = arith.constant 64 : index
          %parallel_loop3A_1023 = tpu.vector_load %arg16[%parallel_loop3A_1020, %parallel_loop3A_1021, %parallel_loop3A_1022] {strides = array<i32>} : memref<2x32x128xf32, #tpu.memory_space<vmem>>, vector<1x1x16xf32>,
          %parallel_loop3A_1024 = vector.shape_cast %parallel_loop3A_1023 : vector<1x1x16xf32> to vector<16xf32>
          %parallel_loop3A_1025 = vector.shape_cast %parallel_loop3A_1018 : vector<16xf32> to vector<1x1x16xf32>
          tpu.vector_store %arg16[%parallel_loop3A_1020, %parallel_loop3A_1021, %parallel_loop3A_1022], %parallel_loop3A_1025 {strides = array<i32>} : memref<2x32x128xf32, #tpu.memory_space<vmem>>, vector<1x1x16xf32>,
          %parallel_loop3A_1026 = arith.constant 0.00999999977 : f32
          %parallel_loop3A_1027 = vector.broadcast %parallel_loop3A_1026 : f32 to vector<16xf32>
          %parallel_loop3A_1028 = arith.mulf %parallel_loop3A_1027, %parallel_loop3A_1010 : vector<16xf32>
          %parallel_loop3A_1029 = arith.maximumf %parallel_loop3A_1010, %parallel_loop3A_1028 : vector<16xf32>
          %parallel_loop3A_1030 = arith.constant 1 : i32
          %parallel_loop3A_1031 = arith.index_cast %parallel_loop3A_1030 : i32 to index
          %parallel_loop3A_1032 = arith.index_cast %parallel_loop3A_672 : i32 to index
          %parallel_loop3A_1033 = arith.constant 80 : index
          %parallel_loop3A_1034 = tpu.vector_load %arg16[%parallel_loop3A_1031, %parallel_loop3A_1032, %parallel_loop3A_1033] {strides = array<i32>} : memref<2x32x128xf32, #tpu.memory_space<vmem>>, vector<1x1x16xf32>,
          %parallel_loop3A_1035 = vector.shape_cast %parallel_loop3A_1034 : vector<1x1x16xf32> to vector<16xf32>
          %parallel_loop3A_1036 = vector.shape_cast %parallel_loop3A_1029 : vector<16xf32> to vector<1x1x16xf32>
          tpu.vector_store %arg16[%parallel_loop3A_1031, %parallel_loop3A_1032, %parallel_loop3A_1033], %parallel_loop3A_1036 {strides = array<i32>} : memref<2x32x128xf32, #tpu.memory_space<vmem>>, vector<1x1x16xf32>,
          %parallel_loop3A_1037 = arith.constant 0.00999999977 : f32
          %parallel_loop3A_1038 = vector.broadcast %parallel_loop3A_1037 : f32 to vector<16xf32>
          %parallel_loop3A_1039 = arith.mulf %parallel_loop3A_1038, %parallel_loop3A_1012 : vector<16xf32>
          %parallel_loop3A_1040 = arith.maximumf %parallel_loop3A_1012, %parallel_loop3A_1039 : vector<16xf32>
          %parallel_loop3A_1041 = arith.constant 16 : i32
          %parallel_loop3A_1042 = arith.addi %parallel_loop3A_1041, %parallel_loop3A_672 : i32
          %parallel_loop3A_1043 = arith.constant 1 : i32
          %parallel_loop3A_1044 = arith.index_cast %parallel_loop3A_1043 : i32 to index
          %parallel_loop3A_1045 = arith.index_cast %parallel_loop3A_1042 : i32 to index
          %parallel_loop3A_1046 = arith.constant 64 : index
          %parallel_loop3A_1047 = tpu.vector_load %arg16[%parallel_loop3A_1044, %parallel_loop3A_1045, %parallel_loop3A_1046] {strides = array<i32>} : memref<2x32x128xf32, #tpu.memory_space<vmem>>, vector<1x1x16xf32>,
          %parallel_loop3A_1048 = vector.shape_cast %parallel_loop3A_1047 : vector<1x1x16xf32> to vector<16xf32>
          %parallel_loop3A_1049 = vector.shape_cast %parallel_loop3A_1040 : vector<16xf32> to vector<1x1x16xf32>
          tpu.vector_store %arg16[%parallel_loop3A_1044, %parallel_loop3A_1045, %parallel_loop3A_1046], %parallel_loop3A_1049 {strides = array<i32>} : memref<2x32x128xf32, #tpu.memory_space<vmem>>, vector<1x1x16xf32>,
          %parallel_loop3A_1050 = arith.constant 0.00999999977 : f32
          %parallel_loop3A_1051 = vector.broadcast %parallel_loop3A_1050 : f32 to vector<16xf32>
          %parallel_loop3A_1052 = arith.mulf %parallel_loop3A_1051, %parallel_loop3A_1014 : vector<16xf32>
          %parallel_loop3A_1053 = arith.maximumf %parallel_loop3A_1014, %parallel_loop3A_1052 : vector<16xf32>
          %parallel_loop3A_1054 = arith.constant 16 : i32
          %parallel_loop3A_1055 = arith.addi %parallel_loop3A_1054, %parallel_loop3A_672 : i32
          %parallel_loop3A_1056 = arith.constant 1 : i32
          %parallel_loop3A_1057 = arith.index_cast %parallel_loop3A_1056 : i32 to index
          %parallel_loop3A_1058 = arith.index_cast %parallel_loop3A_1055 : i32 to index
          %parallel_loop3A_1059 = arith.constant 80 : index
          %parallel_loop3A_1060 = tpu.vector_load %arg16[%parallel_loop3A_1057, %parallel_loop3A_1058, %parallel_loop3A_1059] {strides = array<i32>} : memref<2x32x128xf32, #tpu.memory_space<vmem>>, vector<1x1x16xf32>,
          %parallel_loop3A_1061 = vector.shape_cast %parallel_loop3A_1060 : vector<1x1x16xf32> to vector<16xf32>
          %parallel_loop3A_1062 = vector.shape_cast %parallel_loop3A_1053 : vector<16xf32> to vector<1x1x16xf32>
          tpu.vector_store %arg16[%parallel_loop3A_1057, %parallel_loop3A_1058, %parallel_loop3A_1059], %parallel_loop3A_1062 {strides = array<i32>} : memref<2x32x128xf32, #tpu.memory_space<vmem>>, vector<1x1x16xf32>,
          %parallel_loop3A_1063 = arith.constant 1 : i32
          %parallel_loop3A_1064 = arith.index_cast %parallel_loop3A_1063 : i32 to index
          %parallel_loop3A_1065 = arith.index_cast %parallel_loop3A_144 : i32 to index
          %parallel_loop3A_1066 = arith.constant 112 : index
          %parallel_loop3A_1067 = tpu.vector_load %arg15[%parallel_loop3A_1064, %parallel_loop3A_1065, %parallel_loop3A_1066] {strides = array<i32>} : memref<2x8x128xi32, #tpu.memory_space<vmem>>, vector<1x1x16xi32>,
          %parallel_loop3A_1068 = vector.shape_cast %parallel_loop3A_1067 : vector<1x1x16xi32> to vector<16xi32>
          %parallel_loop3A_1069 = arith.constant 16 : i32
          %parallel_loop3A_1070 = vector.broadcast %parallel_loop3A_1069 : i32 to vector<16xi32>
          %parallel_loop3A_1071 = arith.shli %parallel_loop3A_1068, %parallel_loop3A_1070 : vector<16xi32>
          %parallel_loop3A_1072 = tpu.bitcast %parallel_loop3A_1071 : vector<16xi32> -> vector<16xf32>
          %parallel_loop3A_1073 = arith.constant -65536 : i32
          %parallel_loop3A_1074 = vector.broadcast %parallel_loop3A_1073 : i32 to vector<16xi32>
          %parallel_loop3A_1075 = arith.andi %parallel_loop3A_1068, %parallel_loop3A_1074 : vector<16xi32>
          %parallel_loop3A_1076 = tpu.bitcast %parallel_loop3A_1075 : vector<16xi32> -> vector<16xf32>
          %parallel_loop3A_1077 = arith.constant 1 : i32
          %parallel_loop3A_1078 = arith.index_cast %parallel_loop3A_1077 : i32 to index
          %parallel_loop3A_1079 = arith.index_cast %parallel_loop3A_672 : i32 to index
          %parallel_loop3A_1080 = arith.constant 48 : index
          %parallel_loop3A_1081 = tpu.vector_load %arg14[%parallel_loop3A_1078, %parallel_loop3A_1079, %parallel_loop3A_1080] {strides = array<i32>} : memref<2x32x128xi32, #tpu.memory_space<vmem>>, vector<1x1x16xi32>,
          %parallel_loop3A_1082 = vector.shape_cast %parallel_loop3A_1081 : vector<1x1x16xi32> to vector<16xi32>
          %parallel_loop3A_1083 = arith.constant 16 : i32
          %parallel_loop3A_1084 = vector.broadcast %parallel_loop3A_1083 : i32 to vector<16xi32>
          %parallel_loop3A_1085 = arith.shli %parallel_loop3A_1082, %parallel_loop3A_1084 : vector<16xi32>
          %parallel_loop3A_1086 = tpu.bitcast %parallel_loop3A_1085 : vector<16xi32> -> vector<16xf32>
          %parallel_loop3A_1087 = arith.constant -65536 : i32
          %parallel_loop3A_1088 = vector.broadcast %parallel_loop3A_1087 : i32 to vector<16xi32>
          %parallel_loop3A_1089 = arith.andi %parallel_loop3A_1082, %parallel_loop3A_1088 : vector<16xi32>
          %parallel_loop3A_1090 = tpu.bitcast %parallel_loop3A_1089 : vector<16xi32> -> vector<16xf32>
          %parallel_loop3A_1091 = arith.constant 1 : i32
          %parallel_loop3A_1092 = arith.index_cast %parallel_loop3A_1091 : i32 to index
          %parallel_loop3A_1093 = arith.index_cast %parallel_loop3A_672 : i32 to index
          %parallel_loop3A_1094 = arith.constant 112 : index
          %parallel_loop3A_1095 = tpu.vector_load %arg14[%parallel_loop3A_1092, %parallel_loop3A_1093, %parallel_loop3A_1094] {strides = array<i32>} : memref<2x32x128xi32, #tpu.memory_space<vmem>>, vector<1x1x16xi32>,
          %parallel_loop3A_1096 = vector.shape_cast %parallel_loop3A_1095 : vector<1x1x16xi32> to vector<16xi32>
          %parallel_loop3A_1097 = arith.constant 16 : i32
          %parallel_loop3A_1098 = vector.broadcast %parallel_loop3A_1097 : i32 to vector<16xi32>
          %parallel_loop3A_1099 = arith.shli %parallel_loop3A_1096, %parallel_loop3A_1098 : vector<16xi32>
          %parallel_loop3A_1100 = tpu.bitcast %parallel_loop3A_1099 : vector<16xi32> -> vector<16xf32>
          %parallel_loop3A_1101 = arith.constant -65536 : i32
          %parallel_loop3A_1102 = vector.broadcast %parallel_loop3A_1101 : i32 to vector<16xi32>
          %parallel_loop3A_1103 = arith.andi %parallel_loop3A_1096, %parallel_loop3A_1102 : vector<16xi32>
          %parallel_loop3A_1104 = tpu.bitcast %parallel_loop3A_1103 : vector<16xi32> -> vector<16xf32>
          %parallel_loop3A_1105 = arith.constant 16 : i32
          %parallel_loop3A_1106 = arith.addi %parallel_loop3A_1105, %parallel_loop3A_672 : i32
          %parallel_loop3A_1107 = arith.constant 1 : i32
          %parallel_loop3A_1108 = arith.index_cast %parallel_loop3A_1107 : i32 to index
          %parallel_loop3A_1109 = arith.index_cast %parallel_loop3A_1106 : i32 to index
          %parallel_loop3A_1110 = arith.constant 48 : index
          %parallel_loop3A_1111 = tpu.vector_load %arg14[%parallel_loop3A_1108, %parallel_loop3A_1109, %parallel_loop3A_1110] {strides = array<i32>} : memref<2x32x128xi32, #tpu.memory_space<vmem>>, vector<1x1x16xi32>,
          %parallel_loop3A_1112 = vector.shape_cast %parallel_loop3A_1111 : vector<1x1x16xi32> to vector<16xi32>
          %parallel_loop3A_1113 = arith.constant 16 : i32
          %parallel_loop3A_1114 = vector.broadcast %parallel_loop3A_1113 : i32 to vector<16xi32>
          %parallel_loop3A_1115 = arith.shli %parallel_loop3A_1112, %parallel_loop3A_1114 : vector<16xi32>
          %parallel_loop3A_1116 = tpu.bitcast %parallel_loop3A_1115 : vector<16xi32> -> vector<16xf32>
          %parallel_loop3A_1117 = arith.constant -65536 : i32
          %parallel_loop3A_1118 = vector.broadcast %parallel_loop3A_1117 : i32 to vector<16xi32>
          %parallel_loop3A_1119 = arith.andi %parallel_loop3A_1112, %parallel_loop3A_1118 : vector<16xi32>
          %parallel_loop3A_1120 = tpu.bitcast %parallel_loop3A_1119 : vector<16xi32> -> vector<16xf32>
          %parallel_loop3A_1121 = arith.constant 16 : i32
          %parallel_loop3A_1122 = arith.addi %parallel_loop3A_1121, %parallel_loop3A_672 : i32
          %parallel_loop3A_1123 = arith.constant 1 : i32
          %parallel_loop3A_1124 = arith.index_cast %parallel_loop3A_1123 : i32 to index
          %parallel_loop3A_1125 = arith.index_cast %parallel_loop3A_1122 : i32 to index
          %parallel_loop3A_1126 = arith.constant 112 : index
          %parallel_loop3A_1127 = tpu.vector_load %arg14[%parallel_loop3A_1124, %parallel_loop3A_1125, %parallel_loop3A_1126] {strides = array<i32>} : memref<2x32x128xi32, #tpu.memory_space<vmem>>, vector<1x1x16xi32>,
          %parallel_loop3A_1128 = vector.shape_cast %parallel_loop3A_1127 : vector<1x1x16xi32> to vector<16xi32>
          %parallel_loop3A_1129 = arith.constant 16 : i32
          %parallel_loop3A_1130 = vector.broadcast %parallel_loop3A_1129 : i32 to vector<16xi32>
          %parallel_loop3A_1131 = arith.shli %parallel_loop3A_1128, %parallel_loop3A_1130 : vector<16xi32>
          %parallel_loop3A_1132 = tpu.bitcast %parallel_loop3A_1131 : vector<16xi32> -> vector<16xf32>
          %parallel_loop3A_1133 = arith.constant -65536 : i32
          %parallel_loop3A_1134 = vector.broadcast %parallel_loop3A_1133 : i32 to vector<16xi32>
          %parallel_loop3A_1135 = arith.andi %parallel_loop3A_1128, %parallel_loop3A_1134 : vector<16xi32>
          %parallel_loop3A_1136 = tpu.bitcast %parallel_loop3A_1135 : vector<16xi32> -> vector<16xf32>
          %parallel_loop3A_1137 = arith.addf %parallel_loop3A_1086, %parallel_loop3A_1132 : vector<16xf32>
          %parallel_loop3A_1138 = arith.addf %parallel_loop3A_1137, %parallel_loop3A_1072 : vector<16xf32>
          %parallel_loop3A_1139 = arith.addf %parallel_loop3A_1090, %parallel_loop3A_1136 : vector<16xf32>
          %parallel_loop3A_1140 = arith.addf %parallel_loop3A_1139, %parallel_loop3A_1076 : vector<16xf32>
          %parallel_loop3A_1141 = arith.addf %parallel_loop3A_1116, %parallel_loop3A_1100 : vector<16xf32>
          %parallel_loop3A_1142 = arith.addf %parallel_loop3A_1141, %parallel_loop3A_1072 : vector<16xf32>
          %parallel_loop3A_1143 = arith.addf %parallel_loop3A_1120, %parallel_loop3A_1104 : vector<16xf32>
          %parallel_loop3A_1144 = arith.addf %parallel_loop3A_1143, %parallel_loop3A_1076 : vector<16xf32>
          %parallel_loop3A_1145 = arith.constant 0.00999999977 : f32
          %parallel_loop3A_1146 = vector.broadcast %parallel_loop3A_1145 : f32 to vector<16xf32>
          %parallel_loop3A_1147 = arith.mulf %parallel_loop3A_1146, %parallel_loop3A_1138 : vector<16xf32>
          %parallel_loop3A_1148 = arith.maximumf %parallel_loop3A_1138, %parallel_loop3A_1147 : vector<16xf32>
          %parallel_loop3A_1149 = arith.constant 1 : i32
          %parallel_loop3A_1150 = arith.index_cast %parallel_loop3A_1149 : i32 to index
          %parallel_loop3A_1151 = arith.index_cast %parallel_loop3A_672 : i32 to index
          %parallel_loop3A_1152 = arith.constant 96 : index
          %parallel_loop3A_1153 = tpu.vector_load %arg16[%parallel_loop3A_1150, %parallel_loop3A_1151, %parallel_loop3A_1152] {strides = array<i32>} : memref<2x32x128xf32, #tpu.memory_space<vmem>>, vector<1x1x16xf32>,
          %parallel_loop3A_1154 = vector.shape_cast %parallel_loop3A_1153 : vector<1x1x16xf32> to vector<16xf32>
          %parallel_loop3A_1155 = vector.shape_cast %parallel_loop3A_1148 : vector<16xf32> to vector<1x1x16xf32>
          tpu.vector_store %arg16[%parallel_loop3A_1150, %parallel_loop3A_1151, %parallel_loop3A_1152], %parallel_loop3A_1155 {strides = array<i32>} : memref<2x32x128xf32, #tpu.memory_space<vmem>>, vector<1x1x16xf32>,
          %parallel_loop3A_1156 = arith.constant 0.00999999977 : f32
          %parallel_loop3A_1157 = vector.broadcast %parallel_loop3A_1156 : f32 to vector<16xf32>
          %parallel_loop3A_1158 = arith.mulf %parallel_loop3A_1157, %parallel_loop3A_1140 : vector<16xf32>
          %parallel_loop3A_1159 = arith.maximumf %parallel_loop3A_1140, %parallel_loop3A_1158 : vector<16xf32>
          %parallel_loop3A_1160 = arith.constant 1 : i32
          %parallel_loop3A_1161 = arith.index_cast %parallel_loop3A_1160 : i32 to index
          %parallel_loop3A_1162 = arith.index_cast %parallel_loop3A_672 : i32 to index
          %parallel_loop3A_1163 = arith.constant 112 : index
          %parallel_loop3A_1164 = tpu.vector_load %arg16[%parallel_loop3A_1161, %parallel_loop3A_1162, %parallel_loop3A_1163] {strides = array<i32>} : memref<2x32x128xf32, #tpu.memory_space<vmem>>, vector<1x1x16xf32>,
          %parallel_loop3A_1165 = vector.shape_cast %parallel_loop3A_1164 : vector<1x1x16xf32> to vector<16xf32>
          %parallel_loop3A_1166 = vector.shape_cast %parallel_loop3A_1159 : vector<16xf32> to vector<1x1x16xf32>
          tpu.vector_store %arg16[%parallel_loop3A_1161, %parallel_loop3A_1162, %parallel_loop3A_1163], %parallel_loop3A_1166 {strides = array<i32>} : memref<2x32x128xf32, #tpu.memory_space<vmem>>, vector<1x1x16xf32>,
          %parallel_loop3A_1167 = arith.constant 0.00999999977 : f32
          %parallel_loop3A_1168 = vector.broadcast %parallel_loop3A_1167 : f32 to vector<16xf32>
          %parallel_loop3A_1169 = arith.mulf %parallel_loop3A_1168, %parallel_loop3A_1142 : vector<16xf32>
          %parallel_loop3A_1170 = arith.maximumf %parallel_loop3A_1142, %parallel_loop3A_1169 : vector<16xf32>
          %parallel_loop3A_1171 = arith.constant 16 : i32
          %parallel_loop3A_1172 = arith.addi %parallel_loop3A_1171, %parallel_loop3A_672 : i32
          %parallel_loop3A_1173 = arith.constant 1 : i32
          %parallel_loop3A_1174 = arith.index_cast %parallel_loop3A_1173 : i32 to index
          %parallel_loop3A_1175 = arith.index_cast %parallel_loop3A_1172 : i32 to index
          %parallel_loop3A_1176 = arith.constant 96 : index
          %parallel_loop3A_1177 = tpu.vector_load %arg16[%parallel_loop3A_1174, %parallel_loop3A_1175, %parallel_loop3A_1176] {strides = array<i32>} : memref<2x32x128xf32, #tpu.memory_space<vmem>>, vector<1x1x16xf32>,
          %parallel_loop3A_1178 = vector.shape_cast %parallel_loop3A_1177 : vector<1x1x16xf32> to vector<16xf32>
          %parallel_loop3A_1179 = vector.shape_cast %parallel_loop3A_1170 : vector<16xf32> to vector<1x1x16xf32>
          tpu.vector_store %arg16[%parallel_loop3A_1174, %parallel_loop3A_1175, %parallel_loop3A_1176], %parallel_loop3A_1179 {strides = array<i32>} : memref<2x32x128xf32, #tpu.memory_space<vmem>>, vector<1x1x16xf32>,
          %parallel_loop3A_1180 = arith.constant 0.00999999977 : f32
          %parallel_loop3A_1181 = vector.broadcast %parallel_loop3A_1180 : f32 to vector<16xf32>
          %parallel_loop3A_1182 = arith.mulf %parallel_loop3A_1181, %parallel_loop3A_1144 : vector<16xf32>
          %parallel_loop3A_1183 = arith.maximumf %parallel_loop3A_1144, %parallel_loop3A_1182 : vector<16xf32>
          %parallel_loop3A_1184 = arith.constant 16 : i32
          %parallel_loop3A_1185 = arith.addi %parallel_loop3A_1184, %parallel_loop3A_672 : i32
          %parallel_loop3A_1186 = arith.constant 1 : i32
          %parallel_loop3A_1187 = arith.index_cast %parallel_loop3A_1186 : i32 to index
          %parallel_loop3A_1188 = arith.index_cast %parallel_loop3A_1185 : i32 to index
          %parallel_loop3A_1189 = arith.constant 112 : index
          %parallel_loop3A_1190 = tpu.vector_load %arg16[%parallel_loop3A_1187, %parallel_loop3A_1188, %parallel_loop3A_1189] {strides = array<i32>} : memref<2x32x128xf32, #tpu.memory_space<vmem>>, vector<1x1x16xf32>,
          %parallel_loop3A_1191 = vector.shape_cast %parallel_loop3A_1190 : vector<1x1x16xf32> to vector<16xf32>
          %parallel_loop3A_1192 = vector.shape_cast %parallel_loop3A_1183 : vector<16xf32> to vector<1x1x16xf32>
          tpu.vector_store %arg16[%parallel_loop3A_1187, %parallel_loop3A_1188, %parallel_loop3A_1189], %parallel_loop3A_1192 {strides = array<i32>} : memref<2x32x128xf32, #tpu.memory_space<vmem>>, vector<1x1x16xf32>,
        } {sc.loop_unroll_factor = 2 : i64, sc.parallel_access}
        %dma_start3A_136 = arith.constant 1 : i32
        %dma_start3A_137 = arith.constant 0 : i32
        %dma_start3A_138 = arith.constant 0 : i32
        %dma_start3A_139 = tpu.memref_slice %arg16[%dma_start3A_136, %dma_start3A_137, %dma_start3A_138] : memref<2x32x128xf32, #tpu.memory_space<vmem>> -> memref<1x32x128xf32, #tpu.memory_space<vmem>>
        %dma_start3A_140 = tpu.memref_squeeze %dma_start3A_139 : memref<1x32x128xf32, #tpu.memory_space<vmem>> -> memref<32x128xf32, #tpu.memory_space<vmem>>
        %dma_start3A_141 = arith.constant 0 : i32
        %dma_start3A_142 = arith.constant 0 : i32
        %dma_start3A_143 = tpu.memref_slice %arg7[%dma_start3A_141, %dma_start3A_142] : memref<10240x128xf32, #tpu.memory_space<vmem_shared>> -> memref<10240x128xf32, #tpu.memory_space<vmem_shared>>
        tpu.enqueue_indirect_dma source(%dma_start3A_140 : memref<32x128xf32, #tpu.memory_space<vmem>>) target(%dma_start3A_143 : memref<10240x128xf32, #tpu.memory_space<vmem_shared>>) offsets(%arg13 : memref<32xi32, #tpu.memory_space<vmem>>) semaphore(%arg20 : memref<!tpu.dma_semaphore, #tpu.memory_space<semaphore_mem>>) {add = true}
      } else {
      }
    }
    %scan3A_60 = arith.constant 313 : i32
    %dma_wait3A = arith.constant 0 : i32
    %dma_wait3A_61 = arith.constant 0 : i32
    %dma_wait3A_62 = arith.constant 0 : i32
    %dma_wait3A_63 = tpu.memref_slice %arg16[%dma_wait3A, %dma_wait3A_61, %dma_wait3A_62] : memref<2x32x128xf32, #tpu.memory_space<vmem>> -> memref<1x32x128xf32, #tpu.memory_space<vmem>>
    %dma_wait3A_64 = tpu.memref_squeeze %dma_wait3A_63 : memref<1x32x128xf32, #tpu.memory_space<vmem>> -> memref<32x128xf32, #tpu.memory_space<vmem>>
    %dma_wait3A_65 = arith.constant 0 : i32
    %dma_wait3A_66 = arith.constant 0 : i32
    %dma_wait3A_67 = tpu.memref_slice %arg7[%dma_wait3A_65, %dma_wait3A_66] : memref<10240x128xf32, #tpu.memory_space<vmem_shared>> -> memref<10240x128xf32, #tpu.memory_space<vmem_shared>>
    tpu.wait_indirect_dma semaphore(%arg19 : memref<!tpu.dma_semaphore, #tpu.memory_space<semaphore_mem>>) src(%dma_wait3A_64 : memref<32x128xf32, #tpu.memory_space<vmem>>) dst(%dma_wait3A_67 : memref<10240x128xf32, #tpu.memory_space<vmem_shared>>)
    %dma_wait3A_68 = arith.constant 1 : i32
    %dma_wait3A_69 = arith.constant 0 : i32
    %dma_wait3A_70 = arith.constant 0 : i32
    %dma_wait3A_71 = tpu.memref_slice %arg16[%dma_wait3A_68, %dma_wait3A_69, %dma_wait3A_70] : memref<2x32x128xf32, #tpu.memory_space<vmem>> -> memref<1x32x128xf32, #tpu.memory_space<vmem>>
    %dma_wait3A_72 = tpu.memref_squeeze %dma_wait3A_71 : memref<1x32x128xf32, #tpu.memory_space<vmem>> -> memref<32x128xf32, #tpu.memory_space<vmem>>
    %dma_wait3A_73 = arith.constant 0 : i32
    %dma_wait3A_74 = arith.constant 0 : i32
    %dma_wait3A_75 = tpu.memref_slice %arg7[%dma_wait3A_73, %dma_wait3A_74] : memref<10240x128xf32, #tpu.memory_space<vmem_shared>> -> memref<10240x128xf32, #tpu.memory_space<vmem_shared>>
    tpu.wait_indirect_dma semaphore(%arg20 : memref<!tpu.dma_semaphore, #tpu.memory_space<semaphore_mem>>) src(%dma_wait3A_72 : memref<32x128xf32, #tpu.memory_space<vmem>>) dst(%dma_wait3A_75 : memref<10240x128xf32, #tpu.memory_space<vmem_shared>>)
    %barrier3A_76 = arith.constant 0 : index
    tpu.barrier barrier_id(%barrier3A_76)
    %mul3A_77 = arith.constant 640 : i32
    %mul3A_78 = arith.muli %arg1, %mul3A_77 : i32
    %mul3A_79 = arith.constant 640 : i32
    %mul3A_80 = arith.muli %arg1, %mul3A_79 : i32
    "tpu.region"() ({
      %run_scoped3A = tpu.sem_alloc : memref<!tpu.dma_semaphore, #tpu.memory_space<semaphore_mem>>
      %dma_start3A_81 = arith.constant 0 : i32
      %dma_start3A_82 = tpu.memref_slice %arg6[%arg0, %mul3A_80, %dma_start3A_81] : memref<2x10240x128xf32, #tpu.memory_space<hbm>> -> memref<1x640x128xf32, #tpu.memory_space<hbm>>
      %dma_start3A_83 = tpu.memref_squeeze %dma_start3A_82 : memref<1x640x128xf32, #tpu.memory_space<hbm>> -> memref<640x128xf32, #tpu.memory_space<hbm>>
      %dma_start3A_84 = arith.constant 0 : i32
      %dma_start3A_85 = tpu.memref_slice %arg7[%mul3A_78, %dma_start3A_84] : memref<10240x128xf32, #tpu.memory_space<vmem_shared>> -> memref<640x128xf32, #tpu.memory_space<vmem_shared>>
      tpu.enqueue_dma source(%dma_start3A_85 : memref<640x128xf32, #tpu.memory_space<vmem_shared>>) target(%dma_start3A_83 : memref<640x128xf32, #tpu.memory_space<hbm>>) target_semaphore(%run_scoped3A : memref<!tpu.dma_semaphore, #tpu.memory_space<semaphore_mem>>)
      %dma_wait3A_86 = arith.constant 0 : i32
      %dma_wait3A_87 = tpu.memref_slice %arg6[%arg0, %mul3A_80, %dma_wait3A_86] : memref<2x10240x128xf32, #tpu.memory_space<hbm>> -> memref<1x640x128xf32, #tpu.memory_space<hbm>>
      %dma_wait3A_88 = tpu.memref_squeeze %dma_wait3A_87 : memref<1x640x128xf32, #tpu.memory_space<hbm>> -> memref<640x128xf32, #tpu.memory_space<hbm>>
      %dma_wait3A_89 = arith.constant 0 : i32
      %dma_wait3A_90 = tpu.memref_slice %arg7[%mul3A_78, %dma_wait3A_89] : memref<10240x128xf32, #tpu.memory_space<vmem_shared>> -> memref<640x128xf32, #tpu.memory_space<vmem_shared>>
      tpu.wait_dma2 semaphore(%run_scoped3A : memref<!tpu.dma_semaphore, #tpu.memory_space<semaphore_mem>>) src(%dma_wait3A_90 : memref<640x128xf32, #tpu.memory_space<vmem_shared>>) dst(%dma_wait3A_88 : memref<640x128xf32, #tpu.memory_space<hbm>>)
      tpu.yield
    }) : () -> ()
    return
  }
}

module attributes {stable_mosaic.version = 14 : i64} {
  func.func @_prep_body(%arg0: i32, %arg1: memref<400x128xf32, #tpu.memory_space<vmem>>, %arg2: memref<128x128xf32, #tpu.memory_space<vmem>>, %arg3: memref<128x128xf32, #tpu.memory_space<vmem>>, %arg4: memref<1000x32xf32, #tpu.memory_space<vmem>>, %arg5: memref<32x256xf32, #tpu.memory_space<vmem>>, %arg6: memref<400x128xi32, #tpu.memory_space<vmem>>, %arg7: memref<1000x128xi32, #tpu.memory_space<vmem>>) attributes {dimension_semantics = [#tpu.dimension_semantics<arbitrary>], iteration_bounds = array<i64: 160>, scalar_prefetch = 0 : i64, scratch_operands = 0 : i64, tpu.core_type = #tpu.core_type<tc>, window_params = [{transform_indices = @transform_0, window_bounds = array<i64: 400, 128>}, {pipeline_mode = #tpu.pipeline_mode<synchronous>, transform_indices = @transform_1, window_bounds = array<i64: 128, 128>}, {pipeline_mode = #tpu.pipeline_mode<synchronous>, transform_indices = @transform_2, window_bounds = array<i64: 128, 128>}, {transform_indices = @transform_3, window_bounds = array<i64: 1000, 32>}, {pipeline_mode = #tpu.pipeline_mode<synchronous>, transform_indices = @transform_4, window_bounds = array<i64: 32, 256>}, {transform_indices = @transform_5, window_bounds = array<i64: 400, 128>}, {transform_indices = @transform_6, window_bounds = array<i64: 1000, 128>}]} {
    %lt3A = arith.constant 25 : i32
    %lt3A_0 = arith.cmpi slt, %arg0, %lt3A : i32
    %convert_element_type3A = arith.extui %lt3A_0 : i1 to i32
    %cond3A = arith.constant 0 : i32
    %cond3A_1 = arith.cmpi ne, %convert_element_type3A, %cond3A : i32
    scf.if %cond3A_1 {
      %get3A_49 = arith.constant 0 : index
      %get3A_50 = arith.constant 0 : index
      %get3A_51 = vector.load %arg1[%get3A_49, %get3A_50] : memref<400x128xf32, #tpu.memory_space<vmem>>, vector<400x128xf32>
      %get3A_52 = arith.constant 0 : index
      %get3A_53 = arith.constant 0 : index
      %get3A_54 = vector.load %arg2[%get3A_52, %get3A_53] : memref<128x128xf32, #tpu.memory_space<vmem>>, vector<128x128xf32>
      %dot_general3A_55 = arith.constant dense<0.000000e+00> : vector<400x128xf32>
      %dot_general3A_56 = tpu.matmul %get3A_51, %get3A_54, %dot_general3A_55 {dimension_numbers = #tpu.dot_dimension_numbers<[1], [0], [0], [1], [0, 0, 1, 1], [], []>, transpose_lhs_hint = false} : vector<400x128xf32>, vector<128x128xf32>, vector<400x128xf32> -> vector<400x128xf32>
      %bitcast_convert_type3A_57 = tpu.bitcast %dot_general3A_56 : vector<400x128xf32> -> vector<400x128xi32>
      %add3A_58 = arith.constant 32767 : i32
      %add3A_59 = vector.broadcast %add3A_58 : i32 to vector<400x128xi32>
      %add3A_60 = arith.addi %bitcast_convert_type3A_57, %add3A_59 : vector<400x128xi32>
      %shift_right_logical3A_61 = arith.constant 16 : i32
      %shift_right_logical3A_62 = vector.broadcast %shift_right_logical3A_61 : i32 to vector<400x128xi32>
      %shift_right_logical3A_63 = arith.shrui %bitcast_convert_type3A_57, %shift_right_logical3A_62 : vector<400x128xi32>
      %and3A_64 = arith.constant 1 : i32
      %and3A_65 = vector.broadcast %and3A_64 : i32 to vector<400x128xi32>
      %and3A_66 = arith.andi %shift_right_logical3A_63, %and3A_65 : vector<400x128xi32>
      %add3A_67 = arith.addi %add3A_60, %and3A_66 : vector<400x128xi32>
      %slice3A_68 = vector.extract_strided_slice %add3A_67 {offsets = [0, 0], sizes = [400, 64], strides = [1, 1]} : vector<400x128xi32> to vector<400x64xi32>
      %shift_right_logical3A_69 = arith.constant 16 : i32
      %shift_right_logical3A_70 = vector.broadcast %shift_right_logical3A_69 : i32 to vector<400x64xi32>
      %shift_right_logical3A_71 = arith.shrui %slice3A_68, %shift_right_logical3A_70 : vector<400x64xi32>
      %slice3A_72 = vector.extract_strided_slice %add3A_67 {offsets = [0, 64], sizes = [400, 64], strides = [1, 1]} : vector<400x128xi32> to vector<400x64xi32>
      %and3A_73 = arith.constant -65536 : i32
      %and3A_74 = vector.broadcast %and3A_73 : i32 to vector<400x64xi32>
      %and3A_75 = arith.andi %slice3A_72, %and3A_74 : vector<400x64xi32>
      %or3A_76 = arith.ori %and3A_75, %shift_right_logical3A_71 : vector<400x64xi32>
      %swap3A_77 = arith.constant 0 : index
      %swap3A_78 = arith.constant 0 : index
      %swap3A_79 = vector.load %arg6[%swap3A_77, %swap3A_78] : memref<400x128xi32, #tpu.memory_space<vmem>>, vector<400x64xi32>
      tpu.vector_store %arg6[%swap3A_77, %swap3A_78], %or3A_76 {strides = array<i32>} : memref<400x128xi32, #tpu.memory_space<vmem>>, vector<400x64xi32>,
      %get3A_80 = arith.constant 0 : index
      %get3A_81 = arith.constant 0 : index
      %get3A_82 = vector.load %arg3[%get3A_80, %get3A_81] : memref<128x128xf32, #tpu.memory_space<vmem>>, vector<128x128xf32>
      %dot_general3A_83 = arith.constant dense<0.000000e+00> : vector<400x128xf32>
      %dot_general3A_84 = tpu.matmul %get3A_51, %get3A_82, %dot_general3A_83 {dimension_numbers = #tpu.dot_dimension_numbers<[1], [0], [0], [1], [0, 0, 1, 1], [], []>, transpose_lhs_hint = false} : vector<400x128xf32>, vector<128x128xf32>, vector<400x128xf32> -> vector<400x128xf32>
      %bitcast_convert_type3A_85 = tpu.bitcast %dot_general3A_84 : vector<400x128xf32> -> vector<400x128xi32>
      %add3A_86 = arith.constant 32767 : i32
      %add3A_87 = vector.broadcast %add3A_86 : i32 to vector<400x128xi32>
      %add3A_88 = arith.addi %bitcast_convert_type3A_85, %add3A_87 : vector<400x128xi32>
      %shift_right_logical3A_89 = arith.constant 16 : i32
      %shift_right_logical3A_90 = vector.broadcast %shift_right_logical3A_89 : i32 to vector<400x128xi32>
      %shift_right_logical3A_91 = arith.shrui %bitcast_convert_type3A_85, %shift_right_logical3A_90 : vector<400x128xi32>
      %and3A_92 = arith.constant 1 : i32
      %and3A_93 = vector.broadcast %and3A_92 : i32 to vector<400x128xi32>
      %and3A_94 = arith.andi %shift_right_logical3A_91, %and3A_93 : vector<400x128xi32>
      %add3A_95 = arith.addi %add3A_88, %and3A_94 : vector<400x128xi32>
      %slice3A_96 = vector.extract_strided_slice %add3A_95 {offsets = [0, 0], sizes = [400, 64], strides = [1, 1]} : vector<400x128xi32> to vector<400x64xi32>
      %shift_right_logical3A_97 = arith.constant 16 : i32
      %shift_right_logical3A_98 = vector.broadcast %shift_right_logical3A_97 : i32 to vector<400x64xi32>
      %shift_right_logical3A_99 = arith.shrui %slice3A_96, %shift_right_logical3A_98 : vector<400x64xi32>
      %slice3A_100 = vector.extract_strided_slice %add3A_95 {offsets = [0, 64], sizes = [400, 64], strides = [1, 1]} : vector<400x128xi32> to vector<400x64xi32>
      %and3A_101 = arith.constant -65536 : i32
      %and3A_102 = vector.broadcast %and3A_101 : i32 to vector<400x64xi32>
      %and3A_103 = arith.andi %slice3A_100, %and3A_102 : vector<400x64xi32>
      %or3A_104 = arith.ori %and3A_103, %shift_right_logical3A_99 : vector<400x64xi32>
      %swap3A_105 = arith.constant 0 : index
      %swap3A_106 = arith.constant 64 : index
      %swap3A_107 = vector.load %arg6[%swap3A_105, %swap3A_106] : memref<400x128xi32, #tpu.memory_space<vmem>>, vector<400x64xi32>
      tpu.vector_store %arg6[%swap3A_105, %swap3A_106], %or3A_104 {strides = array<i32>} : memref<400x128xi32, #tpu.memory_space<vmem>>, vector<400x64xi32>,
    } else {
    }
    %get3A = arith.constant 0 : index
    %get3A_2 = arith.constant 0 : index
    %get3A_3 = vector.load %arg4[%get3A, %get3A_2] : memref<1000x32xf32, #tpu.memory_space<vmem>>, vector<1000x32xf32>
    %get3A_4 = arith.constant 0 : index
    %get3A_5 = arith.constant 0 : index
    %get3A_6 = vector.load %arg5[%get3A_4, %get3A_5] : memref<32x256xf32, #tpu.memory_space<vmem>>, vector<32x256xf32>
    %dot_general3A = arith.constant dense<0.000000e+00> : vector<1000x256xf32>
    %dot_general3A_7 = tpu.matmul %get3A_3, %get3A_6, %dot_general3A {dimension_numbers = #tpu.dot_dimension_numbers<[1], [0], [0], [1], [0, 0, 1, 1], [], []>, transpose_lhs_hint = false} : vector<1000x32xf32>, vector<32x256xf32>, vector<1000x256xf32> -> vector<1000x256xf32>
    %slice3A = vector.extract_strided_slice %dot_general3A_7 {offsets = [0, 0], sizes = [1000, 128], strides = [1, 1]} : vector<1000x256xf32> to vector<1000x128xf32>
    %bitcast_convert_type3A = tpu.bitcast %slice3A : vector<1000x128xf32> -> vector<1000x128xi32>
    %add3A = arith.constant 32767 : i32
    %add3A_8 = vector.broadcast %add3A : i32 to vector<1000x128xi32>
    %add3A_9 = arith.addi %bitcast_convert_type3A, %add3A_8 : vector<1000x128xi32>
    %shift_right_logical3A = arith.constant 16 : i32
    %shift_right_logical3A_10 = vector.broadcast %shift_right_logical3A : i32 to vector<1000x128xi32>
    %shift_right_logical3A_11 = arith.shrui %bitcast_convert_type3A, %shift_right_logical3A_10 : vector<1000x128xi32>
    %and3A = arith.constant 1 : i32
    %and3A_12 = vector.broadcast %and3A : i32 to vector<1000x128xi32>
    %and3A_13 = arith.andi %shift_right_logical3A_11, %and3A_12 : vector<1000x128xi32>
    %add3A_14 = arith.addi %add3A_9, %and3A_13 : vector<1000x128xi32>
    %slice3A_15 = vector.extract_strided_slice %add3A_14 {offsets = [0, 0], sizes = [1000, 64], strides = [1, 1]} : vector<1000x128xi32> to vector<1000x64xi32>
    %shift_right_logical3A_16 = arith.constant 16 : i32
    %shift_right_logical3A_17 = vector.broadcast %shift_right_logical3A_16 : i32 to vector<1000x64xi32>
    %shift_right_logical3A_18 = arith.shrui %slice3A_15, %shift_right_logical3A_17 : vector<1000x64xi32>
    %slice3A_19 = vector.extract_strided_slice %add3A_14 {offsets = [0, 64], sizes = [1000, 64], strides = [1, 1]} : vector<1000x128xi32> to vector<1000x64xi32>
    %and3A_20 = arith.constant -65536 : i32
    %and3A_21 = vector.broadcast %and3A_20 : i32 to vector<1000x64xi32>
    %and3A_22 = arith.andi %slice3A_19, %and3A_21 : vector<1000x64xi32>
    %or3A = arith.ori %and3A_22, %shift_right_logical3A_18 : vector<1000x64xi32>
    %swap3A = arith.constant 0 : index
    %swap3A_23 = arith.constant 0 : index
    %swap3A_24 = vector.load %arg7[%swap3A, %swap3A_23] : memref<1000x128xi32, #tpu.memory_space<vmem>>, vector<1000x64xi32>
    tpu.vector_store %arg7[%swap3A, %swap3A_23], %or3A {strides = array<i32>} : memref<1000x128xi32, #tpu.memory_space<vmem>>, vector<1000x64xi32>,
    %slice3A_25 = vector.extract_strided_slice %dot_general3A_7 {offsets = [0, 128], sizes = [1000, 128], strides = [1, 1]} : vector<1000x256xf32> to vector<1000x128xf32>
    %bitcast_convert_type3A_26 = tpu.bitcast %slice3A_25 : vector<1000x128xf32> -> vector<1000x128xi32>
    %add3A_27 = arith.constant 32767 : i32
    %add3A_28 = vector.broadcast %add3A_27 : i32 to vector<1000x128xi32>
    %add3A_29 = arith.addi %bitcast_convert_type3A_26, %add3A_28 : vector<1000x128xi32>
    %shift_right_logical3A_30 = arith.constant 16 : i32
    %shift_right_logical3A_31 = vector.broadcast %shift_right_logical3A_30 : i32 to vector<1000x128xi32>
    %shift_right_logical3A_32 = arith.shrui %bitcast_convert_type3A_26, %shift_right_logical3A_31 : vector<1000x128xi32>
    %and3A_33 = arith.constant 1 : i32
    %and3A_34 = vector.broadcast %and3A_33 : i32 to vector<1000x128xi32>
    %and3A_35 = arith.andi %shift_right_logical3A_32, %and3A_34 : vector<1000x128xi32>
    %add3A_36 = arith.addi %add3A_29, %and3A_35 : vector<1000x128xi32>
    %slice3A_37 = vector.extract_strided_slice %add3A_36 {offsets = [0, 0], sizes = [1000, 64], strides = [1, 1]} : vector<1000x128xi32> to vector<1000x64xi32>
    %shift_right_logical3A_38 = arith.constant 16 : i32
    %shift_right_logical3A_39 = vector.broadcast %shift_right_logical3A_38 : i32 to vector<1000x64xi32>
    %shift_right_logical3A_40 = arith.shrui %slice3A_37, %shift_right_logical3A_39 : vector<1000x64xi32>
    %slice3A_41 = vector.extract_strided_slice %add3A_36 {offsets = [0, 64], sizes = [1000, 64], strides = [1, 1]} : vector<1000x128xi32> to vector<1000x64xi32>
    %and3A_42 = arith.constant -65536 : i32
    %and3A_43 = vector.broadcast %and3A_42 : i32 to vector<1000x64xi32>
    %and3A_44 = arith.andi %slice3A_41, %and3A_43 : vector<1000x64xi32>
    %or3A_45 = arith.ori %and3A_44, %shift_right_logical3A_40 : vector<1000x64xi32>
    %swap3A_46 = arith.constant 0 : index
    %swap3A_47 = arith.constant 64 : index
    %swap3A_48 = vector.load %arg7[%swap3A_46, %swap3A_47] : memref<1000x128xi32, #tpu.memory_space<vmem>>, vector<1000x64xi32>
    tpu.vector_store %arg7[%swap3A_46, %swap3A_47], %or3A_45 {strides = array<i32>} : memref<1000x128xi32, #tpu.memory_space<vmem>>, vector<1000x64xi32>,
    return
  }
  func.func @transform_0(%arg0: i32) -> (i32, i32) {
    %min3A = arith.constant 24 : i32
    %min3A_0 = arith.minsi %arg0, %min3A : i32
    %c0_i32 = arith.constant 0 : i32
    %c0_i32_1 = arith.constant 0 : i32
    return %min3A_0, %c0_i32 : i32, i32
  }
  func.func @transform_1(%arg0: i32) -> (i32, i32) {
    %c0_i32 = arith.constant 0 : i32
    %c0_i32_0 = arith.constant 0 : i32
    %c0_i32_1 = arith.constant 0 : i32
    return %c0_i32, %c0_i32_0 : i32, i32
  }
  func.func @transform_2(%arg0: i32) -> (i32, i32) {
    %c0_i32 = arith.constant 0 : i32
    %c0_i32_0 = arith.constant 0 : i32
    %c0_i32_1 = arith.constant 0 : i32
    return %c0_i32, %c0_i32_0 : i32, i32
  }
  func.func @transform_3(%arg0: i32) -> (i32, i32) {
    %c0_i32 = arith.constant 0 : i32
    %c0_i32_0 = arith.constant 0 : i32
    return %arg0, %c0_i32 : i32, i32
  }
  func.func @transform_4(%arg0: i32) -> (i32, i32) {
    %c0_i32 = arith.constant 0 : i32
    %c0_i32_0 = arith.constant 0 : i32
    %c0_i32_1 = arith.constant 0 : i32
    return %c0_i32, %c0_i32_0 : i32, i32
  }
  func.func @transform_5(%arg0: i32) -> (i32, i32) {
    %min3A = arith.constant 24 : i32
    %min3A_0 = arith.minsi %arg0, %min3A : i32
    %c0_i32 = arith.constant 0 : i32
    %c0_i32_1 = arith.constant 0 : i32
    return %min3A_0, %c0_i32 : i32, i32
  }
  func.func @transform_6(%arg0: i32) -> (i32, i32) {
    %c0_i32 = arith.constant 0 : i32
    %c0_i32_0 = arith.constant 0 : i32
    return %arg0, %c0_i32 : i32, i32
  }
}

module attributes {stable_mosaic.version = 14 : i64} {
  func.func @_node_body(%arg0: i32, %arg1: memref<2x400x128xf32, #tpu.memory_space<vmem>>, %arg2: memref<400x128xf32, #tpu.memory_space<vmem>>, %arg3: memref<128x128xf32, #tpu.memory_space<vmem>>, %arg4: memref<128x128xf32, #tpu.memory_space<vmem>>, %arg5: memref<128x128xf32, #tpu.memory_space<vmem>>, %arg6: memref<128x128xf32, #tpu.memory_space<vmem>>, %arg7: memref<400x128xf32, #tpu.memory_space<vmem>>) attributes {dimension_semantics = [#tpu.dimension_semantics<arbitrary>], iteration_bounds = array<i64: 25>, scalar_prefetch = 0 : i64, scratch_operands = 0 : i64, tpu.core_type = #tpu.core_type<tc>, window_params = [{transform_indices = @transform_0, window_bounds = array<i64: 2, 400, 128>}, {transform_indices = @transform_1, window_bounds = array<i64: 400, 128>}, {pipeline_mode = #tpu.pipeline_mode<synchronous>, transform_indices = @transform_2, window_bounds = array<i64: 128, 128>}, {pipeline_mode = #tpu.pipeline_mode<synchronous>, transform_indices = @transform_3, window_bounds = array<i64: 128, 128>}, {pipeline_mode = #tpu.pipeline_mode<synchronous>, transform_indices = @transform_4, window_bounds = array<i64: 128, 128>}, {pipeline_mode = #tpu.pipeline_mode<synchronous>, transform_indices = @transform_5, window_bounds = array<i64: 128, 128>}, {transform_indices = @transform_6, window_bounds = array<i64: 400, 128>}]} {
    %get3A = arith.constant 0 : index
    %get3A_0 = arith.constant 0 : index
    %get3A_1 = arith.constant 0 : index
    %get3A_2 = vector.load %arg1[%get3A, %get3A_0, %get3A_1] : memref<2x400x128xf32, #tpu.memory_space<vmem>>, vector<1x400x128xf32>
    %get3A_3 = vector.shape_cast %get3A_2 : vector<1x400x128xf32> to vector<400x128xf32>
    %get3A_4 = arith.constant 1 : index
    %get3A_5 = arith.constant 0 : index
    %get3A_6 = arith.constant 0 : index
    %get3A_7 = vector.load %arg1[%get3A_4, %get3A_5, %get3A_6] : memref<2x400x128xf32, #tpu.memory_space<vmem>>, vector<1x400x128xf32>
    %get3A_8 = vector.shape_cast %get3A_7 : vector<1x400x128xf32> to vector<400x128xf32>
    %add3A = arith.addf %get3A_3, %get3A_8 : vector<400x128xf32>
    %get3A_9 = arith.constant 0 : index
    %get3A_10 = arith.constant 0 : index
    %get3A_11 = vector.load %arg3[%get3A_9, %get3A_10] : memref<128x128xf32, #tpu.memory_space<vmem>>, vector<128x128xf32>
    %dot_general3A = arith.constant dense<0.000000e+00> : vector<400x128xf32>
    %dot_general3A_12 = tpu.matmul %add3A, %get3A_11, %dot_general3A {dimension_numbers = #tpu.dot_dimension_numbers<[1], [0], [0], [1], [0, 0, 1, 1], [], []>, transpose_lhs_hint = false} : vector<400x128xf32>, vector<128x128xf32>, vector<400x128xf32> -> vector<400x128xf32>
    %get3A_13 = arith.constant 0 : index
    %get3A_14 = arith.constant 0 : index
    %get3A_15 = vector.load %arg2[%get3A_13, %get3A_14] : memref<400x128xf32, #tpu.memory_space<vmem>>, vector<400x128xf32>
    %get3A_16 = arith.constant 0 : index
    %get3A_17 = arith.constant 0 : index
    %get3A_18 = vector.load %arg4[%get3A_16, %get3A_17] : memref<128x128xf32, #tpu.memory_space<vmem>>, vector<128x128xf32>
    %dot_general3A_19 = arith.constant dense<0.000000e+00> : vector<400x128xf32>
    %dot_general3A_20 = tpu.matmul %get3A_15, %get3A_18, %dot_general3A_19 {dimension_numbers = #tpu.dot_dimension_numbers<[1], [0], [0], [1], [0, 0, 1, 1], [], []>, transpose_lhs_hint = false} : vector<400x128xf32>, vector<128x128xf32>, vector<400x128xf32> -> vector<400x128xf32>
    %get3A_21 = arith.constant 0 : index
    %get3A_22 = arith.constant 0 : index
    %get3A_23 = vector.load %arg5[%get3A_21, %get3A_22] : memref<128x128xf32, #tpu.memory_space<vmem>>, vector<128x128xf32>
    %dot_general3A_24 = arith.constant dense<0.000000e+00> : vector<400x128xf32>
    %dot_general3A_25 = tpu.matmul %dot_general3A_12, %get3A_23, %dot_general3A_24 {dimension_numbers = #tpu.dot_dimension_numbers<[1], [0], [0], [1], [0, 0, 1, 1], [], []>, transpose_lhs_hint = false} : vector<400x128xf32>, vector<128x128xf32>, vector<400x128xf32> -> vector<400x128xf32>
    %add3A_26 = arith.addf %dot_general3A_20, %dot_general3A_25 : vector<400x128xf32>
    %mul3A = arith.constant 0.00999999977 : f32
    %mul3A_27 = vector.broadcast %mul3A : f32 to vector<400x128xf32>
    %mul3A_28 = arith.mulf %mul3A_27, %add3A_26 : vector<400x128xf32>
    %max3A = arith.maximumf %add3A_26, %mul3A_28 : vector<400x128xf32>
    %get3A_29 = arith.constant 0 : index
    %get3A_30 = arith.constant 0 : index
    %get3A_31 = vector.load %arg6[%get3A_29, %get3A_30] : memref<128x128xf32, #tpu.memory_space<vmem>>, vector<128x128xf32>
    %dot_general3A_32 = arith.constant dense<0.000000e+00> : vector<400x128xf32>
    %dot_general3A_33 = tpu.matmul %max3A, %get3A_31, %dot_general3A_32 {dimension_numbers = #tpu.dot_dimension_numbers<[1], [0], [0], [1], [0, 0, 1, 1], [], []>, transpose_lhs_hint = false} : vector<400x128xf32>, vector<128x128xf32>, vector<400x128xf32> -> vector<400x128xf32>
    %swap3A = arith.constant 0 : index
    %swap3A_34 = arith.constant 0 : index
    %swap3A_35 = vector.load %arg7[%swap3A, %swap3A_34] : memref<400x128xf32, #tpu.memory_space<vmem>>, vector<400x128xf32>
    tpu.vector_store %arg7[%swap3A, %swap3A_34], %dot_general3A_33 {strides = array<i32>} : memref<400x128xf32, #tpu.memory_space<vmem>>, vector<400x128xf32>,
    return
  }
  func.func @transform_0(%arg0: i32) -> (i32, i32, i32) {
    %c0_i32 = arith.constant 0 : i32
    %c0_i32_0 = arith.constant 0 : i32
    %c0_i32_1 = arith.constant 0 : i32
    return %c0_i32, %arg0, %c0_i32_0 : i32, i32, i32
  }
  func.func @transform_1(%arg0: i32) -> (i32, i32) {
    %c0_i32 = arith.constant 0 : i32
    %c0_i32_0 = arith.constant 0 : i32
    return %arg0, %c0_i32 : i32, i32
  }
  func.func @transform_2(%arg0: i32) -> (i32, i32) {
    %c0_i32 = arith.constant 0 : i32
    %c0_i32_0 = arith.constant 0 : i32
    %c0_i32_1 = arith.constant 0 : i32
    return %c0_i32, %c0_i32_0 : i32, i32
  }
  func.func @transform_3(%arg0: i32) -> (i32, i32) {
    %c0_i32 = arith.constant 0 : i32
    %c0_i32_0 = arith.constant 0 : i32
    %c0_i32_1 = arith.constant 0 : i32
    return %c0_i32, %c0_i32_0 : i32, i32
  }
  func.func @transform_4(%arg0: i32) -> (i32, i32) {
    %c0_i32 = arith.constant 0 : i32
    %c0_i32_0 = arith.constant 0 : i32
    %c0_i32_1 = arith.constant 0 : i32
    return %c0_i32, %c0_i32_0 : i32, i32
  }
  func.func @transform_5(%arg0: i32) -> (i32, i32) {
    %c0_i32 = arith.constant 0 : i32
    %c0_i32_0 = arith.constant 0 : i32
    %c0_i32_1 = arith.constant 0 : i32
    return %c0_i32, %c0_i32_0 : i32, i32
  }
  func.func @transform_6(%arg0: i32) -> (i32, i32) {
    %c0_i32 = arith.constant 0 : i32
    %c0_i32_0 = arith.constant 0 : i32
    return %arg0, %c0_i32 : i32, i32
  }
}

</mosaic_0001>

<sc_bundles>
// kernel: kernel.5.cloned.1.call-start
scs
__scs_entry_jumppad:
0x0: {  	(pc) =	sbr.rel $0x88, $3  }
0x1: {  	(tag) =	ssettag $0x0;
	lr =	simm.s32 $0x1  }
0x2: {  	[smem:$0x3F9A] =	sst lr;
	_ =	strace $0xD0000000  }
0x3: {  	_ = 	snop  }
0x4: {  	_ = 	snop  }
0x5: {  	_ = 	snop  }
0x6: {  	_ = 	snop  }
0x7: {  	_ = 	snop  }
__scs_overlays_trampoline_lowered:
0x8: {  	[smem:$0x3FA9] =	sst s0  }
0x9: {  	[smem:$0x3FAA] =	sst s1  }
0xa: {  	[smem:$0x3FAB] =	sst s2  }
0xb: {  	[smem:$0x3FAC] =	sst s3  }
0xc: {  	[smem:$0x3FAD] =	sst s4  }
0xd: {  	[smem:$0x3FAE] =	sst s5  }
0xe: {  	[smem:$0x3FAF] =	sst s6  }
0xf: {  	[smem:$0x3FB0] =	sst s7  }
0x10: {  	[smem:$0x3FB1] =	sst s8  }
0x11: {  	[smem:$0x3FB2] =	sst s9;
	s0 =	simm.s32 @!p0 $0x0  }
0x12: {  	s1 =	sld [smem:$0x3F98];
	s0 =	simm.s32 @p0 $0x1  }
0x13: {  	[smem:$0x3FB3] =	sst s0;
	s0 =	simm.s32 @!p1 $0x0  }
0x14: {  	s2 =	sld [smem:$0x3F97];
	s0 =	simm.s32 @p1 $0x1  }
0x15: {  	[smem:$0x3FB4] =	sst s0;
	s0 =	simm.s32 @!p2 $0x0  }
0x16: {  	s3 =	sld [smem:$0x3FDB];
	s0 =	simm.s32 @p2 $0x1  }
0x17: {  	s4 =	simm.s32 $0x1BF5;
	[smem:$0x3FB6] =	sst s0  }
0x18: {  	s0 =	sld [smem:$0x3F99];
	_ =	swait.ge [sflag:s4], $0x0  }
0x19: {  	s7 =	sld [smem:$0x3F9A]  }
0x1a: {  	s8 =	sadd.s32 $0xFFFFE003, lr  }
0x1b: {  	s9 =	sadd.s32 $0xFFFFFEF7, lr;
	s5 =	simm.s32 $0xFFFFFFFF;
	p2 =	slt.u32 s8, $0xFFFFF086  }
0x1c: {  	p1 =	slt.u32 s9, $0xF7A;
	s5 =	simm.s32 @!p2 $0x0  }
0x1d: {  	s5 =	simm.s32 @p1 $0x1;
	p0 =	seq.s32 s7, s2  }
0x1e: {  	s7 =	smul.u32 @!p0 $0xF7A, s2;
	p2 =	seq.s32 @!p0 s5, $0x0  }
0x1f: {  	s9 =	smul.u32 $0xF7A, s1;
	s8 =	simm.s32 @!p0 $0x1BF5;
	p2 =	por !p2, p0  }
0x20: {  	[sflag:s8] =	ssyncset.s32 @!p0 $0xFFFFF086;
	s6 =	sadd.s32 @!p0 s3, s7;
	s7 =	simm.s32 @!p0 $0x108  }
0x21: {  	s3 =	sadd.s32 s3, s9;
	s6 =	sadd.s32 @!p0 $0x88, s6;
	s7 =	simm.s32 @p2 $0x1082  }
0x22: {  	[simem:s7], [sflag:s8] =	dma.local @!p0 [hbm:s6], $0xF7A  }
0x23: {  	s9 =	sor.u32 $0xD0000000, s2;
	s6 =	simm.s32 $0x108;
	_ =	swait.ge @!p0 [sflag:s8], $0x0  }
0x24: {  	s3 =	sadd.s32 $0x88, s3;
	s6 =	simm.s32 @!p1 $0x1082;
	[sflag:s4] =	ssyncset.s32 $0xFFFFF086  }
0x25: {  	[simem:s6], [sflag:s4] =	dma.local [hbm:s3], $0xF7A  }
0x26: {  	[smem:$0x3F9A] =	sst s1;
	(tag) =	ssettag s2;
	_ =	strace s9  }
0x27: {  	s1 =	sld [smem:$0x3FAA]  }
0x28: {  	s2 =	sld [smem:$0x3FAB]  }
0x29: {  	s4 =	sld [smem:$0x3FAD]  }
0x2a: {  	p0 =	seq.s32 s5, $0x0;
	s5 =	sld [smem:$0x3FAE]  }
0x2b: {  	s6 =	sld [smem:$0x3FAF]  }
0x2c: {  	s7 =	sld [smem:$0x3FB0]  }
0x2d: {  	s3 =	simm.s32 $0x108;
	s8 =	sld [smem:$0x3FB1]  }
0x2e: {  	s3 =	simm.s32 @!p0 $0x1082;
	s9 =	sld [smem:$0x3FB2]  }
0x2f: {  	lr =	sadd.s32 s0, s3;
	s0 =	sld [smem:$0x3FA9]  }
0x30: {  	s3 =	sld [smem:$0x3FAC]  }
0x31: {  	[smem:$0x3FB5] =	sst s10  }
0x32: {  	s10 =	sld [smem:$0x3FB3];
	_ =	sdelay $0x3  }
0x33: {  	p0 =	seq.s32 s10, $0x1;
	s10 =	sld [smem:$0x3FB5];
	_ =	sdelay $0x3  }
0x34: {  	[smem:$0x3FB5] =	sst s10  }
0x35: {  	s10 =	sld [smem:$0x3FB4];
	_ =	sdelay $0x3  }
0x36: {  	p1 =	seq.s32 s10, $0x1;
	s10 =	sld [smem:$0x3FB5];
	_ =	sdelay $0x3  }
0x37: {  	[smem:$0x3FB5] =	sst s10  }
0x38: {  	s10 =	sld [smem:$0x3FB6]  }
0x39: {  	_ = 	snop;
	(pc) =	sbr.ind lr, $3  }
0x3a: {  	_ = 	snop  }
0x3b: {  	_ = 	snop  }
0x3c: {  	p2 =	seq.s32 s10, $0x1;
	s10 =	sld [smem:$0x3FB5]  }
0x3d: {  	_ =	shalt  }
0x3e: {  	_ =	shalt  }
0x3f: {  	_ =	shalt  }
0x40: {  	_ =	shalt  }
0x41: {  	_ =	shalt  }
0x42: {  	_ =	shalt  }
0x43: {  	_ =	shalt  }
0x44: {  	_ =	shalt  }
0x45: {  	_ =	shalt  }
0x46: {  	_ =	shalt  }
0x47: {  	_ =	shalt  }
0x48: {  	_ =	shalt  }
0x49: {  	_ =	shalt  }
0x4a: {  	_ =	shalt  }
0x4b: {  	_ =	shalt  }
0x4c: {  	_ =	shalt  }
0x4d: {  	_ =	shalt  }
0x4e: {  	_ =	shalt  }
0x4f: {  	_ =	shalt  }
0x50: {  	_ =	shalt  }
0x51: {  	_ =	shalt  }
0x52: {  	_ =	shalt  }
0x53: {  	_ =	shalt  }
0x54: {  	_ =	shalt  }
0x55: {  	_ =	shalt  }
0x56: {  	_ =	shalt  }
0x57: {  	_ =	shalt  }
0x58: {  	_ =	shalt  }
0x59: {  	_ =	shalt  }
0x5a: {  	_ =	shalt  }
0x5b: {  	_ =	shalt  }
0x5c: {  	_ =	shalt  }
0x5d: {  	_ =	shalt  }
0x5e: {  	_ =	shalt  }
0x5f: {  	_ =	shalt  }
0x60: {  	_ =	shalt  }
0x61: {  	_ =	shalt  }
0x62: {  	_ =	shalt  }
0x63: {  	_ =	shalt  }
0x64: {  	_ =	shalt  }
0x65: {  	_ =	shalt  }
0x66: {  	_ =	shalt  }
0x67: {  	_ =	shalt  }
0x68: {  	_ =	shalt  }
0x69: {  	_ =	shalt  }
0x6a: {  	_ =	shalt  }
0x6b: {  	_ =	shalt  }
0x6c: {  	_ =	shalt  }
0x6d: {  	_ =	shalt  }
0x6e: {  	_ =	shalt  }
0x6f: {  	_ =	shalt  }
0x70: {  	_ =	shalt  }
0x71: {  	_ =	shalt  }
0x72: {  	_ =	shalt  }
0x73: {  	_ =	shalt  }
0x74: {  	_ =	shalt  }
0x75: {  	_ =	shalt  }
0x76: {  	_ =	shalt  }
0x77: {  	_ =	shalt  }
0x78: {  	_ =	shalt  }
0x79: {  	_ =	shalt  }
0x7a: {  	_ =	shalt  }
0x7b: {  	_ =	shalt  }
0x7c: {  	_ =	shalt  }
0x7d: {  	_ =	shalt  }
0x7e: {  	_ =	shalt  }
0x7f: {  	_ =	shalt  }
0x80: {  	_ =	shalt  }
0x81: {  	_ =	shalt  }
0x82: {  	_ =	shalt  }
0x83: {  	_ =	shalt  }
0x84: {  	_ =	shalt  }
0x85: {  	_ =	shalt  }
0x86: {  	_ =	shalt  }
0x87: {  	_ =	shalt  }
.Lfunc_end0:
.L_simem_size_0:
called_computation_lowered:
.L_overlay_start_0:
0x88: {  	s2 =	sld [smem:$0x3FD9]  }
0x89: {  	s3 =	sld [smem:$0x3FFE];
	_ =	sdelay $0x1  }
0x8a: {  	s1 =	srdreg.scid  }
0x8b: {  	s0 =	sand.u32 $0x1, s1  }
0x8c: {  	s17 =	sshll.u32 s0, $0xA;
	s2 =	sadd.s32 s3, s2  }
0x8d: {  	s2 =	sadd.s32 s2, s17  }
0x8e: {  	[smem:$0x3FC1] =	sst s2  }
0x8f: {  	_ = 	snop  }
0x90: {  	s2 =	sld [smem:$0x3FD0];
	(tm) =	ssettm $0x1  }
0x91: {  	s18 =	sld [smem:$0x3FFB];
	_ =	sdelay $0x3  }
0x92: {  	_ =	strace s18  }
0x93: {  	s3 =	sld [smem:$0x3FFC];
	_ =	sdelay $0x3  }
0x94: {  	_ =	strace s3  }
0x95: {  	s3 =	sld [smem:$0x3FFD];
	_ =	sdelay $0x3  }
0x96: {  	_ =	strace s3  }
0x97: {  	_ =	strace $0x8FFFFFFF  }
0x98: {  	s19 =	sld [smem:$0x3FDB];
	_ =	sdelay $0x1  }
0x99: {  	s4 =	simm.s32 $_scs_section_size  }
0x9a: {  	s5 =	simm.s32 $_size__tile_overlayer_lowered;
	s6 =	simm.s32 $_tile_overlayer_lowered  }
0x9b: {  	s22 =	simm.s32 $0x1BFF;
	s21 =	sshll.u32 s6, $0x1;
	s3 =	sadd.s32 s4, s19  }
0x9c: {  	s7 =	simm.s32 $0x0;
	s20 =	sshll.u32 s5, $0x1;
	s5 =	sadd.s32 s21, s3  }
0x9d: {  	[timem:s7], [sflag:s22] =	dma.local [hbm:s5], s20  }
0x9e: {  	_ =	swait.ge [sflag:s22], s20  }
0x9f: {  	s4 =	ssub.s32 $0x0, s20;
	[sflag:s22] =	ssyncset.done $0x0  }
0xa0: {  	[sflag:s22] =	ssyncadd.s32 s4;
	_ =	sdelay $0x1  }
0xa1: {  	s23 =	simm.s32 $0x1B8B  }
0xa2: {  	_ =	swait.ge [sflag:s23], $0x1  }
0xa3: {  	[sflag:s23] =	ssyncset.done $0x0  }
0xa4: {  	s25 =	simm.s32 $0x1B8E;
	s24 =	sld [smem:$0x3FFE];
	[sflag:s23] =	ssyncadd.s32 $0xFFFFFFFF  }
0xa5: {  	s26 =	simm.s32 $execute0_lowered;
	[smem:$0x3FD2] =	sst s25  }
0xa6: {  	s5 =	sshll.u32 s26, $0x1;
	_ =	strace $0x80000046;
	[dreg:$0x1] =	wrdreg $0xFFFFFFFF  }
0xa7: {  	s28 =	simm.s32 $_size_execute0_lowered;
	s3 =	sadd.s32 s3, s5;
	[dreg:$0x0] =	wrdreg $0x0  }
0xa8: {  	s5 =	sshll.u32 s28, $0x1;
	[dreg:$0x2] =	wrdreg s3  }
0xa9: {  	[dreg:$0x3] =	wrdreg s5  }
0xaa: {  	[dreg:$0x4] =	wrdreg $0xC0  }
0xab: {  	_ =	task [dreg:s7], $0x5FFFF  }
0xac: {  	[dreg:$0x1] =	wrdreg $0xFFFFFFFF  }
0xad: {  	[dreg:$0x0] =	wrdreg $0x60  }
0xae: {  	[dreg:$0x2] =	wrdreg s2  }
0xaf: {  	[dreg:$0x3] =	wrdreg s24  }
0xb0: {  	[dreg:$0x4] =	wrdreg $0x0  }
0xb1: {  	[dreg:$0x5] =	wrdreg $0x9  }
0xb2: {  	_ =	task.clear_ibuf [dreg:s7], $0x6FFFF;
	_ =	strace $0x90000046  }
0xb3: {  	s29 =	simm.s32 $0x9;
	_ =	strace $0x80000048  }
0xb4: {  	_ =	swait.ge [sflag:s29], $0x1  }
0xb5: {  	[sflag:s29] =	ssyncadd.s32 $0xFFFFFFFF  }
0xb6: {  	_ =	strace $0x90000048  }
0xb7: {  	_ =	sfence  }
0xb8: {  	s30 =	sld [smem:$0x0];
	_ =	sdelay $0x2  }
0xb9: {  	s31 =	sshll.u32 s1, $0xD;
	s1 =	sshrl.u32 s1, $0x2  }
0xba: {  	s3 =	sand.u32 $0x4000, s31;
	s1 =	sadd.s32 s1, s30  }
0xbb: {  	s0 =	sor.u32 s3, s0;
	s1 =	sshll.u32 s1, $0x11  }
0xbc: {  	s0 =	sor.u32 s1, s0  }
0xbd: {  	s0 =	sadd.s32 $0x8F2B, s0  }
0xbe: {  	[sflag:s0] =	ssyncadd.remote.s32 $0x1  }
0xbf: {  	_ =	sfence.sel $0xFFFF  }
0xc0: {  	[dreg:$0x0] =	wrdreg $0xFFFFFFFF;
	(pc) =	sbr.abs _section_cstart, $3  }
0xc1: {  	[dreg:$0x1] =	wrdreg $0xFFFFFFFF  }
0xc2: {  	_ =	task.clear_ibuf [dreg:s7], $0x2FFFF;
	_ =	strace $0x9FFFFFFF  }
0xc3: {  	(tm) =	ssettm $0x7FFFFFFF  }
tec
execute0_lowered:
.L_overlay_start_1:
0x0: {  	(tag) =	ssettag $0x1  }
0x1: {  	s1 =	rddreg [dreg:$0x0]  }
0x2: {  	s0 =	rddreg [dreg:$0x1]  }
0x3: {  	s2 =	rddreg [dreg:$0x2]  }
0x4: {  	s3 =	srdreg.scid;
	s10 =	stileid.u32  }
0x5: {  	s4 =	simm.s32 $0x0;
	s3 =	sand.u32 $0x1, s3;
	s7 =	smul.u32 $0x14000, s10  }
0x6: {  	[smem:$0x7FF] =	sst s4;
	s28 =	smul.u32 $0x50000, s10;
	s5 =	sshll.u32 s3, $0x4  }
0x7: {  	s6 =	smul.u32 $0x140000, s3;
	s3 =	ssub.s32 $0x2, s3;
	s8 =	sor.u32 s10, s5  }
0x8: {  	_ =	strace $0x80000047;
	s29 =	sshrl.u32 s3, $0x1;
	s9 =	smul.u32 $0x4E2, s8  }
0x9: {  	s5 =	sadd.s32 $0x15800, s0;
	s3 =	ssub.s32 s3, s29;
	s31 =	smul.u32 $0x13880, s8  }
0xa: {  	s30 =	sshrl.u32 s28, $0x2;
	s6 =	sadd.s32 s7, s6;
	s12 =	smax.u32 s3, $0x1  }
0xb: {  	s9 =	sadd.s32 s9, s0;
	s7 =	sadd.s32 s5, s31;
	[dreg:$0x8] =	wrdreg s12  }
0xc: {  	s6 =	sshrl.u32 s6, $0x3;
	s11 =	sadd.s32 $0xBA00, s9;
	[dreg:$0x6] =	wrdreg s7  }
0xd: {  	s0 =	sadd.s32 s6, s0;
	s9 =	sadd.s32 $0x1C00, s9;
	[dreg:$0x4] =	wrdreg s11  }
0xe: {  	s6 =	sadd.s32 s30, s2;
	s0 =	sadd.s32 $0x286800, s0;
	[dreg:$0x5] =	wrdreg s9  }
0xf: {  	s13 =	sadd.s32 $0x1000, s6;
	[dreg:$0x7] =	wrdreg s0  }
0x10: {  	s14 =	sadd.s32 $0x2000, s6;
	[dreg:$0x9] =	wrdreg s13  }
0x11: {  	s15 =	sadd.s32 $0x3000, s6;
	[dreg:$0xa] =	wrdreg s14  }
0x12: {  	s16 =	sadd.s32 $0x4000, s6;
	[dreg:$0xb] =	wrdreg s15  }
0x13: {  	s17 =	sadd.s32 $0x5000, s6;
	[dreg:$0xc] =	wrdreg s16  }
0x14: {  	s18 =	sadd.s32 $0x6000, s6;
	[dreg:$0xd] =	wrdreg s17  }
0x15: {  	s19 =	sadd.s32 $0x7000, s6;
	[dreg:$0xe] =	wrdreg s18  }
0x16: {  	s20 =	sadd.s32 $0x8000, s6;
	[dreg:$0xf] =	wrdreg s19  }
0x17: {  	s21 =	sadd.s32 $0x9000, s6;
	[dreg:$0x10] =	wrdreg s20  }
0x18: {  	s22 =	sadd.s32 $0xA000, s6;
	[dreg:$0x11] =	wrdreg s21  }
0x19: {  	s23 =	sadd.s32 $0xB000, s6;
	[dreg:$0x12] =	wrdreg s22  }
0x1a: {  	s24 =	sadd.s32 $0xC000, s6;
	[dreg:$0x13] =	wrdreg s23  }
0x1b: {  	s10 =	smul.u32 $0x271, s8;
	s25 =	sadd.s32 $0xD000, s6;
	[dreg:$0x14] =	wrdreg s24  }
0x1c: {  	s8 =	simm.s32 $0x20;
	s26 =	sadd.s32 $0xE000, s6;
	[dreg:$0x15] =	wrdreg s25  }
0x1d: {  	s3 =	simm.s32 $0x1B900;
	s28 =	sadd.s32 $0xF000, s6;
	[dreg:$0x16] =	wrdreg s26  }
0x1e: {  	s12 =	simm.s32 $0x1B100;
	s29 =	sadd.s32 $0x10000, s6;
	[dreg:$0x17] =	wrdreg s28  }
0x1f: {  	s30 =	sadd.s32 $0x11000, s6;
	s31 =	sadd.s32 $0x12000, s6;
	[dreg:$0x18] =	wrdreg s29  }
.Ltmp0:
0x20: {  	s7 =	simm.s32 $0x5;
	[dreg:$0x19] =	wrdreg s30;
	(pc) =	sbr.rel .LBB2_1-.Ltmp0, $4  }
0x21: {  	[dreg:$0x1a] =	wrdreg s31;
	s0 =	sadd.s32 $0x13000, s6;
	s9 =	simm.s32 $0x18F00  }
0x22: {  	s11 =	simm.s32 $0x19100;
	s13 =	simm.s32 $0x1;
	s14 =	simm.s32 $0x19000  }
0x23: {  	s15 =	simm.s32 $0x3;
	s16 =	simm.s32 $0x2;
	s17 =	simm.s32 $0x19080  }
0x24: {  	v0 =	vimm.f32 $0.0e+00;
	s18 =	simm.s32 $0x1C900;
	s19 =	simm.s32 $0x4;
	s20 =	simm.s32 $0x0  }
.LBB2_11:
0x25: {  	_ =	swait.ge [sflag:s15], $0x1000  }
0x26: {  	[sflag:s15] =	ssyncset.done $0x0  }
0x27: {  	[sflag:s15] =	ssyncadd.s32 $0xFFFFF000  }
0x28: {  	_ =	swait.ge [sflag:s19], $0x1000  }
0x29: {  	[sflag:s19] =	ssyncset.done $0x0  }
0x2a: {  	s21 =	stileid.u32;
	[sflag:s19] =	ssyncadd.s32 $0xFFFFF000  }
0x2b: {  	s21 =	sshll.u32 s21, $0x6;
	[bflag:$0x0] =	sbarrier.arrive $0xFFFF  }
0x2c: {  	s22 =	sshrl.u32 s6, $0x3;
	s21 =	sor.u32 $0x1C05, s21;
	s23 =	rddreg [dreg:$0x7]  }
0x2d: {  	[hbm:s23], [sflag:s21] =	dma.local [spmem:s22], $0x2800  }
0x2e: {  	_ =	swait.ge [sflag:s7], $0x2800  }
0x2f: {  	s20 =	sadd.s32 $0x1, s20;
	s31 =	rddreg [dreg:$0x8]  }
0x30: {  	p0 =	sne.s32 s20, s31  }
.Ltmp1:
0x31: {  	_ = 	snop;
	(pc) =	sbr.rel @!p0 .LBB2_12-.Ltmp1, $3  }
0x32: {  	_ =	sdelay $0x1  }
0x33: {  	[sflag:s7] =	ssyncset.done $0x0  }
0x34: {  	[sflag:s7] =	ssyncadd.s32 $0xFFFFD800  }
.LBB2_1:
0x35: {  	s21 =	simm.s32 $0x0;
	s22 =	simm.s32 $0x200  }
.LBB2_2:
0x36: {  	p0 =	sne.s32 s22, $0x3E00;
	[tilespmem:s21+$0x1B970] =	vst v0  }
0x37: {  	[tilespmem:s21+$0x1B900] =	vst v0  }
0x38: {  	[tilespmem:s21+$0x1B910] =	vst v0  }
.Ltmp2:
0x39: {  	[tilespmem:s21+$0x1B920] =	vst v0;
	(pc) =	sbr.rel @p0 .LBB2_2-.Ltmp2, $4  }
0x3a: {  	[tilespmem:s21+$0x1B930] =	vst v0  }
0x3b: {  	[tilespmem:s21+$0x1B940] =	vst v0  }
0x3c: {  	[tilespmem:s21+$0x1B950] =	vst v0  }
0x3d: {  	[tilespmem:s21+$0x1B960] =	vst v0;
	s21 =	sshra.s32 s22, $0x2;
	s22 =	sadd.s32 $0x200, s22  }
0x3e: {  	[tilespmem:s21+$0x1B970] =	vst v0  }
0x3f: {  	[tilespmem:s21+$0x1B900] =	vst v0  }
0x40: {  	[tilespmem:s21+$0x1B910] =	vst v0  }
0x41: {  	[tilespmem:s21+$0x1B920] =	vst v0  }
0x42: {  	[tilespmem:s21+$0x1B930] =	vst v0  }
0x43: {  	[tilespmem:s21+$0x1B940] =	vst v0  }
0x44: {  	[tilespmem:s21+$0x1B950] =	vst v0  }
0x45: {  	[tilespmem:s21+$0x1B960] =	vst v0  }
0x46: {  	[spmem:s6] =	stream.linear.scatter [tilespmem:s3], [sflag:$0x5], $0x1000, $0x38;
	[tilespmem:$0x1D900] =	vst v63  }
0x47: {  	_ =	swait.ge [sflag:s7], $0x1000  }
0x48: {  	[sflag:s7] =	ssyncset.done $0x0  }
0x49: {  	s29 =	rddreg [dreg:$0x9];
	[sflag:s7] =	ssyncadd.s32 $0xFFFFF000  }
0x4a: {  	[spmem:s29] =	stream.linear.scatter [tilespmem:s3], [sflag:$0x5], $0x1000, $0x38;
	[tilespmem:$0x1D900] =	vst v63  }
0x4b: {  	_ =	swait.ge [sflag:s7], $0x1000  }
0x4c: {  	[sflag:s7] =	ssyncset.done $0x0  }
0x4d: {  	s30 =	rddreg [dreg:$0xa];
	[sflag:s7] =	ssyncadd.s32 $0xFFFFF000  }
0x4e: {  	[spmem:s30] =	stream.linear.scatter [tilespmem:s3], [sflag:$0x5], $0x1000, $0x38;
	[tilespmem:$0x1D900] =	vst v63  }
0x4f: {  	_ =	swait.ge [sflag:s7], $0x1000  }
0x50: {  	[sflag:s7] =	ssyncset.done $0x0  }
0x51: {  	s31 =	rddreg [dreg:$0xb];
	[sflag:s7] =	ssyncadd.s32 $0xFFFFF000  }
0x52: {  	[spmem:s31] =	stream.linear.scatter [tilespmem:s3], [sflag:$0x5], $0x1000, $0x38;
	[tilespmem:$0x1D900] =	vst v63  }
0x53: {  	_ =	swait.ge [sflag:s7], $0x1000  }
0x54: {  	[sflag:s7] =	ssyncset.done $0x0  }
0x55: {  	s22 =	rddreg [dreg:$0xc];
	[sflag:s7] =	ssyncadd.s32 $0xFFFFF000  }
0x56: {  	[spmem:s22] =	stream.linear.scatter [tilespmem:s3], [sflag:$0x5], $0x1000, $0x38;
	[tilespmem:$0x1D900] =	vst v63  }
0x57: {  	_ =	swait.ge [sflag:s7], $0x1000  }
0x58: {  	[sflag:s7] =	ssyncset.done $0x0  }
0x59: {  	s23 =	rddreg [dreg:$0xd];
	[sflag:s7] =	ssyncadd.s32 $0xFFFFF000  }
0x5a: {  	[spmem:s23] =	stream.linear.scatter [tilespmem:s3], [sflag:$0x5], $0x1000, $0x38;
	[tilespmem:$0x1D900] =	vst v63  }
0x5b: {  	_ =	swait.ge [sflag:s7], $0x1000  }
0x5c: {  	[sflag:s7] =	ssyncset.done $0x0  }
0x5d: {  	s24 =	rddreg [dreg:$0xe];
	[sflag:s7] =	ssyncadd.s32 $0xFFFFF000  }
0x5e: {  	[spmem:s24] =	stream.linear.scatter [tilespmem:s3], [sflag:$0x5], $0x1000, $0x38;
	[tilespmem:$0x1D900] =	vst v63  }
0x5f: {  	_ =	swait.ge [sflag:s7], $0x1000  }
0x60: {  	[sflag:s7] =	ssyncset.done $0x0  }
0x61: {  	s25 =	rddreg [dreg:$0xf];
	[sflag:s7] =	ssyncadd.s32 $0xFFFFF000  }
0x62: {  	[spmem:s25] =	stream.linear.scatter [tilespmem:s3], [sflag:$0x5], $0x1000, $0x38;
	[tilespmem:$0x1D900] =	vst v63  }
0x63: {  	_ =	swait.ge [sflag:s7], $0x1000  }
0x64: {  	[sflag:s7] =	ssyncset.done $0x0  }
0x65: {  	s26 =	rddreg [dreg:$0x10];
	[sflag:s7] =	ssyncadd.s32 $0xFFFFF000  }
0x66: {  	[spmem:s26] =	stream.linear.scatter [tilespmem:s3], [sflag:$0x5], $0x1000, $0x38;
	[tilespmem:$0x1D900] =	vst v63  }
0x67: {  	_ =	swait.ge [sflag:s7], $0x1000  }
0x68: {  	[sflag:s7] =	ssyncset.done $0x0  }
0x69: {  	s28 =	rddreg [dreg:$0x11];
	[sflag:s7] =	ssyncadd.s32 $0xFFFFF000  }
0x6a: {  	[spmem:s28] =	stream.linear.scatter [tilespmem:s3], [sflag:$0x5], $0x1000, $0x38;
	[tilespmem:$0x1D900] =	vst v63  }
0x6b: {  	_ =	swait.ge [sflag:s7], $0x1000  }
0x6c: {  	[sflag:s7] =	ssyncset.done $0x0  }
0x6d: {  	s29 =	rddreg [dreg:$0x12];
	[sflag:s7] =	ssyncadd.s32 $0xFFFFF000  }
0x6e: {  	[spmem:s29] =	stream.linear.scatter [tilespmem:s3], [sflag:$0x5], $0x1000, $0x38;
	[tilespmem:$0x1D900] =	vst v63  }
0x6f: {  	_ =	swait.ge [sflag:s7], $0x1000  }
0x70: {  	[sflag:s7] =	ssyncset.done $0x0  }
0x71: {  	s30 =	rddreg [dreg:$0x13];
	[sflag:s7] =	ssyncadd.s32 $0xFFFFF000  }
0x72: {  	[spmem:s30] =	stream.linear.scatter [tilespmem:s3], [sflag:$0x5], $0x1000, $0x38;
	[tilespmem:$0x1D900] =	vst v63  }
0x73: {  	_ =	swait.ge [sflag:s7], $0x1000  }
0x74: {  	[sflag:s7] =	ssyncset.done $0x0  }
0x75: {  	s31 =	rddreg [dreg:$0x14];
	[sflag:s7] =	ssyncadd.s32 $0xFFFFF000  }
0x76: {  	[spmem:s31] =	stream.linear.scatter [tilespmem:s3], [sflag:$0x5], $0x1000, $0x38;
	[tilespmem:$0x1D900] =	vst v63  }
0x77: {  	_ =	swait.ge [sflag:s7], $0x1000  }
0x78: {  	[sflag:s7] =	ssyncset.done $0x0  }
0x79: {  	s22 =	rddreg [dreg:$0x15];
	[sflag:s7] =	ssyncadd.s32 $0xFFFFF000  }
0x7a: {  	[spmem:s22] =	stream.linear.scatter [tilespmem:s3], [sflag:$0x5], $0x1000, $0x38;
	[tilespmem:$0x1D900] =	vst v63  }
0x7b: {  	_ =	swait.ge [sflag:s7], $0x1000  }
0x7c: {  	[sflag:s7] =	ssyncset.done $0x0  }
0x7d: {  	s23 =	rddreg [dreg:$0x16];
	[sflag:s7] =	ssyncadd.s32 $0xFFFFF000  }
0x7e: {  	[spmem:s23] =	stream.linear.scatter [tilespmem:s3], [sflag:$0x5], $0x1000, $0x38;
	[tilespmem:$0x1D900] =	vst v63  }
0x7f: {  	_ =	swait.ge [sflag:s7], $0x1000  }
0x80: {  	[sflag:s7] =	ssyncset.done $0x0  }
0x81: {  	s24 =	rddreg [dreg:$0x17];
	[sflag:s7] =	ssyncadd.s32 $0xFFFFF000  }
0x82: {  	[spmem:s24] =	stream.linear.scatter [tilespmem:s3], [sflag:$0x5], $0x1000, $0x38;
	[tilespmem:$0x1D900] =	vst v63  }
0x83: {  	_ =	swait.ge [sflag:s7], $0x1000  }
0x84: {  	[sflag:s7] =	ssyncset.done $0x0  }
0x85: {  	s25 =	rddreg [dreg:$0x18];
	[sflag:s7] =	ssyncadd.s32 $0xFFFFF000  }
0x86: {  	[spmem:s25] =	stream.linear.scatter [tilespmem:s3], [sflag:$0x5], $0x1000, $0x38;
	[tilespmem:$0x1D900] =	vst v63  }
0x87: {  	_ =	swait.ge [sflag:s7], $0x1000  }
0x88: {  	[sflag:s7] =	ssyncset.done $0x0  }
0x89: {  	s26 =	rddreg [dreg:$0x19];
	[sflag:s7] =	ssyncadd.s32 $0xFFFFF000  }
0x8a: {  	[spmem:s26] =	stream.linear.scatter [tilespmem:s3], [sflag:$0x5], $0x1000, $0x38;
	[tilespmem:$0x1D900] =	vst v63  }
0x8b: {  	_ =	swait.ge [sflag:s7], $0x1000  }
0x8c: {  	[sflag:s7] =	ssyncset.done $0x0  }
0x8d: {  	s28 =	rddreg [dreg:$0x1a];
	[sflag:s7] =	ssyncadd.s32 $0xFFFFF000  }
0x8e: {  	[spmem:s28] =	stream.linear.scatter [tilespmem:s3], [sflag:$0x5], $0x1000, $0x38;
	[tilespmem:$0x1D900] =	vst v63  }
0x8f: {  	_ =	swait.ge [sflag:s7], $0x1000  }
0x90: {  	[sflag:s7] =	ssyncset.done $0x0  }
0x91: {  	[sflag:s7] =	ssyncadd.s32 $0xFFFFF000  }
0x92: {  	[spmem:s0] =	stream.linear.scatter [tilespmem:s3], [sflag:$0x5], $0x1000, $0x38;
	[tilespmem:$0x1D900] =	vst v63  }
0x93: {  	_ =	swait.ge [sflag:s7], $0x1000  }
0x94: {  	s21 =	simm.s32 $0x0;
	[sflag:s7] =	ssyncset.done $0x0  }
0x95: {  	s23 =	simm.s32 $0x14000;
	s22 =	rddreg [dreg:$0x4];
	[sflag:s7] =	ssyncadd.s32 $0xFFFFF000  }
0x96: {  	[tilespmem:s23], [sflag:$0x5] =	stream.linear.gather [hbm4b:s22+s21], $0x2710, $0x38;
	[tilespmem:$0x1D900] =	vst v63  }
0x97: {  	_ =	swait.ge [sflag:s7], $0x2710  }
0x98: {  	[sflag:s7] =	ssyncset.done $0x0  }
0x99: {  	s30 =	simm.s32 $0x16780;
	s29 =	rddreg [dreg:$0x5];
	[sflag:s7] =	ssyncadd.s32 $0xFFFFD8F0  }
0x9a: {  	[tilespmem:s30], [sflag:$0x5] =	stream.linear.gather [hbm4b:s29+s21], $0x2710, $0x38;
	[tilespmem:$0x1D900] =	vst v63  }
0x9b: {  	_ =	swait.ge [sflag:s7], $0x2710  }
0x9c: {  	[sflag:s7] =	ssyncset.done $0x0  }
0x9d: {  	[sflag:s7] =	ssyncadd.s32 $0xFFFFD8F0  }
0x9e: {  	[bflag:$0x0] =	sbarrier.arrive $0xFFFF  }
0x9f: {  	v1 =	vld [tilespmem:$0x14000]  }
0xa0: {  	v2 =	vld [tilespmem:$0x16780];
	_ =	sdelay $0x3  }
0xa1: {  	[tilespmem:$0x18F00] =	vst v1  }
0xa2: {  	[tilespmem:$0x18F10] =	vst v2  }
.Ltmp3:
0xa3: {  	[tilespmem:$0x19000] =	vst v2;
	(pc) =	sbr.rel .LBB2_4-.Ltmp3, $4  }
0xa4: {  	[tilespmem:$0x19010] =	vst v1  }
0xa5: {  	[tilespmem:s11], [sflag:$0x1] =	stream.indirect.gather [hbm4b:s1+s8], $0x80, s9, s8, $0xb8;
	[tilespmem:$0x1D900] =	vst v63  }
0xa6: {  	s31 =	rddreg [dreg:$0x6]  }
0xa7: {  	[tilespmem:s12], [sflag:$0x1] =	stream.linear.gather [hbm4b:s31+s21], $0x400, $0x38;
	[tilespmem:$0x1D900] =	vst v63  }
.LBB2_10:
0xa8: {  	s21 =	sadd.s32 $0x1, s21  }
0xa9: {  	p0 =	sne.s32 s21, $0x139  }
.Ltmp4:
0xaa: {  	_ = 	snop;
	(pc) =	sbr.rel @!p0 .LBB2_11-.Ltmp4, $1  }
0xab: {  	_ =	sdelay $0x3  }
.LBB2_4:
0xac: {  	s22 =	sshllo.u32 s21, $0x1  }
0xad: {  	p0 =	sgt.u32 s22, $0x270  }
0xae: {  	p1 =	seq.s32 @!p0 s21, $0x0  }
0xaf: {  	p1 =	por p1, p0  }
0xb0: {  	s23 =	simm.s32 @!p1 $0x4  }
0xb1: {  	_ =	swait.ge @!p1 [sflag:s23], $0x1000  }
0xb2: {  	[sflag:s23] =	ssyncset.done @!p1 $0x0  }
0xb3: {  	[sflag:s23] =	ssyncadd.s32 @!p1 $0xFFFFF000;
	s23 =	sshll.u32 @!p0 s22, $0x4  }
0xb4: {  	v1 =	vld @!p0 [tilespmem:s23+$0x14000]  }
0xb5: {  	v2 =	vld @!p0 [tilespmem:s23+$0x16780];
	_ =	sdelay $0x3  }
0xb6: {  	[tilespmem:$0x18F80] =	vst @!p0 v1  }
0xb7: {  	[tilespmem:$0x18F90] =	vst @!p0 v2  }
0xb8: {  	s24 =	simm.s32 @!p0 $0x18F80;
	s22 =	sadd.s32 @!p0 s10, s22;
	[tilespmem:$0x19080] =	vst @!p0 v2  }
0xb9: {  	s25 =	simm.s32 @!p0 $0x1A100;
	s23 =	simm.s32 @!p0 $0x20;
	s22 =	sshll.u32 @!p0 s22, $0x7;
	[tilespmem:$0x19090] =	vst @!p0 v1  }
0xba: {  	[tilespmem:s25], [sflag:$0x2] =	stream.indirect.gather @!p0 [hbm4b:s1+s23], $0x80, s24, s23, $0xb8;
	[tilespmem:$0x1D900] =	vst v63  }
0xbb: {  	s22 =	sadd.s32 @!p0 s5, s22;
	s23 =	simm.s32 @!p0 $0x0;
	s24 =	simm.s32 @!p0 $0x1B500  }
0xbc: {  	[tilespmem:s24], [sflag:$0x2] =	stream.linear.gather @!p0 [hbm4b:s22+s23], $0x400, $0x38;
	[tilespmem:$0x1D900] =	vst v63  }
0xbd: {  	_ =	swait.ge [sflag:s13], $0x1000  }
0xbe: {  	[sflag:s13] =	ssyncset.done $0x0  }
0xbf: {  	[sflag:s13] =	ssyncadd.s32 $0xFFFFF000  }
0xc0: {  	_ =	swait.ge [sflag:s13], $0x400  }
0xc1: {  	[sflag:s13] =	ssyncset.done $0x0  }
0xc2: {  	s26 =	simm.s32 $0x1B180;
	[sflag:s13] =	ssyncadd.s32 $0xFFFFFC00  }
0xc3: {  	s28 =	simm.s32 $0x19900;
	v1 =	vld [tilespmem:s26+$0x0]  }
0xc4: {  	v2 =	vld [tilespmem:s28+$0xFFFFF900]  }
0xc5: {  	v3 =	vld [tilespmem:s28+$0x140]  }
0xc6: {  	v4 =	vld [tilespmem:s28+$0xFFFFF940]  }
0xc7: {  	v5 =	vld [tilespmem:s28+$0x100];
	_ =	sdelay $0x1  }
0xc8: {  	v6 =	vld [tilespmem:s28+$0xFFFFF800];
	v7 =	vshll.u32 v1, $0x10;
	v1 =	vand.u32 $0xFFFF0000, v1  }
0xc9: {  	v8 =	vshll.u32 v2, $0x10;
	v2 =	vand.u32 $0xFFFF0000, v2;
	v9 =	vshll.u32 v3, $0x10  }
0xca: {  	v10 =	vld [tilespmem:s28+$0xFFFFF840];
	v11 =	vshll.u32 v4, $0x10;
	v3 =	vand.u32 $0xFFFF0000, v3;
	v8 =	vadd.f32 v9, v8  }
0xcb: {  	v4 =	vand.u32 $0xFFFF0000, v4;
	v9 =	vshll.u32 v5, $0x10;
	v2 =	vadd.f32 v3, v2  }
0xcc: {  	v3 =	vld [tilespmem:s28+$0x0];
	v5 =	vand.u32 $0xFFFF0000, v5;
	v9 =	vadd.f32 v9, v11;
	v8 =	vadd.f32 v7, v8  }
0xcd: {  	v12 =	vshll.u32 v6, $0x10;
	v11 =	vld [tilespmem:s28+$0x40];
	v4 =	vadd.f32 v5, v4;
	v2 =	vadd.f32 v1, v2  }
0xce: {  	v5 =	vand.u32 $0xFFFF0000, v6;
	v6 =	vadd.f32 v7, v9;
	v7 =	vmul.f32 $9.999999770e-03, v8  }
0xcf: {  	v13 =	vshll.u32 v10, $0x10;
	v9 =	vld [tilespmem:s26+$0xFFFFFF80];
	v1 =	vadd.f32 v1, v4;
	v4 =	vmul.f32 $9.999999770e-03, v2  }
0xd0: {  	s22 =	simm.s32 $0x1C100;
	v10 =	vand.u32 $0xFFFF0000, v10;
	v7 =	vmax.f32 v8, v7;
	v8 =	vmul.f32 $9.999999770e-03, v6  }
0xd1: {  	v14 =	vshll.u32 v3, $0x10;
	v2 =	vmax.f32 v2, v4;
	v4 =	vmul.f32 $9.999999770e-03, v1;
	[tilespmem:s22+$0xFFFFF900] =	vst v7  }
0xd2: {  	v3 =	vand.u32 $0xFFFF0000, v3;
	v7 =	vshll.u32 v11, $0x10;
	[tilespmem:s22+$0xFFFFF910] =	vst v2;
	v2 =	vmax.f32 v6, v8  }
0xd3: {  	v6 =	vand.u32 $0xFFFF0000, v11;
	v7 =	vadd.f32 v7, v12;
	v1 =	vmax.f32 v1, v4;
	[tilespmem:s22+$0x100] =	vst v2  }
0xd4: {  	v2 =	vshll.u32 v9, $0x10;
	v4 =	vadd.f32 v6, v5;
	v5 =	vadd.f32 v14, v13;
	[tilespmem:s22+$0x110] =	vst v1  }
0xd5: {  	v3 =	vadd.f32 v3, v10;
	v1 =	vand.u32 $0xFFFF0000, v9;
	v6 =	vadd.f32 v2, v7;
	v7 =	vld [tilespmem:s26+$0x10]  }
0xd6: {  	v8 =	vld [tilespmem:s28+$0x150];
	v4 =	vadd.f32 v1, v4;
	v2 =	vadd.f32 v2, v5  }
0xd7: {  	v5 =	vld [tilespmem:s28+$0xFFFFF910];
	v1 =	vadd.f32 v1, v3;
	v3 =	vmul.f32 $9.999999770e-03, v6  }
0xd8: {  	v13 =	vld [tilespmem:s28+$0x110];
	v9 =	vmul.f32 $9.999999770e-03, v4;
	v10 =	vmul.f32 $9.999999770e-03, v2  }
0xd9: {  	v11 =	vld [tilespmem:s28+$0xFFFFF950];
	v12 =	vmul.f32 $9.999999770e-03, v1  }
0xda: {  	v3 =	vmax.f32 v6, v3;
	v4 =	vmax.f32 v4, v9;
	v2 =	vmax.f32 v2, v10  }
0xdb: {  	[tilespmem:s22+$0xFFFFF800] =	vst v3;
	v1 =	vmax.f32 v1, v12;
	v3 =	vshll.u32 v7, $0x10;
	v6 =	vand.u32 $0xFFFF0000, v7  }
0xdc: {  	v7 =	vshll.u32 v8, $0x10;
	v8 =	vand.u32 $0xFFFF0000, v8;
	[tilespmem:s22+$0xFFFFF810] =	vst v4;
	v4 =	vshll.u32 v5, $0x10  }
0xdd: {  	v9 =	vand.u32 $0xFFFF0000, v13;
	v5 =	vand.u32 $0xFFFF0000, v5;
	[tilespmem:s22+$0x0] =	vst v2;
	v4 =	vadd.f32 v7, v4  }
0xde: {  	v2 =	vshll.u32 v11, $0x10;
	[tilespmem:s22+$0x10] =	vst v1;
	v7 =	vshll.u32 v13, $0x10;
	v5 =	vadd.f32 v8, v5  }
0xdf: {  	v1 =	vand.u32 $0xFFFF0000, v11;
	v8 =	vld [tilespmem:s28+$0xFFFFF810];
	v2 =	vadd.f32 v7, v2;
	v4 =	vadd.f32 v3, v4  }
0xe0: {  	v1 =	vadd.f32 v9, v1;
	v9 =	vld [tilespmem:s28+$0x10];
	v5 =	vadd.f32 v6, v5  }
0xe1: {  	v7 =	vld [tilespmem:s28+$0xFFFFF850];
	v2 =	vadd.f32 v3, v2;
	v3 =	vmul.f32 $9.999999770e-03, v4  }
0xe2: {  	v10 =	vld [tilespmem:s28+$0x50];
	v1 =	vadd.f32 v6, v1;
	v6 =	vmul.f32 $9.999999770e-03, v5  }
0xe3: {  	v11 =	vld [tilespmem:s26+$0xFFFFFF90];
	v3 =	vmax.f32 v4, v3;
	v4 =	vmul.f32 $9.999999770e-03, v2  }
0xe4: {  	[tilespmem:s22+$0xFFFFF920] =	vst v3;
	v3 =	vmax.f32 v5, v6;
	v5 =	vmul.f32 $9.999999770e-03, v1  }
0xe5: {  	v6 =	vshll.u32 v8, $0x10;
	v8 =	vand.u32 $0xFFFF0000, v8;
	[tilespmem:s22+$0xFFFFF930] =	vst v3;
	v2 =	vmax.f32 v2, v4  }
0xe6: {  	v3 =	vshll.u32 v7, $0x10;
	v4 =	vshll.u32 v9, $0x10;
	[tilespmem:s22+$0x120] =	vst v2;
	v1 =	vmax.f32 v1, v5  }
0xe7: {  	v2 =	vand.u32 $0xFFFF0000, v7;
	v5 =	vshll.u32 v10, $0x10;
	v3 =	vadd.f32 v4, v3;
	[tilespmem:s22+$0x130] =	vst v1  }
0xe8: {  	v4 =	vshll.u32 v11, $0x10;
	v1 =	vand.u32 $0xFFFF0000, v10;
	v5 =	vadd.f32 v5, v6;
	v6 =	vld [tilespmem:s26+$0x20]  }
0xe9: {  	v7 =	vand.u32 $0xFFFF0000, v9;
	v1 =	vadd.f32 v1, v8;
	v3 =	vadd.f32 v4, v3;
	v8 =	vld [tilespmem:s28+$0xFFFFF920]  }
0xea: {  	v9 =	vand.u32 $0xFFFF0000, v11;
	v2 =	vadd.f32 v7, v2;
	v7 =	vld [tilespmem:s28+$0x160]  }
0xeb: {  	v10 =	vld [tilespmem:s28+$0xFFFFF960];
	v4 =	vadd.f32 v4, v5;
	v1 =	vadd.f32 v9, v1;
	v5 =	vmul.f32 $9.999999770e-03, v3  }
0xec: {  	v2 =	vadd.f32 v9, v2;
	v9 =	vld [tilespmem:s28+$0x120]  }
0xed: {  	v11 =	vmul.f32 $9.999999770e-03, v4;
	v12 =	vmul.f32 $9.999999770e-03, v1;
	v3 =	vmax.f32 v3, v5  }
0xee: {  	v5 =	vmul.f32 $9.999999770e-03, v2;
	v13 =	vshll.u32 v6, $0x10;
	v6 =	vand.u32 $0xFFFF0000, v6  }
0xef: {  	v14 =	vshll.u32 v8, $0x10;
	v8 =	vand.u32 $0xFFFF0000, v8;
	v15 =	vshll.u32 v7, $0x10  }
0xf0: {  	v16 =	vshll.u32 v10, $0x10;
	v7 =	vand.u32 $0xFFFF0000, v7;
	v14 =	vadd.f32 v15, v14  }
0xf1: {  	v10 =	vand.u32 $0xFFFF0000, v10;
	v7 =	vadd.f32 v7, v8;
	v15 =	vshll.u32 v9, $0x10  }
0xf2: {  	v8 =	vand.u32 $0xFFFF0000, v9;
	v9 =	vadd.f32 v13, v14;
	v14 =	vadd.f32 v15, v16  }
0xf3: {  	v4 =	vmax.f32 v4, v11;
	[tilespmem:s22+$0x20] =	vst v3;
	v3 =	vadd.f32 v6, v7;
	v7 =	vadd.f32 v8, v10  }
0xf4: {  	[tilespmem:s22+$0xFFFFF820] =	vst v4;
	v1 =	vmax.f32 v1, v12;
	v4 =	vadd.f32 v13, v14;
	v8 =	vmul.f32 $9.999999770e-03, v9  }
0xf5: {  	[tilespmem:s22+$0xFFFFF830] =	vst v1;
	v1 =	vmax.f32 v2, v5;
	v2 =	vadd.f32 v6, v7;
	v5 =	vmul.f32 $9.999999770e-03, v3  }
0xf6: {  	[tilespmem:s22+$0x30] =	vst v1;
	v1 =	vmax.f32 v9, v8;
	v6 =	vmul.f32 $9.999999770e-03, v4  }
0xf7: {  	v7 =	vld [tilespmem:s28+$0xFFFFF820];
	[tilespmem:s22+$0xFFFFF940] =	vst v1;
	v1 =	vmax.f32 v3, v5;
	v3 =	vmul.f32 $9.999999770e-03, v2  }
0xf8: {  	v5 =	vld [tilespmem:s28+$0xFFFFF860];
	[tilespmem:s22+$0xFFFFF950] =	vst v1;
	v1 =	vmax.f32 v4, v6  }
0xf9: {  	v4 =	vld [tilespmem:s28+$0x20];
	[tilespmem:s22+$0x140] =	vst v1;
	v1 =	vmax.f32 v2, v3  }
0xfa: {  	v2 =	vld [tilespmem:s28+$0x60];
	[tilespmem:s22+$0x150] =	vst v1  }
0xfb: {  	v1 =	vld [tilespmem:s26+$0x30]  }
0xfc: {  	v3 =	vld [tilespmem:s28+$0xFFFFF930]  }
0xfd: {  	v6 =	vld [tilespmem:s28+$0x170]  }
0xfe: {  	v8 =	vld [tilespmem:s28+$0xFFFFF970]  }
0xff: {  	v9 =	vshll.u32 v7, $0x10;
	v7 =	vand.u32 $0xFFFF0000, v7;
	v11 =	vld [tilespmem:s28+$0x130];
	v10 =	vshll.u32 v5, $0x10  }
0x100: {  	v5 =	vand.u32 $0xFFFF0000, v5;
	v12 =	vshll.u32 v4, $0x10;
	v4 =	vand.u32 $0xFFFF0000, v4  }
0x101: {  	v13 =	vshll.u32 v2, $0x10;
	v14 =	vshll.u32 v1, $0x10;
	v1 =	vand.u32 $0xFFFF0000, v1  }
0x102: {  	v15 =	vshll.u32 v3, $0x10;
	v3 =	vand.u32 $0xFFFF0000, v3;
	v16 =	vshll.u32 v6, $0x10  }
0x103: {  	v18 =	vshll.u32 v8, $0x10;
	v6 =	vand.u32 $0xFFFF0000, v6;
	v15 =	vadd.f32 v16, v15  }
0x104: {  	v8 =	vand.u32 $0xFFFF0000, v8;
	v16 =	vshll.u32 v11, $0x10;
	v3 =	vadd.f32 v6, v3  }
0x105: {  	v17 =	vld [tilespmem:s26+$0xFFFFFFA0];
	v6 =	vand.u32 $0xFFFF0000, v11;
	v11 =	vadd.f32 v14, v15;
	v15 =	vadd.f32 v16, v18  }
0x106: {  	v2 =	vand.u32 $0xFFFF0000, v2;
	v6 =	vadd.f32 v6, v8;
	v3 =	vadd.f32 v1, v3  }
0x107: {  	v8 =	vadd.f32 v12, v10;
	v10 =	vadd.f32 v14, v15;
	v12 =	vmul.f32 $9.999999770e-03, v11  }
0x108: {  	v9 =	vadd.f32 v13, v9;
	v1 =	vadd.f32 v1, v6;
	v6 =	vmul.f32 $9.999999770e-03, v3  }
0x109: {  	v2 =	vadd.f32 v2, v7;
	v11 =	vmax.f32 v11, v12;
	v12 =	vmul.f32 $9.999999770e-03, v10  }
0x10a: {  	v14 =	vshll.u32 v17, $0x10;
	v3 =	vmax.f32 v3, v6;
	v6 =	vmul.f32 $9.999999770e-03, v1;
	[tilespmem:s22+$0xFFFFF960] =	vst v11  }
0x10b: {  	v7 =	vand.u32 $0xFFFF0000, v17;
	v9 =	vadd.f32 v14, v9;
	[tilespmem:s22+$0xFFFFF970] =	vst v3;
	v3 =	vmax.f32 v10, v12  }
0x10c: {  	v4 =	vadd.f32 v4, v5;
	v2 =	vadd.f32 v7, v2;
	v1 =	vmax.f32 v1, v6;
	[tilespmem:s22+$0x160] =	vst v3  }
0x10d: {  	v5 =	vmul.f32 $9.999999770e-03, v9;
	v3 =	vadd.f32 v14, v8;
	[tilespmem:s22+$0x170] =	vst v1  }
0x10e: {  	v1 =	vadd.f32 v7, v4;
	v4 =	vmul.f32 $9.999999770e-03, v2;
	v6 =	vld [tilespmem:s26+$0x40]  }
0x10f: {  	v5 =	vmax.f32 v9, v5;
	v8 =	vld [tilespmem:s28+$0xFFFFF980];
	v7 =	vmul.f32 $9.999999770e-03, v3  }
0x110: {  	[tilespmem:s22+$0xFFFFF840] =	vst v5;
	v9 =	vmul.f32 $9.999999770e-03, v1;
	v2 =	vmax.f32 v2, v4;
	v4 =	vld [tilespmem:s28+$0x1C0]  }
0x111: {  	[tilespmem:s22+$0xFFFFF850] =	vst v2;
	v2 =	vld [tilespmem:s28+$0xFFFFF9C0];
	v3 =	vmax.f32 v3, v7  }
0x112: {  	v1 =	vmax.f32 v1, v9;
	[tilespmem:s22+$0x40] =	vst v3;
	v3 =	vld [tilespmem:s28+$0x180]  }
0x113: {  	[tilespmem:s22+$0x50] =	vst v1  }
0x114: {  	v1 =	vld [tilespmem:s28+$0xFFFFF830];
	v5 =	vshll.u32 v6, $0x10;
	v6 =	vand.u32 $0xFFFF0000, v6  }
0x115: {  	v7 =	vshll.u32 v8, $0x10;
	v8 =	vand.u32 $0xFFFF0000, v8;
	v9 =	vshll.u32 v4, $0x10  }
0x116: {  	v10 =	vld [tilespmem:s28+$0xFFFFF870];
	v4 =	vand.u32 $0xFFFF0000, v4;
	v11 =	vshll.u32 v2, $0x10;
	v7 =	vadd.f32 v9, v7  }
0x117: {  	v2 =	vand.u32 $0xFFFF0000, v2;
	v4 =	vadd.f32 v4, v8;
	v9 =	vshll.u32 v3, $0x10  }
0x118: {  	v8 =	vld [tilespmem:s28+$0x30];
	v3 =	vand.u32 $0xFFFF0000, v3;
	v7 =	vadd.f32 v5, v7;
	v9 =	vadd.f32 v9, v11  }
0x119: {  	v4 =	vadd.f32 v6, v4;
	v11 =	vld [tilespmem:s28+$0x70];
	v12 =	vshll.u32 v1, $0x10;
	v2 =	vadd.f32 v3, v2  }
0x11a: {  	v1 =	vand.u32 $0xFFFF0000, v1;
	v3 =	vadd.f32 v5, v9;
	v5 =	vmul.f32 $9.999999770e-03, v7  }
0x11b: {  	v13 =	vshll.u32 v10, $0x10;
	v9 =	vld [tilespmem:s26+$0xFFFFFFB0];
	v2 =	vadd.f32 v6, v2;
	v6 =	vmul.f32 $9.999999770e-03, v4  }
0x11c: {  	v10 =	vand.u32 $0xFFFF0000, v10;
	v5 =	vmax.f32 v7, v5;
	v7 =	vmul.f32 $9.999999770e-03, v3  }
0x11d: {  	v14 =	vshll.u32 v8, $0x10;
	v4 =	vmax.f32 v4, v6;
	[tilespmem:s22+$0xFFFFF980] =	vst v5;
	v5 =	vmul.f32 $9.999999770e-03, v2  }
0x11e: {  	v6 =	vand.u32 $0xFFFF0000, v8;
	v8 =	vshll.u32 v11, $0x10;
	[tilespmem:s22+$0xFFFFF990] =	vst v4;
	v3 =	vmax.f32 v3, v7  }
0x11f: {  	v4 =	vand.u32 $0xFFFF0000, v11;
	v7 =	vadd.f32 v8, v12;
	[tilespmem:s22+$0x180] =	vst v3;
	v2 =	vmax.f32 v2, v5  }
0x120: {  	v1 =	vadd.f32 v4, v1;
	v4 =	vadd.f32 v14, v13;
	v3 =	vshll.u32 v9, $0x10;
	[tilespmem:s22+$0x190] =	vst v2  }
0x121: {  	v6 =	vadd.f32 v6, v10;
	v2 =	vand.u32 $0xFFFF0000, v9;
	v5 =	vadd.f32 v3, v7;
	v7 =	vld [tilespmem:s26+$0x50]  }
0x122: {  	v3 =	vadd.f32 v3, v4;
	v1 =	vadd.f32 v2, v1;
	v4 =	vld [tilespmem:s28+$0xFFFFF990]  }
0x123: {  	v2 =	vadd.f32 v2, v6;
	v8 =	vld [tilespmem:s28+$0x1D0];
	v6 =	vmul.f32 $9.999999770e-03, v5  }
0x124: {  	v11 =	vld [tilespmem:s28+$0xFFFFF9D0];
	v10 =	vmul.f32 $9.999999770e-03, v3;
	v9 =	vmul.f32 $9.999999770e-03, v1  }
0x125: {  	v13 =	vld [tilespmem:s28+$0x190];
	v12 =	vmul.f32 $9.999999770e-03, v2  }
0x126: {  	v5 =	vmax.f32 v5, v6;
	v3 =	vmax.f32 v3, v10;
	v1 =	vmax.f32 v1, v9  }
0x127: {  	[tilespmem:s22+$0xFFFFF860] =	vst v5;
	v2 =	vmax.f32 v2, v12;
	v5 =	vshll.u32 v7, $0x10;
	v6 =	vand.u32 $0xFFFF0000, v7  }
0x128: {  	[tilespmem:s22+$0xFFFFF870] =	vst v1;
	v1 =	vshll.u32 v4, $0x10;
	v4 =	vand.u32 $0xFFFF0000, v4;
	v7 =	vshll.u32 v8, $0x10  }
0x129: {  	[tilespmem:s22+$0x60] =	vst v3;
	v3 =	vshll.u32 v11, $0x10;
	v8 =	vand.u32 $0xFFFF0000, v8;
	v1 =	vadd.f32 v7, v1  }
0x12a: {  	[tilespmem:s22+$0x70] =	vst v2;
	v2 =	vand.u32 $0xFFFF0000, v11;
	v7 =	vshll.u32 v13, $0x10;
	v4 =	vadd.f32 v8, v4  }
0x12b: {  	v9 =	vand.u32 $0xFFFF0000, v13;
	v8 =	vld [tilespmem:s28+$0xFFFFF880];
	v3 =	vadd.f32 v7, v3;
	v1 =	vadd.f32 v5, v1  }
0x12c: {  	v2 =	vadd.f32 v9, v2;
	v9 =	vld [tilespmem:s28+$0x80];
	v4 =	vadd.f32 v6, v4  }
0x12d: {  	v7 =	vld [tilespmem:s28+$0xFFFFF8C0];
	v3 =	vadd.f32 v5, v3;
	v5 =	vmul.f32 $9.999999770e-03, v1  }
0x12e: {  	v10 =	vld [tilespmem:s28+$0xC0];
	v2 =	vadd.f32 v6, v2;
	v6 =	vmul.f32 $9.999999770e-03, v4  }
0x12f: {  	v1 =	vmax.f32 v1, v5;
	v5 =	vmul.f32 $9.999999770e-03, v3  }
0x130: {  	v11 =	vld [tilespmem:s26+$0xFFFFFFC0];
	[tilespmem:s22+$0xFFFFF9A0] =	vst v1;
	v1 =	vmax.f32 v4, v6;
	v4 =	vmul.f32 $9.999999770e-03, v2  }
0x131: {  	v6 =	vshll.u32 v8, $0x10;
	v8 =	vand.u32 $0xFFFF0000, v8;
	[tilespmem:s22+$0xFFFFF9B0] =	vst v1;
	v1 =	vmax.f32 v3, v5  }
0x132: {  	v3 =	vshll.u32 v7, $0x10;
	v5 =	vshll.u32 v9, $0x10;
	[tilespmem:s22+$0x1A0] =	vst v1;
	v1 =	vmax.f32 v2, v4  }
0x133: {  	v2 =	vand.u32 $0xFFFF0000, v7;
	v4 =	vshll.u32 v10, $0x10;
	v3 =	vadd.f32 v5, v3;
	[tilespmem:s22+$0x1B0] =	vst v1  }
0x134: {  	v7 =	vand.u32 $0xFFFF0000, v9;
	v1 =	vand.u32 $0xFFFF0000, v10;
	v4 =	vadd.f32 v4, v6;
	v6 =	vld [tilespmem:s26+$0x60]  }
0x135: {  	v5 =	vshll.u32 v11, $0x10;
	v2 =	vadd.f32 v7, v2;
	v1 =	vadd.f32 v1, v8;
	v8 =	vld [tilespmem:s28+$0xFFFFF9A0]  }
0x136: {  	v9 =	vand.u32 $0xFFFF0000, v11;
	v3 =	vadd.f32 v5, v3;
	v7 =	vld [tilespmem:s28+$0xFFFFF9E0];
	v4 =	vadd.f32 v5, v4  }
0x137: {  	v5 =	vld [tilespmem:s28+$0x1E0];
	v1 =	vadd.f32 v9, v1  }
0x138: {  	v12 =	vld [tilespmem:s28+$0x1A0];
	v2 =	vadd.f32 v9, v2;
	v9 =	vmul.f32 $9.999999770e-03, v3;
	v10 =	vmul.f32 $9.999999770e-03, v4  }
0x139: {  	v11 =	vmul.f32 $9.999999770e-03, v1  }
0x13a: {  	v3 =	vmax.f32 v3, v9;
	v9 =	vmul.f32 $9.999999770e-03, v2;
	v4 =	vmax.f32 v4, v10  }
0x13b: {  	v10 =	vshll.u32 v6, $0x10;
	v6 =	vand.u32 $0xFFFF0000, v6;
	v13 =	vshll.u32 v8, $0x10  }
0x13c: {  	v8 =	vand.u32 $0xFFFF0000, v8;
	v15 =	vshll.u32 v7, $0x10;
	v14 =	vshll.u32 v5, $0x10  }
0x13d: {  	[tilespmem:s22+$0x80] =	vst v3;
	v3 =	vshll.u32 v12, $0x10;
	v5 =	vand.u32 $0xFFFF0000, v5;
	v13 =	vadd.f32 v14, v13  }
0x13e: {  	v7 =	vand.u32 $0xFFFF0000, v7;
	v3 =	vadd.f32 v3, v15;
	v5 =	vadd.f32 v5, v8  }
0x13f: {  	[tilespmem:s22+$0xFFFFF880] =	vst v4;
	v1 =	vmax.f32 v1, v11;
	v8 =	vand.u32 $0xFFFF0000, v12;
	v4 =	vadd.f32 v10, v13  }
0x140: {  	s25 =	simm.s32 $0x19B00;
	[tilespmem:s22+$0xFFFFF890] =	vst v1;
	v1 =	vmax.f32 v2, v9;
	v7 =	vadd.f32 v8, v7;
	v5 =	vadd.f32 v6, v5  }
0x141: {  	v21 =	vld [tilespmem:s25+$0xFFFFF840];
	v2 =	vadd.f32 v10, v3;
	[tilespmem:s22+$0x90] =	vst v1;
	v3 =	vmul.f32 $9.999999770e-03, v4  }
0x142: {  	v8 =	vld [tilespmem:s28+$0xFFFFF8D0];
	v1 =	vadd.f32 v6, v7;
	v6 =	vmul.f32 $9.999999770e-03, v5  }
0x143: {  	v7 =	vld [tilespmem:s28+$0xFFFFF890];
	v3 =	vmax.f32 v4, v3;
	v4 =	vmul.f32 $9.999999770e-03, v2  }
0x144: {  	[tilespmem:s22+$0xFFFFF9C0] =	vst v3;
	v3 =	vmax.f32 v5, v6;
	v5 =	vmul.f32 $9.999999770e-03, v1;
	v6 =	vld [tilespmem:s28+$0x90]  }
0x145: {  	[tilespmem:s22+$0xFFFFF9D0] =	vst v3;
	v2 =	vmax.f32 v2, v4;
	v3 =	vld [tilespmem:s28+$0xD0]  }
0x146: {  	v4 =	vld [tilespmem:s26+$0xFFFFFFD0];
	[tilespmem:s22+$0x1C0] =	vst v2;
	v1 =	vmax.f32 v1, v5  }
0x147: {  	v24 =	vshll.u32 v21, $0x10;
	v16 =	vld [tilespmem:s25+$0xFFFFF940];
	[tilespmem:s22+$0x1D0] =	vst v1  }
0x148: {  	v21 =	vand.u32 $0xFFFF0000, v21;
	v2 =	vshll.u32 v8, $0x10;
	v8 =	vand.u32 $0xFFFF0000, v8;
	v5 =	vld [tilespmem:s28+$0xFFFFF9F0]  }
0x149: {  	v1 =	vshll.u32 v7, $0x10;
	v7 =	vand.u32 $0xFFFF0000, v7;
	v9 =	vld [tilespmem:s28+$0x1B0];
	v10 =	vshll.u32 v6, $0x10  }
0x14a: {  	v6 =	vand.u32 $0xFFFF0000, v6;
	v11 =	vshll.u32 v3, $0x10;
	v3 =	vand.u32 $0xFFFF0000, v3  }
0x14b: {  	v10 =	vadd.f32 v10, v2;
	v2 =	vld [tilespmem:s26+$0x70];
	v12 =	vshll.u32 v4, $0x10;
	v3 =	vadd.f32 v3, v7  }
0x14c: {  	v4 =	vand.u32 $0xFFFF0000, v4;
	v6 =	vadd.f32 v6, v8;
	v1 =	vadd.f32 v11, v1;
	v11 =	vld [tilespmem:s25+$0xFFFFF900]  }
0x14d: {  	s23 =	simm.s32 $0x1B280;
	v22 =	vshll.u32 v16, $0x10;
	v7 =	vadd.f32 v12, v10;
	v13 =	vadd.f32 v4, v3;
	v3 =	vld [tilespmem:s25+$0x140]  }
0x14e: {  	v10 =	vld [tilespmem:s23+$0x0];
	v8 =	vadd.f32 v12, v1;
	v1 =	vand.u32 $0xFFFF0000, v5;
	v12 =	vand.u32 $0xFFFF0000, v9  }
0x14f: {  	v16 =	vand.u32 $0xFFFF0000, v16;
	v17 =	vadd.f32 v4, v6;
	v6 =	vld [tilespmem:s25+$0x100];
	v12 =	vadd.f32 v12, v1  }
0x150: {  	v14 =	vmul.f32 $9.999999770e-03, v7;
	v15 =	vmul.f32 $9.999999770e-03, v8;
	v1 =	vand.u32 $0xFFFF0000, v2  }
0x151: {  	v4 =	vmul.f32 $9.999999770e-03, v13;
	v12 =	vadd.f32 v1, v12;
	v19 =	vshll.u32 v11, $0x10  }
0x152: {  	v11 =	vand.u32 $0xFFFF0000, v11;
	v8 =	vmax.f32 v8, v15;
	v20 =	vshll.u32 v3, $0x10  }
0x153: {  	v15 =	vld [tilespmem:s25+$0xFFFFF800];
	v18 =	vshll.u32 v10, $0x10;
	v3 =	vand.u32 $0xFFFF0000, v3;
	v19 =	vadd.f32 v20, v19  }
0x154: {  	v10 =	vand.u32 $0xFFFF0000, v10;
	v35 =	vshll.u32 v6, $0x10;
	v3 =	vadd.f32 v3, v11  }
0x155: {  	v6 =	vand.u32 $0xFFFF0000, v6;
	v11 =	vld [tilespmem:s25+$0x0];
	v20 =	vadd.f32 v35, v22;
	v19 =	vadd.f32 v18, v19  }
0x156: {  	v36 =	vld [tilespmem:s25+$0x40];
	v7 =	vmax.f32 v7, v14;
	v6 =	vadd.f32 v6, v16;
	v3 =	vadd.f32 v10, v3  }
0x157: {  	v14 =	vmul.f32 $9.999999770e-03, v17;
	v16 =	vadd.f32 v18, v20;
	v18 =	vmul.f32 $9.999999770e-03, v19  }
0x158: {  	v37 =	vld [tilespmem:s23+$0xFFFFFF80];
	v6 =	vadd.f32 v10, v6;
	v23 =	vshll.u32 v15, $0x10;
	v10 =	vmul.f32 $9.999999770e-03, v3  }
0x159: {  	s24 =	simm.s32 $0x1C300;
	v15 =	vand.u32 $0xFFFF0000, v15;
	v18 =	vmax.f32 v19, v18;
	v19 =	vmul.f32 $9.999999770e-03, v16  }
0x15a: {  	v25 =	vshll.u32 v11, $0x10;
	v3 =	vmax.f32 v3, v10;
	v10 =	vmul.f32 $9.999999770e-03, v6;
	[tilespmem:s24+$0xFFFFF900] =	vst v18  }
0x15b: {  	v11 =	vand.u32 $0xFFFF0000, v11;
	v18 =	vshll.u32 v36, $0x10;
	[tilespmem:s24+$0xFFFFF910] =	vst v3;
	v3 =	vmax.f32 v16, v19  }
0x15c: {  	v16 =	vand.u32 $0xFFFF0000, v36;
	v18 =	vadd.f32 v18, v23;
	[tilespmem:s24+$0x100] =	vst v3;
	v3 =	vmax.f32 v6, v10  }
0x15d: {  	v6 =	vshll.u32 v37, $0x10;
	v10 =	vadd.f32 v16, v15;
	v15 =	vadd.f32 v25, v24;
	[tilespmem:s24+$0x110] =	vst v3  }
0x15e: {  	v11 =	vadd.f32 v11, v21;
	v16 =	vand.u32 $0xFFFF0000, v37;
	v18 =	vadd.f32 v6, v18;
	v19 =	vld [tilespmem:s23+$0x10]  }
0x15f: {  	v3 =	vshll.u32 v5, $0x10;
	v5 =	vadd.f32 v16, v10;
	v10 =	vadd.f32 v6, v15;
	v15 =	vld [tilespmem:s25+$0xFFFFF910]  }
0x160: {  	v11 =	vadd.f32 v16, v11;
	v6 =	vmul.f32 $9.999999770e-03, v12;
	v38 =	vld [tilespmem:s25+$0x150];
	v16 =	vmul.f32 $9.999999770e-03, v18  }
0x161: {  	v13 =	vmax.f32 v13, v4;
	v41 =	vld [tilespmem:s25+$0xFFFFF950];
	v39 =	vmul.f32 $9.999999770e-03, v5;
	v40 =	vmul.f32 $9.999999770e-03, v10  }
0x162: {  	v4 =	vshll.u32 v9, $0x10;
	v9 =	vmax.f32 v18, v16;
	v16 =	vmul.f32 $9.999999770e-03, v11;
	v18 =	vld [tilespmem:s25+$0x110]  }
0x163: {  	v6 =	vmax.f32 v12, v6;
	[tilespmem:s24+$0xFFFFF800] =	vst v9;
	v5 =	vmax.f32 v5, v39;
	v9 =	vmax.f32 v10, v40  }
0x164: {  	[tilespmem:s24+$0xFFFFF810] =	vst v5;
	v5 =	vmax.f32 v11, v16;
	v10 =	vshll.u32 v19, $0x10;
	v11 =	vand.u32 $0xFFFF0000, v19  }
0x165: {  	v12 =	vld [tilespmem:s28+$0xFFFFF9B0];
	[tilespmem:s24+$0x0] =	vst v9;
	v9 =	vshll.u32 v15, $0x10;
	v15 =	vand.u32 $0xFFFF0000, v15;
	v16 =	vshll.u32 v38, $0x10  }
0x166: {  	v19 =	vand.u32 $0xFFFF0000, v38;
	v42 =	vand.u32 $0xFFFF0000, v41;
	[tilespmem:s24+$0x10] =	vst v5;
	v9 =	vadd.f32 v16, v9  }
0x167: {  	v5 =	vshll.u32 v41, $0x10;
	v15 =	vadd.f32 v19, v15;
	v16 =	vld [tilespmem:s25+$0xFFFFF810];
	v43 =	vshll.u32 v18, $0x10  }
0x168: {  	v18 =	vand.u32 $0xFFFF0000, v18;
	v9 =	vadd.f32 v10, v9;
	v19 =	vadd.f32 v43, v5  }
0x169: {  	[tilespmem:s22+$0xA0] =	vst v7;
	v14 =	vmax.f32 v17, v14;
	v17 =	vld [tilespmem:s25+$0xFFFFF850];
	v15 =	vadd.f32 v11, v15;
	v18 =	vadd.f32 v18, v42  }
0x16a: {  	[tilespmem:s22+$0xFFFFF8A0] =	vst v8;
	v8 =	vld [tilespmem:s25+$0x10];
	v7 =	vand.u32 $0xFFFF0000, v12;
	v10 =	vadd.f32 v10, v19;
	v19 =	vmul.f32 $9.999999770e-03, v9  }
0x16b: {  	[tilespmem:s22+$0xFFFFF8B0] =	vst v13;
	v5 =	vshll.u32 v12, $0x10;
	v12 =	vld [tilespmem:s25+$0x50];
	v13 =	vmul.f32 $9.999999770e-03, v15;
	v11 =	vadd.f32 v11, v18  }
0x16c: {  	[tilespmem:s22+$0xB0] =	vst v14;
	v14 =	vld [tilespmem:s23+$0xFFFFFF90];
	v18 =	vshll.u32 v16, $0x10;
	v9 =	vmax.f32 v9, v19;
	v19 =	vmul.f32 $9.999999770e-03, v10  }
0x16d: {  	v16 =	vand.u32 $0xFFFF0000, v16;
	[tilespmem:s24+$0xFFFFF920] =	vst v9;
	v9 =	vmax.f32 v15, v13;
	v13 =	vmul.f32 $9.999999770e-03, v11  }
0x16e: {  	v15 =	vshll.u32 v17, $0x10;
	v17 =	vand.u32 $0xFFFF0000, v17;
	[tilespmem:s24+$0xFFFFF930] =	vst v9;
	v9 =	vmax.f32 v10, v19  }
0x16f: {  	v10 =	vshll.u32 v8, $0x10;
	v19 =	vand.u32 $0xFFFF0000, v8;
	[tilespmem:s24+$0x120] =	vst v9;
	v8 =	vmax.f32 v11, v13  }
0x170: {  	v9 =	vshll.u32 v12, $0x10;
	v12 =	vand.u32 $0xFFFF0000, v12;
	v10 =	vadd.f32 v10, v15;
	[tilespmem:s24+$0x130] =	vst v8  }
0x171: {  	v13 =	vshll.u32 v14, $0x10;
	v15 =	vadd.f32 v9, v18;
	v12 =	vadd.f32 v12, v16;
	v16 =	vld [tilespmem:s23+$0x20]  }
0x172: {  	v17 =	vadd.f32 v19, v17;
	v10 =	vadd.f32 v13, v10;
	v18 =	vld [tilespmem:s25+$0xFFFFF920]  }
0x173: {  	v14 =	vand.u32 $0xFFFF0000, v14;
	v19 =	vld [tilespmem:s25+$0xFFFFF960];
	v13 =	vadd.f32 v13, v15  }
0x174: {  	v15 =	vld [tilespmem:s25+$0x160];
	v12 =	vadd.f32 v14, v12;
	v14 =	vadd.f32 v14, v17;
	v17 =	vmul.f32 $9.999999770e-03, v10  }
0x175: {  	v47 =	vld [tilespmem:s25+$0x120];
	v46 =	vmul.f32 $9.999999770e-03, v13  }
0x176: {  	v3 =	vadd.f32 v4, v3;
	v48 =	vmul.f32 $9.999999770e-03, v12;
	v10 =	vmax.f32 v10, v17  }
0x177: {  	v17 =	vmul.f32 $9.999999770e-03, v14;
	v13 =	vmax.f32 v13, v46;
	v49 =	vshll.u32 v16, $0x10  }
0x178: {  	v16 =	vand.u32 $0xFFFF0000, v16;
	v50 =	vshll.u32 v18, $0x10;
	v18 =	vand.u32 $0xFFFF0000, v18  }
0x179: {  	v44 =	vld [tilespmem:s28+$0x1F0];
	v27 =	vshll.u32 v19, $0x10;
	v19 =	vand.u32 $0xFFFF0000, v19;
	v51 =	vshll.u32 v15, $0x10  }
0x17a: {  	v52 =	vshll.u32 v47, $0x10;
	[tilespmem:s24+$0x20] =	vst v10;
	v15 =	vand.u32 $0xFFFF0000, v15;
	v24 =	vadd.f32 v51, v50  }
0x17b: {  	v26 =	vld [tilespmem:s28+$0xFFFFF8E0];
	v10 =	vand.u32 $0xFFFF0000, v47;
	v12 =	vmax.f32 v12, v48;
	[tilespmem:s24+$0xFFFFF820] =	vst v13;
	v15 =	vadd.f32 v15, v18  }
0x17c: {  	v11 =	vld [tilespmem:s28+$0xFFFFF8A0];
	v54 =	vadd.f32 v52, v27;
	[tilespmem:s24+$0xFFFFF830] =	vst v12;
	v12 =	vmax.f32 v14, v17;
	v53 =	vadd.f32 v49, v24  }
0x17d: {  	v2 =	vshll.u32 v2, $0x10;
	v10 =	vadd.f32 v10, v19;
	v18 =	vld [tilespmem:s28+$0xA0];
	[tilespmem:s24+$0x30] =	vst v12;
	v13 =	vadd.f32 v16, v15  }
0x17e: {  	v8 =	vshll.u32 v44, $0x10;
	v14 =	vadd.f32 v49, v54;
	v56 =	vld [tilespmem:s25+$0xFFFFF820];
	v15 =	vmul.f32 $9.999999770e-03, v53  }
0x17f: {  	v9 =	vand.u32 $0xFFFF0000, v44;
	v10 =	vadd.f32 v16, v10;
	v59 =	vld [tilespmem:s25+$0xFFFFF860];
	v12 =	vmul.f32 $9.999999770e-03, v13  }
0x180: {  	v5 =	vadd.f32 v8, v5;
	v60 =	vld [tilespmem:s25+$0x20];
	v57 =	vmul.f32 $9.999999770e-03, v14;
	v15 =	vmax.f32 v53, v15  }
0x181: {  	v7 =	vadd.f32 v9, v7;
	v19 =	vld [tilespmem:s26+$0xFFFFFFE0];
	v12 =	vmax.f32 v13, v12;
	v13 =	vmul.f32 $9.999999770e-03, v10;
	[tilespmem:s24+$0xFFFFF940] =	vst v15  }
0x182: {  	v55 =	vld [tilespmem:s28+$0xE0];
	v45 =	vshll.u32 v11, $0x10;
	v11 =	vand.u32 $0xFFFF0000, v11;
	[tilespmem:s24+$0xFFFFF950] =	vst v12;
	v12 =	vmax.f32 v14, v57  }
0x183: {  	v17 =	vshll.u32 v26, $0x10;
	v61 =	vld [tilespmem:s25+$0x60];
	v16 =	vand.u32 $0xFFFF0000, v26;
	[tilespmem:s24+$0x140] =	vst v12;
	v10 =	vmax.f32 v10, v13  }
0x184: {  	v58 =	vshll.u32 v18, $0x10;
	v21 =	vand.u32 $0xFFFF0000, v56;
	v63 =	vand.u32 $0xFFFF0000, v59;
	[tilespmem:s24+$0x150] =	vst v10  }
0x185: {  	v32 =	vshll.u32 v60, $0x10;
	v15 =	vand.u32 $0xFFFF0000, v18;
	v12 =	vadd.f32 v58, v17;
	v17 =	vld [tilespmem:s23+$0x30]  }
0x186: {  	v13 =	vshll.u32 v19, $0x10;
	v10 =	vadd.f32 v15, v16;
	v15 =	vand.u32 $0xFFFF0000, v19;
	v19 =	vld [tilespmem:s25+$0xFFFFF930]  }
0x187: {  	v33 =	vand.u32 $0xFFFF0000, v60;
	v18 =	vshll.u32 v55, $0x10;
	v14 =	vand.u32 $0xFFFF0000, v55;
	v62 =	vld [tilespmem:s25+$0x170]  }
0x188: {  	v20 =	vand.u32 $0xFFFF0000, v61;
	v18 =	vadd.f32 v18, v45;
	v11 =	vadd.f32 v14, v11;
	v34 =	vld [tilespmem:s25+$0xFFFFF970]  }
0x189: {  	v35 =	vshll.u32 v61, $0x10;
	v20 =	vadd.f32 v20, v21;
	v23 =	vadd.f32 v33, v63;
	v36 =	vld [tilespmem:s25+$0x130]  }
0x18a: {  	v16 =	vadd.f32 v13, v18;
	v11 =	vadd.f32 v15, v11;
	v18 =	vshll.u32 v56, $0x10  }
0x18b: {  	v12 =	vadd.f32 v13, v12;
	v37 =	vshll.u32 v17, $0x10;
	v17 =	vand.u32 $0xFFFF0000, v17  }
0x18c: {  	v38 =	vshll.u32 v19, $0x10;
	v19 =	vand.u32 $0xFFFF0000, v19;
	v29 =	vshll.u32 v62, $0x10  }
0x18d: {  	v30 =	vshll.u32 v34, $0x10;
	v22 =	vand.u32 $0xFFFF0000, v62;
	v27 =	vadd.f32 v29, v38  }
0x18e: {  	v26 =	vand.u32 $0xFFFF0000, v34;
	v40 =	vand.u32 $0xFFFF0000, v36;
	v19 =	vadd.f32 v22, v19  }
0x18f: {  	v14 =	vld [tilespmem:s23+$0xFFFFFFA0];
	v39 =	vshll.u32 v36, $0x10;
	v22 =	vadd.f32 v40, v26;
	v41 =	vadd.f32 v37, v27  }
0x190: {  	v13 =	vshll.u32 v59, $0x10;
	v42 =	vadd.f32 v39, v30;
	v19 =	vadd.f32 v17, v19  }
0x191: {  	v13 =	vadd.f32 v32, v13;
	v17 =	vadd.f32 v17, v22;
	v43 =	vmul.f32 $9.999999770e-03, v41  }
0x192: {  	v18 =	vadd.f32 v35, v18;
	v21 =	vadd.f32 v37, v42;
	v44 =	vmul.f32 $9.999999770e-03, v19  }
0x193: {  	v10 =	vadd.f32 v15, v10;
	v46 =	vmul.f32 $9.999999770e-03, v17;
	v24 =	vmax.f32 v41, v43  }
0x194: {  	v28 =	vshll.u32 v14, $0x10;
	v45 =	vmul.f32 $9.999999770e-03, v21;
	v19 =	vmax.f32 v19, v44;
	[tilespmem:s24+$0xFFFFF960] =	vst v24  }
0x195: {  	v15 =	vmul.f32 $9.999999770e-03, v16;
	v18 =	vadd.f32 v28, v18;
	v17 =	vmax.f32 v17, v46;
	[tilespmem:s24+$0xFFFFF970] =	vst v19  }
0x196: {  	v14 =	vand.u32 $0xFFFF0000, v14;
	v13 =	vadd.f32 v28, v13;
	v19 =	vmax.f32 v21, v45;
	[tilespmem:s24+$0x170] =	vst v17  }
0x197: {  	v20 =	vadd.f32 v14, v20;
	v14 =	vadd.f32 v14, v23;
	v47 =	vmul.f32 $9.999999770e-03, v18;
	[tilespmem:s24+$0x160] =	vst v19  }
0x198: {  	v8 =	vadd.f32 v2, v5;
	v51 =	vmul.f32 $9.999999770e-03, v11;
	v49 =	vmul.f32 $9.999999770e-03, v13;
	v19 =	vld [tilespmem:s23+$0x40]  }
0x199: {  	v9 =	vmul.f32 $9.999999770e-03, v12;
	v50 =	vmul.f32 $9.999999770e-03, v14;
	v18 =	vmax.f32 v18, v47;
	v52 =	vld [tilespmem:s25+$0xFFFFF980]  }
0x19a: {  	v15 =	vmax.f32 v16, v15;
	v48 =	vmul.f32 $9.999999770e-03, v20;
	v13 =	vmax.f32 v13, v49;
	[tilespmem:s24+$0xFFFFF840] =	vst v18;
	v16 =	vld [tilespmem:s25+$0x1C0]  }
0x19b: {  	v1 =	vadd.f32 v1, v7;
	v4 =	vmul.f32 $9.999999770e-03, v10;
	v14 =	vmax.f32 v14, v50;
	[tilespmem:s24+$0x40] =	vst v13;
	v5 =	vld [tilespmem:s25+$0xFFFFF9C0]  }
0x19c: {  	v7 =	vmax.f32 v11, v51;
	v11 =	vmax.f32 v12, v9;
	[tilespmem:s24+$0x50] =	vst v14;
	v17 =	vmax.f32 v20, v48;
	v12 =	vld [tilespmem:s25+$0x180]  }
0x19d: {  	v2 =	vadd.f32 v2, v3;
	[tilespmem:s24+$0xFFFFF850] =	vst v17  }
0x19e: {  	v10 =	vmax.f32 v10, v4;
	v13 =	vld [tilespmem:s25+$0xFFFFF830];
	v14 =	vshll.u32 v19, $0x10;
	v17 =	vand.u32 $0xFFFF0000, v19  }
0x19f: {  	v18 =	vshll.u32 v52, $0x10;
	v19 =	vand.u32 $0xFFFF0000, v52;
	v53 =	vshll.u32 v16, $0x10  }
0x1a0: {  	v54 =	vld [tilespmem:s25+$0xFFFFF870];
	v55 =	vshll.u32 v5, $0x10;
	v16 =	vand.u32 $0xFFFF0000, v16;
	v18 =	vadd.f32 v53, v18  }
0x1a1: {  	v5 =	vand.u32 $0xFFFF0000, v5;
	v56 =	vshll.u32 v12, $0x10;
	v16 =	vadd.f32 v16, v19  }
0x1a2: {  	[tilespmem:s22+$0xFFFFF8C0] =	vst v15;
	v12 =	vand.u32 $0xFFFF0000, v12;
	v19 =	vld [tilespmem:s25+$0x30];
	v20 =	vadd.f32 v56, v55;
	v18 =	vadd.f32 v14, v18  }
0x1a3: {  	[tilespmem:s22+$0xFFFFF8D0] =	vst v7;
	v15 =	vld [tilespmem:s25+$0x70];
	v57 =	vshll.u32 v13, $0x10;
	v5 =	vadd.f32 v12, v5;
	v16 =	vadd.f32 v17, v16  }
0x1a4: {  	[tilespmem:s22+$0xC0] =	vst v11;
	v7 =	vand.u32 $0xFFFF0000, v13;
	v12 =	vadd.f32 v14, v20;
	v13 =	vmul.f32 $9.999999770e-03, v18  }
0x1a5: {  	[tilespmem:s22+$0xD0] =	vst v10;
	v11 =	vld [tilespmem:s23+$0xFFFFFFB0];
	v10 =	vand.u32 $0xFFFF0000, v54;
	v5 =	vadd.f32 v17, v5;
	v17 =	vmul.f32 $9.999999770e-03, v16  }
0x1a6: {  	v14 =	vshll.u32 v54, $0x10;
	v13 =	vmax.f32 v18, v13;
	v18 =	vmul.f32 $9.999999770e-03, v12  }
0x1a7: {  	v59 =	vshll.u32 v19, $0x10;
	[tilespmem:s24+$0xFFFFF980] =	vst v13;
	v13 =	vmax.f32 v16, v17;
	v16 =	vmul.f32 $9.999999770e-03, v5  }
0x1a8: {  	v58 =	vld [tilespmem:s28+$0xFFFFF8B0];
	v17 =	vand.u32 $0xFFFF0000, v19;
	v19 =	vshll.u32 v15, $0x10;
	[tilespmem:s24+$0xFFFFF990] =	vst v13;
	v12 =	vmax.f32 v12, v18  }
0x1a9: {  	v15 =	vand.u32 $0xFFFF0000, v15;
	v18 =	vadd.f32 v19, v57;
	[tilespmem:s24+$0x180] =	vst v12;
	v5 =	vmax.f32 v5, v16  }
0x1aa: {  	v14 =	vadd.f32 v59, v14;
	v13 =	vld [tilespmem:s28+$0xFFFFF8F0];
	v7 =	vadd.f32 v15, v7;
	v16 =	vshll.u32 v11, $0x10;
	[tilespmem:s24+$0x190] =	vst v5  }
0x1ab: {  	v10 =	vadd.f32 v17, v10;
	v5 =	vand.u32 $0xFFFF0000, v11;
	v11 =	vadd.f32 v16, v18;
	v15 =	vld [tilespmem:s23+$0x50]  }
0x1ac: {  	v3 =	vmul.f32 $9.999999770e-03, v1;
	v14 =	vadd.f32 v16, v14;
	v7 =	vadd.f32 v5, v7;
	v16 =	vld [tilespmem:s25+$0xFFFFF990]  }
0x1ad: {  	v17 =	vshll.u32 v58, $0x10;
	v5 =	vadd.f32 v5, v10;
	v18 =	vld [tilespmem:s25+$0x1D0];
	v10 =	vmul.f32 $9.999999770e-03, v11  }
0x1ae: {  	v19 =	vand.u32 $0xFFFF0000, v58;
	v62 =	vld [tilespmem:s25+$0xFFFFF9D0];
	v61 =	vmul.f32 $9.999999770e-03, v14;
	v60 =	vmul.f32 $9.999999770e-03, v7  }
0x1af: {  	v30 =	vld [tilespmem:s25+$0x190];
	v63 =	vshll.u32 v13, $0x10;
	v10 =	vmax.f32 v11, v10;
	v11 =	vmul.f32 $9.999999770e-03, v5  }
0x1b0: {  	v13 =	vand.u32 $0xFFFF0000, v13;
	[tilespmem:s24+$0xFFFFF860] =	vst v10;
	v7 =	vmax.f32 v7, v60;
	v10 =	vmax.f32 v14, v61  }
0x1b1: {  	v12 =	vld [tilespmem:s28+$0xB0];
	[tilespmem:s24+$0xFFFFF870] =	vst v7;
	v5 =	vmax.f32 v5, v11;
	v7 =	vshll.u32 v15, $0x10;
	v11 =	vand.u32 $0xFFFF0000, v15  }
0x1b2: {  	[tilespmem:s24+$0x60] =	vst v10;
	v10 =	vshll.u32 v16, $0x10;
	v16 =	vand.u32 $0xFFFF0000, v16;
	v31 =	vshll.u32 v18, $0x10  }
0x1b3: {  	v18 =	vand.u32 $0xFFFF0000, v18;
	v33 =	vand.u32 $0xFFFF0000, v62;
	v10 =	vadd.f32 v31, v10  }
0x1b4: {  	v15 =	vld [tilespmem:s28+$0xF0];
	v34 =	vshll.u32 v30, $0x10;
	[tilespmem:s24+$0x70] =	vst v5;
	v5 =	vshll.u32 v62, $0x10;
	v16 =	vadd.f32 v18, v16  }
0x1b5: {  	v18 =	vand.u32 $0xFFFF0000, v30;
	v32 =	vld [tilespmem:s25+$0xFFFFF880];
	v5 =	vadd.f32 v34, v5;
	v10 =	vadd.f32 v7, v10  }
0x1b6: {  	v14 =	vshll.u32 v12, $0x10;
	v35 =	vld [tilespmem:s25+$0xFFFFF8C0];
	v18 =	vadd.f32 v18, v33;
	v16 =	vadd.f32 v11, v16  }
0x1b7: {  	v12 =	vand.u32 $0xFFFF0000, v12;
	v36 =	vld [tilespmem:s25+$0x80];
	v5 =	vadd.f32 v7, v5;
	v7 =	vmul.f32 $9.999999770e-03, v10  }
0x1b8: {  	v14 =	vadd.f32 v14, v63;
	v38 =	vld [tilespmem:s25+$0xC0];
	v11 =	vadd.f32 v11, v18;
	v18 =	vmul.f32 $9.999999770e-03, v16  }
0x1b9: {  	v12 =	vadd.f32 v12, v13;
	v7 =	vmax.f32 v10, v7;
	v10 =	vmul.f32 $9.999999770e-03, v5  }
0x1ba: {  	v39 =	vld [tilespmem:s23+$0xFFFFFFC0];
	v37 =	vshll.u32 v15, $0x10;
	[tilespmem:s24+$0xFFFFF9A0] =	vst v7;
	v7 =	vmax.f32 v16, v18;
	v16 =	vmul.f32 $9.999999770e-03, v11  }
0x1bb: {  	v40 =	vshll.u32 v32, $0x10;
	v20 =	vand.u32 $0xFFFF0000, v32;
	[tilespmem:s24+$0xFFFFF9B0] =	vst v7;
	v5 =	vmax.f32 v5, v10  }
0x1bc: {  	v41 =	vshll.u32 v35, $0x10;
	v22 =	vand.u32 $0xFFFF0000, v35;
	[tilespmem:s24+$0x1A0] =	vst v5;
	v5 =	vmax.f32 v11, v16  }
0x1bd: {  	v7 =	vshll.u32 v36, $0x10;
	v10 =	vand.u32 $0xFFFF0000, v36;
	v11 =	vshll.u32 v38, $0x10;
	[tilespmem:s24+$0x1B0] =	vst v5  }
0x1be: {  	v16 =	vand.u32 $0xFFFF0000, v38;
	v7 =	vadd.f32 v7, v41;
	v11 =	vadd.f32 v11, v40;
	v42 =	vld [tilespmem:s23+$0x60]  }
0x1bf: {  	v10 =	vadd.f32 v10, v22;
	v5 =	vshll.u32 v39, $0x10;
	v16 =	vadd.f32 v16, v20;
	v44 =	vld [tilespmem:s25+$0xFFFFF9A0]  }
0x1c0: {  	v43 =	vand.u32 $0xFFFF0000, v39;
	v7 =	vadd.f32 v5, v7;
	v47 =	vld [tilespmem:s25+$0xFFFFF9E0];
	v5 =	vadd.f32 v5, v11  }
0x1c1: {  	v15 =	vand.u32 $0xFFFF0000, v15;
	v10 =	vadd.f32 v43, v10;
	v50 =	vld [tilespmem:s25+$0x1A0];
	v11 =	vadd.f32 v43, v16  }
0x1c2: {  	v17 =	vadd.f32 v37, v17;
	v16 =	vld [tilespmem:s25+$0x1E0];
	v46 =	vmul.f32 $9.999999770e-03, v7;
	v48 =	vmul.f32 $9.999999770e-03, v5  }
0x1c3: {  	v15 =	vadd.f32 v15, v19;
	v19 =	vmul.f32 $9.999999770e-03, v10;
	v49 =	vmul.f32 $9.999999770e-03, v11  }
0x1c4: {  	v7 =	vmax.f32 v7, v46;
	v5 =	vmax.f32 v5, v48;
	v51 =	vshll.u32 v42, $0x10  }
0x1c5: {  	v20 =	vand.u32 $0xFFFF0000, v42;
	v52 =	vshll.u32 v44, $0x10;
	v22 =	vand.u32 $0xFFFF0000, v44  }
0x1c6: {  	v18 =	vld [tilespmem:s26+$0xFFFFFFF0];
	v54 =	vshll.u32 v47, $0x10;
	v55 =	vand.u32 $0xFFFF0000, v47;
	v56 =	vshll.u32 v50, $0x10  }
0x1c7: {  	[tilespmem:s24+$0x80] =	vst v7;
	v7 =	vand.u32 $0xFFFF0000, v50;
	v53 =	vshll.u32 v16, $0x10;
	v58 =	vadd.f32 v56, v54  }
0x1c8: {  	v16 =	vand.u32 $0xFFFF0000, v16;
	[tilespmem:s24+$0xFFFFF880] =	vst v5;
	v5 =	vmax.f32 v11, v49;
	v7 =	vadd.f32 v7, v55  }
0x1c9: {  	v23 =	vadd.f32 v53, v52;
	[tilespmem:s24+$0xFFFFF890] =	vst v5;
	v5 =	vmax.f32 v10, v19;
	v10 =	vadd.f32 v51, v58  }
0x1ca: {  	v9 =	vmul.f32 $9.999999770e-03, v8;
	v16 =	vadd.f32 v16, v22;
	v7 =	vadd.f32 v20, v7  }
0x1cb: {  	v45 =	vshll.u32 v18, $0x10;
	[tilespmem:s24+$0x90] =	vst v5;
	v57 =	vadd.f32 v51, v23;
	v19 =	vmul.f32 $9.999999770e-03, v10  }
0x1cc: {  	v18 =	vand.u32 $0xFFFF0000, v18;
	v11 =	vadd.f32 v20, v16;
	v59 =	vld [tilespmem:s25+$0xFFFFF8D0];
	v60 =	vmul.f32 $9.999999770e-03, v7  }
0x1cd: {  	[tilespmem:s22+$0x1F0] =	vst v6;
	v17 =	vadd.f32 v45, v17;
	v61 =	vld [tilespmem:s25+$0x90];
	v16 =	vmul.f32 $9.999999770e-03, v57;
	v10 =	vmax.f32 v10, v19  }
0x1ce: {  	v15 =	vadd.f32 v18, v15;
	v13 =	vld [tilespmem:s25+$0xFFFFF890];
	v5 =	vmul.f32 $9.999999770e-03, v11;
	v19 =	vmax.f32 v7, v60;
	[tilespmem:s24+$0x1C0] =	vst v10  }
0x1cf: {  	v6 =	vadd.f32 v18, v12;
	v12 =	vmul.f32 $9.999999770e-03, v17;
	v18 =	vld [tilespmem:s23+$0xFFFFFFD0];
	v16 =	vmax.f32 v57, v16;
	[tilespmem:s24+$0x1D0] =	vst v19  }
0x1d0: {  	v4 =	vmul.f32 $9.999999770e-03, v2;
	v11 =	vmax.f32 v11, v5;
	v5 =	vadd.f32 v45, v14;
	v14 =	vld [tilespmem:s25+$0xD0];
	[tilespmem:s24+$0xFFFFF9C0] =	vst v16  }
0x1d1: {  	v9 =	vmax.f32 v8, v9;
	v8 =	vmul.f32 $9.999999770e-03, v6;
	v17 =	vmax.f32 v17, v12;
	[tilespmem:s24+$0xFFFFF9D0] =	vst v11  }
0x1d2: {  	v16 =	vmul.f32 $9.999999770e-03, v15;
	v10 =	vshll.u32 v59, $0x10;
	v12 =	vshll.u32 v61, $0x10;
	v11 =	vld [tilespmem:s25+$0xFFFFF9F0]  }
0x1d3: {  	v62 =	vshll.u32 v13, $0x10;
	v13 =	vand.u32 $0xFFFF0000, v13;
	v63 =	vadd.f32 v12, v10;
	v12 =	vld [tilespmem:s25+$0x1B0]  }
0x1d4: {  	[tilespmem:s22+$0xFFFFF9E0] =	vst v9;
	v20 =	vand.u32 $0xFFFF0000, v59;
	v19 =	vand.u32 $0xFFFF0000, v61;
	v7 =	vmul.f32 $9.999999770e-03, v5  }
0x1d5: {  	[tilespmem:s22+$0xFFFFF8E0] =	vst v17;
	v10 =	vld [tilespmem:s23+$0x70];
	v15 =	vmax.f32 v15, v16;
	v16 =	vshll.u32 v18, $0x10;
	v9 =	vshll.u32 v14, $0x10  }
0x1d6: {  	s30 =	simm.s32 $0x2;
	s31 =	simm.s32 $0x1B380;
	[tilespmem:s22+$0xFFFFF8F0] =	vst v15;
	v15 =	vadd.f32 v19, v20;
	v14 =	vand.u32 $0xFFFF0000, v14;
	v17 =	vadd.f32 v9, v62  }
0x1d7: {  	s29 =	simm.s32 $0x19B00;
	s28 =	simm.s32 $0x1C300;
	s26 =	sshll.u32 s21, $0x1;
	v14 =	vadd.f32 v14, v13;
	v9 =	vand.u32 $0xFFFF0000, v18;
	v13 =	vadd.f32 v16, v63  }
.LBB2_5:
0x1d8: {  	v18 =	vld [tilespmem:s31+$0x0];
	v16 =	vadd.f32 v16, v17;
	v17 =	vand.u32 $0xFFFF0000, v11;
	v19 =	vand.u32 $0xFFFF0000, v12;
	s25 =	sadd.s32 $0x200, s25  }
0x1d9: {  	v14 =	vadd.f32 v9, v14;
	v20 =	vld [tilespmem:s25+$0xFFFFF900];
	v21 =	vmul.f32 $9.999999770e-03, v13;
	v17 =	vadd.f32 v19, v17  }
0x1da: {  	v15 =	vadd.f32 v9, v15;
	v19 =	vld [tilespmem:s25+$0x140];
	v22 =	vmul.f32 $9.999999770e-03, v16;
	v9 =	vand.u32 $0xFFFF0000, v10  }
0x1db: {  	v24 =	vmul.f32 $9.999999770e-03, v14;
	v23 =	vld [tilespmem:s25+$0xFFFFF940];
	v13 =	vmax.f32 v13, v21;
	v17 =	vadd.f32 v9, v17  }
0x1dc: {  	v11 =	vshll.u32 v11, $0x10;
	v21 =	vld [tilespmem:s25+$0x100];
	v16 =	vmax.f32 v16, v22;
	[tilespmem:s24+$0xA0] =	vst v13;
	v13 =	vmul.f32 $9.999999770e-03, v15  }
0x1dd: {  	v12 =	vshll.u32 v12, $0x10;
	v14 =	vmax.f32 v14, v24;
	v22 =	vld [tilespmem:s25+$0xFFFFF800];
	[tilespmem:s24+$0xFFFFF8A0] =	vst v16;
	v16 =	vmul.f32 $9.999999770e-03, v17  }
0x1de: {  	v25 =	vshll.u32 v18, $0x10;
	v18 =	vand.u32 $0xFFFF0000, v18;
	v24 =	vld [tilespmem:s25+$0xFFFFF840];
	v26 =	vshll.u32 v20, $0x10;
	[tilespmem:s24+$0xFFFFF8B0] =	vst v14  }
0x1df: {  	v14 =	vand.u32 $0xFFFF0000, v20;
	v20 =	vshll.u32 v19, $0x10;
	v27 =	vld [tilespmem:s29+$0xFFFFF9B0];
	v16 =	vmax.f32 v17, v16  }
0x1e0: {  	v19 =	vand.u32 $0xFFFF0000, v19;
	v17 =	vshll.u32 v23, $0x10;
	v20 =	vadd.f32 v20, v26;
	v26 =	vld [tilespmem:s29+$0x1F0];
	[tilespmem:s24+$0x1F0] =	vst v16  }
0x1e1: {  	v23 =	vand.u32 $0xFFFF0000, v23;
	v14 =	vadd.f32 v19, v14;
	v16 =	vld [tilespmem:s25+$0x0];
	v28 =	vshll.u32 v21, $0x10  }
0x1e2: {  	v21 =	vand.u32 $0xFFFF0000, v21;
	v19 =	vld [tilespmem:s25+$0x40];
	v20 =	vadd.f32 v25, v20;
	v17 =	vadd.f32 v28, v17  }
0x1e3: {  	v29 =	vshll.u32 v22, $0x10;
	v14 =	vadd.f32 v18, v14;
	v21 =	vadd.f32 v21, v23;
	v28 =	vld [tilespmem:s31+$0xFFFFFF80]  }
0x1e4: {  	v22 =	vand.u32 $0xFFFF0000, v22;
	v17 =	vadd.f32 v25, v17;
	v23 =	vmul.f32 $9.999999770e-03, v20  }
0x1e5: {  	v25 =	vshll.u32 v24, $0x10;
	v18 =	vadd.f32 v18, v21;
	v21 =	vmul.f32 $9.999999770e-03, v14  }
0x1e6: {  	s24 =	sadd.s32 $0x200, s24;
	v24 =	vand.u32 $0xFFFF0000, v24;
	v20 =	vmax.f32 v20, v23;
	v23 =	vmul.f32 $9.999999770e-03, v17  }
0x1e7: {  	v30 =	vshll.u32 v16, $0x10;
	v14 =	vmax.f32 v14, v21;
	[tilespmem:s24+$0xFFFFF900] =	vst v20;
	v20 =	vmul.f32 $9.999999770e-03, v18  }
0x1e8: {  	v16 =	vand.u32 $0xFFFF0000, v16;
	v21 =	vshll.u32 v19, $0x10;
	[tilespmem:s24+$0xFFFFF910] =	vst v14;
	v14 =	vmax.f32 v17, v23  }
0x1e9: {  	v17 =	vand.u32 $0xFFFF0000, v19;
	v19 =	vadd.f32 v21, v29;
	[tilespmem:s24+$0x100] =	vst v14;
	v14 =	vmax.f32 v18, v20  }
0x1ea: {  	v18 =	vshll.u32 v28, $0x10;
	v17 =	vadd.f32 v17, v22;
	v20 =	vadd.f32 v30, v25;
	[tilespmem:s24+$0x110] =	vst v14  }
0x1eb: {  	v16 =	vadd.f32 v16, v24;
	v14 =	vand.u32 $0xFFFF0000, v28;
	v19 =	vadd.f32 v18, v19;
	v21 =	vld [tilespmem:s31+$0x10]  }
0x1ec: {  	v13 =	vmax.f32 v15, v13;
	v17 =	vadd.f32 v14, v17;
	v18 =	vadd.f32 v18, v20;
	v20 =	vld [tilespmem:s25+$0xFFFFF910]  }
0x1ed: {  	v22 =	vadd.f32 v14, v16;
	v14 =	vshll.u32 v27, $0x10;
	v15 =	vmul.f32 $9.999999770e-03, v19;
	v23 =	vld [tilespmem:s25+$0x150];
	[tilespmem:s28+$0xB0] =	vst v13  }
0x1ee: {  	v16 =	vmul.f32 $9.999999770e-03, v17;
	v24 =	vmul.f32 $9.999999770e-03, v18;
	v13 =	vand.u32 $0xFFFF0000, v27;
	v25 =	vld [tilespmem:s25+$0xFFFFF950]  }
0x1ef: {  	v27 =	vmul.f32 $9.999999770e-03, v22;
	v19 =	vmax.f32 v19, v15;
	v15 =	vshll.u32 v26, $0x10;
	v28 =	vld [tilespmem:s25+$0x110]  }
0x1f0: {  	v17 =	vmax.f32 v17, v16;
	v18 =	vmax.f32 v18, v24;
	v16 =	vand.u32 $0xFFFF0000, v26;
	[tilespmem:s24+$0xFFFFF800] =	vst v19;
	v19 =	vld [tilespmem:s29+$0xFFFFF8A0]  }
0x1f1: {  	[tilespmem:s24+$0xFFFFF810] =	vst v17;
	v17 =	vmax.f32 v22, v27;
	v22 =	vshll.u32 v21, $0x10;
	v21 =	vand.u32 $0xFFFF0000, v21;
	v24 =	vld [tilespmem:s29+$0xFFFFF8E0]  }
0x1f2: {  	[tilespmem:s24+$0x0] =	vst v18;
	v18 =	vshll.u32 v20, $0x10;
	v20 =	vand.u32 $0xFFFF0000, v20;
	v26 =	vshll.u32 v23, $0x10;
	v27 =	vld [tilespmem:s29+$0xA0]  }
0x1f3: {  	v23 =	vand.u32 $0xFFFF0000, v23;
	[tilespmem:s24+$0x10] =	vst v17;
	v17 =	vshll.u32 v25, $0x10;
	v18 =	vadd.f32 v26, v18;
	v26 =	vld [tilespmem:s29+$0xE0]  }
0x1f4: {  	v25 =	vand.u32 $0xFFFF0000, v25;
	v20 =	vadd.f32 v23, v20;
	v29 =	vld [tilespmem:s25+$0xFFFFF810];
	v30 =	vshll.u32 v28, $0x10  }
0x1f5: {  	v28 =	vand.u32 $0xFFFF0000, v28;
	v23 =	vld [tilespmem:s25+$0xFFFFF850];
	v18 =	vadd.f32 v22, v18;
	v17 =	vadd.f32 v30, v17  }
0x1f6: {  	v20 =	vadd.f32 v21, v20;
	v25 =	vadd.f32 v28, v25;
	v28 =	vshll.u32 v19, $0x10;
	v30 =	vld [tilespmem:s25+$0x10]  }
0x1f7: {  	v19 =	vand.u32 $0xFFFF0000, v19;
	v31 =	vld [tilespmem:s25+$0x50];
	v17 =	vadd.f32 v22, v17;
	v22 =	vmul.f32 $9.999999770e-03, v18  }
0x1f8: {  	v33 =	vshll.u32 v24, $0x10;
	v21 =	vadd.f32 v21, v25;
	v25 =	vmul.f32 $9.999999770e-03, v20;
	v32 =	vld [tilespmem:s31+$0xFFFFFF90]  }
0x1f9: {  	v34 =	vshll.u32 v29, $0x10;
	v18 =	vmax.f32 v18, v22;
	v22 =	vmul.f32 $9.999999770e-03, v17;
	v35 =	vld [tilespmem:s23+$0xFFFFFFE0]  }
0x1fa: {  	v29 =	vand.u32 $0xFFFF0000, v29;
	[tilespmem:s24+$0xFFFFF920] =	vst v18;
	v18 =	vmax.f32 v20, v25;
	v20 =	vmul.f32 $9.999999770e-03, v21  }
0x1fb: {  	v25 =	vshll.u32 v23, $0x10;
	v23 =	vand.u32 $0xFFFF0000, v23;
	[tilespmem:s24+$0xFFFFF930] =	vst v18;
	v17 =	vmax.f32 v17, v22  }
0x1fc: {  	s30 =	sadd.s32 $0x2, s30;
	v18 =	vshll.u32 v30, $0x10;
	v22 =	vand.u32 $0xFFFF0000, v30;
	[tilespmem:s24+$0x120] =	vst v17;
	v17 =	vmax.f32 v21, v20  }
0x1fd: {  	p1 =	slt.u32 s30, $0x6;
	v20 =	vshll.u32 v31, $0x10;
	v21 =	vand.u32 $0xFFFF0000, v31;
	v18 =	vadd.f32 v18, v25;
	[tilespmem:s24+$0x130] =	vst v17  }
0x1fe: {  	v17 =	vshll.u32 v32, $0x10;
	v20 =	vadd.f32 v20, v34;
	v21 =	vadd.f32 v21, v29;
	v25 =	vld [tilespmem:s31+$0x20]  }
0x1ff: {  	v22 =	vadd.f32 v22, v23;
	v29 =	vand.u32 $0xFFFF0000, v32;
	v18 =	vadd.f32 v17, v18;
	v23 =	vld [tilespmem:s25+$0xFFFFF920]  }
0x200: {  	v24 =	vand.u32 $0xFFFF0000, v24;
	v17 =	vadd.f32 v17, v20;
	v20 =	vadd.f32 v29, v21;
	v21 =	vld [tilespmem:s25+$0x160]  }
0x201: {  	v31 =	vshll.u32 v27, $0x10;
	v22 =	vadd.f32 v29, v22;
	v29 =	vmul.f32 $9.999999770e-03, v18;
	v30 =	vld [tilespmem:s25+$0xFFFFF960]  }
0x202: {  	v27 =	vand.u32 $0xFFFF0000, v27;
	v32 =	vmul.f32 $9.999999770e-03, v17;
	v34 =	vmul.f32 $9.999999770e-03, v20;
	v36 =	vld [tilespmem:s25+$0x120]  }
0x203: {  	v37 =	vshll.u32 v26, $0x10;
	v18 =	vmax.f32 v18, v29;
	v29 =	vmul.f32 $9.999999770e-03, v22  }
0x204: {  	v17 =	vmax.f32 v17, v32;
	[tilespmem:s24+$0x20] =	vst v18;
	v18 =	vshll.u32 v25, $0x10;
	v25 =	vand.u32 $0xFFFF0000, v25  }
0x205: {  	[tilespmem:s24+$0xFFFFF820] =	vst v17;
	v17 =	vshll.u32 v23, $0x10;
	v23 =	vand.u32 $0xFFFF0000, v23;
	v32 =	vshll.u32 v21, $0x10  }
0x206: {  	v21 =	vand.u32 $0xFFFF0000, v21;
	v38 =	vshll.u32 v30, $0x10;
	v17 =	vadd.f32 v32, v17  }
0x207: {  	v30 =	vand.u32 $0xFFFF0000, v30;
	v21 =	vadd.f32 v21, v23;
	v32 =	vshll.u32 v36, $0x10  }
0x208: {  	v23 =	vand.u32 $0xFFFF0000, v36;
	v17 =	vadd.f32 v18, v17;
	v32 =	vadd.f32 v32, v38  }
0x209: {  	v20 =	vmax.f32 v20, v34;
	v21 =	vadd.f32 v25, v21;
	v23 =	vadd.f32 v23, v30  }
0x20a: {  	[tilespmem:s24+$0xFFFFF830] =	vst v20;
	v20 =	vmax.f32 v22, v29;
	v18 =	vadd.f32 v18, v32;
	v22 =	vmul.f32 $9.999999770e-03, v17  }
0x20b: {  	[tilespmem:s24+$0x30] =	vst v20;
	v20 =	vadd.f32 v25, v23;
	v23 =	vmul.f32 $9.999999770e-03, v21;
	v25 =	vand.u32 $0xFFFF0000, v26  }
0x20c: {  	v28 =	vadd.f32 v37, v28;
	v26 =	vld [tilespmem:s25+$0xFFFFF820];
	v17 =	vmax.f32 v17, v22;
	v22 =	vmul.f32 $9.999999770e-03, v18  }
0x20d: {  	v19 =	vadd.f32 v25, v19;
	v29 =	vld [tilespmem:s25+$0xFFFFF860];
	[tilespmem:s24+$0xFFFFF940] =	vst v17;
	v17 =	vmax.f32 v21, v23;
	v21 =	vmul.f32 $9.999999770e-03, v20  }
0x20e: {  	v23 =	vld [tilespmem:s25+$0x20];
	[tilespmem:s24+$0xFFFFF950] =	vst v17;
	v17 =	vmax.f32 v18, v22;
	v18 =	vadd.f32 v31, v33;
	v22 =	vadd.f32 v27, v24  }
0x20f: {  	v24 =	vld [tilespmem:s25+$0x60];
	[tilespmem:s24+$0x140] =	vst v17;
	v17 =	vmax.f32 v20, v21;
	v20 =	vshll.u32 v35, $0x10;
	v21 =	vand.u32 $0xFFFF0000, v35  }
0x210: {  	v27 =	vshll.u32 v10, $0x10;
	v25 =	vld [tilespmem:s31+$0xFFFFFFA0];
	[tilespmem:s24+$0x150] =	vst v17;
	v17 =	vadd.f32 v20, v28;
	v19 =	vadd.f32 v21, v19  }
0x211: {  	v18 =	vadd.f32 v20, v18;
	v10 =	vshll.u32 v26, $0x10;
	v26 =	vand.u32 $0xFFFF0000, v26;
	v28 =	vld [tilespmem:s31+$0x30]  }
0x212: {  	v21 =	vadd.f32 v21, v22;
	v20 =	vshll.u32 v29, $0x10;
	v29 =	vand.u32 $0xFFFF0000, v29;
	v30 =	vld [tilespmem:s25+$0xFFFFF930]  }
0x213: {  	v32 =	vmul.f32 $9.999999770e-03, v17;
	v22 =	vshll.u32 v23, $0x10;
	v23 =	vand.u32 $0xFFFF0000, v23;
	v31 =	vld [tilespmem:s25+$0x170]  }
0x214: {  	v33 =	vshll.u32 v24, $0x10;
	v24 =	vand.u32 $0xFFFF0000, v24;
	v20 =	vadd.f32 v22, v20;
	v22 =	vld [tilespmem:s25+$0xFFFFF970]  }
0x215: {  	v34 =	vshll.u32 v25, $0x10;
	v10 =	vadd.f32 v33, v10;
	v24 =	vadd.f32 v24, v26;
	v26 =	vld [tilespmem:s25+$0x130]  }
0x216: {  	v23 =	vadd.f32 v23, v29;
	v25 =	vand.u32 $0xFFFF0000, v25;
	v20 =	vadd.f32 v34, v20  }
0x217: {  	v29 =	vshll.u32 v28, $0x10;
	v28 =	vand.u32 $0xFFFF0000, v28;
	v10 =	vadd.f32 v34, v10  }
0x218: {  	v33 =	vshll.u32 v30, $0x10;
	v30 =	vand.u32 $0xFFFF0000, v30;
	v34 =	vshll.u32 v31, $0x10  }
0x219: {  	v31 =	vand.u32 $0xFFFF0000, v31;
	v35 =	vshll.u32 v22, $0x10;
	v33 =	vadd.f32 v34, v33  }
0x21a: {  	v22 =	vand.u32 $0xFFFF0000, v22;
	v30 =	vadd.f32 v31, v30;
	v34 =	vshll.u32 v26, $0x10  }
0x21b: {  	v26 =	vand.u32 $0xFFFF0000, v26;
	v31 =	vadd.f32 v29, v33;
	v33 =	vadd.f32 v34, v35  }
0x21c: {  	v34 =	vmul.f32 $9.999999770e-03, v10;
	v30 =	vadd.f32 v28, v30;
	v22 =	vadd.f32 v26, v22  }
0x21d: {  	v24 =	vadd.f32 v25, v24;
	v26 =	vadd.f32 v29, v33;
	v29 =	vmul.f32 $9.999999770e-03, v31  }
0x21e: {  	v23 =	vadd.f32 v25, v23;
	v22 =	vadd.f32 v28, v22;
	v25 =	vmul.f32 $9.999999770e-03, v30  }
0x21f: {  	v28 =	vmul.f32 $9.999999770e-03, v24;
	v29 =	vmax.f32 v31, v29;
	v31 =	vmul.f32 $9.999999770e-03, v26  }
0x220: {  	v33 =	vmul.f32 $9.999999770e-03, v20;
	v25 =	vmax.f32 v30, v25;
	[tilespmem:s24+$0xFFFFF960] =	vst v29;
	v29 =	vmul.f32 $9.999999770e-03, v22  }
0x221: {  	v10 =	vmax.f32 v10, v34;
	v30 =	vmul.f32 $9.999999770e-03, v23;
	[tilespmem:s24+$0xFFFFF970] =	vst v25;
	v25 =	vmax.f32 v26, v31  }
0x222: {  	v24 =	vmax.f32 v24, v28;
	v20 =	vmax.f32 v20, v33;
	[tilespmem:s24+$0x160] =	vst v25;
	v22 =	vmax.f32 v22, v29  }
0x223: {  	v23 =	vmax.f32 v23, v30;
	v25 =	vmul.f32 $9.999999770e-03, v18;
	[tilespmem:s24+$0x170] =	vst v22;
	v22 =	vmul.f32 $9.999999770e-03, v19  }
0x224: {  	v14 =	vadd.f32 v15, v14;
	v17 =	vmax.f32 v17, v32;
	[tilespmem:s24+$0xFFFFF840] =	vst v10;
	v26 =	vld [tilespmem:s31+$0x40];
	v10 =	vmul.f32 $9.999999770e-03, v21  }
0x225: {  	v13 =	vadd.f32 v16, v13;
	v18 =	vmax.f32 v18, v25;
	[tilespmem:s24+$0xFFFFF850] =	vst v24;
	v15 =	vld [tilespmem:s25+$0xFFFFF980];
	v19 =	vmax.f32 v19, v22  }
0x226: {  	v11 =	vadd.f32 v12, v11;
	[tilespmem:s24+$0x40] =	vst v20;
	v16 =	vld [tilespmem:s25+$0x1C0];
	v20 =	vmax.f32 v21, v10;
	v10 =	vadd.f32 v27, v14  }
0x227: {  	v5 =	vmax.f32 v5, v7;
	v6 =	vmax.f32 v6, v8;
	v9 =	vadd.f32 v9, v13;
	[tilespmem:s24+$0x50] =	vst v23;
	v12 =	vld [tilespmem:s25+$0xFFFFF9C0]  }
0x228: {  	v13 =	vmax.f32 v1, v3;
	v11 =	vadd.f32 v27, v11;
	v7 =	vld [tilespmem:s25+$0x180];
	[tilespmem:s28+$0xFFFFF8C0] =	vst v17;
	v8 =	vmul.f32 $9.999999770e-03, v10  }
0x229: {  	v3 =	vmul.f32 $9.999999770e-03, v9;
	v1 =	vmov v9;
	v17 =	vmax.f32 v2, v4;
	v14 =	vld [tilespmem:s25+$0xFFFFF830];
	[tilespmem:s28+$0xFFFFF8D0] =	vst v19  }
0x22a: {  	v4 =	vmul.f32 $9.999999770e-03, v11;
	v2 =	vmovc v11;
	v19 =	vshll.u32 v26, $0x10;
	v21 =	vand.u32 $0xFFFF0000, v26;
	v9 =	vld [tilespmem:s25+$0xFFFFF870];
	[tilespmem:s28+$0xC0] =	vst v18  }
0x22b: {  	v18 =	vshll.u32 v15, $0x10;
	v15 =	vand.u32 $0xFFFF0000, v15;
	v11 =	vld [tilespmem:s25+$0x30];
	v22 =	vshll.u32 v16, $0x10;
	[tilespmem:s28+$0xD0] =	vst v20  }
0x22c: {  	v16 =	vand.u32 $0xFFFF0000, v16;
	v20 =	vld [tilespmem:s25+$0x70];
	v23 =	vshll.u32 v12, $0x10;
	v18 =	vadd.f32 v22, v18;
	[tilespmem:s22+$0xE0] =	vst v5  }
0x22d: {  	v5 =	vand.u32 $0xFFFF0000, v12;
	v15 =	vadd.f32 v16, v15;
	v22 =	vld [tilespmem:s31+$0xFFFFFFB0];
	v12 =	vshll.u32 v7, $0x10;
	[tilespmem:s22+$0xF0] =	vst v6  }
0x22e: {  	v6 =	vand.u32 $0xFFFF0000, v7;
	v7 =	vadd.f32 v19, v18;
	v12 =	vadd.f32 v12, v23;
	v16 =	vld [tilespmem:s29+$0xFFFFF8B0];
	[tilespmem:s22+$0xFFFFF9F0] =	vst v13  }
0x22f: {  	v13 =	vshll.u32 v14, $0x10;
	v15 =	vadd.f32 v21, v15;
	v5 =	vadd.f32 v6, v5;
	v6 =	vld [tilespmem:s29+$0xFFFFF8F0];
	[tilespmem:s22+$0x1E0] =	vst v17;
	s22 =	smov.u32 s28;
	s28 =	smov.u32 s24  }
0x230: {  	v14 =	vand.u32 $0xFFFF0000, v14;
	v12 =	vadd.f32 v19, v12;
	v17 =	vmul.f32 $9.999999770e-03, v7;
	v18 =	vld [tilespmem:s29+$0xB0]  }
0x231: {  	v19 =	vshll.u32 v9, $0x10;
	v21 =	vadd.f32 v21, v5;
	v23 =	vmul.f32 $9.999999770e-03, v15;
	v24 =	vld [tilespmem:s29+$0xF0];
	s29 =	smov.u32 s25  }
0x232: {  	v9 =	vand.u32 $0xFFFF0000, v9;
	v7 =	vmax.f32 v7, v17;
	v17 =	vmul.f32 $9.999999770e-03, v12;
	v5 =	vld [tilespmem:s23+$0xFFFFFFF0];
	s23 =	smov.u32 s31  }
0x233: {  	v25 =	vshll.u32 v11, $0x10;
	[tilespmem:s24+$0xFFFFF980] =	vst v7;
	v7 =	vmax.f32 v15, v23;
	v15 =	vmul.f32 $9.999999770e-03, v21  }
0x234: {  	v11 =	vand.u32 $0xFFFF0000, v11;
	v23 =	vshll.u32 v20, $0x10;
	[tilespmem:s24+$0xFFFFF990] =	vst v7;
	v7 =	vmax.f32 v12, v17  }
0x235: {  	v12 =	vand.u32 $0xFFFF0000, v20;
	v13 =	vadd.f32 v23, v13;
	[tilespmem:s24+$0x180] =	vst v7;
	v7 =	vmax.f32 v21, v15  }
0x236: {  	v15 =	vshll.u32 v22, $0x10;
	v12 =	vadd.f32 v12, v14;
	v14 =	vadd.f32 v25, v19;
	[tilespmem:s24+$0x190] =	vst v7  }
0x237: {  	v9 =	vadd.f32 v11, v9;
	v7 =	vand.u32 $0xFFFF0000, v22;
	v13 =	vadd.f32 v15, v13;
	v11 =	vld [tilespmem:s31+$0x50]  }
0x238: {  	v17 =	vshll.u32 v16, $0x10;
	v12 =	vadd.f32 v7, v12;
	v14 =	vadd.f32 v15, v14;
	v15 =	vld [tilespmem:s25+$0xFFFFF990]  }
0x239: {  	v16 =	vand.u32 $0xFFFF0000, v16;
	v7 =	vadd.f32 v7, v9;
	v9 =	vmul.f32 $9.999999770e-03, v13;
	v19 =	vld [tilespmem:s25+$0x1D0]  }
0x23a: {  	v23 =	vshll.u32 v6, $0x10;
	v20 =	vmul.f32 $9.999999770e-03, v12;
	v21 =	vmul.f32 $9.999999770e-03, v14;
	v22 =	vld [tilespmem:s25+$0xFFFFF9D0]  }
0x23b: {  	v6 =	vand.u32 $0xFFFF0000, v6;
	v9 =	vmax.f32 v13, v9;
	v13 =	vmul.f32 $9.999999770e-03, v7;
	v25 =	vld [tilespmem:s25+$0x190]  }
0x23c: {  	[tilespmem:s24+$0xFFFFF860] =	vst v9;
	v9 =	vmax.f32 v12, v20;
	v12 =	vmax.f32 v14, v21;
	v14 =	vshll.u32 v18, $0x10  }
0x23d: {  	v7 =	vmax.f32 v7, v13;
	[tilespmem:s24+$0xFFFFF870] =	vst v9;
	v9 =	vshll.u32 v11, $0x10;
	v11 =	vand.u32 $0xFFFF0000, v11  }
0x23e: {  	v13 =	vand.u32 $0xFFFF0000, v15;
	[tilespmem:s24+$0x60] =	vst v12;
	v12 =	vshll.u32 v15, $0x10;
	v15 =	vshll.u32 v19, $0x10  }
0x23f: {  	v19 =	vand.u32 $0xFFFF0000, v19;
	[tilespmem:s24+$0x70] =	vst v7;
	v7 =	vshll.u32 v22, $0x10;
	v12 =	vadd.f32 v15, v12  }
0x240: {  	v20 =	vand.u32 $0xFFFF0000, v22;
	v13 =	vadd.f32 v19, v13;
	v15 =	vld [tilespmem:s25+$0xFFFFF880];
	v21 =	vshll.u32 v25, $0x10  }
0x241: {  	v22 =	vand.u32 $0xFFFF0000, v25;
	v19 =	vld [tilespmem:s25+$0xFFFFF8C0];
	v12 =	vadd.f32 v9, v12;
	v7 =	vadd.f32 v21, v7  }
0x242: {  	v18 =	vand.u32 $0xFFFF0000, v18;
	v13 =	vadd.f32 v11, v13;
	v20 =	vadd.f32 v22, v20;
	v21 =	vld [tilespmem:s25+$0x80]  }
0x243: {  	v25 =	vshll.u32 v24, $0x10;
	v22 =	vld [tilespmem:s25+$0xC0];
	v7 =	vadd.f32 v9, v7;
	v9 =	vmul.f32 $9.999999770e-03, v12  }
0x244: {  	v24 =	vand.u32 $0xFFFF0000, v24;
	v11 =	vadd.f32 v11, v20;
	v20 =	vmul.f32 $9.999999770e-03, v13;
	v26 =	vld [tilespmem:s31+$0xFFFFFFC0]  }
0x245: {  	v27 =	vshll.u32 v15, $0x10;
	v9 =	vmax.f32 v12, v9;
	v12 =	vmul.f32 $9.999999770e-03, v7  }
0x246: {  	v15 =	vand.u32 $0xFFFF0000, v15;
	[tilespmem:s24+$0xFFFFF9A0] =	vst v9;
	v9 =	vmax.f32 v13, v20;
	v13 =	vmul.f32 $9.999999770e-03, v11  }
0x247: {  	v20 =	vshll.u32 v19, $0x10;
	v19 =	vand.u32 $0xFFFF0000, v19;
	[tilespmem:s24+$0xFFFFF9B0] =	vst v9;
	v7 =	vmax.f32 v7, v12  }
0x248: {  	v9 =	vshll.u32 v21, $0x10;
	v12 =	vand.u32 $0xFFFF0000, v21;
	[tilespmem:s24+$0x1A0] =	vst v7;
	v7 =	vmax.f32 v11, v13  }
0x249: {  	v11 =	vshll.u32 v22, $0x10;
	v13 =	vand.u32 $0xFFFF0000, v22;
	v9 =	vadd.f32 v9, v20;
	[tilespmem:s24+$0x1B0] =	vst v7  }
0x24a: {  	v7 =	vshll.u32 v26, $0x10;
	v11 =	vadd.f32 v11, v27;
	v13 =	vadd.f32 v13, v15;
	v15 =	vld [tilespmem:s31+$0x60]  }
0x24b: {  	v12 =	vadd.f32 v12, v19;
	v20 =	vand.u32 $0xFFFF0000, v26;
	v9 =	vadd.f32 v7, v9;
	v19 =	vld [tilespmem:s25+$0xFFFFF9A0]  }
0x24c: {  	v21 =	vshll.u32 v5, $0x10;
	v7 =	vadd.f32 v7, v11;
	v11 =	vadd.f32 v20, v13;
	v13 =	vld [tilespmem:s25+$0x1E0]  }
0x24d: {  	v17 =	vadd.f32 v25, v17;
	v12 =	vadd.f32 v20, v12;
	v20 =	vmul.f32 $9.999999770e-03, v9;
	v22 =	vld [tilespmem:s25+$0xFFFFF9E0]  }
0x24e: {  	v16 =	vadd.f32 v24, v16;
	v25 =	vmul.f32 $9.999999770e-03, v7;
	v26 =	vmul.f32 $9.999999770e-03, v11;
	v27 =	vld [tilespmem:s25+$0x1A0]  }
0x24f: {  	v14 =	vadd.f32 v14, v23;
	v9 =	vmax.f32 v9, v20;
	v20 =	vmul.f32 $9.999999770e-03, v12  }
0x250: {  	v7 =	vmax.f32 v7, v25;
	[tilespmem:s24+$0x80] =	vst v9;
	v9 =	vshll.u32 v15, $0x10;
	v15 =	vand.u32 $0xFFFF0000, v15  }
0x251: {  	[tilespmem:s24+$0xFFFFF880] =	vst v7;
	v7 =	vshll.u32 v19, $0x10;
	v19 =	vand.u32 $0xFFFF0000, v19;
	v23 =	vshll.u32 v13, $0x10  }
0x252: {  	v13 =	vand.u32 $0xFFFF0000, v13;
	v24 =	vshll.u32 v22, $0x10;
	v7 =	vadd.f32 v23, v7  }
0x253: {  	v22 =	vand.u32 $0xFFFF0000, v22;
	v13 =	vadd.f32 v13, v19;
	v23 =	vshll.u32 v27, $0x10  }
0x254: {  	v19 =	vand.u32 $0xFFFF0000, v27;
	v7 =	vadd.f32 v9, v7;
	v23 =	vadd.f32 v23, v24  }
0x255: {  	v11 =	vmax.f32 v11, v26;
	v13 =	vadd.f32 v15, v13;
	v19 =	vadd.f32 v19, v22  }
0x256: {  	[tilespmem:s24+$0xFFFFF890] =	vst v11;
	v11 =	vmax.f32 v12, v20;
	v9 =	vadd.f32 v9, v23;
	v12 =	vmul.f32 $9.999999770e-03, v7  }
0x257: {  	v6 =	vadd.f32 v18, v6;
	[tilespmem:s24+$0x90] =	vst v11;
	v11 =	vadd.f32 v15, v19;
	v15 =	vmul.f32 $9.999999770e-03, v13  }
0x258: {  	v19 =	vand.u32 $0xFFFF0000, v5;
	v18 =	vld [tilespmem:s25+$0xFFFFF890];
	v7 =	vmax.f32 v7, v12;
	v12 =	vmul.f32 $9.999999770e-03, v9  }
0x259: {  	v20 =	vld [tilespmem:s25+$0xFFFFF8D0];
	[tilespmem:s24+$0xFFFFF9C0] =	vst v7;
	v5 =	vmax.f32 v13, v15;
	v7 =	vmul.f32 $9.999999770e-03, v11;
	v13 =	vadd.f32 v21, v17  }
0x25a: {  	v16 =	vadd.f32 v19, v16;
	v15 =	vld [tilespmem:s25+$0x90];
	[tilespmem:s24+$0xFFFFF9D0] =	vst v5;
	v9 =	vmax.f32 v9, v12;
	v5 =	vadd.f32 v21, v14  }
0x25b: {  	v6 =	vadd.f32 v19, v6;
	v14 =	vld [tilespmem:s25+$0xD0];
	[tilespmem:s24+$0x1C0] =	vst v9;
	v7 =	vmax.f32 v11, v7;
	v9 =	vmul.f32 $9.999999770e-03, v13  }
0x25c: {  	v10 =	vmax.f32 v10, v8;
	v17 =	vmul.f32 $9.999999770e-03, v16;
	v19 =	vld [tilespmem:s31+$0xFFFFFFD0];
	[tilespmem:s24+$0x1D0] =	vst v7;
	v7 =	vmul.f32 $9.999999770e-03, v5  }
0x25d: {  	v8 =	vmul.f32 $9.999999770e-03, v6;
	v21 =	vshll.u32 v18, $0x10;
	v18 =	vand.u32 $0xFFFF0000, v18;
	v11 =	vld [tilespmem:s25+$0xFFFFF9F0];
	[tilespmem:s22+$0xFFFFF9E0] =	vst v10  }
.Ltmp5:
0x25e: {  	v9 =	vmax.f32 v13, v9;
	v10 =	vshll.u32 v20, $0x10;
	v20 =	vand.u32 $0xFFFF0000, v20;
	v12 =	vld [tilespmem:s25+$0x1B0];
	(pc) =	sbr.rel @p1 .LBB2_5-.Ltmp5, $4  }
0x25f: {  	v13 =	vshll.u32 v15, $0x10;
	v15 =	vand.u32 $0xFFFF0000, v15;
	[tilespmem:s22+$0xFFFFF8E0] =	vst v9;
	v9 =	vmax.f32 v16, v17  }
0x260: {  	v17 =	vshll.u32 v14, $0x10;
	v14 =	vand.u32 $0xFFFF0000, v14;
	v13 =	vadd.f32 v13, v10;
	v10 =	vld [tilespmem:s31+$0x70];
	[tilespmem:s22+$0xFFFFF8F0] =	vst v9  }
0x261: {  	v16 =	vshll.u32 v19, $0x10;
	v17 =	vadd.f32 v17, v21;
	v14 =	vadd.f32 v14, v18  }
0x262: {  	v15 =	vadd.f32 v15, v20;
	s31 =	sadd.s32 $0x100, s31;
	v9 =	vand.u32 $0xFFFF0000, v19;
	v13 =	vadd.f32 v16, v13  }
0x263: {  	v16 =	vadd.f32 v16, v17  }
0x264: {  	v14 =	vadd.f32 v9, v14;
	v62 =	vmul.f32 $9.999999770e-03, v13  }
0x265: {  	v63 =	vadd.f32 v9, v15;
	v21 =	vmul.f32 $9.999999770e-03, v16  }
0x266: {  	v18 =	vmul.f32 $9.999999770e-03, v14;
	v13 =	vmax.f32 v13, v62  }
0x267: {  	v22 =	vmul.f32 $9.999999770e-03, v63;
	v15 =	vmax.f32 v16, v21;
	[tilespmem:s24+$0xA0] =	vst v13  }
0x268: {  	v14 =	vmax.f32 v14, v18;
	[tilespmem:s24+$0xFFFFF8A0] =	vst v15  }
0x269: {  	[tilespmem:s24+$0xFFFFF8B0] =	vst v14;
	v9 =	vmax.f32 v63, v22  }
0x26a: {  	[tilespmem:s28+$0xB0] =	vst v9  }
0x26b: {  	v9 =	vld [tilespmem:s29+$0xFFFFF8A0]  }
0x26c: {  	v23 =	vld [tilespmem:s29+$0xFFFFF8E0]  }
0x26d: {  	v14 =	vld [tilespmem:s29+$0xE0]  }
0x26e: {  	v15 =	vld [tilespmem:s29+$0xA0]  }
0x26f: {  	v24 =	vld [tilespmem:s23+$0xFFFFFFE0];
	_ =	sdelay $0x1  }
0x270: {  	v25 =	vshll.u32 v9, $0x10;
	v9 =	vand.u32 $0xFFFF0000, v9  }
0x271: {  	v26 =	vshll.u32 v23, $0x10;
	v13 =	vand.u32 $0xFFFF0000, v23;
	v19 =	vshll.u32 v14, $0x10  }
0x272: {  	v20 =	vshll.u32 v15, $0x10;
	v14 =	vand.u32 $0xFFFF0000, v14;
	v17 =	vadd.f32 v19, v25  }
0x273: {  	v15 =	vand.u32 $0xFFFF0000, v15;
	v27 =	vshll.u32 v24, $0x10;
	v9 =	vadd.f32 v14, v9  }
0x274: {  	v16 =	vand.u32 $0xFFFF0000, v24;
	v18 =	vadd.f32 v20, v26;
	v17 =	vadd.f32 v27, v17  }
0x275: {  	v13 =	vadd.f32 v15, v13;
	v9 =	vadd.f32 v16, v9  }
0x276: {  	v14 =	vadd.f32 v27, v18;
	v28 =	vmul.f32 $9.999999770e-03, v17  }
0x277: {  	v13 =	vadd.f32 v16, v13;
	v29 =	vmul.f32 $9.999999770e-03, v9  }
0x278: {  	v31 =	vmul.f32 $9.999999770e-03, v14;
	v15 =	vmax.f32 v17, v28  }
0x279: {  	v33 =	vmul.f32 $9.999999770e-03, v13;
	v9 =	vmax.f32 v9, v29;
	[tilespmem:s28+$0xFFFFF8C0] =	vst v15  }
0x27a: {  	v30 =	vld [tilespmem:s29+$0xFFFFF9B0];
	v14 =	vmax.f32 v14, v31;
	[tilespmem:s28+$0xFFFFF8D0] =	vst v9  }
0x27b: {  	v32 =	vld [tilespmem:s29+$0x1F0];
	v13 =	vmax.f32 v13, v33;
	[tilespmem:s28+$0xC0] =	vst v14  }
0x27c: {  	v34 =	vand.u32 $0xFFFF0000, v11;
	v35 =	vand.u32 $0xFFFF0000, v12;
	[tilespmem:s28+$0xD0] =	vst v13  }
0x27d: {  	v38 =	vshll.u32 v11, $0x10;
	v42 =	vshll.u32 v12, $0x10;
	v5 =	vmax.f32 v5, v7;
	v13 =	vld [tilespmem:s29+$0xFFFFF8B0]  }
0x27e: {  	v6 =	vmax.f32 v6, v8;
	v1 =	vmax.f32 v1, v3;
	v36 =	vadd.f32 v35, v34;
	v41 =	vld [tilespmem:s29+$0xFFFFF8F0]  }
0x27f: {  	v2 =	vmax.f32 v2, v4;
	v11 =	vadd.f32 v42, v38;
	v37 =	vand.u32 $0xFFFF0000, v10;
	v44 =	vld [tilespmem:s29+$0xF0]  }
0x280: {  	v39 =	vshll.u32 v30, $0x10;
	v40 =	vshll.u32 v32, $0x10;
	v9 =	vadd.f32 v37, v36;
	v21 =	vld [tilespmem:s29+$0xB0]  }
0x281: {  	v18 =	vand.u32 $0xFFFF0000, v30;
	v17 =	vand.u32 $0xFFFF0000, v32;
	v15 =	vadd.f32 v40, v39;
	v46 =	vld [tilespmem:s23+$0xFFFFFFF0]  }
0x282: {  	v45 =	vshll.u32 v10, $0x10;
	v17 =	vadd.f32 v17, v18;
	v43 =	vmul.f32 $9.999999770e-03, v9  }
0x283: {  	v15 =	vadd.f32 v45, v15;
	v48 =	vshll.u32 v13, $0x10;
	v49 =	vand.u32 $0xFFFF0000, v13  }
0x284: {  	v50 =	vshll.u32 v41, $0x10;
	v19 =	vand.u32 $0xFFFF0000, v41;
	v51 =	vshll.u32 v44, $0x10  }
0x285: {  	v22 =	vshll.u32 v21, $0x10;
	v16 =	vand.u32 $0xFFFF0000, v44;
	v8 =	vadd.f32 v51, v48  }
0x286: {  	[tilespmem:s22+$0xE0] =	vst v5;
	v52 =	vand.u32 $0xFFFF0000, v21;
	v53 =	vshll.u32 v46, $0x10;
	v12 =	vadd.f32 v16, v49  }
0x287: {  	[tilespmem:s22+$0xF0] =	vst v6;
	v55 =	vand.u32 $0xFFFF0000, v46;
	v54 =	vadd.f32 v22, v50;
	v8 =	vadd.f32 v53, v8  }
0x288: {  	[tilespmem:s22+$0xFFFFF9F0] =	vst v1;
	v47 =	vmul.f32 $9.999999770e-03, v15;
	v3 =	vadd.f32 v52, v19;
	v56 =	vadd.f32 v55, v12  }
0x289: {  	[tilespmem:s22+$0x1E0] =	vst v2;
	v9 =	vmax.f32 v9, v43;
	v1 =	vadd.f32 v53, v54;
	v57 =	vmul.f32 $9.999999770e-03, v8  }
0x28a: {  	[tilespmem:s24+$0x1F0] =	vst v9;
	v58 =	vmax.f32 v15, v47;
	v2 =	vadd.f32 v55, v3;
	v3 =	vmul.f32 $9.999999770e-03, v56  }
0x28b: {  	v59 =	vadd.f32 v37, v17;
	[tilespmem:s28+$0xFFFFF9E0] =	vst v58;
	v60 =	vmul.f32 $9.999999770e-03, v1;
	v4 =	vmax.f32 v8, v57  }
0x28c: {  	v61 =	vadd.f32 v45, v11;
	v62 =	vmul.f32 $9.999999770e-03, v2;
	v3 =	vmax.f32 v56, v3;
	[tilespmem:s28+$0xFFFFF8E0] =	vst v4  }
0x28d: {  	v63 =	vmul.f32 $9.999999770e-03, v59;
	v1 =	vmax.f32 v1, v60;
	[tilespmem:s28+$0xFFFFF8F0] =	vst v3  }
.Ltmp6:
0x28e: {  	v2 =	vmax.f32 v2, v62;
	v3 =	vmul.f32 $9.999999770e-03, v61;
	[tilespmem:s28+$0xE0] =	vst v1;
	(pc) =	sbr.rel @p0 .LBB2_10-.Ltmp6, $4  }
0x28f: {  	v1 =	vmax.f32 v59, v63;
	[tilespmem:s28+$0xF0] =	vst v2  }
0x290: {  	[tilespmem:s28+$0xFFFFF9F0] =	vst v1;
	v2 =	vmax.f32 v61, v3  }
0x291: {  	[tilespmem:s28+$0x1E0] =	vst v2  }
0x292: {  	[spmem:s2] =	stream.indirect.scatter.add.f32 [tilespmem:s3], [sflag:$0x3], $0x80, s14, s8, $0xb8;
	[tilespmem:$0x1D900] =	vst v63  }
0x293: {  	_ =	swait.ge [sflag:s15], $0x1000  }
0x294: {  	s22 =	sadd.s32 $0x2, s26;
	[sflag:s15] =	ssyncset.done $0x0  }
0x295: {  	s23 =	sshll.u32 s22, $0x4;
	[sflag:s15] =	ssyncadd.s32 $0xFFFFF000  }
0x296: {  	v1 =	vld [tilespmem:s23+$0x14000]  }
0x297: {  	v2 =	vld [tilespmem:s23+$0x16780];
	_ =	sdelay $0x3  }
0x298: {  	[tilespmem:$0x18F00] =	vst v1  }
0x299: {  	[tilespmem:$0x18F10] =	vst v2  }
0x29a: {  	s22 =	sadd.s32 s10, s22;
	[tilespmem:$0x19000] =	vst v2  }
0x29b: {  	s22 =	sshll.u32 s22, $0x7;
	[tilespmem:$0x19010] =	vst v1  }
0x29c: {  	[tilespmem:s11], [sflag:$0x1] =	stream.indirect.gather [hbm4b:s1+s8], $0x80, s9, s8, $0xb8;
	[tilespmem:$0x1D900] =	vst v63  }
0x29d: {  	s22 =	sadd.s32 s5, s22  }
0x29e: {  	[tilespmem:s12], [sflag:$0x1] =	stream.linear.gather [hbm4b:s22+s4], $0x400, $0x38;
	[tilespmem:$0x1D900] =	vst v63  }
0x29f: {  	_ =	swait.ge [sflag:s16], $0x1000  }
0x2a0: {  	[sflag:s16] =	ssyncset.done $0x0  }
0x2a1: {  	[sflag:s16] =	ssyncadd.s32 $0xFFFFF000  }
0x2a2: {  	_ =	swait.ge [sflag:s16], $0x400  }
0x2a3: {  	[sflag:s16] =	ssyncset.done $0x0  }
0x2a4: {  	s31 =	simm.s32 $0x1B5F0;
	[sflag:s16] =	ssyncadd.s32 $0xFFFFFC00  }
0x2a5: {  	s28 =	simm.s32 $0x1AAF0;
	v1 =	vld [tilespmem:s31+$0xFFFFFF90]  }
0x2a6: {  	v2 =	vld [tilespmem:s28+$0xFFFFF710]  }
0x2a7: {  	v3 =	vld [tilespmem:s28+$0xFFFFFF50]  }
0x2a8: {  	v4 =	vld [tilespmem:s28+$0xFFFFF750]  }
0x2a9: {  	v5 =	vld [tilespmem:s28+$0xFFFFFF10];
	_ =	sdelay $0x1  }
0x2aa: {  	v6 =	vld [tilespmem:s28+$0xFFFFF610];
	v7 =	vshll.u32 v1, $0x10;
	v1 =	vand.u32 $0xFFFF0000, v1  }
0x2ab: {  	v8 =	vshll.u32 v2, $0x10;
	v2 =	vand.u32 $0xFFFF0000, v2;
	v9 =	vshll.u32 v3, $0x10  }
0x2ac: {  	v10 =	vld [tilespmem:s28+$0xFFFFF650];
	v11 =	vshll.u32 v4, $0x10;
	v3 =	vand.u32 $0xFFFF0000, v3;
	v8 =	vadd.f32 v9, v8  }
0x2ad: {  	v4 =	vand.u32 $0xFFFF0000, v4;
	v9 =	vshll.u32 v5, $0x10;
	v2 =	vadd.f32 v3, v2  }
0x2ae: {  	v3 =	vld [tilespmem:s28+$0xFFFFFE10];
	v5 =	vand.u32 $0xFFFF0000, v5;
	v9 =	vadd.f32 v9, v11;
	v8 =	vadd.f32 v7, v8  }
0x2af: {  	v12 =	vshll.u32 v6, $0x10;
	v11 =	vld [tilespmem:s28+$0xFFFFFE50];
	v4 =	vadd.f32 v5, v4;
	v2 =	vadd.f32 v1, v2  }
0x2b0: {  	v5 =	vand.u32 $0xFFFF0000, v6;
	v6 =	vadd.f32 v7, v9;
	v7 =	vmul.f32 $9.999999770e-03, v8  }
0x2b1: {  	v13 =	vshll.u32 v10, $0x10;
	v9 =	vld [tilespmem:s31+$0xFFFFFF10];
	v1 =	vadd.f32 v1, v4;
	v4 =	vmul.f32 $9.999999770e-03, v2  }
0x2b2: {  	s22 =	simm.s32 $0x1D2F0;
	v10 =	vand.u32 $0xFFFF0000, v10;
	v7 =	vmax.f32 v8, v7;
	v8 =	vmul.f32 $9.999999770e-03, v6  }
0x2b3: {  	v14 =	vshll.u32 v3, $0x10;
	v2 =	vmax.f32 v2, v4;
	v4 =	vmul.f32 $9.999999770e-03, v1;
	[tilespmem:s22+$0xFFFFF710] =	vst v7  }
0x2b4: {  	v3 =	vand.u32 $0xFFFF0000, v3;
	v7 =	vshll.u32 v11, $0x10;
	[tilespmem:s22+$0xFFFFF720] =	vst v2;
	v2 =	vmax.f32 v6, v8  }
0x2b5: {  	v6 =	vand.u32 $0xFFFF0000, v11;
	v7 =	vadd.f32 v7, v12;
	v1 =	vmax.f32 v1, v4;
	[tilespmem:s22+$0xFFFFFF10] =	vst v2  }
0x2b6: {  	v2 =	vshll.u32 v9, $0x10;
	v4 =	vadd.f32 v6, v5;
	v5 =	vadd.f32 v14, v13;
	[tilespmem:s22+$0xFFFFFF20] =	vst v1  }
0x2b7: {  	v3 =	vadd.f32 v3, v10;
	v1 =	vand.u32 $0xFFFF0000, v9;
	v6 =	vadd.f32 v2, v7;
	v7 =	vld [tilespmem:s31+$0xFFFFFFA0]  }
0x2b8: {  	v8 =	vld [tilespmem:s28+$0xFFFFFF60];
	v4 =	vadd.f32 v1, v4;
	v2 =	vadd.f32 v2, v5  }
0x2b9: {  	v5 =	vld [tilespmem:s28+$0xFFFFF720];
	v1 =	vadd.f32 v1, v3;
	v3 =	vmul.f32 $9.999999770e-03, v6  }
0x2ba: {  	v13 =	vld [tilespmem:s28+$0xFFFFFF20];
	v9 =	vmul.f32 $9.999999770e-03, v4;
	v10 =	vmul.f32 $9.999999770e-03, v2  }
0x2bb: {  	v11 =	vld [tilespmem:s28+$0xFFFFF760];
	v12 =	vmul.f32 $9.999999770e-03, v1  }
0x2bc: {  	v3 =	vmax.f32 v6, v3;
	v4 =	vmax.f32 v4, v9;
	v2 =	vmax.f32 v2, v10  }
0x2bd: {  	[tilespmem:s22+$0xFFFFF610] =	vst v3;
	v1 =	vmax.f32 v1, v12;
	v3 =	vshll.u32 v7, $0x10;
	v6 =	vand.u32 $0xFFFF0000, v7  }
0x2be: {  	v7 =	vshll.u32 v8, $0x10;
	v8 =	vand.u32 $0xFFFF0000, v8;
	[tilespmem:s22+$0xFFFFF620] =	vst v4;
	v4 =	vshll.u32 v5, $0x10  }
0x2bf: {  	v9 =	vand.u32 $0xFFFF0000, v13;
	v5 =	vand.u32 $0xFFFF0000, v5;
	[tilespmem:s22+$0xFFFFFE10] =	vst v2;
	v4 =	vadd.f32 v7, v4  }
0x2c0: {  	v2 =	vshll.u32 v11, $0x10;
	[tilespmem:s22+$0xFFFFFE20] =	vst v1;
	v7 =	vshll.u32 v13, $0x10;
	v5 =	vadd.f32 v8, v5  }
0x2c1: {  	v1 =	vand.u32 $0xFFFF0000, v11;
	v8 =	vld [tilespmem:s28+$0xFFFFF620];
	v2 =	vadd.f32 v7, v2;
	v4 =	vadd.f32 v3, v4  }
0x2c2: {  	v1 =	vadd.f32 v9, v1;
	v9 =	vld [tilespmem:s28+$0xFFFFFE20];
	v5 =	vadd.f32 v6, v5  }
0x2c3: {  	v7 =	vld [tilespmem:s28+$0xFFFFF660];
	v2 =	vadd.f32 v3, v2;
	v3 =	vmul.f32 $9.999999770e-03, v4  }
0x2c4: {  	v10 =	vld [tilespmem:s28+$0xFFFFFE60];
	v1 =	vadd.f32 v6, v1;
	v6 =	vmul.f32 $9.999999770e-03, v5  }
0x2c5: {  	v11 =	vld [tilespmem:s31+$0xFFFFFF20];
	v3 =	vmax.f32 v4, v3;
	v4 =	vmul.f32 $9.999999770e-03, v2  }
0x2c6: {  	[tilespmem:s22+$0xFFFFF730] =	vst v3;
	v3 =	vmax.f32 v5, v6;
	v5 =	vmul.f32 $9.999999770e-03, v1  }
0x2c7: {  	v6 =	vshll.u32 v8, $0x10;
	v8 =	vand.u32 $0xFFFF0000, v8;
	[tilespmem:s22+$0xFFFFF740] =	vst v3;
	v2 =	vmax.f32 v2, v4  }
0x2c8: {  	v3 =	vshll.u32 v7, $0x10;
	v4 =	vshll.u32 v9, $0x10;
	[tilespmem:s22+$0xFFFFFF30] =	vst v2;
	v1 =	vmax.f32 v1, v5  }
0x2c9: {  	v2 =	vand.u32 $0xFFFF0000, v7;
	v5 =	vshll.u32 v10, $0x10;
	v3 =	vadd.f32 v4, v3;
	[tilespmem:s22+$0xFFFFFF40] =	vst v1  }
0x2ca: {  	v4 =	vshll.u32 v11, $0x10;
	v1 =	vand.u32 $0xFFFF0000, v10;
	v5 =	vadd.f32 v5, v6;
	v6 =	vld [tilespmem:s31+$0xFFFFFFB0]  }
0x2cb: {  	v7 =	vand.u32 $0xFFFF0000, v9;
	v1 =	vadd.f32 v1, v8;
	v3 =	vadd.f32 v4, v3;
	v8 =	vld [tilespmem:s28+$0xFFFFF730]  }
0x2cc: {  	v9 =	vand.u32 $0xFFFF0000, v11;
	v2 =	vadd.f32 v7, v2;
	v7 =	vld [tilespmem:s28+$0xFFFFFF70]  }
0x2cd: {  	v10 =	vld [tilespmem:s28+$0xFFFFF770];
	v4 =	vadd.f32 v4, v5;
	v1 =	vadd.f32 v9, v1;
	v5 =	vmul.f32 $9.999999770e-03, v3  }
0x2ce: {  	v2 =	vadd.f32 v9, v2;
	v9 =	vld [tilespmem:s28+$0xFFFFFF30]  }
0x2cf: {  	v11 =	vmul.f32 $9.999999770e-03, v4;
	v12 =	vmul.f32 $9.999999770e-03, v1;
	v3 =	vmax.f32 v3, v5  }
0x2d0: {  	v5 =	vmul.f32 $9.999999770e-03, v2;
	v13 =	vshll.u32 v6, $0x10;
	v6 =	vand.u32 $0xFFFF0000, v6  }
0x2d1: {  	v14 =	vshll.u32 v8, $0x10;
	v8 =	vand.u32 $0xFFFF0000, v8;
	v15 =	vshll.u32 v7, $0x10  }
0x2d2: {  	v16 =	vshll.u32 v10, $0x10;
	v7 =	vand.u32 $0xFFFF0000, v7;
	v14 =	vadd.f32 v15, v14  }
0x2d3: {  	v10 =	vand.u32 $0xFFFF0000, v10;
	v7 =	vadd.f32 v7, v8;
	v15 =	vshll.u32 v9, $0x10  }
0x2d4: {  	v8 =	vand.u32 $0xFFFF0000, v9;
	v9 =	vadd.f32 v13, v14;
	v14 =	vadd.f32 v15, v16  }
0x2d5: {  	v4 =	vmax.f32 v4, v11;
	[tilespmem:s22+$0xFFFFFE30] =	vst v3;
	v3 =	vadd.f32 v6, v7;
	v7 =	vadd.f32 v8, v10  }
0x2d6: {  	[tilespmem:s22+$0xFFFFF630] =	vst v4;
	v1 =	vmax.f32 v1, v12;
	v4 =	vadd.f32 v13, v14;
	v8 =	vmul.f32 $9.999999770e-03, v9  }
0x2d7: {  	[tilespmem:s22+$0xFFFFF640] =	vst v1;
	v1 =	vmax.f32 v2, v5;
	v2 =	vadd.f32 v6, v7;
	v5 =	vmul.f32 $9.999999770e-03, v3  }
0x2d8: {  	[tilespmem:s22+$0xFFFFFE40] =	vst v1;
	v1 =	vmax.f32 v9, v8;
	v6 =	vmul.f32 $9.999999770e-03, v4  }
0x2d9: {  	v7 =	vld [tilespmem:s28+$0xFFFFF630];
	[tilespmem:s22+$0xFFFFF750] =	vst v1;
	v1 =	vmax.f32 v3, v5;
	v3 =	vmul.f32 $9.999999770e-03, v2  }
0x2da: {  	v5 =	vld [tilespmem:s28+$0xFFFFF670];
	[tilespmem:s22+$0xFFFFF760] =	vst v1;
	v1 =	vmax.f32 v4, v6  }
0x2db: {  	v4 =	vld [tilespmem:s28+$0xFFFFFE30];
	[tilespmem:s22+$0xFFFFFF50] =	vst v1;
	v1 =	vmax.f32 v2, v3  }
0x2dc: {  	v2 =	vld [tilespmem:s28+$0xFFFFFE70];
	[tilespmem:s22+$0xFFFFFF60] =	vst v1  }
0x2dd: {  	v1 =	vld [tilespmem:s31+$0xFFFFFFC0]  }
0x2de: {  	v3 =	vld [tilespmem:s28+$0xFFFFF740]  }
0x2df: {  	v6 =	vld [tilespmem:s28+$0xFFFFFF80]  }
0x2e0: {  	v8 =	vld [tilespmem:s28+$0xFFFFF780]  }
0x2e1: {  	v9 =	vshll.u32 v7, $0x10;
	v7 =	vand.u32 $0xFFFF0000, v7;
	v11 =	vld [tilespmem:s28+$0xFFFFFF40];
	v10 =	vshll.u32 v5, $0x10  }
0x2e2: {  	v5 =	vand.u32 $0xFFFF0000, v5;
	v12 =	vshll.u32 v4, $0x10;
	v4 =	vand.u32 $0xFFFF0000, v4  }
0x2e3: {  	v13 =	vshll.u32 v2, $0x10;
	v14 =	vshll.u32 v1, $0x10;
	v1 =	vand.u32 $0xFFFF0000, v1  }
0x2e4: {  	v15 =	vshll.u32 v3, $0x10;
	v3 =	vand.u32 $0xFFFF0000, v3;
	v16 =	vshll.u32 v6, $0x10  }
0x2e5: {  	v18 =	vshll.u32 v8, $0x10;
	v6 =	vand.u32 $0xFFFF0000, v6;
	v15 =	vadd.f32 v16, v15  }
0x2e6: {  	v8 =	vand.u32 $0xFFFF0000, v8;
	v16 =	vshll.u32 v11, $0x10;
	v3 =	vadd.f32 v6, v3  }
0x2e7: {  	v17 =	vld [tilespmem:s31+$0xFFFFFF30];
	v6 =	vand.u32 $0xFFFF0000, v11;
	v11 =	vadd.f32 v14, v15;
	v15 =	vadd.f32 v16, v18  }
0x2e8: {  	v2 =	vand.u32 $0xFFFF0000, v2;
	v6 =	vadd.f32 v6, v8;
	v3 =	vadd.f32 v1, v3  }
0x2e9: {  	v8 =	vadd.f32 v12, v10;
	v10 =	vadd.f32 v14, v15;
	v12 =	vmul.f32 $9.999999770e-03, v11  }
0x2ea: {  	v9 =	vadd.f32 v13, v9;
	v1 =	vadd.f32 v1, v6;
	v6 =	vmul.f32 $9.999999770e-03, v3  }
0x2eb: {  	v2 =	vadd.f32 v2, v7;
	v11 =	vmax.f32 v11, v12;
	v12 =	vmul.f32 $9.999999770e-03, v10  }
0x2ec: {  	v14 =	vshll.u32 v17, $0x10;
	v3 =	vmax.f32 v3, v6;
	v6 =	vmul.f32 $9.999999770e-03, v1;
	[tilespmem:s22+$0xFFFFF770] =	vst v11  }
0x2ed: {  	v7 =	vand.u32 $0xFFFF0000, v17;
	v9 =	vadd.f32 v14, v9;
	[tilespmem:s22+$0xFFFFF780] =	vst v3;
	v3 =	vmax.f32 v10, v12  }
0x2ee: {  	v4 =	vadd.f32 v4, v5;
	v2 =	vadd.f32 v7, v2;
	v1 =	vmax.f32 v1, v6;
	[tilespmem:s22+$0xFFFFFF70] =	vst v3  }
0x2ef: {  	v5 =	vmul.f32 $9.999999770e-03, v9;
	v3 =	vadd.f32 v14, v8;
	[tilespmem:s22+$0xFFFFFF80] =	vst v1  }
0x2f0: {  	v1 =	vadd.f32 v7, v4;
	v4 =	vmul.f32 $9.999999770e-03, v2;
	v6 =	vld [tilespmem:s31+$0xFFFFFFD0]  }
0x2f1: {  	v5 =	vmax.f32 v9, v5;
	v8 =	vld [tilespmem:s28+$0xFFFFF790];
	v7 =	vmul.f32 $9.999999770e-03, v3  }
0x2f2: {  	[tilespmem:s22+$0xFFFFF650] =	vst v5;
	v9 =	vmul.f32 $9.999999770e-03, v1;
	v2 =	vmax.f32 v2, v4;
	v4 =	vld [tilespmem:s28+$0xFFFFFFD0]  }
0x2f3: {  	[tilespmem:s22+$0xFFFFF660] =	vst v2;
	v2 =	vld [tilespmem:s28+$0xFFFFF7D0];
	v3 =	vmax.f32 v3, v7  }
0x2f4: {  	v1 =	vmax.f32 v1, v9;
	[tilespmem:s22+$0xFFFFFE50] =	vst v3;
	v3 =	vld [tilespmem:s28+$0xFFFFFF90]  }
0x2f5: {  	[tilespmem:s22+$0xFFFFFE60] =	vst v1  }
0x2f6: {  	v1 =	vld [tilespmem:s28+$0xFFFFF640];
	v5 =	vshll.u32 v6, $0x10;
	v6 =	vand.u32 $0xFFFF0000, v6  }
0x2f7: {  	v7 =	vshll.u32 v8, $0x10;
	v8 =	vand.u32 $0xFFFF0000, v8;
	v9 =	vshll.u32 v4, $0x10  }
0x2f8: {  	v10 =	vld [tilespmem:s28+$0xFFFFF680];
	v4 =	vand.u32 $0xFFFF0000, v4;
	v11 =	vshll.u32 v2, $0x10;
	v7 =	vadd.f32 v9, v7  }
0x2f9: {  	v2 =	vand.u32 $0xFFFF0000, v2;
	v4 =	vadd.f32 v4, v8;
	v9 =	vshll.u32 v3, $0x10  }
0x2fa: {  	v8 =	vld [tilespmem:s28+$0xFFFFFE40];
	v3 =	vand.u32 $0xFFFF0000, v3;
	v7 =	vadd.f32 v5, v7;
	v9 =	vadd.f32 v9, v11  }
0x2fb: {  	v4 =	vadd.f32 v6, v4;
	v11 =	vld [tilespmem:s28+$0xFFFFFE80];
	v12 =	vshll.u32 v1, $0x10;
	v2 =	vadd.f32 v3, v2  }
0x2fc: {  	v1 =	vand.u32 $0xFFFF0000, v1;
	v3 =	vadd.f32 v5, v9;
	v5 =	vmul.f32 $9.999999770e-03, v7  }
0x2fd: {  	v13 =	vshll.u32 v10, $0x10;
	v9 =	vld [tilespmem:s31+$0xFFFFFF40];
	v2 =	vadd.f32 v6, v2;
	v6 =	vmul.f32 $9.999999770e-03, v4  }
0x2fe: {  	v10 =	vand.u32 $0xFFFF0000, v10;
	v5 =	vmax.f32 v7, v5;
	v7 =	vmul.f32 $9.999999770e-03, v3  }
0x2ff: {  	v14 =	vshll.u32 v8, $0x10;
	v4 =	vmax.f32 v4, v6;
	[tilespmem:s22+$0xFFFFF790] =	vst v5;
	v5 =	vmul.f32 $9.999999770e-03, v2  }
0x300: {  	v6 =	vand.u32 $0xFFFF0000, v8;
	v8 =	vshll.u32 v11, $0x10;
	[tilespmem:s22+$0xFFFFF7A0] =	vst v4;
	v3 =	vmax.f32 v3, v7  }
0x301: {  	v4 =	vand.u32 $0xFFFF0000, v11;
	v7 =	vadd.f32 v8, v12;
	[tilespmem:s22+$0xFFFFFF90] =	vst v3;
	v2 =	vmax.f32 v2, v5  }
0x302: {  	v1 =	vadd.f32 v4, v1;
	v4 =	vadd.f32 v14, v13;
	v3 =	vshll.u32 v9, $0x10;
	[tilespmem:s22+$0xFFFFFFA0] =	vst v2  }
0x303: {  	v6 =	vadd.f32 v6, v10;
	v2 =	vand.u32 $0xFFFF0000, v9;
	v5 =	vadd.f32 v3, v7;
	v7 =	vld [tilespmem:s31+$0xFFFFFFE0]  }
0x304: {  	v3 =	vadd.f32 v3, v4;
	v1 =	vadd.f32 v2, v1;
	v4 =	vld [tilespmem:s28+$0xFFFFF7A0]  }
0x305: {  	v2 =	vadd.f32 v2, v6;
	v8 =	vld [tilespmem:s28+$0xFFFFFFE0];
	v6 =	vmul.f32 $9.999999770e-03, v5  }
0x306: {  	v11 =	vld [tilespmem:s28+$0xFFFFF7E0];
	v10 =	vmul.f32 $9.999999770e-03, v3;
	v9 =	vmul.f32 $9.999999770e-03, v1  }
0x307: {  	v13 =	vld [tilespmem:s28+$0xFFFFFFA0];
	v12 =	vmul.f32 $9.999999770e-03, v2  }
0x308: {  	v5 =	vmax.f32 v5, v6;
	v3 =	vmax.f32 v3, v10;
	v1 =	vmax.f32 v1, v9  }
0x309: {  	[tilespmem:s22+$0xFFFFF670] =	vst v5;
	v2 =	vmax.f32 v2, v12;
	v5 =	vshll.u32 v7, $0x10;
	v6 =	vand.u32 $0xFFFF0000, v7  }
0x30a: {  	[tilespmem:s22+$0xFFFFF680] =	vst v1;
	v1 =	vshll.u32 v4, $0x10;
	v4 =	vand.u32 $0xFFFF0000, v4;
	v7 =	vshll.u32 v8, $0x10  }
0x30b: {  	[tilespmem:s22+$0xFFFFFE70] =	vst v3;
	v3 =	vshll.u32 v11, $0x10;
	v8 =	vand.u32 $0xFFFF0000, v8;
	v1 =	vadd.f32 v7, v1  }
0x30c: {  	[tilespmem:s22+$0xFFFFFE80] =	vst v2;
	v2 =	vand.u32 $0xFFFF0000, v11;
	v7 =	vshll.u32 v13, $0x10;
	v4 =	vadd.f32 v8, v4  }
0x30d: {  	v9 =	vand.u32 $0xFFFF0000, v13;
	v8 =	vld [tilespmem:s28+$0xFFFFF690];
	v3 =	vadd.f32 v7, v3;
	v1 =	vadd.f32 v5, v1  }
0x30e: {  	v2 =	vadd.f32 v9, v2;
	v9 =	vld [tilespmem:s28+$0xFFFFFE90];
	v4 =	vadd.f32 v6, v4  }
0x30f: {  	v7 =	vld [tilespmem:s28+$0xFFFFF6D0];
	v3 =	vadd.f32 v5, v3;
	v5 =	vmul.f32 $9.999999770e-03, v1  }
0x310: {  	v10 =	vld [tilespmem:s28+$0xFFFFFED0];
	v2 =	vadd.f32 v6, v2;
	v6 =	vmul.f32 $9.999999770e-03, v4  }
0x311: {  	v1 =	vmax.f32 v1, v5;
	v5 =	vmul.f32 $9.999999770e-03, v3  }
0x312: {  	v11 =	vld [tilespmem:s31+$0xFFFFFF50];
	[tilespmem:s22+$0xFFFFF7B0] =	vst v1;
	v1 =	vmax.f32 v4, v6;
	v4 =	vmul.f32 $9.999999770e-03, v2  }
0x313: {  	v6 =	vshll.u32 v8, $0x10;
	v8 =	vand.u32 $0xFFFF0000, v8;
	[tilespmem:s22+$0xFFFFF7C0] =	vst v1;
	v1 =	vmax.f32 v3, v5  }
0x314: {  	v3 =	vshll.u32 v7, $0x10;
	v5 =	vshll.u32 v9, $0x10;
	[tilespmem:s22+$0xFFFFFFB0] =	vst v1;
	v1 =	vmax.f32 v2, v4  }
0x315: {  	v2 =	vand.u32 $0xFFFF0000, v7;
	v4 =	vshll.u32 v10, $0x10;
	v3 =	vadd.f32 v5, v3;
	[tilespmem:s22+$0xFFFFFFC0] =	vst v1  }
0x316: {  	v7 =	vand.u32 $0xFFFF0000, v9;
	v1 =	vand.u32 $0xFFFF0000, v10;
	v4 =	vadd.f32 v4, v6;
	v6 =	vld [tilespmem:s31+$0xFFFFFFF0]  }
0x317: {  	v5 =	vshll.u32 v11, $0x10;
	v2 =	vadd.f32 v7, v2;
	v1 =	vadd.f32 v1, v8;
	v8 =	vld [tilespmem:s28+$0xFFFFF7B0]  }
0x318: {  	v9 =	vand.u32 $0xFFFF0000, v11;
	v3 =	vadd.f32 v5, v3;
	v7 =	vld [tilespmem:s28+$0xFFFFF7F0];
	v4 =	vadd.f32 v5, v4  }
0x319: {  	v5 =	vld [tilespmem:s28+$0xFFFFFFF0];
	v1 =	vadd.f32 v9, v1  }
0x31a: {  	v12 =	vld [tilespmem:s28+$0xFFFFFFB0];
	v2 =	vadd.f32 v9, v2;
	v9 =	vmul.f32 $9.999999770e-03, v3;
	v10 =	vmul.f32 $9.999999770e-03, v4  }
0x31b: {  	v11 =	vmul.f32 $9.999999770e-03, v1  }
0x31c: {  	v3 =	vmax.f32 v3, v9;
	v9 =	vmul.f32 $9.999999770e-03, v2;
	v4 =	vmax.f32 v4, v10  }
0x31d: {  	v10 =	vshll.u32 v6, $0x10;
	v6 =	vand.u32 $0xFFFF0000, v6;
	v13 =	vshll.u32 v8, $0x10  }
0x31e: {  	v8 =	vand.u32 $0xFFFF0000, v8;
	v15 =	vshll.u32 v7, $0x10;
	v14 =	vshll.u32 v5, $0x10  }
0x31f: {  	[tilespmem:s22+$0xFFFFFE90] =	vst v3;
	v3 =	vshll.u32 v12, $0x10;
	v5 =	vand.u32 $0xFFFF0000, v5;
	v13 =	vadd.f32 v14, v13  }
0x320: {  	v7 =	vand.u32 $0xFFFF0000, v7;
	v3 =	vadd.f32 v3, v15;
	v5 =	vadd.f32 v5, v8  }
0x321: {  	[tilespmem:s22+$0xFFFFF690] =	vst v4;
	v1 =	vmax.f32 v1, v11;
	v8 =	vand.u32 $0xFFFF0000, v12;
	v4 =	vadd.f32 v10, v13  }
0x322: {  	s25 =	simm.s32 $0x1ACF0;
	[tilespmem:s22+$0xFFFFF6A0] =	vst v1;
	v1 =	vmax.f32 v2, v9;
	v7 =	vadd.f32 v8, v7;
	v5 =	vadd.f32 v6, v5  }
0x323: {  	v21 =	vld [tilespmem:s25+$0xFFFFF650];
	v2 =	vadd.f32 v10, v3;
	[tilespmem:s22+$0xFFFFFEA0] =	vst v1;
	v3 =	vmul.f32 $9.999999770e-03, v4  }
0x324: {  	v8 =	vld [tilespmem:s28+$0xFFFFF6E0];
	v1 =	vadd.f32 v6, v7;
	v6 =	vmul.f32 $9.999999770e-03, v5  }
0x325: {  	v7 =	vld [tilespmem:s28+$0xFFFFF6A0];
	v3 =	vmax.f32 v4, v3;
	v4 =	vmul.f32 $9.999999770e-03, v2  }
0x326: {  	[tilespmem:s22+$0xFFFFF7D0] =	vst v3;
	v3 =	vmax.f32 v5, v6;
	v5 =	vmul.f32 $9.999999770e-03, v1;
	v6 =	vld [tilespmem:s28+$0xFFFFFEA0]  }
0x327: {  	[tilespmem:s22+$0xFFFFF7E0] =	vst v3;
	v2 =	vmax.f32 v2, v4;
	v3 =	vld [tilespmem:s28+$0xFFFFFEE0]  }
0x328: {  	v4 =	vld [tilespmem:s31+$0xFFFFFF60];
	[tilespmem:s22+$0xFFFFFFD0] =	vst v2;
	v1 =	vmax.f32 v1, v5  }
0x329: {  	v24 =	vshll.u32 v21, $0x10;
	v16 =	vld [tilespmem:s25+$0xFFFFF750];
	[tilespmem:s22+$0xFFFFFFE0] =	vst v1  }
0x32a: {  	v21 =	vand.u32 $0xFFFF0000, v21;
	v2 =	vshll.u32 v8, $0x10;
	v8 =	vand.u32 $0xFFFF0000, v8;
	v5 =	vld [tilespmem:s28+$0xFFFFF800]  }
0x32b: {  	v1 =	vshll.u32 v7, $0x10;
	v7 =	vand.u32 $0xFFFF0000, v7;
	v9 =	vld [tilespmem:s28+$0xFFFFFFC0];
	v10 =	vshll.u32 v6, $0x10  }
0x32c: {  	v6 =	vand.u32 $0xFFFF0000, v6;
	v11 =	vshll.u32 v3, $0x10;
	v3 =	vand.u32 $0xFFFF0000, v3  }
0x32d: {  	v10 =	vadd.f32 v10, v2;
	v2 =	vld [tilespmem:s31+$0x0];
	v12 =	vshll.u32 v4, $0x10;
	v3 =	vadd.f32 v3, v7  }
0x32e: {  	v4 =	vand.u32 $0xFFFF0000, v4;
	v6 =	vadd.f32 v6, v8;
	v1 =	vadd.f32 v11, v1;
	v11 =	vld [tilespmem:s25+$0xFFFFF710]  }
0x32f: {  	s23 =	simm.s32 $0x1B6F0;
	v22 =	vshll.u32 v16, $0x10;
	v7 =	vadd.f32 v12, v10;
	v13 =	vadd.f32 v4, v3;
	v3 =	vld [tilespmem:s25+$0xFFFFFF50]  }
0x330: {  	v10 =	vld [tilespmem:s23+$0xFFFFFF90];
	v8 =	vadd.f32 v12, v1;
	v1 =	vand.u32 $0xFFFF0000, v5;
	v12 =	vand.u32 $0xFFFF0000, v9  }
0x331: {  	v16 =	vand.u32 $0xFFFF0000, v16;
	v17 =	vadd.f32 v4, v6;
	v6 =	vld [tilespmem:s25+$0xFFFFFF10];
	v12 =	vadd.f32 v12, v1  }
0x332: {  	v14 =	vmul.f32 $9.999999770e-03, v7;
	v15 =	vmul.f32 $9.999999770e-03, v8;
	v1 =	vand.u32 $0xFFFF0000, v2  }
0x333: {  	v4 =	vmul.f32 $9.999999770e-03, v13;
	v12 =	vadd.f32 v1, v12;
	v19 =	vshll.u32 v11, $0x10  }
0x334: {  	v11 =	vand.u32 $0xFFFF0000, v11;
	v8 =	vmax.f32 v8, v15;
	v20 =	vshll.u32 v3, $0x10  }
0x335: {  	v15 =	vld [tilespmem:s25+$0xFFFFF610];
	v18 =	vshll.u32 v10, $0x10;
	v3 =	vand.u32 $0xFFFF0000, v3;
	v19 =	vadd.f32 v20, v19  }
0x336: {  	v10 =	vand.u32 $0xFFFF0000, v10;
	v35 =	vshll.u32 v6, $0x10;
	v3 =	vadd.f32 v3, v11  }
0x337: {  	v6 =	vand.u32 $0xFFFF0000, v6;
	v11 =	vld [tilespmem:s25+$0xFFFFFE10];
	v20 =	vadd.f32 v35, v22;
	v19 =	vadd.f32 v18, v19  }
0x338: {  	v36 =	vld [tilespmem:s25+$0xFFFFFE50];
	v7 =	vmax.f32 v7, v14;
	v6 =	vadd.f32 v6, v16;
	v3 =	vadd.f32 v10, v3  }
0x339: {  	v14 =	vmul.f32 $9.999999770e-03, v17;
	v16 =	vadd.f32 v18, v20;
	v18 =	vmul.f32 $9.999999770e-03, v19  }
0x33a: {  	v37 =	vld [tilespmem:s23+$0xFFFFFF10];
	v6 =	vadd.f32 v10, v6;
	v23 =	vshll.u32 v15, $0x10;
	v10 =	vmul.f32 $9.999999770e-03, v3  }
0x33b: {  	s24 =	simm.s32 $0x1D4F0;
	v15 =	vand.u32 $0xFFFF0000, v15;
	v18 =	vmax.f32 v19, v18;
	v19 =	vmul.f32 $9.999999770e-03, v16  }
0x33c: {  	v25 =	vshll.u32 v11, $0x10;
	v3 =	vmax.f32 v3, v10;
	v10 =	vmul.f32 $9.999999770e-03, v6;
	[tilespmem:s24+$0xFFFFF710] =	vst v18  }
0x33d: {  	v11 =	vand.u32 $0xFFFF0000, v11;
	v18 =	vshll.u32 v36, $0x10;
	[tilespmem:s24+$0xFFFFF720] =	vst v3;
	v3 =	vmax.f32 v16, v19  }
0x33e: {  	v16 =	vand.u32 $0xFFFF0000, v36;
	v18 =	vadd.f32 v18, v23;
	[tilespmem:s24+$0xFFFFFF10] =	vst v3;
	v3 =	vmax.f32 v6, v10  }
0x33f: {  	v6 =	vshll.u32 v37, $0x10;
	v10 =	vadd.f32 v16, v15;
	v15 =	vadd.f32 v25, v24;
	[tilespmem:s24+$0xFFFFFF20] =	vst v3  }
0x340: {  	v11 =	vadd.f32 v11, v21;
	v16 =	vand.u32 $0xFFFF0000, v37;
	v18 =	vadd.f32 v6, v18;
	v19 =	vld [tilespmem:s23+$0xFFFFFFA0]  }
0x341: {  	v3 =	vshll.u32 v5, $0x10;
	v5 =	vadd.f32 v16, v10;
	v10 =	vadd.f32 v6, v15;
	v15 =	vld [tilespmem:s25+$0xFFFFF720]  }
0x342: {  	v11 =	vadd.f32 v16, v11;
	v6 =	vmul.f32 $9.999999770e-03, v12;
	v38 =	vld [tilespmem:s25+$0xFFFFFF60];
	v16 =	vmul.f32 $9.999999770e-03, v18  }
0x343: {  	v13 =	vmax.f32 v13, v4;
	v41 =	vld [tilespmem:s25+$0xFFFFF760];
	v39 =	vmul.f32 $9.999999770e-03, v5;
	v40 =	vmul.f32 $9.999999770e-03, v10  }
0x344: {  	v4 =	vshll.u32 v9, $0x10;
	v9 =	vmax.f32 v18, v16;
	v16 =	vmul.f32 $9.999999770e-03, v11;
	v18 =	vld [tilespmem:s25+$0xFFFFFF20]  }
0x345: {  	v6 =	vmax.f32 v12, v6;
	[tilespmem:s24+$0xFFFFF610] =	vst v9;
	v5 =	vmax.f32 v5, v39;
	v9 =	vmax.f32 v10, v40  }
0x346: {  	[tilespmem:s24+$0xFFFFF620] =	vst v5;
	v5 =	vmax.f32 v11, v16;
	v10 =	vshll.u32 v19, $0x10;
	v11 =	vand.u32 $0xFFFF0000, v19  }
0x347: {  	v12 =	vld [tilespmem:s28+$0xFFFFF7C0];
	[tilespmem:s24+$0xFFFFFE10] =	vst v9;
	v9 =	vshll.u32 v15, $0x10;
	v15 =	vand.u32 $0xFFFF0000, v15;
	v16 =	vshll.u32 v38, $0x10  }
0x348: {  	v19 =	vand.u32 $0xFFFF0000, v38;
	v42 =	vand.u32 $0xFFFF0000, v41;
	[tilespmem:s24+$0xFFFFFE20] =	vst v5;
	v9 =	vadd.f32 v16, v9  }
0x349: {  	v5 =	vshll.u32 v41, $0x10;
	v15 =	vadd.f32 v19, v15;
	v16 =	vld [tilespmem:s25+$0xFFFFF620];
	v43 =	vshll.u32 v18, $0x10  }
0x34a: {  	v18 =	vand.u32 $0xFFFF0000, v18;
	v9 =	vadd.f32 v10, v9;
	v19 =	vadd.f32 v43, v5  }
0x34b: {  	[tilespmem:s22+$0xFFFFFEB0] =	vst v7;
	v14 =	vmax.f32 v17, v14;
	v17 =	vld [tilespmem:s25+$0xFFFFF660];
	v15 =	vadd.f32 v11, v15;
	v18 =	vadd.f32 v18, v42  }
0x34c: {  	[tilespmem:s22+$0xFFFFF6B0] =	vst v8;
	v8 =	vld [tilespmem:s25+$0xFFFFFE20];
	v7 =	vand.u32 $0xFFFF0000, v12;
	v10 =	vadd.f32 v10, v19;
	v19 =	vmul.f32 $9.999999770e-03, v9  }
0x34d: {  	[tilespmem:s22+$0xFFFFF6C0] =	vst v13;
	v5 =	vshll.u32 v12, $0x10;
	v12 =	vld [tilespmem:s25+$0xFFFFFE60];
	v13 =	vmul.f32 $9.999999770e-03, v15;
	v11 =	vadd.f32 v11, v18  }
0x34e: {  	[tilespmem:s22+$0xFFFFFEC0] =	vst v14;
	v14 =	vld [tilespmem:s23+$0xFFFFFF20];
	v18 =	vshll.u32 v16, $0x10;
	v9 =	vmax.f32 v9, v19;
	v19 =	vmul.f32 $9.999999770e-03, v10  }
0x34f: {  	v16 =	vand.u32 $0xFFFF0000, v16;
	[tilespmem:s24+$0xFFFFF730] =	vst v9;
	v9 =	vmax.f32 v15, v13;
	v13 =	vmul.f32 $9.999999770e-03, v11  }
0x350: {  	v15 =	vshll.u32 v17, $0x10;
	v17 =	vand.u32 $0xFFFF0000, v17;
	[tilespmem:s24+$0xFFFFF740] =	vst v9;
	v9 =	vmax.f32 v10, v19  }
0x351: {  	v10 =	vshll.u32 v8, $0x10;
	v19 =	vand.u32 $0xFFFF0000, v8;
	[tilespmem:s24+$0xFFFFFF30] =	vst v9;
	v8 =	vmax.f32 v11, v13  }
0x352: {  	v9 =	vshll.u32 v12, $0x10;
	v12 =	vand.u32 $0xFFFF0000, v12;
	v10 =	vadd.f32 v10, v15;
	[tilespmem:s24+$0xFFFFFF40] =	vst v8  }
0x353: {  	v13 =	vshll.u32 v14, $0x10;
	v15 =	vadd.f32 v9, v18;
	v12 =	vadd.f32 v12, v16;
	v16 =	vld [tilespmem:s23+$0xFFFFFFB0]  }
0x354: {  	v17 =	vadd.f32 v19, v17;
	v10 =	vadd.f32 v13, v10;
	v18 =	vld [tilespmem:s25+$0xFFFFF730]  }
0x355: {  	v14 =	vand.u32 $0xFFFF0000, v14;
	v19 =	vld [tilespmem:s25+$0xFFFFF770];
	v13 =	vadd.f32 v13, v15  }
0x356: {  	v15 =	vld [tilespmem:s25+$0xFFFFFF70];
	v12 =	vadd.f32 v14, v12;
	v14 =	vadd.f32 v14, v17;
	v17 =	vmul.f32 $9.999999770e-03, v10  }
0x357: {  	v47 =	vld [tilespmem:s25+$0xFFFFFF30];
	v46 =	vmul.f32 $9.999999770e-03, v13  }
0x358: {  	v3 =	vadd.f32 v4, v3;
	v48 =	vmul.f32 $9.999999770e-03, v12;
	v10 =	vmax.f32 v10, v17  }
0x359: {  	v17 =	vmul.f32 $9.999999770e-03, v14;
	v13 =	vmax.f32 v13, v46;
	v49 =	vshll.u32 v16, $0x10  }
0x35a: {  	v16 =	vand.u32 $0xFFFF0000, v16;
	v50 =	vshll.u32 v18, $0x10;
	v18 =	vand.u32 $0xFFFF0000, v18  }
0x35b: {  	v44 =	vld [tilespmem:s28+$0x0];
	v27 =	vshll.u32 v19, $0x10;
	v19 =	vand.u32 $0xFFFF0000, v19;
	v51 =	vshll.u32 v15, $0x10  }
0x35c: {  	v52 =	vshll.u32 v47, $0x10;
	[tilespmem:s24+$0xFFFFFE30] =	vst v10;
	v15 =	vand.u32 $0xFFFF0000, v15;
	v24 =	vadd.f32 v51, v50  }
0x35d: {  	v26 =	vld [tilespmem:s28+$0xFFFFF6F0];
	v10 =	vand.u32 $0xFFFF0000, v47;
	v12 =	vmax.f32 v12, v48;
	[tilespmem:s24+$0xFFFFF630] =	vst v13;
	v15 =	vadd.f32 v15, v18  }
0x35e: {  	v11 =	vld [tilespmem:s28+$0xFFFFF6B0];
	v54 =	vadd.f32 v52, v27;
	[tilespmem:s24+$0xFFFFF640] =	vst v12;
	v12 =	vmax.f32 v14, v17;
	v53 =	vadd.f32 v49, v24  }
0x35f: {  	v2 =	vshll.u32 v2, $0x10;
	v10 =	vadd.f32 v10, v19;
	v18 =	vld [tilespmem:s28+$0xFFFFFEB0];
	[tilespmem:s24+$0xFFFFFE40] =	vst v12;
	v13 =	vadd.f32 v16, v15  }
0x360: {  	v8 =	vshll.u32 v44, $0x10;
	v14 =	vadd.f32 v49, v54;
	v56 =	vld [tilespmem:s25+$0xFFFFF630];
	v15 =	vmul.f32 $9.999999770e-03, v53  }
0x361: {  	v9 =	vand.u32 $0xFFFF0000, v44;
	v10 =	vadd.f32 v16, v10;
	v59 =	vld [tilespmem:s25+$0xFFFFF670];
	v12 =	vmul.f32 $9.999999770e-03, v13  }
0x362: {  	v5 =	vadd.f32 v8, v5;
	v60 =	vld [tilespmem:s25+$0xFFFFFE30];
	v57 =	vmul.f32 $9.999999770e-03, v14;
	v15 =	vmax.f32 v53, v15  }
0x363: {  	v7 =	vadd.f32 v9, v7;
	v19 =	vld [tilespmem:s31+$0xFFFFFF70];
	v12 =	vmax.f32 v13, v12;
	v13 =	vmul.f32 $9.999999770e-03, v10;
	[tilespmem:s24+$0xFFFFF750] =	vst v15  }
0x364: {  	v55 =	vld [tilespmem:s28+$0xFFFFFEF0];
	v45 =	vshll.u32 v11, $0x10;
	v11 =	vand.u32 $0xFFFF0000, v11;
	[tilespmem:s24+$0xFFFFF760] =	vst v12;
	v12 =	vmax.f32 v14, v57  }
0x365: {  	v17 =	vshll.u32 v26, $0x10;
	v61 =	vld [tilespmem:s25+$0xFFFFFE70];
	v16 =	vand.u32 $0xFFFF0000, v26;
	[tilespmem:s24+$0xFFFFFF50] =	vst v12;
	v10 =	vmax.f32 v10, v13  }
0x366: {  	v58 =	vshll.u32 v18, $0x10;
	v21 =	vand.u32 $0xFFFF0000, v56;
	v63 =	vand.u32 $0xFFFF0000, v59;
	[tilespmem:s24+$0xFFFFFF60] =	vst v10  }
0x367: {  	v32 =	vshll.u32 v60, $0x10;
	v15 =	vand.u32 $0xFFFF0000, v18;
	v12 =	vadd.f32 v58, v17;
	v17 =	vld [tilespmem:s23+$0xFFFFFFC0]  }
0x368: {  	v13 =	vshll.u32 v19, $0x10;
	v10 =	vadd.f32 v15, v16;
	v15 =	vand.u32 $0xFFFF0000, v19;
	v19 =	vld [tilespmem:s25+$0xFFFFF740]  }
0x369: {  	v33 =	vand.u32 $0xFFFF0000, v60;
	v18 =	vshll.u32 v55, $0x10;
	v14 =	vand.u32 $0xFFFF0000, v55;
	v62 =	vld [tilespmem:s25+$0xFFFFFF80]  }
0x36a: {  	v20 =	vand.u32 $0xFFFF0000, v61;
	v18 =	vadd.f32 v18, v45;
	v11 =	vadd.f32 v14, v11;
	v34 =	vld [tilespmem:s25+$0xFFFFF780]  }
0x36b: {  	v35 =	vshll.u32 v61, $0x10;
	v20 =	vadd.f32 v20, v21;
	v23 =	vadd.f32 v33, v63;
	v36 =	vld [tilespmem:s25+$0xFFFFFF40]  }
0x36c: {  	v16 =	vadd.f32 v13, v18;
	v11 =	vadd.f32 v15, v11;
	v18 =	vshll.u32 v56, $0x10  }
0x36d: {  	v12 =	vadd.f32 v13, v12;
	v37 =	vshll.u32 v17, $0x10;
	v17 =	vand.u32 $0xFFFF0000, v17  }
0x36e: {  	v38 =	vshll.u32 v19, $0x10;
	v19 =	vand.u32 $0xFFFF0000, v19;
	v29 =	vshll.u32 v62, $0x10  }
0x36f: {  	v30 =	vshll.u32 v34, $0x10;
	v22 =	vand.u32 $0xFFFF0000, v62;
	v27 =	vadd.f32 v29, v38  }
0x370: {  	v26 =	vand.u32 $0xFFFF0000, v34;
	v40 =	vand.u32 $0xFFFF0000, v36;
	v19 =	vadd.f32 v22, v19  }
0x371: {  	v14 =	vld [tilespmem:s23+$0xFFFFFF30];
	v39 =	vshll.u32 v36, $0x10;
	v22 =	vadd.f32 v40, v26;
	v41 =	vadd.f32 v37, v27  }
0x372: {  	v13 =	vshll.u32 v59, $0x10;
	v42 =	vadd.f32 v39, v30;
	v19 =	vadd.f32 v17, v19  }
0x373: {  	v13 =	vadd.f32 v32, v13;
	v17 =	vadd.f32 v17, v22;
	v43 =	vmul.f32 $9.999999770e-03, v41  }
0x374: {  	v18 =	vadd.f32 v35, v18;
	v21 =	vadd.f32 v37, v42;
	v44 =	vmul.f32 $9.999999770e-03, v19  }
0x375: {  	v10 =	vadd.f32 v15, v10;
	v46 =	vmul.f32 $9.999999770e-03, v17;
	v24 =	vmax.f32 v41, v43  }
0x376: {  	v28 =	vshll.u32 v14, $0x10;
	v45 =	vmul.f32 $9.999999770e-03, v21;
	v19 =	vmax.f32 v19, v44;
	[tilespmem:s24+$0xFFFFF770] =	vst v24  }
0x377: {  	v15 =	vmul.f32 $9.999999770e-03, v16;
	v18 =	vadd.f32 v28, v18;
	v17 =	vmax.f32 v17, v46;
	[tilespmem:s24+$0xFFFFF780] =	vst v19  }
0x378: {  	v14 =	vand.u32 $0xFFFF0000, v14;
	v13 =	vadd.f32 v28, v13;
	v19 =	vmax.f32 v21, v45;
	[tilespmem:s24+$0xFFFFFF80] =	vst v17  }
0x379: {  	v20 =	vadd.f32 v14, v20;
	v14 =	vadd.f32 v14, v23;
	v47 =	vmul.f32 $9.999999770e-03, v18;
	[tilespmem:s24+$0xFFFFFF70] =	vst v19  }
0x37a: {  	v8 =	vadd.f32 v2, v5;
	v51 =	vmul.f32 $9.999999770e-03, v11;
	v49 =	vmul.f32 $9.999999770e-03, v13;
	v19 =	vld [tilespmem:s23+$0xFFFFFFD0]  }
0x37b: {  	v9 =	vmul.f32 $9.999999770e-03, v12;
	v50 =	vmul.f32 $9.999999770e-03, v14;
	v18 =	vmax.f32 v18, v47;
	v52 =	vld [tilespmem:s25+$0xFFFFF790]  }
0x37c: {  	v15 =	vmax.f32 v16, v15;
	v48 =	vmul.f32 $9.999999770e-03, v20;
	v13 =	vmax.f32 v13, v49;
	[tilespmem:s24+$0xFFFFF650] =	vst v18;
	v16 =	vld [tilespmem:s25+$0xFFFFFFD0]  }
0x37d: {  	v1 =	vadd.f32 v1, v7;
	v4 =	vmul.f32 $9.999999770e-03, v10;
	v14 =	vmax.f32 v14, v50;
	[tilespmem:s24+$0xFFFFFE50] =	vst v13;
	v5 =	vld [tilespmem:s25+$0xFFFFF7D0]  }
0x37e: {  	v7 =	vmax.f32 v11, v51;
	v11 =	vmax.f32 v12, v9;
	[tilespmem:s24+$0xFFFFFE60] =	vst v14;
	v17 =	vmax.f32 v20, v48;
	v12 =	vld [tilespmem:s25+$0xFFFFFF90]  }
0x37f: {  	v2 =	vadd.f32 v2, v3;
	[tilespmem:s24+$0xFFFFF660] =	vst v17  }
0x380: {  	v10 =	vmax.f32 v10, v4;
	v13 =	vld [tilespmem:s25+$0xFFFFF640];
	v14 =	vshll.u32 v19, $0x10;
	v17 =	vand.u32 $0xFFFF0000, v19  }
0x381: {  	v18 =	vshll.u32 v52, $0x10;
	v19 =	vand.u32 $0xFFFF0000, v52;
	v53 =	vshll.u32 v16, $0x10  }
0x382: {  	v54 =	vld [tilespmem:s25+$0xFFFFF680];
	v55 =	vshll.u32 v5, $0x10;
	v16 =	vand.u32 $0xFFFF0000, v16;
	v18 =	vadd.f32 v53, v18  }
0x383: {  	v5 =	vand.u32 $0xFFFF0000, v5;
	v56 =	vshll.u32 v12, $0x10;
	v16 =	vadd.f32 v16, v19  }
0x384: {  	[tilespmem:s22+$0xFFFFF6D0] =	vst v15;
	v12 =	vand.u32 $0xFFFF0000, v12;
	v19 =	vld [tilespmem:s25+$0xFFFFFE40];
	v20 =	vadd.f32 v56, v55;
	v18 =	vadd.f32 v14, v18  }
0x385: {  	[tilespmem:s22+$0xFFFFF6E0] =	vst v7;
	v15 =	vld [tilespmem:s25+$0xFFFFFE80];
	v57 =	vshll.u32 v13, $0x10;
	v5 =	vadd.f32 v12, v5;
	v16 =	vadd.f32 v17, v16  }
0x386: {  	[tilespmem:s22+$0xFFFFFED0] =	vst v11;
	v7 =	vand.u32 $0xFFFF0000, v13;
	v12 =	vadd.f32 v14, v20;
	v13 =	vmul.f32 $9.999999770e-03, v18  }
0x387: {  	[tilespmem:s22+$0xFFFFFEE0] =	vst v10;
	v11 =	vld [tilespmem:s23+$0xFFFFFF40];
	v10 =	vand.u32 $0xFFFF0000, v54;
	v5 =	vadd.f32 v17, v5;
	v17 =	vmul.f32 $9.999999770e-03, v16  }
0x388: {  	v14 =	vshll.u32 v54, $0x10;
	v13 =	vmax.f32 v18, v13;
	v18 =	vmul.f32 $9.999999770e-03, v12  }
0x389: {  	v59 =	vshll.u32 v19, $0x10;
	[tilespmem:s24+$0xFFFFF790] =	vst v13;
	v13 =	vmax.f32 v16, v17;
	v16 =	vmul.f32 $9.999999770e-03, v5  }
0x38a: {  	v58 =	vld [tilespmem:s28+$0xFFFFF6C0];
	v17 =	vand.u32 $0xFFFF0000, v19;
	v19 =	vshll.u32 v15, $0x10;
	[tilespmem:s24+$0xFFFFF7A0] =	vst v13;
	v12 =	vmax.f32 v12, v18  }
0x38b: {  	v15 =	vand.u32 $0xFFFF0000, v15;
	v18 =	vadd.f32 v19, v57;
	[tilespmem:s24+$0xFFFFFF90] =	vst v12;
	v5 =	vmax.f32 v5, v16  }
0x38c: {  	v14 =	vadd.f32 v59, v14;
	v13 =	vld [tilespmem:s28+$0xFFFFF700];
	v7 =	vadd.f32 v15, v7;
	v16 =	vshll.u32 v11, $0x10;
	[tilespmem:s24+$0xFFFFFFA0] =	vst v5  }
0x38d: {  	v10 =	vadd.f32 v17, v10;
	v5 =	vand.u32 $0xFFFF0000, v11;
	v11 =	vadd.f32 v16, v18;
	v15 =	vld [tilespmem:s23+$0xFFFFFFE0]  }
0x38e: {  	v3 =	vmul.f32 $9.999999770e-03, v1;
	v14 =	vadd.f32 v16, v14;
	v7 =	vadd.f32 v5, v7;
	v16 =	vld [tilespmem:s25+$0xFFFFF7A0]  }
0x38f: {  	v17 =	vshll.u32 v58, $0x10;
	v5 =	vadd.f32 v5, v10;
	v18 =	vld [tilespmem:s25+$0xFFFFFFE0];
	v10 =	vmul.f32 $9.999999770e-03, v11  }
0x390: {  	v19 =	vand.u32 $0xFFFF0000, v58;
	v62 =	vld [tilespmem:s25+$0xFFFFF7E0];
	v61 =	vmul.f32 $9.999999770e-03, v14;
	v60 =	vmul.f32 $9.999999770e-03, v7  }
0x391: {  	v30 =	vld [tilespmem:s25+$0xFFFFFFA0];
	v63 =	vshll.u32 v13, $0x10;
	v10 =	vmax.f32 v11, v10;
	v11 =	vmul.f32 $9.999999770e-03, v5  }
0x392: {  	v13 =	vand.u32 $0xFFFF0000, v13;
	[tilespmem:s24+$0xFFFFF670] =	vst v10;
	v7 =	vmax.f32 v7, v60;
	v10 =	vmax.f32 v14, v61  }
0x393: {  	v12 =	vld [tilespmem:s28+$0xFFFFFEC0];
	[tilespmem:s24+$0xFFFFF680] =	vst v7;
	v5 =	vmax.f32 v5, v11;
	v7 =	vshll.u32 v15, $0x10;
	v11 =	vand.u32 $0xFFFF0000, v15  }
0x394: {  	[tilespmem:s24+$0xFFFFFE70] =	vst v10;
	v10 =	vshll.u32 v16, $0x10;
	v16 =	vand.u32 $0xFFFF0000, v16;
	v31 =	vshll.u32 v18, $0x10  }
0x395: {  	v18 =	vand.u32 $0xFFFF0000, v18;
	v33 =	vand.u32 $0xFFFF0000, v62;
	v10 =	vadd.f32 v31, v10  }
0x396: {  	v15 =	vld [tilespmem:s28+$0xFFFFFF00];
	v34 =	vshll.u32 v30, $0x10;
	[tilespmem:s24+$0xFFFFFE80] =	vst v5;
	v5 =	vshll.u32 v62, $0x10;
	v16 =	vadd.f32 v18, v16  }
0x397: {  	v18 =	vand.u32 $0xFFFF0000, v30;
	v32 =	vld [tilespmem:s25+$0xFFFFF690];
	v5 =	vadd.f32 v34, v5;
	v10 =	vadd.f32 v7, v10  }
0x398: {  	v14 =	vshll.u32 v12, $0x10;
	v35 =	vld [tilespmem:s25+$0xFFFFF6D0];
	v18 =	vadd.f32 v18, v33;
	v16 =	vadd.f32 v11, v16  }
0x399: {  	v12 =	vand.u32 $0xFFFF0000, v12;
	v36 =	vld [tilespmem:s25+$0xFFFFFE90];
	v5 =	vadd.f32 v7, v5;
	v7 =	vmul.f32 $9.999999770e-03, v10  }
0x39a: {  	v14 =	vadd.f32 v14, v63;
	v38 =	vld [tilespmem:s25+$0xFFFFFED0];
	v11 =	vadd.f32 v11, v18;
	v18 =	vmul.f32 $9.999999770e-03, v16  }
0x39b: {  	v12 =	vadd.f32 v12, v13;
	v7 =	vmax.f32 v10, v7;
	v10 =	vmul.f32 $9.999999770e-03, v5  }
0x39c: {  	v39 =	vld [tilespmem:s23+$0xFFFFFF50];
	v37 =	vshll.u32 v15, $0x10;
	[tilespmem:s24+$0xFFFFF7B0] =	vst v7;
	v7 =	vmax.f32 v16, v18;
	v16 =	vmul.f32 $9.999999770e-03, v11  }
0x39d: {  	v40 =	vshll.u32 v32, $0x10;
	v20 =	vand.u32 $0xFFFF0000, v32;
	[tilespmem:s24+$0xFFFFF7C0] =	vst v7;
	v5 =	vmax.f32 v5, v10  }
0x39e: {  	v41 =	vshll.u32 v35, $0x10;
	v22 =	vand.u32 $0xFFFF0000, v35;
	[tilespmem:s24+$0xFFFFFFB0] =	vst v5;
	v5 =	vmax.f32 v11, v16  }
0x39f: {  	v7 =	vshll.u32 v36, $0x10;
	v10 =	vand.u32 $0xFFFF0000, v36;
	v11 =	vshll.u32 v38, $0x10;
	[tilespmem:s24+$0xFFFFFFC0] =	vst v5  }
0x3a0: {  	v16 =	vand.u32 $0xFFFF0000, v38;
	v7 =	vadd.f32 v7, v41;
	v11 =	vadd.f32 v11, v40;
	v42 =	vld [tilespmem:s23+$0xFFFFFFF0]  }
0x3a1: {  	v10 =	vadd.f32 v10, v22;
	v5 =	vshll.u32 v39, $0x10;
	v16 =	vadd.f32 v16, v20;
	v44 =	vld [tilespmem:s25+$0xFFFFF7B0]  }
0x3a2: {  	v43 =	vand.u32 $0xFFFF0000, v39;
	v7 =	vadd.f32 v5, v7;
	v47 =	vld [tilespmem:s25+$0xFFFFF7F0];
	v5 =	vadd.f32 v5, v11  }
0x3a3: {  	v15 =	vand.u32 $0xFFFF0000, v15;
	v10 =	vadd.f32 v43, v10;
	v50 =	vld [tilespmem:s25+$0xFFFFFFB0];
	v11 =	vadd.f32 v43, v16  }
0x3a4: {  	v17 =	vadd.f32 v37, v17;
	v16 =	vld [tilespmem:s25+$0xFFFFFFF0];
	v46 =	vmul.f32 $9.999999770e-03, v7;
	v48 =	vmul.f32 $9.999999770e-03, v5  }
0x3a5: {  	v15 =	vadd.f32 v15, v19;
	v19 =	vmul.f32 $9.999999770e-03, v10;
	v49 =	vmul.f32 $9.999999770e-03, v11  }
0x3a6: {  	v7 =	vmax.f32 v7, v46;
	v5 =	vmax.f32 v5, v48;
	v51 =	vshll.u32 v42, $0x10  }
0x3a7: {  	v20 =	vand.u32 $0xFFFF0000, v42;
	v52 =	vshll.u32 v44, $0x10;
	v22 =	vand.u32 $0xFFFF0000, v44  }
0x3a8: {  	v18 =	vld [tilespmem:s31+$0xFFFFFF80];
	v54 =	vshll.u32 v47, $0x10;
	v55 =	vand.u32 $0xFFFF0000, v47;
	v56 =	vshll.u32 v50, $0x10  }
0x3a9: {  	[tilespmem:s24+$0xFFFFFE90] =	vst v7;
	v7 =	vand.u32 $0xFFFF0000, v50;
	v53 =	vshll.u32 v16, $0x10;
	v58 =	vadd.f32 v56, v54  }
0x3aa: {  	v16 =	vand.u32 $0xFFFF0000, v16;
	[tilespmem:s24+$0xFFFFF690] =	vst v5;
	v5 =	vmax.f32 v11, v49;
	v7 =	vadd.f32 v7, v55  }
0x3ab: {  	v23 =	vadd.f32 v53, v52;
	[tilespmem:s24+$0xFFFFF6A0] =	vst v5;
	v5 =	vmax.f32 v10, v19;
	v10 =	vadd.f32 v51, v58  }
0x3ac: {  	v9 =	vmul.f32 $9.999999770e-03, v8;
	v16 =	vadd.f32 v16, v22;
	v7 =	vadd.f32 v20, v7  }
0x3ad: {  	v45 =	vshll.u32 v18, $0x10;
	[tilespmem:s24+$0xFFFFFEA0] =	vst v5;
	v57 =	vadd.f32 v51, v23;
	v19 =	vmul.f32 $9.999999770e-03, v10  }
0x3ae: {  	v18 =	vand.u32 $0xFFFF0000, v18;
	v11 =	vadd.f32 v20, v16;
	v59 =	vld [tilespmem:s25+$0xFFFFF6E0];
	v60 =	vmul.f32 $9.999999770e-03, v7  }
0x3af: {  	[tilespmem:s22+$0x0] =	vst v6;
	v17 =	vadd.f32 v45, v17;
	v61 =	vld [tilespmem:s25+$0xFFFFFEA0];
	v16 =	vmul.f32 $9.999999770e-03, v57;
	v10 =	vmax.f32 v10, v19  }
0x3b0: {  	v15 =	vadd.f32 v18, v15;
	v13 =	vld [tilespmem:s25+$0xFFFFF6A0];
	v5 =	vmul.f32 $9.999999770e-03, v11;
	v19 =	vmax.f32 v7, v60;
	[tilespmem:s24+$0xFFFFFFD0] =	vst v10  }
0x3b1: {  	v6 =	vadd.f32 v18, v12;
	v12 =	vmul.f32 $9.999999770e-03, v17;
	v18 =	vld [tilespmem:s23+$0xFFFFFF60];
	v16 =	vmax.f32 v57, v16;
	[tilespmem:s24+$0xFFFFFFE0] =	vst v19  }
0x3b2: {  	v4 =	vmul.f32 $9.999999770e-03, v2;
	v11 =	vmax.f32 v11, v5;
	v5 =	vadd.f32 v45, v14;
	v14 =	vld [tilespmem:s25+$0xFFFFFEE0];
	[tilespmem:s24+$0xFFFFF7D0] =	vst v16  }
0x3b3: {  	v9 =	vmax.f32 v8, v9;
	v8 =	vmul.f32 $9.999999770e-03, v6;
	v17 =	vmax.f32 v17, v12;
	[tilespmem:s24+$0xFFFFF7E0] =	vst v11  }
0x3b4: {  	v16 =	vmul.f32 $9.999999770e-03, v15;
	v10 =	vshll.u32 v59, $0x10;
	v12 =	vshll.u32 v61, $0x10;
	v11 =	vld [tilespmem:s25+$0xFFFFF800]  }
0x3b5: {  	v62 =	vshll.u32 v13, $0x10;
	v13 =	vand.u32 $0xFFFF0000, v13;
	v63 =	vadd.f32 v12, v10;
	v12 =	vld [tilespmem:s25+$0xFFFFFFC0]  }
0x3b6: {  	[tilespmem:s22+$0xFFFFF7F0] =	vst v9;
	v20 =	vand.u32 $0xFFFF0000, v59;
	v19 =	vand.u32 $0xFFFF0000, v61;
	v7 =	vmul.f32 $9.999999770e-03, v5  }
0x3b7: {  	[tilespmem:s22+$0xFFFFF6F0] =	vst v17;
	v10 =	vld [tilespmem:s23+$0x0];
	v15 =	vmax.f32 v15, v16;
	v16 =	vshll.u32 v18, $0x10;
	v9 =	vshll.u32 v14, $0x10  }
0x3b8: {  	s29 =	simm.s32 $0x2;
	[tilespmem:s22+$0xFFFFF700] =	vst v15;
	v15 =	vadd.f32 v19, v20;
	v14 =	vand.u32 $0xFFFF0000, v14;
	v17 =	vadd.f32 v9, v62  }
0x3b9: {  	s30 =	simm.s32 $0x1B7F0;
	s26 =	simm.s32 $0x1D4F0;
	s28 =	simm.s32 $0x1ACF0;
	v14 =	vadd.f32 v14, v13;
	v9 =	vand.u32 $0xFFFF0000, v18;
	v13 =	vadd.f32 v16, v63  }
.LBB2_8:
0x3ba: {  	v18 =	vld [tilespmem:s30+$0xFFFFFF90];
	v16 =	vadd.f32 v16, v17;
	v17 =	vand.u32 $0xFFFF0000, v11;
	v19 =	vand.u32 $0xFFFF0000, v12;
	s25 =	sadd.s32 $0x200, s25  }
0x3bb: {  	v14 =	vadd.f32 v9, v14;
	v20 =	vld [tilespmem:s25+$0xFFFFF710];
	v21 =	vmul.f32 $9.999999770e-03, v13;
	v17 =	vadd.f32 v19, v17  }
0x3bc: {  	v15 =	vadd.f32 v9, v15;
	v19 =	vld [tilespmem:s25+$0xFFFFFF50];
	v22 =	vmul.f32 $9.999999770e-03, v16;
	v9 =	vand.u32 $0xFFFF0000, v10  }
0x3bd: {  	v24 =	vmul.f32 $9.999999770e-03, v14;
	v23 =	vld [tilespmem:s25+$0xFFFFF750];
	v13 =	vmax.f32 v13, v21;
	v17 =	vadd.f32 v9, v17  }
0x3be: {  	v11 =	vshll.u32 v11, $0x10;
	v21 =	vld [tilespmem:s25+$0xFFFFFF10];
	v16 =	vmax.f32 v16, v22;
	[tilespmem:s24+$0xFFFFFEB0] =	vst v13;
	v13 =	vmul.f32 $9.999999770e-03, v15  }
0x3bf: {  	v12 =	vshll.u32 v12, $0x10;
	v14 =	vmax.f32 v14, v24;
	v22 =	vld [tilespmem:s25+$0xFFFFF610];
	[tilespmem:s24+$0xFFFFF6B0] =	vst v16;
	v16 =	vmul.f32 $9.999999770e-03, v17  }
0x3c0: {  	v25 =	vshll.u32 v18, $0x10;
	v18 =	vand.u32 $0xFFFF0000, v18;
	v24 =	vld [tilespmem:s25+$0xFFFFF650];
	v26 =	vshll.u32 v20, $0x10;
	[tilespmem:s24+$0xFFFFF6C0] =	vst v14  }
0x3c1: {  	v14 =	vand.u32 $0xFFFF0000, v20;
	v20 =	vshll.u32 v19, $0x10;
	v27 =	vld [tilespmem:s28+$0xFFFFF7C0];
	v16 =	vmax.f32 v17, v16  }
0x3c2: {  	v19 =	vand.u32 $0xFFFF0000, v19;
	v17 =	vshll.u32 v23, $0x10;
	v20 =	vadd.f32 v20, v26;
	v26 =	vld [tilespmem:s28+$0x0];
	[tilespmem:s24+$0x0] =	vst v16  }
0x3c3: {  	v23 =	vand.u32 $0xFFFF0000, v23;
	v14 =	vadd.f32 v19, v14;
	v16 =	vld [tilespmem:s25+$0xFFFFFE10];
	v28 =	vshll.u32 v21, $0x10  }
0x3c4: {  	v21 =	vand.u32 $0xFFFF0000, v21;
	v19 =	vld [tilespmem:s25+$0xFFFFFE50];
	v20 =	vadd.f32 v25, v20;
	v17 =	vadd.f32 v28, v17  }
0x3c5: {  	v29 =	vshll.u32 v22, $0x10;
	v14 =	vadd.f32 v18, v14;
	v21 =	vadd.f32 v21, v23;
	v28 =	vld [tilespmem:s30+$0xFFFFFF10]  }
0x3c6: {  	v22 =	vand.u32 $0xFFFF0000, v22;
	v17 =	vadd.f32 v25, v17;
	v23 =	vmul.f32 $9.999999770e-03, v20  }
0x3c7: {  	v25 =	vshll.u32 v24, $0x10;
	v18 =	vadd.f32 v18, v21;
	v21 =	vmul.f32 $9.999999770e-03, v14  }
0x3c8: {  	s24 =	sadd.s32 $0x200, s24;
	v24 =	vand.u32 $0xFFFF0000, v24;
	v20 =	vmax.f32 v20, v23;
	v23 =	vmul.f32 $9.999999770e-03, v17  }
0x3c9: {  	v30 =	vshll.u32 v16, $0x10;
	v14 =	vmax.f32 v14, v21;
	[tilespmem:s24+$0xFFFFF710] =	vst v20;
	v20 =	vmul.f32 $9.999999770e-03, v18  }
0x3ca: {  	v16 =	vand.u32 $0xFFFF0000, v16;
	v21 =	vshll.u32 v19, $0x10;
	[tilespmem:s24+$0xFFFFF720] =	vst v14;
	v14 =	vmax.f32 v17, v23  }
0x3cb: {  	v17 =	vand.u32 $0xFFFF0000, v19;
	v19 =	vadd.f32 v21, v29;
	[tilespmem:s24+$0xFFFFFF10] =	vst v14;
	v14 =	vmax.f32 v18, v20  }
0x3cc: {  	v18 =	vshll.u32 v28, $0x10;
	v17 =	vadd.f32 v17, v22;
	v20 =	vadd.f32 v30, v25;
	[tilespmem:s24+$0xFFFFFF20] =	vst v14  }
0x3cd: {  	v16 =	vadd.f32 v16, v24;
	v14 =	vand.u32 $0xFFFF0000, v28;
	v19 =	vadd.f32 v18, v19;
	v21 =	vld [tilespmem:s30+$0xFFFFFFA0]  }
0x3ce: {  	v13 =	vmax.f32 v15, v13;
	v17 =	vadd.f32 v14, v17;
	v18 =	vadd.f32 v18, v20;
	v20 =	vld [tilespmem:s25+$0xFFFFF720]  }
0x3cf: {  	v22 =	vadd.f32 v14, v16;
	v14 =	vshll.u32 v27, $0x10;
	v15 =	vmul.f32 $9.999999770e-03, v19;
	v23 =	vld [tilespmem:s25+$0xFFFFFF60];
	[tilespmem:s26+$0xFFFFFEC0] =	vst v13  }
0x3d0: {  	v16 =	vmul.f32 $9.999999770e-03, v17;
	v24 =	vmul.f32 $9.999999770e-03, v18;
	v13 =	vand.u32 $0xFFFF0000, v27;
	v25 =	vld [tilespmem:s25+$0xFFFFF760]  }
0x3d1: {  	v27 =	vmul.f32 $9.999999770e-03, v22;
	v19 =	vmax.f32 v19, v15;
	v15 =	vshll.u32 v26, $0x10;
	v28 =	vld [tilespmem:s25+$0xFFFFFF20]  }
0x3d2: {  	v17 =	vmax.f32 v17, v16;
	v18 =	vmax.f32 v18, v24;
	v16 =	vand.u32 $0xFFFF0000, v26;
	[tilespmem:s24+$0xFFFFF610] =	vst v19;
	v19 =	vld [tilespmem:s28+$0xFFFFF6B0]  }
0x3d3: {  	[tilespmem:s24+$0xFFFFF620] =	vst v17;
	v17 =	vmax.f32 v22, v27;
	v22 =	vshll.u32 v21, $0x10;
	v21 =	vand.u32 $0xFFFF0000, v21;
	v24 =	vld [tilespmem:s28+$0xFFFFF6F0]  }
0x3d4: {  	[tilespmem:s24+$0xFFFFFE10] =	vst v18;
	v18 =	vshll.u32 v20, $0x10;
	v20 =	vand.u32 $0xFFFF0000, v20;
	v26 =	vshll.u32 v23, $0x10;
	v27 =	vld [tilespmem:s28+$0xFFFFFEB0]  }
0x3d5: {  	v23 =	vand.u32 $0xFFFF0000, v23;
	[tilespmem:s24+$0xFFFFFE20] =	vst v17;
	v17 =	vshll.u32 v25, $0x10;
	v18 =	vadd.f32 v26, v18;
	v26 =	vld [tilespmem:s28+$0xFFFFFEF0]  }
0x3d6: {  	v25 =	vand.u32 $0xFFFF0000, v25;
	v20 =	vadd.f32 v23, v20;
	v29 =	vld [tilespmem:s25+$0xFFFFF620];
	v30 =	vshll.u32 v28, $0x10  }
0x3d7: {  	v28 =	vand.u32 $0xFFFF0000, v28;
	v23 =	vld [tilespmem:s25+$0xFFFFF660];
	v18 =	vadd.f32 v22, v18;
	v17 =	vadd.f32 v30, v17  }
0x3d8: {  	v20 =	vadd.f32 v21, v20;
	v25 =	vadd.f32 v28, v25;
	v28 =	vshll.u32 v19, $0x10;
	v30 =	vld [tilespmem:s25+$0xFFFFFE20]  }
0x3d9: {  	v19 =	vand.u32 $0xFFFF0000, v19;
	v31 =	vld [tilespmem:s25+$0xFFFFFE60];
	v17 =	vadd.f32 v22, v17;
	v22 =	vmul.f32 $9.999999770e-03, v18  }
0x3da: {  	v33 =	vshll.u32 v24, $0x10;
	v21 =	vadd.f32 v21, v25;
	v25 =	vmul.f32 $9.999999770e-03, v20;
	v32 =	vld [tilespmem:s30+$0xFFFFFF20]  }
0x3db: {  	v34 =	vshll.u32 v29, $0x10;
	v18 =	vmax.f32 v18, v22;
	v22 =	vmul.f32 $9.999999770e-03, v17;
	v35 =	vld [tilespmem:s23+$0xFFFFFF70]  }
0x3dc: {  	v29 =	vand.u32 $0xFFFF0000, v29;
	[tilespmem:s24+$0xFFFFF730] =	vst v18;
	v18 =	vmax.f32 v20, v25;
	v20 =	vmul.f32 $9.999999770e-03, v21  }
0x3dd: {  	v25 =	vshll.u32 v23, $0x10;
	v23 =	vand.u32 $0xFFFF0000, v23;
	[tilespmem:s24+$0xFFFFF740] =	vst v18;
	v17 =	vmax.f32 v17, v22  }
0x3de: {  	s29 =	sadd.s32 $0x2, s29;
	v18 =	vshll.u32 v30, $0x10;
	v22 =	vand.u32 $0xFFFF0000, v30;
	[tilespmem:s24+$0xFFFFFF30] =	vst v17;
	v17 =	vmax.f32 v21, v20  }
0x3df: {  	p0 =	slt.u32 s29, $0x6;
	v20 =	vshll.u32 v31, $0x10;
	v21 =	vand.u32 $0xFFFF0000, v31;
	v18 =	vadd.f32 v18, v25;
	[tilespmem:s24+$0xFFFFFF40] =	vst v17  }
0x3e0: {  	v17 =	vshll.u32 v32, $0x10;
	v20 =	vadd.f32 v20, v34;
	v21 =	vadd.f32 v21, v29;
	v25 =	vld [tilespmem:s30+$0xFFFFFFB0]  }
0x3e1: {  	v22 =	vadd.f32 v22, v23;
	v29 =	vand.u32 $0xFFFF0000, v32;
	v18 =	vadd.f32 v17, v18;
	v23 =	vld [tilespmem:s25+$0xFFFFF730]  }
0x3e2: {  	v24 =	vand.u32 $0xFFFF0000, v24;
	v17 =	vadd.f32 v17, v20;
	v20 =	vadd.f32 v29, v21;
	v21 =	vld [tilespmem:s25+$0xFFFFFF70]  }
0x3e3: {  	v31 =	vshll.u32 v27, $0x10;
	v22 =	vadd.f32 v29, v22;
	v29 =	vmul.f32 $9.999999770e-03, v18;
	v30 =	vld [tilespmem:s25+$0xFFFFF770]  }
0x3e4: {  	v27 =	vand.u32 $0xFFFF0000, v27;
	v32 =	vmul.f32 $9.999999770e-03, v17;
	v34 =	vmul.f32 $9.999999770e-03, v20;
	v36 =	vld [tilespmem:s25+$0xFFFFFF30]  }
0x3e5: {  	v37 =	vshll.u32 v26, $0x10;
	v18 =	vmax.f32 v18, v29;
	v29 =	vmul.f32 $9.999999770e-03, v22  }
0x3e6: {  	v17 =	vmax.f32 v17, v32;
	[tilespmem:s24+$0xFFFFFE30] =	vst v18;
	v18 =	vshll.u32 v25, $0x10;
	v25 =	vand.u32 $0xFFFF0000, v25  }
0x3e7: {  	[tilespmem:s24+$0xFFFFF630] =	vst v17;
	v17 =	vshll.u32 v23, $0x10;
	v23 =	vand.u32 $0xFFFF0000, v23;
	v32 =	vshll.u32 v21, $0x10  }
0x3e8: {  	v21 =	vand.u32 $0xFFFF0000, v21;
	v38 =	vshll.u32 v30, $0x10;
	v17 =	vadd.f32 v32, v17  }
0x3e9: {  	v30 =	vand.u32 $0xFFFF0000, v30;
	v21 =	vadd.f32 v21, v23;
	v32 =	vshll.u32 v36, $0x10  }
0x3ea: {  	v23 =	vand.u32 $0xFFFF0000, v36;
	v17 =	vadd.f32 v18, v17;
	v32 =	vadd.f32 v32, v38  }
0x3eb: {  	v20 =	vmax.f32 v20, v34;
	v21 =	vadd.f32 v25, v21;
	v23 =	vadd.f32 v23, v30  }
0x3ec: {  	[tilespmem:s24+$0xFFFFF640] =	vst v20;
	v20 =	vmax.f32 v22, v29;
	v18 =	vadd.f32 v18, v32;
	v22 =	vmul.f32 $9.999999770e-03, v17  }
0x3ed: {  	[tilespmem:s24+$0xFFFFFE40] =	vst v20;
	v20 =	vadd.f32 v25, v23;
	v23 =	vmul.f32 $9.999999770e-03, v21;
	v25 =	vand.u32 $0xFFFF0000, v26  }
0x3ee: {  	v28 =	vadd.f32 v37, v28;
	v26 =	vld [tilespmem:s25+$0xFFFFF630];
	v17 =	vmax.f32 v17, v22;
	v22 =	vmul.f32 $9.999999770e-03, v18  }
0x3ef: {  	v19 =	vadd.f32 v25, v19;
	v29 =	vld [tilespmem:s25+$0xFFFFF670];
	[tilespmem:s24+$0xFFFFF750] =	vst v17;
	v17 =	vmax.f32 v21, v23;
	v21 =	vmul.f32 $9.999999770e-03, v20  }
0x3f0: {  	v23 =	vld [tilespmem:s25+$0xFFFFFE30];
	[tilespmem:s24+$0xFFFFF760] =	vst v17;
	v17 =	vmax.f32 v18, v22;
	v18 =	vadd.f32 v31, v33;
	v22 =	vadd.f32 v27, v24  }
0x3f1: {  	v24 =	vld [tilespmem:s25+$0xFFFFFE70];
	[tilespmem:s24+$0xFFFFFF50] =	vst v17;
	v17 =	vmax.f32 v20, v21;
	v20 =	vshll.u32 v35, $0x10;
	v21 =	vand.u32 $0xFFFF0000, v35  }
0x3f2: {  	v27 =	vshll.u32 v10, $0x10;
	v25 =	vld [tilespmem:s30+$0xFFFFFF30];
	[tilespmem:s24+$0xFFFFFF60] =	vst v17;
	v17 =	vadd.f32 v20, v28;
	v19 =	vadd.f32 v21, v19  }
0x3f3: {  	v18 =	vadd.f32 v20, v18;
	v10 =	vshll.u32 v26, $0x10;
	v26 =	vand.u32 $0xFFFF0000, v26;
	v28 =	vld [tilespmem:s30+$0xFFFFFFC0]  }
0x3f4: {  	v21 =	vadd.f32 v21, v22;
	v20 =	vshll.u32 v29, $0x10;
	v29 =	vand.u32 $0xFFFF0000, v29;
	v30 =	vld [tilespmem:s25+$0xFFFFF740]  }
0x3f5: {  	v32 =	vmul.f32 $9.999999770e-03, v17;
	v22 =	vshll.u32 v23, $0x10;
	v23 =	vand.u32 $0xFFFF0000, v23;
	v31 =	vld [tilespmem:s25+$0xFFFFFF80]  }
0x3f6: {  	v33 =	vshll.u32 v24, $0x10;
	v24 =	vand.u32 $0xFFFF0000, v24;
	v20 =	vadd.f32 v22, v20;
	v22 =	vld [tilespmem:s25+$0xFFFFF780]  }
0x3f7: {  	v34 =	vshll.u32 v25, $0x10;
	v10 =	vadd.f32 v33, v10;
	v24 =	vadd.f32 v24, v26;
	v26 =	vld [tilespmem:s25+$0xFFFFFF40]  }
0x3f8: {  	v23 =	vadd.f32 v23, v29;
	v25 =	vand.u32 $0xFFFF0000, v25;
	v20 =	vadd.f32 v34, v20  }
0x3f9: {  	v29 =	vshll.u32 v28, $0x10;
	v28 =	vand.u32 $0xFFFF0000, v28;
	v10 =	vadd.f32 v34, v10  }
0x3fa: {  	v33 =	vshll.u32 v30, $0x10;
	v30 =	vand.u32 $0xFFFF0000, v30;
	v34 =	vshll.u32 v31, $0x10  }
0x3fb: {  	v31 =	vand.u32 $0xFFFF0000, v31;
	v35 =	vshll.u32 v22, $0x10;
	v33 =	vadd.f32 v34, v33  }
0x3fc: {  	v22 =	vand.u32 $0xFFFF0000, v22;
	v30 =	vadd.f32 v31, v30;
	v34 =	vshll.u32 v26, $0x10  }
0x3fd: {  	v26 =	vand.u32 $0xFFFF0000, v26;
	v31 =	vadd.f32 v29, v33;
	v33 =	vadd.f32 v34, v35  }
0x3fe: {  	v34 =	vmul.f32 $9.999999770e-03, v10;
	v30 =	vadd.f32 v28, v30;
	v22 =	vadd.f32 v26, v22  }
0x3ff: {  	v24 =	vadd.f32 v25, v24;
	v26 =	vadd.f32 v29, v33;
	v29 =	vmul.f32 $9.999999770e-03, v31  }
0x400: {  	v23 =	vadd.f32 v25, v23;
	v22 =	vadd.f32 v28, v22;
	v25 =	vmul.f32 $9.999999770e-03, v30  }
0x401: {  	v28 =	vmul.f32 $9.999999770e-03, v24;
	v29 =	vmax.f32 v31, v29;
	v31 =	vmul.f32 $9.999999770e-03, v26  }
0x402: {  	v33 =	vmul.f32 $9.999999770e-03, v20;
	v25 =	vmax.f32 v30, v25;
	[tilespmem:s24+$0xFFFFF770] =	vst v29;
	v29 =	vmul.f32 $9.999999770e-03, v22  }
0x403: {  	v10 =	vmax.f32 v10, v34;
	v30 =	vmul.f32 $9.999999770e-03, v23;
	[tilespmem:s24+$0xFFFFF780] =	vst v25;
	v25 =	vmax.f32 v26, v31  }
0x404: {  	v24 =	vmax.f32 v24, v28;
	v20 =	vmax.f32 v20, v33;
	[tilespmem:s24+$0xFFFFFF70] =	vst v25;
	v22 =	vmax.f32 v22, v29  }
0x405: {  	v23 =	vmax.f32 v23, v30;
	v25 =	vmul.f32 $9.999999770e-03, v18;
	[tilespmem:s24+$0xFFFFFF80] =	vst v22;
	v22 =	vmul.f32 $9.999999770e-03, v19  }
0x406: {  	v14 =	vadd.f32 v15, v14;
	v17 =	vmax.f32 v17, v32;
	[tilespmem:s24+$0xFFFFF650] =	vst v10;
	v26 =	vld [tilespmem:s30+$0xFFFFFFD0];
	v10 =	vmul.f32 $9.999999770e-03, v21  }
0x407: {  	v13 =	vadd.f32 v16, v13;
	v18 =	vmax.f32 v18, v25;
	[tilespmem:s24+$0xFFFFF660] =	vst v24;
	v15 =	vld [tilespmem:s25+$0xFFFFF790];
	v19 =	vmax.f32 v19, v22  }
0x408: {  	v11 =	vadd.f32 v12, v11;
	[tilespmem:s24+$0xFFFFFE50] =	vst v20;
	v16 =	vld [tilespmem:s25+$0xFFFFFFD0];
	v20 =	vmax.f32 v21, v10;
	v10 =	vadd.f32 v27, v14  }
0x409: {  	v5 =	vmax.f32 v5, v7;
	v6 =	vmax.f32 v6, v8;
	v9 =	vadd.f32 v9, v13;
	[tilespmem:s24+$0xFFFFFE60] =	vst v23;
	v12 =	vld [tilespmem:s25+$0xFFFFF7D0]  }
0x40a: {  	v13 =	vmax.f32 v1, v3;
	v11 =	vadd.f32 v27, v11;
	v7 =	vld [tilespmem:s25+$0xFFFFFF90];
	[tilespmem:s26+$0xFFFFF6D0] =	vst v17;
	v8 =	vmul.f32 $9.999999770e-03, v10  }
0x40b: {  	v3 =	vmul.f32 $9.999999770e-03, v9;
	v1 =	vmov v9;
	v17 =	vmax.f32 v2, v4;
	v14 =	vld [tilespmem:s25+$0xFFFFF640];
	[tilespmem:s26+$0xFFFFF6E0] =	vst v19  }
0x40c: {  	v4 =	vmul.f32 $9.999999770e-03, v11;
	v2 =	vmovc v11;
	v19 =	vshll.u32 v26, $0x10;
	v21 =	vand.u32 $0xFFFF0000, v26;
	v9 =	vld [tilespmem:s25+$0xFFFFF680];
	[tilespmem:s26+$0xFFFFFED0] =	vst v18  }
0x40d: {  	v18 =	vshll.u32 v15, $0x10;
	v15 =	vand.u32 $0xFFFF0000, v15;
	v11 =	vld [tilespmem:s25+$0xFFFFFE40];
	v22 =	vshll.u32 v16, $0x10;
	[tilespmem:s26+$0xFFFFFEE0] =	vst v20  }
0x40e: {  	v16 =	vand.u32 $0xFFFF0000, v16;
	v20 =	vld [tilespmem:s25+$0xFFFFFE80];
	v23 =	vshll.u32 v12, $0x10;
	v18 =	vadd.f32 v22, v18;
	[tilespmem:s22+$0xFFFFFEF0] =	vst v5  }
0x40f: {  	v5 =	vand.u32 $0xFFFF0000, v12;
	v15 =	vadd.f32 v16, v15;
	v22 =	vld [tilespmem:s30+$0xFFFFFF40];
	v12 =	vshll.u32 v7, $0x10;
	[tilespmem:s22+$0xFFFFFF00] =	vst v6  }
0x410: {  	v6 =	vand.u32 $0xFFFF0000, v7;
	v7 =	vadd.f32 v19, v18;
	v12 =	vadd.f32 v12, v23;
	v16 =	vld [tilespmem:s28+$0xFFFFF6C0];
	[tilespmem:s22+$0xFFFFF800] =	vst v13  }
0x411: {  	v13 =	vshll.u32 v14, $0x10;
	v15 =	vadd.f32 v21, v15;
	v5 =	vadd.f32 v6, v5;
	v6 =	vld [tilespmem:s28+$0xFFFFF700];
	[tilespmem:s22+$0xFFFFFFF0] =	vst v17;
	s22 =	smov.u32 s26;
	s26 =	smov.u32 s24  }
0x412: {  	v14 =	vand.u32 $0xFFFF0000, v14;
	v12 =	vadd.f32 v19, v12;
	v17 =	vmul.f32 $9.999999770e-03, v7;
	v18 =	vld [tilespmem:s28+$0xFFFFFEC0]  }
0x413: {  	v19 =	vshll.u32 v9, $0x10;
	v21 =	vadd.f32 v21, v5;
	v23 =	vmul.f32 $9.999999770e-03, v15;
	v24 =	vld [tilespmem:s28+$0xFFFFFF00];
	s28 =	smov.u32 s25  }
0x414: {  	v9 =	vand.u32 $0xFFFF0000, v9;
	v7 =	vmax.f32 v7, v17;
	v17 =	vmul.f32 $9.999999770e-03, v12;
	v5 =	vld [tilespmem:s23+$0xFFFFFF80];
	s23 =	smov.u32 s30  }
0x415: {  	v25 =	vshll.u32 v11, $0x10;
	[tilespmem:s24+$0xFFFFF790] =	vst v7;
	v7 =	vmax.f32 v15, v23;
	v15 =	vmul.f32 $9.999999770e-03, v21  }
0x416: {  	v11 =	vand.u32 $0xFFFF0000, v11;
	v23 =	vshll.u32 v20, $0x10;
	[tilespmem:s24+$0xFFFFF7A0] =	vst v7;
	v7 =	vmax.f32 v12, v17  }
0x417: {  	v12 =	vand.u32 $0xFFFF0000, v20;
	v13 =	vadd.f32 v23, v13;
	[tilespmem:s24+$0xFFFFFF90] =	vst v7;
	v7 =	vmax.f32 v21, v15  }
0x418: {  	v15 =	vshll.u32 v22, $0x10;
	v12 =	vadd.f32 v12, v14;
	v14 =	vadd.f32 v25, v19;
	[tilespmem:s24+$0xFFFFFFA0] =	vst v7  }
0x419: {  	v9 =	vadd.f32 v11, v9;
	v7 =	vand.u32 $0xFFFF0000, v22;
	v13 =	vadd.f32 v15, v13;
	v11 =	vld [tilespmem:s30+$0xFFFFFFE0]  }
0x41a: {  	v17 =	vshll.u32 v16, $0x10;
	v12 =	vadd.f32 v7, v12;
	v14 =	vadd.f32 v15, v14;
	v15 =	vld [tilespmem:s25+$0xFFFFF7A0]  }
0x41b: {  	v16 =	vand.u32 $0xFFFF0000, v16;
	v7 =	vadd.f32 v7, v9;
	v9 =	vmul.f32 $9.999999770e-03, v13;
	v19 =	vld [tilespmem:s25+$0xFFFFFFE0]  }
0x41c: {  	v23 =	vshll.u32 v6, $0x10;
	v20 =	vmul.f32 $9.999999770e-03, v12;
	v21 =	vmul.f32 $9.999999770e-03, v14;
	v22 =	vld [tilespmem:s25+$0xFFFFF7E0]  }
0x41d: {  	v6 =	vand.u32 $0xFFFF0000, v6;
	v9 =	vmax.f32 v13, v9;
	v13 =	vmul.f32 $9.999999770e-03, v7;
	v25 =	vld [tilespmem:s25+$0xFFFFFFA0]  }
0x41e: {  	[tilespmem:s24+$0xFFFFF670] =	vst v9;
	v9 =	vmax.f32 v12, v20;
	v12 =	vmax.f32 v14, v21;
	v14 =	vshll.u32 v18, $0x10  }
0x41f: {  	v7 =	vmax.f32 v7, v13;
	[tilespmem:s24+$0xFFFFF680] =	vst v9;
	v9 =	vshll.u32 v11, $0x10;
	v11 =	vand.u32 $0xFFFF0000, v11  }
0x420: {  	v13 =	vand.u32 $0xFFFF0000, v15;
	[tilespmem:s24+$0xFFFFFE70] =	vst v12;
	v12 =	vshll.u32 v15, $0x10;
	v15 =	vshll.u32 v19, $0x10  }
0x421: {  	v19 =	vand.u32 $0xFFFF0000, v19;
	[tilespmem:s24+$0xFFFFFE80] =	vst v7;
	v7 =	vshll.u32 v22, $0x10;
	v12 =	vadd.f32 v15, v12  }
0x422: {  	v20 =	vand.u32 $0xFFFF0000, v22;
	v13 =	vadd.f32 v19, v13;
	v15 =	vld [tilespmem:s25+$0xFFFFF690];
	v21 =	vshll.u32 v25, $0x10  }
0x423: {  	v22 =	vand.u32 $0xFFFF0000, v25;
	v19 =	vld [tilespmem:s25+$0xFFFFF6D0];
	v12 =	vadd.f32 v9, v12;
	v7 =	vadd.f32 v21, v7  }
0x424: {  	v18 =	vand.u32 $0xFFFF0000, v18;
	v13 =	vadd.f32 v11, v13;
	v20 =	vadd.f32 v22, v20;
	v21 =	vld [tilespmem:s25+$0xFFFFFE90]  }
0x425: {  	v25 =	vshll.u32 v24, $0x10;
	v22 =	vld [tilespmem:s25+$0xFFFFFED0];
	v7 =	vadd.f32 v9, v7;
	v9 =	vmul.f32 $9.999999770e-03, v12  }
0x426: {  	v24 =	vand.u32 $0xFFFF0000, v24;
	v11 =	vadd.f32 v11, v20;
	v20 =	vmul.f32 $9.999999770e-03, v13;
	v26 =	vld [tilespmem:s30+$0xFFFFFF50]  }
0x427: {  	v27 =	vshll.u32 v15, $0x10;
	v9 =	vmax.f32 v12, v9;
	v12 =	vmul.f32 $9.999999770e-03, v7  }
0x428: {  	v15 =	vand.u32 $0xFFFF0000, v15;
	[tilespmem:s24+$0xFFFFF7B0] =	vst v9;
	v9 =	vmax.f32 v13, v20;
	v13 =	vmul.f32 $9.999999770e-03, v11  }
0x429: {  	v20 =	vshll.u32 v19, $0x10;
	v19 =	vand.u32 $0xFFFF0000, v19;
	[tilespmem:s24+$0xFFFFF7C0] =	vst v9;
	v7 =	vmax.f32 v7, v12  }
0x42a: {  	v9 =	vshll.u32 v21, $0x10;
	v12 =	vand.u32 $0xFFFF0000, v21;
	[tilespmem:s24+$0xFFFFFFB0] =	vst v7;
	v7 =	vmax.f32 v11, v13  }
0x42b: {  	v11 =	vshll.u32 v22, $0x10;
	v13 =	vand.u32 $0xFFFF0000, v22;
	v9 =	vadd.f32 v9, v20;
	[tilespmem:s24+$0xFFFFFFC0] =	vst v7  }
0x42c: {  	v7 =	vshll.u32 v26, $0x10;
	v11 =	vadd.f32 v11, v27;
	v13 =	vadd.f32 v13, v15;
	v15 =	vld [tilespmem:s30+$0xFFFFFFF0]  }
0x42d: {  	v12 =	vadd.f32 v12, v19;
	v20 =	vand.u32 $0xFFFF0000, v26;
	v9 =	vadd.f32 v7, v9;
	v19 =	vld [tilespmem:s25+$0xFFFFF7B0]  }
0x42e: {  	v21 =	vshll.u32 v5, $0x10;
	v7 =	vadd.f32 v7, v11;
	v11 =	vadd.f32 v20, v13;
	v13 =	vld [tilespmem:s25+$0xFFFFFFF0]  }
0x42f: {  	v17 =	vadd.f32 v25, v17;
	v12 =	vadd.f32 v20, v12;
	v20 =	vmul.f32 $9.999999770e-03, v9;
	v22 =	vld [tilespmem:s25+$0xFFFFF7F0]  }
0x430: {  	v16 =	vadd.f32 v24, v16;
	v25 =	vmul.f32 $9.999999770e-03, v7;
	v26 =	vmul.f32 $9.999999770e-03, v11;
	v27 =	vld [tilespmem:s25+$0xFFFFFFB0]  }
0x431: {  	v14 =	vadd.f32 v14, v23;
	v9 =	vmax.f32 v9, v20;
	v20 =	vmul.f32 $9.999999770e-03, v12  }
0x432: {  	v7 =	vmax.f32 v7, v25;
	[tilespmem:s24+$0xFFFFFE90] =	vst v9;
	v9 =	vshll.u32 v15, $0x10;
	v15 =	vand.u32 $0xFFFF0000, v15  }
0x433: {  	[tilespmem:s24+$0xFFFFF690] =	vst v7;
	v7 =	vshll.u32 v19, $0x10;
	v19 =	vand.u32 $0xFFFF0000, v19;
	v23 =	vshll.u32 v13, $0x10  }
0x434: {  	v13 =	vand.u32 $0xFFFF0000, v13;
	v24 =	vshll.u32 v22, $0x10;
	v7 =	vadd.f32 v23, v7  }
0x435: {  	v22 =	vand.u32 $0xFFFF0000, v22;
	v13 =	vadd.f32 v13, v19;
	v23 =	vshll.u32 v27, $0x10  }
0x436: {  	v19 =	vand.u32 $0xFFFF0000, v27;
	v7 =	vadd.f32 v9, v7;
	v23 =	vadd.f32 v23, v24  }
0x437: {  	v11 =	vmax.f32 v11, v26;
	v13 =	vadd.f32 v15, v13;
	v19 =	vadd.f32 v19, v22  }
0x438: {  	[tilespmem:s24+$0xFFFFF6A0] =	vst v11;
	v11 =	vmax.f32 v12, v20;
	v9 =	vadd.f32 v9, v23;
	v12 =	vmul.f32 $9.999999770e-03, v7  }
0x439: {  	v6 =	vadd.f32 v18, v6;
	[tilespmem:s24+$0xFFFFFEA0] =	vst v11;
	v11 =	vadd.f32 v15, v19;
	v15 =	vmul.f32 $9.999999770e-03, v13  }
0x43a: {  	v19 =	vand.u32 $0xFFFF0000, v5;
	v18 =	vld [tilespmem:s25+$0xFFFFF6A0];
	v7 =	vmax.f32 v7, v12;
	v12 =	vmul.f32 $9.999999770e-03, v9  }
0x43b: {  	v20 =	vld [tilespmem:s25+$0xFFFFF6E0];
	[tilespmem:s24+$0xFFFFF7D0] =	vst v7;
	v5 =	vmax.f32 v13, v15;
	v7 =	vmul.f32 $9.999999770e-03, v11;
	v13 =	vadd.f32 v21, v17  }
0x43c: {  	v16 =	vadd.f32 v19, v16;
	v15 =	vld [tilespmem:s25+$0xFFFFFEA0];
	[tilespmem:s24+$0xFFFFF7E0] =	vst v5;
	v9 =	vmax.f32 v9, v12;
	v5 =	vadd.f32 v21, v14  }
0x43d: {  	v6 =	vadd.f32 v19, v6;
	v14 =	vld [tilespmem:s25+$0xFFFFFEE0];
	[tilespmem:s24+$0xFFFFFFD0] =	vst v9;
	v7 =	vmax.f32 v11, v7;
	v9 =	vmul.f32 $9.999999770e-03, v13  }
0x43e: {  	v10 =	vmax.f32 v10, v8;
	v17 =	vmul.f32 $9.999999770e-03, v16;
	v19 =	vld [tilespmem:s30+$0xFFFFFF60];
	[tilespmem:s24+$0xFFFFFFE0] =	vst v7;
	v7 =	vmul.f32 $9.999999770e-03, v5  }
0x43f: {  	v8 =	vmul.f32 $9.999999770e-03, v6;
	v21 =	vshll.u32 v18, $0x10;
	v18 =	vand.u32 $0xFFFF0000, v18;
	v11 =	vld [tilespmem:s25+$0xFFFFF800];
	[tilespmem:s22+$0xFFFFF7F0] =	vst v10  }
.Ltmp7:
0x440: {  	v9 =	vmax.f32 v13, v9;
	v10 =	vshll.u32 v20, $0x10;
	v20 =	vand.u32 $0xFFFF0000, v20;
	v12 =	vld [tilespmem:s25+$0xFFFFFFC0];
	(pc) =	sbr.rel @p0 .LBB2_8-.Ltmp7, $4  }
0x441: {  	v13 =	vshll.u32 v15, $0x10;
	v15 =	vand.u32 $0xFFFF0000, v15;
	[tilespmem:s22+$0xFFFFF6F0] =	vst v9;
	v9 =	vmax.f32 v16, v17  }
0x442: {  	v17 =	vshll.u32 v14, $0x10;
	v14 =	vand.u32 $0xFFFF0000, v14;
	v13 =	vadd.f32 v13, v10;
	v10 =	vld [tilespmem:s30+$0x0];
	[tilespmem:s22+$0xFFFFF700] =	vst v9  }
0x443: {  	v16 =	vshll.u32 v19, $0x10;
	v17 =	vadd.f32 v17, v21;
	v14 =	vadd.f32 v14, v18  }
0x444: {  	v15 =	vadd.f32 v15, v20;
	s30 =	sadd.s32 $0x100, s30;
	v9 =	vand.u32 $0xFFFF0000, v19;
	v13 =	vadd.f32 v16, v13  }
0x445: {  	v16 =	vadd.f32 v16, v17  }
0x446: {  	v14 =	vadd.f32 v9, v14;
	v62 =	vmul.f32 $9.999999770e-03, v13  }
0x447: {  	v63 =	vadd.f32 v9, v15;
	v21 =	vmul.f32 $9.999999770e-03, v16  }
0x448: {  	v18 =	vmul.f32 $9.999999770e-03, v14;
	v13 =	vmax.f32 v13, v62  }
0x449: {  	v22 =	vmul.f32 $9.999999770e-03, v63;
	v15 =	vmax.f32 v16, v21;
	[tilespmem:s24+$0xFFFFFEB0] =	vst v13  }
0x44a: {  	v14 =	vmax.f32 v14, v18;
	[tilespmem:s24+$0xFFFFF6B0] =	vst v15  }
0x44b: {  	[tilespmem:s24+$0xFFFFF6C0] =	vst v14;
	v9 =	vmax.f32 v63, v22  }
0x44c: {  	[tilespmem:s26+$0xFFFFFEC0] =	vst v9  }
0x44d: {  	v9 =	vld [tilespmem:s28+$0xFFFFF6B0]  }
0x44e: {  	v23 =	vld [tilespmem:s28+$0xFFFFF6F0]  }
0x44f: {  	v14 =	vld [tilespmem:s28+$0xFFFFFEF0]  }
0x450: {  	v15 =	vld [tilespmem:s28+$0xFFFFFEB0]  }
0x451: {  	v24 =	vld [tilespmem:s23+$0xFFFFFF70];
	_ =	sdelay $0x1  }
0x452: {  	v25 =	vshll.u32 v9, $0x10;
	v9 =	vand.u32 $0xFFFF0000, v9  }
0x453: {  	v26 =	vshll.u32 v23, $0x10;
	v13 =	vand.u32 $0xFFFF0000, v23;
	v19 =	vshll.u32 v14, $0x10  }
0x454: {  	v20 =	vshll.u32 v15, $0x10;
	v14 =	vand.u32 $0xFFFF0000, v14;
	v17 =	vadd.f32 v19, v25  }
0x455: {  	v15 =	vand.u32 $0xFFFF0000, v15;
	v27 =	vshll.u32 v24, $0x10;
	v9 =	vadd.f32 v14, v9  }
0x456: {  	v16 =	vand.u32 $0xFFFF0000, v24;
	v18 =	vadd.f32 v20, v26;
	v17 =	vadd.f32 v27, v17  }
0x457: {  	v13 =	vadd.f32 v15, v13;
	v9 =	vadd.f32 v16, v9  }
0x458: {  	v14 =	vadd.f32 v27, v18;
	v28 =	vmul.f32 $9.999999770e-03, v17  }
0x459: {  	v13 =	vadd.f32 v16, v13;
	v29 =	vmul.f32 $9.999999770e-03, v9  }
0x45a: {  	v31 =	vmul.f32 $9.999999770e-03, v14;
	v15 =	vmax.f32 v17, v28  }
0x45b: {  	v33 =	vmul.f32 $9.999999770e-03, v13;
	v9 =	vmax.f32 v9, v29;
	[tilespmem:s26+$0xFFFFF6D0] =	vst v15  }
0x45c: {  	v30 =	vld [tilespmem:s28+$0xFFFFF7C0];
	v14 =	vmax.f32 v14, v31;
	[tilespmem:s26+$0xFFFFF6E0] =	vst v9  }
0x45d: {  	v32 =	vld [tilespmem:s28+$0x0];
	v13 =	vmax.f32 v13, v33;
	[tilespmem:s26+$0xFFFFFED0] =	vst v14  }
0x45e: {  	v34 =	vand.u32 $0xFFFF0000, v11;
	v35 =	vand.u32 $0xFFFF0000, v12;
	[tilespmem:s26+$0xFFFFFEE0] =	vst v13  }
0x45f: {  	v38 =	vshll.u32 v11, $0x10;
	v42 =	vshll.u32 v12, $0x10;
	v5 =	vmax.f32 v5, v7;
	v13 =	vld [tilespmem:s28+$0xFFFFF6C0]  }
0x460: {  	v6 =	vmax.f32 v6, v8;
	v1 =	vmax.f32 v1, v3;
	v36 =	vadd.f32 v35, v34;
	v41 =	vld [tilespmem:s28+$0xFFFFF700]  }
0x461: {  	v2 =	vmax.f32 v2, v4;
	v11 =	vadd.f32 v42, v38;
	v37 =	vand.u32 $0xFFFF0000, v10;
	v44 =	vld [tilespmem:s28+$0xFFFFFF00]  }
0x462: {  	v39 =	vshll.u32 v30, $0x10;
	v40 =	vshll.u32 v32, $0x10;
	v9 =	vadd.f32 v37, v36;
	v21 =	vld [tilespmem:s28+$0xFFFFFEC0]  }
0x463: {  	v18 =	vand.u32 $0xFFFF0000, v30;
	v17 =	vand.u32 $0xFFFF0000, v32;
	v15 =	vadd.f32 v40, v39;
	v46 =	vld [tilespmem:s23+$0xFFFFFF80]  }
0x464: {  	v45 =	vshll.u32 v10, $0x10;
	v17 =	vadd.f32 v17, v18;
	v43 =	vmul.f32 $9.999999770e-03, v9  }
0x465: {  	v15 =	vadd.f32 v45, v15;
	v48 =	vshll.u32 v13, $0x10;
	v49 =	vand.u32 $0xFFFF0000, v13  }
0x466: {  	v50 =	vshll.u32 v41, $0x10;
	v19 =	vand.u32 $0xFFFF0000, v41;
	v51 =	vshll.u32 v44, $0x10  }
0x467: {  	v22 =	vshll.u32 v21, $0x10;
	v16 =	vand.u32 $0xFFFF0000, v44;
	v8 =	vadd.f32 v51, v48  }
0x468: {  	[tilespmem:s22+$0xFFFFFEF0] =	vst v5;
	v52 =	vand.u32 $0xFFFF0000, v21;
	v53 =	vshll.u32 v46, $0x10;
	v12 =	vadd.f32 v16, v49  }
0x469: {  	[tilespmem:s22+$0xFFFFFF00] =	vst v6;
	v55 =	vand.u32 $0xFFFF0000, v46;
	v54 =	vadd.f32 v22, v50;
	v8 =	vadd.f32 v53, v8  }
0x46a: {  	[tilespmem:s22+$0xFFFFF800] =	vst v1;
	v47 =	vmul.f32 $9.999999770e-03, v15;
	v3 =	vadd.f32 v52, v19;
	v56 =	vadd.f32 v55, v12  }
0x46b: {  	[tilespmem:s22+$0xFFFFFFF0] =	vst v2;
	v9 =	vmax.f32 v9, v43;
	v1 =	vadd.f32 v53, v54;
	v57 =	vmul.f32 $9.999999770e-03, v8  }
0x46c: {  	[tilespmem:s24+$0x0] =	vst v9;
	v58 =	vmax.f32 v15, v47;
	v2 =	vadd.f32 v55, v3;
	v3 =	vmul.f32 $9.999999770e-03, v56  }
0x46d: {  	v59 =	vadd.f32 v37, v17;
	[tilespmem:s26+$0xFFFFF7F0] =	vst v58;
	v60 =	vmul.f32 $9.999999770e-03, v1;
	v4 =	vmax.f32 v8, v57  }
0x46e: {  	v61 =	vadd.f32 v45, v11;
	v62 =	vmul.f32 $9.999999770e-03, v2;
	v3 =	vmax.f32 v56, v3;
	[tilespmem:s26+$0xFFFFF6F0] =	vst v4  }
0x46f: {  	v63 =	vmul.f32 $9.999999770e-03, v59;
	v1 =	vmax.f32 v1, v60;
	[tilespmem:s26+$0xFFFFF700] =	vst v3  }
.Ltmp8:
0x470: {  	v2 =	vmax.f32 v2, v62;
	v3 =	vmul.f32 $9.999999770e-03, v61;
	[tilespmem:s26+$0xFFFFFEF0] =	vst v1;
	(pc) =	sbr.rel .LBB2_10-.Ltmp8, $4  }
0x471: {  	v1 =	vmax.f32 v59, v63;
	[tilespmem:s26+$0xFFFFFF00] =	vst v2  }
0x472: {  	[tilespmem:s26+$0xFFFFF800] =	vst v1;
	v2 =	vmax.f32 v61, v3  }
0x473: {  	[tilespmem:s26+$0xFFFFFFF0] =	vst v2  }
0x474: {  	[spmem:s2] =	stream.indirect.scatter.add.f32 [tilespmem:s18], [sflag:$0x4], $0x80, s17, s8, $0xb8;
	[tilespmem:$0x1D900] =	vst v63  }
.LBB2_12:
0x475: {  	_ =	sfence.sel $0x180000  }
0x476: {  	[bflag:$0x0] =	sbarrier.arrive $0xFFFF  }
0x477: {  	_ =	strace $0x90000047  }
0x478: {  	s0 =	stileid.u32;
	[bflag:$0x2] =	sbarrier.arrive $0xFFFF  }
0x479: {  	p0 =	sne.s32 s0, $0x0;
	s0 =	rddreg [dreg:$0x3]  }
0x47a: {  	s0 =	sadd.s32 @!p0 $0x100000, s0  }
0x47b: {  	[sflag:s0] =	ssyncadd.tile.s32 @!p0 $0x1;
	_ =	shalt  }
.Lfunc_end2:
_tile_overlayer_lowered:
.L_overlay_start_2:
0x47c: {  	(tag) =	ssettag $0x2  }
0x47d: {  	s0 =	rddreg [dreg:$0x0];
	s2 =	stileid.u32  }
0x47e: {  	s1 =	rddreg [dreg:$0x1];
	p0 =	sne.s32 s2, $0x0  }
0x47f: {  	s3 =	rddreg [dreg:$0x2];
	[bflag:$0x3] =	sbarrier.arrive $0xFFFF;
	s2 =	simm.s32 @!p0 $0x1C05  }
0x480: {  	[timem:s3], [sflag:s2] =	dma.local @!p0 [hbm:s0], s1  }
0x481: {  	s0 =	simm.s32 @!p0 $0x5  }
0x482: {  	_ =	swait.ge @!p0 [sflag:s0], s1  }
0x483: {  	s1 =	ssub.s32 @!p0 $0x0, s1;
	[sflag:s0] =	ssyncset.done @!p0 $0x0  }
0x484: {  	[sflag:s0] =	ssyncadd.s32 @!p0 s1  }
0x485: {  	[bflag:$0x3] =	sbarrier.arrive $0xFFFF  }
0x486: {  	_ =	shalt  }

</sc_bundles>
